<compile_context>
chip_gen: v7x
topology: tpu7x:2x2x1
jax: 0.10.2.dev20260603
libtpu: 0.0.44.dev20260713+nightly
codegen_flags: <defaults>
</compile_context>

<pallas_src>
import functools

import jax
import jax.numpy as jnp
from jax import lax
from jax.experimental import pallas as pl
from jax.experimental.pallas import tpu as pltpu
from jax.experimental.pallas import tpu_sc as plsc

_N = 10000
_E = 320000
_NP = 10240
_NSUB = 16
_RPT = _NP // _NSUB
_CHUNK = 128
_CH = 4 * (-(-_E // (_NSUB * _CHUNK * 4)))
_EP = _NSUB * _CH * _CHUNK


def _sc_mesh():
    return plsc.VectorSubcoreMesh(core_axis_name="c", subcore_axis_name="s")



def _degrees_body(idx2_hbm, out_hbm, idx_v, val_v, acc_sh):
    c = lax.axis_index("c")
    s = lax.axis_index("s")
    r0 = s * _RPT
    pltpu.sync_copy(idx2_hbm.at[c, s], idx_v)

    def _zero(i, _):
        val_v[i, pl.ds(0, 16)] = jnp.zeros((16,), jnp.float32)
        return 0
    lax.fori_loop(0, _CHUNK, _zero, 0)
    for i in range(_RPT // _CHUNK):
        pltpu.sync_copy(val_v, acc_sh.at[pl.ds(r0 + i * _CHUNK, _CHUNK)])

    def _ones(i, _):
        val_v[i, pl.ds(0, 16)] = jnp.ones((16,), jnp.float32)
        return 0
    lax.fori_loop(0, _CHUNK, _ones, 0)
    plsc.subcore_barrier()

    def _step(j, _):
        pltpu.sync_copy(val_v, acc_sh.at[idx_v.at[j]], add=True)
        return 0
    lax.fori_loop(0, _CH, _step, 0)
    plsc.subcore_barrier()
    pltpu.sync_copy(acc_sh.at[pl.ds(r0, _RPT)], out_hbm.at[c, pl.ds(r0, _RPT)])


@functools.cache
def _degrees_kernel():
    return pl.kernel(
        _degrees_body,
        out_type=jax.ShapeDtypeStruct((2, _NP, 16), jnp.float32),
        mesh=_sc_mesh(),
        scratch_types=[
            pltpu.VMEM((_CH, _CHUNK), jnp.int32),
            pltpu.VMEM((_CHUNK, 16), jnp.float32),
            pltpu.VMEM_SHARED((_NP, 16), jnp.float32),
        ],
        compiler_params=pltpu.CompilerParams(use_tc_tiling_on_sc=False),
    )


def _conv_body(src0_hbm, src1_hbm, gidx_hbm, sidx_hbm, binv_hbm, out_hbm,
               gidx_v, sidx_v, b0_v, b1_v, b2_v, b3_v, orow_v, binv_v,
               src_sh, acc_sh, g0, g1, g2, g3, s0, s1, s2, s3):
    F = 32
    c = lax.axis_index("c")
    s = lax.axis_index("s")
    r0 = s * _RPT
    pltpu.sync_copy(gidx_hbm.at[s], gidx_v)
    pltpu.sync_copy(sidx_hbm.at[s], sidx_v)
    pltpu.sync_copy(binv_hbm.at[pl.ds(r0, _RPT)], binv_v)

    @pl.when(c == 0)
    def _():
        pltpu.sync_copy(src0_hbm.at[pl.ds(r0, _RPT)],
                        src_sh.at[pl.ds(r0, _RPT)])

    @pl.when(c == 1)
    def _():
        pltpu.sync_copy(src1_hbm.at[pl.ds(r0, _RPT)],
                        src_sh.at[pl.ds(r0, _RPT)])

    def _zero_buf(buf):
        def _z(i, _):
            for f in range(F // 16):
                buf[i, pl.ds(f * 16, 16)] = jnp.zeros((16,), jnp.float32)
            return 0
        lax.fori_loop(0, _CHUNK, _z, 0)

    def _zero_rows(dst_sh, buf):
        for i in range(_RPT // _CHUNK):
            pltpu.sync_copy(buf, dst_sh.at[pl.ds(r0 + i * _CHUNK, _CHUNK)])

    bufs = (b0_v, b1_v, b2_v, b3_v)
    gsems = (g0, g1, g2, g3)
    ssems = (s0, s1, s2, s3)

    def _wait(buf, sem):
        pltpu.make_async_copy(src0_hbm.at[pl.ds(0, _CHUNK)], buf, sem).wait()

    def _seg(from_sh, to_sh, gv, sv):
        def _fire_g(j, k):
            pltpu.async_copy(from_sh.at[gv.at[j]], bufs[k], gsems[k])

        def _fire_s(j, k):
            pltpu.async_copy(bufs[k], to_sh.at[sv.at[j]], ssems[k], add=True)

        for k in range(2):
            _fire_g(k, k)

        def _pair(jj, _):
            j0 = 2 * jj
            for k in range(2):
                _wait(bufs[k], gsems[k])
                _fire_s(j0 + k, k)
            for k in range(2):
                _wait(bufs[k], ssems[k])
                _fire_g(j0 + 2 + k, k)
            return 0
        lax.fori_loop(0, _CH // 2 - 1, _pair, 0)
        for k in range(2):
            _wait(bufs[k], gsems[k])
            _fire_s(_CH - 2 + k, k)
        for k in range(2):
            _wait(bufs[k], ssems[k])

    _zero_buf(b0_v)
    _zero_rows(acc_sh, b0_v)
    plsc.subcore_barrier()

    _seg(src_sh, acc_sh, gidx_v, sidx_v)
    plsc.subcore_barrier()

    pltpu.sync_copy(acc_sh.at[pl.ds(r0, _RPT)], orow_v)

    def _scale(g, _):
        bv = binv_v[pl.ds(g * 16, 16)]
        for k in range(16):
            i = g * 16 + k
            b = bv[k]
            for f in range(F // 16):
                orow_v[i, pl.ds(f * 16, 16)] = (
                    orow_v[i, pl.ds(f * 16, 16)] * b)
        return 0
    lax.fori_loop(0, _RPT // 16, _scale, 0)
    pltpu.sync_copy(orow_v, acc_sh.at[pl.ds(r0, _RPT)])
    _zero_buf(b0_v)
    _zero_rows(src_sh, b0_v)
    plsc.subcore_barrier()

    _seg(acc_sh, src_sh, sidx_v, gidx_v)
    plsc.subcore_barrier()
    pltpu.sync_copy(src_sh.at[pl.ds(r0, _RPT)], out_hbm.at[c, pl.ds(r0, _RPT)])


@functools.cache
def _conv_kernel():
    F = 32
    return pl.kernel(
        _conv_body,
        out_type=jax.ShapeDtypeStruct((2, _NP, F), jnp.float32),
        mesh=_sc_mesh(),
        scratch_types=[
            pltpu.VMEM((_CH, _CHUNK), jnp.int32),
            pltpu.VMEM((_CH, _CHUNK), jnp.int32),
            pltpu.VMEM((_CHUNK, F), jnp.float32),
            pltpu.VMEM((_CHUNK, F), jnp.float32),
            pltpu.VMEM((_CHUNK, F), jnp.float32),
            pltpu.VMEM((_CHUNK, F), jnp.float32),
            pltpu.VMEM((_RPT, F), jnp.float32),
            pltpu.VMEM((_RPT,), jnp.float32),
            pltpu.VMEM_SHARED((_NP, F), jnp.float32),
            pltpu.VMEM_SHARED((_NP, F), jnp.float32),
            pltpu.SemaphoreType.DMA,
            pltpu.SemaphoreType.DMA,
            pltpu.SemaphoreType.DMA,
            pltpu.SemaphoreType.DMA,
            pltpu.SemaphoreType.DMA,
            pltpu.SemaphoreType.DMA,
            pltpu.SemaphoreType.DMA,
            pltpu.SemaphoreType.DMA,
        ],
        compiler_params=pltpu.CompilerParams(use_tc_tiling_on_sc=False),
    )



def _mm(a, w):
    return lax.dot_general(a, w, (((1,), (1,)), ((), ())),
                           preferred_element_type=jnp.float32)


def _lrelu(t):
    return jnp.maximum(t, 0.01 * t)


_ZPAD32 = (_NP - _N, 32)
_ZPAD64 = (_NP - _N, 64)


def _t1m_body(x_ref, w1_ref, xls_ref):
    xl = _mm(x_ref[...], w1_ref[...])
    zp = jnp.zeros(_ZPAD32, jnp.float32)
    xls_ref[0, :, :] = jnp.concatenate([xl[:, :32], zp], axis=0)
    xls_ref[1, :, :] = jnp.concatenate([xl[:, 32:], zp], axis=0)


def _t1d_body(deg_ref, dinv_ref, binv_ref):
    dd = deg_ref[0, :, 0:1]
    bd = deg_ref[1, :, 0]
    dinv_ref[...] = jnp.where(dd > 0, 1.0 / dd, 0.0)
    binv_ref[...] = jnp.where(bd > 0, 1.0 / bd, 0.0)


def _t2_body(s_ref, dinv_ref, b1_ref, g1_ref, be1_ref, w2_ref, o_ref):
    h = jnp.concatenate([s_ref[0, :_N, :], s_ref[1, :_N, :]], axis=1)
    h = h * dinv_ref[: _N] + b1_ref[...]
    mu = jnp.mean(h, axis=1, keepdims=True)
    var = jnp.mean((h - mu) * (h - mu), axis=1, keepdims=True)
    h = (h - mu) * lax.rsqrt(var + 1e-5) * g1_ref[...] + be1_ref[...]
    h = _lrelu(h)
    xl = _mm(h, w2_ref[...])
    zp = jnp.zeros(_ZPAD32, jnp.float32)
    o_ref[0, :, :] = jnp.concatenate([xl[:, :32], zp], axis=0)
    o_ref[1, :, :] = jnp.concatenate([xl[:, 32:], zp], axis=0)


def _t3_body(s_ref, dinv_ref, b2_ref, o_ref):
    h = jnp.concatenate([s_ref[0, :_N, :], s_ref[1, :_N, :]], axis=1)
    h = _lrelu(h * dinv_ref[: _N] + b2_ref[...])
    zp = jnp.zeros(_ZPAD32, jnp.float32)
    o_ref[0, :, :] = jnp.concatenate([h[:, :32], zp], axis=0)
    o_ref[1, :, :] = jnp.concatenate([h[:, 32:], zp], axis=0)


def _t4_body(s_ref, dinv_ref, wmu_ref, bmu_ref, wlv_ref, blv_ref,
             wd1_ref, bd1_ref, wd2_ref, bd2_ref, wd3_ref, bd3_ref,
             zd_ref, lv_ref):
    q = jnp.concatenate([s_ref[0, :_N, :], s_ref[1, :_N, :]], axis=1)
    q = q * dinv_ref[: _N]
    mu = _mm(q, wmu_ref[...]) + bmu_ref[...]
    lv_ref[...] = _mm(q, wlv_ref[...]) + blv_ref[...]
    t = _lrelu(_mm(mu, wd1_ref[...]) + bd1_ref[...])
    t = _lrelu(_mm(t, wd2_ref[...]) + bd2_ref[...])
    d = jnp.sum(t * wd3_ref[...], axis=1, keepdims=True) + bd3_ref[0, 0]
    nrm = jnp.maximum(jnp.sqrt(jnp.sum(d * d)), 1e-8)
    zd_ref[...] = d / nrm


def _tc(body, out_shape):
    return pl.pallas_call(body, out_shape=out_shape)



def kernel(x, hyperedge_index, W1, b1, g1, be1, W2, b2, Wmu, bmu,
           Wlv, blv, Wd1, bd1, Wd2, bd2, Wd3, bd3):
    f32 = jnp.float32
    pad = jnp.full((_EP - _E,), _N, jnp.int32)
    ni = jnp.concatenate([hyperedge_index[0], pad]).reshape(_NSUB, _CH, _CHUNK)
    ei = jnp.concatenate([hyperedge_index[1], pad]).reshape(_NSUB, _CH, _CHUNK)
    idx2 = jnp.stack([ni, ei])

    b1r = b1.reshape(1, -1); g1r = g1.reshape(1, -1); be1r = be1.reshape(1, -1)
    b2r = b2.reshape(1, -1); bmur = bmu.reshape(1, -1); blvr = blv.reshape(1, -1)
    bd1r = bd1.reshape(1, -1); bd2r = bd2.reshape(1, -1); bd3r = bd3.reshape(1, -1)

    deg = _degrees_kernel()(idx2)
    _conv = _conv_kernel()

    sd = jax.ShapeDtypeStruct
    xls = _tc(_t1m_body, sd((2, _NP, 32), f32))(x, W1)
    dinv, binv = _tc(_t1d_body, (sd((_NP, 1), f32),
                                 sd((_NP,), f32)))(deg)

    s1 = _conv(xls[0], xls[1], ni, ei, binv)
    xl2 = _tc(_t2_body, sd((2, _NP, 32), f32))(s1, dinv, b1r, g1r, be1r, W2)
    s2 = _conv(xl2[0], xl2[1], ni, ei, binv)
    h2s = _tc(_t3_body, sd((2, _NP, 32), f32))(s2, dinv, b2r)
    s3 = _conv(h2s[0], h2s[1], ni, ei, binv)

    zd, logvar = _tc(_t4_body, (sd((_N, 1), f32), sd((_N, 64), f32)))(
        s3, dinv, Wmu, bmur, Wlv, blvr, Wd1, bd1r, Wd2, bd2r, Wd3, bd3r)
    return (zd, zd, logvar)

# --- scband reference (transcript-rebuilt; emitter-appended) ---
"""Pipeline reference for scband-hypergraph-model-16226386444663 (READ-ONLY COPY).

The authoritative reference and input builder live on the scoring server;
editing this copy changes nothing except your own understanding.
"""

import jax, jax.numpy as jnp
import numpy as np

N = 10000
E = 320000
D_IN = 128
D_H = 64
D_OUT = 1


def _glorot(key, shape):
    fan_out, fan_in = shape[0], shape[1]
    lim = float(np.sqrt(6.0 / (fan_in + fan_out)))
    return jax.random.uniform(key, shape, dtype=jnp.float32, minval=-lim, maxval=lim)


def setup_inputs(seed: int = 0):
    key = jax.random.key(seed)
    ks = jax.random.split(key, 12)
    inp = {}
    inp["x"] = jax.random.normal(ks[0], (N, D_IN), dtype=jnp.float32)
    inp["hyperedge_index"] = jax.random.randint(ks[1], (2, E), 0, N, dtype=jnp.int32)
    inp["W1"] = _glorot(ks[2], (D_H, D_IN)); inp["b1"] = jnp.zeros((D_H,), jnp.float32)
    inp["g1"] = jnp.ones((D_H,), jnp.float32); inp["be1"] = jnp.zeros((D_H,), jnp.float32)
    inp["W2"] = _glorot(ks[3], (D_H, D_H)); inp["b2"] = jnp.zeros((D_H,), jnp.float32)
    inp["Wmu"] = _glorot(ks[4], (D_H, D_H)); inp["bmu"] = jnp.zeros((D_H,), jnp.float32)
    inp["Wlv"] = _glorot(ks[5], (D_H, D_H)); inp["blv"] = jnp.zeros((D_H,), jnp.float32)
    inp["Wd1"] = _glorot(ks[6], (32, D_H)); inp["bd1"] = jnp.zeros((32,), jnp.float32)
    inp["Wd2"] = _glorot(ks[7], (8, 32)); inp["bd2"] = jnp.zeros((8,), jnp.float32)
    inp["Wd3"] = _glorot(ks[8], (D_OUT, 8)); inp["bd3"] = jnp.zeros((D_OUT,), jnp.float32)
    return inp


def _hconv(x, node_idx, edge_idx, num_edges, W, b):
    # PyG HypergraphConv (use_attention=False, heads=1)
    xl = x @ W.T
    ones = jnp.ones(node_idx.shape[0], dtype=x.dtype)
    Dd = jax.ops.segment_sum(ones, node_idx, num_segments=N)
    Dinv = jnp.where(Dd > 0, 1.0 / Dd, 0.0)
    Bd = jax.ops.segment_sum(ones, edge_idx, num_segments=num_edges)
    Binv = jnp.where(Bd > 0, 1.0 / Bd, 0.0)
    # node -> hyperedge
    m1 = Binv[edge_idx][:, None] * xl[node_idx]
    ef = jax.ops.segment_sum(m1, edge_idx, num_segments=num_edges)
    # hyperedge -> node
    m2 = Dinv[node_idx][:, None] * ef[edge_idx]
    out = jax.ops.segment_sum(m2, node_idx, num_segments=N)
    return out + b


def _ln(x, g, b):
    mu = jnp.mean(x, axis=-1, keepdims=True)
    var = jnp.var(x, axis=-1, keepdims=True)
    return (x - mu) / jnp.sqrt(var + 1e-5) * g + b


def _normalize_dim0(x):
    n = jnp.sqrt(jnp.sum(x * x, axis=0, keepdims=True))
    return x / jnp.maximum(n, 1e-8)


def reference(x, hyperedge_index, W1, b1, g1, be1, W2, b2, Wmu, bmu, Wlv, blv, Wd1, bd1, Wd2, bd2, Wd3, bd3):
    node_idx = hyperedge_index[0]
    edge_idx = hyperedge_index[1]
    num_edges = x.shape[0]
    h = _hconv(x, node_idx, edge_idx, num_edges, W1, b1)
    h = _ln(h, g1, be1)
    h = jax.nn.leaky_relu(h, 0.01)
    h = _hconv(h, node_idx, edge_idx, num_edges, W2, b2)
    h = jax.nn.leaky_relu(h, 0.01)
    mu = _hconv(h, node_idx, edge_idx, num_edges, Wmu, bmu)
    logvar = _hconv(h, node_idx, edge_idx, num_edges, Wlv, blv)
    z = mu  # eval mode: no reparameterization, no dropout, no masking

    def dec(t):
        t = jax.nn.leaky_relu(t @ Wd1.T + bd1, 0.01)
        t = jax.nn.leaky_relu(t @ Wd2.T + bd2, 0.01)
        return t @ Wd3.T + bd3

    z_d = dec(z)
    mu_d = dec(mu)
    # output_dim == 1 -> F.normalize over node dim (QR branch not taken)
    return (_normalize_dim0(z_d), _normalize_dim0(mu_d), logvar)

if __name__ == "__main__":
    import jax
    _d = setup_inputs()
    print(jax.jit(kernel)(*tuple(_d.values())))

</pallas_src>

<mosaic_0001>
#map = affine_map<(d0, d1) -> (0, 0)>
#map1 = affine_map<(d0, d1) -> (0, 0, 0)>
#map2 = affine_map<(d0, d1) -> (0)>
module attributes {stable_mosaic.version = 14 : i64} {
  func.func @_conv_body(%arg0: i32, %arg1: i32, %arg2: memref<10240x32xf32, #tpu.memory_space<hbm>>, %arg3: memref<10240x32xf32, #tpu.memory_space<hbm>>, %arg4: memref<16x160x128xi32, #tpu.memory_space<hbm>>, %arg5: memref<16x160x128xi32, #tpu.memory_space<hbm>>, %arg6: memref<10240xf32, #tpu.memory_space<hbm>>, %arg7: memref<2x10240x32xf32, #tpu.memory_space<hbm>>, %arg8: memref<160x128xi32, #tpu.memory_space<vmem>>, %arg9: memref<160x128xi32, #tpu.memory_space<vmem>>, %arg10: memref<128x32xf32, #tpu.memory_space<vmem>>, %arg11: memref<128x32xf32, #tpu.memory_space<vmem>>, %arg12: memref<128x32xf32, #tpu.memory_space<vmem>>, %arg13: memref<128x32xf32, #tpu.memory_space<vmem>>, %arg14: memref<640x32xf32, #tpu.memory_space<vmem>>, %arg15: memref<640xf32, #tpu.memory_space<vmem>>, %arg16: memref<10240x32xf32, #tpu.memory_space<vmem_shared>>, %arg17: memref<10240x32xf32, #tpu.memory_space<vmem_shared>>, %arg18: memref<!tpu.dma_semaphore, #tpu.memory_space<semaphore_mem>>, %arg19: memref<!tpu.dma_semaphore, #tpu.memory_space<semaphore_mem>>, %arg20: memref<!tpu.dma_semaphore, #tpu.memory_space<semaphore_mem>>, %arg21: memref<!tpu.dma_semaphore, #tpu.memory_space<semaphore_mem>>, %arg22: memref<!tpu.dma_semaphore, #tpu.memory_space<semaphore_mem>>, %arg23: memref<!tpu.dma_semaphore, #tpu.memory_space<semaphore_mem>>, %arg24: memref<!tpu.dma_semaphore, #tpu.memory_space<semaphore_mem>>, %arg25: memref<!tpu.dma_semaphore, #tpu.memory_space<semaphore_mem>>) attributes {dimension_semantics = [#tpu.dimension_semantics<core_parallel>, #tpu.dimension_semantics<subcore_parallel>], iteration_bounds = array<i64: 2, 16>, scalar_prefetch = 0 : i64, scratch_operands = 18 : i64, tpu.core_type = #tpu.core_type<sc_vector_subcore>, window_params = [{transform_indices = #map}, {transform_indices = #map}, {transform_indices = #map1}, {transform_indices = #map1}, {transform_indices = #map2}, {transform_indices = #map1}]} {
    %mul3A = arith.constant 640 : i32
    %mul3A_0 = arith.muli %arg1, %mul3A : i32
    "tpu.region"() ({
      %run_scoped3A = tpu.sem_alloc : memref<!tpu.dma_semaphore, #tpu.memory_space<semaphore_mem>>
      %dma_start3A_166 = arith.constant 0 : i32
      %dma_start3A_167 = arith.constant 0 : i32
      %dma_start3A_168 = tpu.memref_slice %arg4[%arg1, %dma_start3A_166, %dma_start3A_167] : memref<16x160x128xi32, #tpu.memory_space<hbm>> -> memref<1x160x128xi32, #tpu.memory_space<hbm>>
      %dma_start3A_169 = tpu.memref_squeeze %dma_start3A_168 : memref<1x160x128xi32, #tpu.memory_space<hbm>> -> memref<160x128xi32, #tpu.memory_space<hbm>>
      %dma_start3A_170 = arith.constant 0 : i32
      %dma_start3A_171 = arith.constant 0 : i32
      %dma_start3A_172 = tpu.memref_slice %arg4[%arg1, %dma_start3A_170, %dma_start3A_171] : memref<16x160x128xi32, #tpu.memory_space<hbm>> -> memref<1x160x128xi32, #tpu.memory_space<hbm>>
      %dma_start3A_173 = tpu.memref_squeeze %dma_start3A_172 : memref<1x160x128xi32, #tpu.memory_space<hbm>> -> memref<160x128xi32, #tpu.memory_space<hbm>>
      tpu.enqueue_dma source(%dma_start3A_173 : memref<160x128xi32, #tpu.memory_space<hbm>>) target(%arg8 : memref<160x128xi32, #tpu.memory_space<vmem>>) target_semaphore(%run_scoped3A : memref<!tpu.dma_semaphore, #tpu.memory_space<semaphore_mem>>)
      %dma_wait3A_174 = arith.constant 0 : i32
      %dma_wait3A_175 = arith.constant 0 : i32
      %dma_wait3A_176 = tpu.memref_slice %arg4[%arg1, %dma_wait3A_174, %dma_wait3A_175] : memref<16x160x128xi32, #tpu.memory_space<hbm>> -> memref<1x160x128xi32, #tpu.memory_space<hbm>>
      %dma_wait3A_177 = tpu.memref_squeeze %dma_wait3A_176 : memref<1x160x128xi32, #tpu.memory_space<hbm>> -> memref<160x128xi32, #tpu.memory_space<hbm>>
      %dma_wait3A_178 = arith.constant 0 : i32
      %dma_wait3A_179 = arith.constant 0 : i32
      %dma_wait3A_180 = tpu.memref_slice %arg4[%arg1, %dma_wait3A_178, %dma_wait3A_179] : memref<16x160x128xi32, #tpu.memory_space<hbm>> -> memref<1x160x128xi32, #tpu.memory_space<hbm>>
      %dma_wait3A_181 = tpu.memref_squeeze %dma_wait3A_180 : memref<1x160x128xi32, #tpu.memory_space<hbm>> -> memref<160x128xi32, #tpu.memory_space<hbm>>
      tpu.wait_dma2 semaphore(%run_scoped3A : memref<!tpu.dma_semaphore, #tpu.memory_space<semaphore_mem>>) src(%dma_wait3A_181 : memref<160x128xi32, #tpu.memory_space<hbm>>) dst(%arg8 : memref<160x128xi32, #tpu.memory_space<vmem>>)
      tpu.yield
    }) : () -> ()
    "tpu.region"() ({
      %run_scoped3A = tpu.sem_alloc : memref<!tpu.dma_semaphore, #tpu.memory_space<semaphore_mem>>
      %dma_start3A_166 = arith.constant 0 : i32
      %dma_start3A_167 = arith.constant 0 : i32
      %dma_start3A_168 = tpu.memref_slice %arg5[%arg1, %dma_start3A_166, %dma_start3A_167] : memref<16x160x128xi32, #tpu.memory_space<hbm>> -> memref<1x160x128xi32, #tpu.memory_space<hbm>>
      %dma_start3A_169 = tpu.memref_squeeze %dma_start3A_168 : memref<1x160x128xi32, #tpu.memory_space<hbm>> -> memref<160x128xi32, #tpu.memory_space<hbm>>
      %dma_start3A_170 = arith.constant 0 : i32
      %dma_start3A_171 = arith.constant 0 : i32
      %dma_start3A_172 = tpu.memref_slice %arg5[%arg1, %dma_start3A_170, %dma_start3A_171] : memref<16x160x128xi32, #tpu.memory_space<hbm>> -> memref<1x160x128xi32, #tpu.memory_space<hbm>>
      %dma_start3A_173 = tpu.memref_squeeze %dma_start3A_172 : memref<1x160x128xi32, #tpu.memory_space<hbm>> -> memref<160x128xi32, #tpu.memory_space<hbm>>
      tpu.enqueue_dma source(%dma_start3A_173 : memref<160x128xi32, #tpu.memory_space<hbm>>) target(%arg9 : memref<160x128xi32, #tpu.memory_space<vmem>>) target_semaphore(%run_scoped3A : memref<!tpu.dma_semaphore, #tpu.memory_space<semaphore_mem>>)
      %dma_wait3A_174 = arith.constant 0 : i32
      %dma_wait3A_175 = arith.constant 0 : i32
      %dma_wait3A_176 = tpu.memref_slice %arg5[%arg1, %dma_wait3A_174, %dma_wait3A_175] : memref<16x160x128xi32, #tpu.memory_space<hbm>> -> memref<1x160x128xi32, #tpu.memory_space<hbm>>
      %dma_wait3A_177 = tpu.memref_squeeze %dma_wait3A_176 : memref<1x160x128xi32, #tpu.memory_space<hbm>> -> memref<160x128xi32, #tpu.memory_space<hbm>>
      %dma_wait3A_178 = arith.constant 0 : i32
      %dma_wait3A_179 = arith.constant 0 : i32
      %dma_wait3A_180 = tpu.memref_slice %arg5[%arg1, %dma_wait3A_178, %dma_wait3A_179] : memref<16x160x128xi32, #tpu.memory_space<hbm>> -> memref<1x160x128xi32, #tpu.memory_space<hbm>>
      %dma_wait3A_181 = tpu.memref_squeeze %dma_wait3A_180 : memref<1x160x128xi32, #tpu.memory_space<hbm>> -> memref<160x128xi32, #tpu.memory_space<hbm>>
      tpu.wait_dma2 semaphore(%run_scoped3A : memref<!tpu.dma_semaphore, #tpu.memory_space<semaphore_mem>>) src(%dma_wait3A_181 : memref<160x128xi32, #tpu.memory_space<hbm>>) dst(%arg9 : memref<160x128xi32, #tpu.memory_space<vmem>>)
      tpu.yield
    }) : () -> ()
    "tpu.region"() ({
      %run_scoped3A = tpu.sem_alloc : memref<!tpu.dma_semaphore, #tpu.memory_space<semaphore_mem>>
      %dma_start3A_166 = tpu.memref_slice %arg6[%mul3A_0] : memref<10240xf32, #tpu.memory_space<hbm>> -> memref<640xf32, #tpu.memory_space<hbm>>
      %dma_start3A_167 = tpu.memref_slice %arg6[%mul3A_0] : memref<10240xf32, #tpu.memory_space<hbm>> -> memref<640xf32, #tpu.memory_space<hbm>>
      tpu.enqueue_dma source(%dma_start3A_167 : memref<640xf32, #tpu.memory_space<hbm>>) target(%arg15 : memref<640xf32, #tpu.memory_space<vmem>>) target_semaphore(%run_scoped3A : memref<!tpu.dma_semaphore, #tpu.memory_space<semaphore_mem>>)
      %dma_wait3A_168 = tpu.memref_slice %arg6[%mul3A_0] : memref<10240xf32, #tpu.memory_space<hbm>> -> memref<640xf32, #tpu.memory_space<hbm>>
      %dma_wait3A_169 = tpu.memref_slice %arg6[%mul3A_0] : memref<10240xf32, #tpu.memory_space<hbm>> -> memref<640xf32, #tpu.memory_space<hbm>>
      tpu.wait_dma2 semaphore(%run_scoped3A : memref<!tpu.dma_semaphore, #tpu.memory_space<semaphore_mem>>) src(%dma_wait3A_169 : memref<640xf32, #tpu.memory_space<hbm>>) dst(%arg15 : memref<640xf32, #tpu.memory_space<vmem>>)
      tpu.yield
    }) : () -> ()
    %eq3A = arith.constant 0 : i32
    %eq3A_1 = arith.cmpi eq, %arg0, %eq3A : i32
    %convert_element_type3A = arith.extui %eq3A_1 : i1 to i32
    %cond3A = arith.constant 0 : i32
    %cond3A_2 = arith.cmpi ne, %convert_element_type3A, %cond3A : i32
    scf.if %cond3A_2 {
      "tpu.region"() ({
        %run_scoped3A = tpu.sem_alloc : memref<!tpu.dma_semaphore, #tpu.memory_space<semaphore_mem>>
        %dma_start3A_166 = arith.constant 0 : i32
        %dma_start3A_167 = tpu.memref_slice %arg16[%mul3A_0, %dma_start3A_166] : memref<10240x32xf32, #tpu.memory_space<vmem_shared>> -> memref<640x32xf32, #tpu.memory_space<vmem_shared>>
        %dma_start3A_168 = arith.constant 0 : i32
        %dma_start3A_169 = tpu.memref_slice %arg2[%mul3A_0, %dma_start3A_168] : memref<10240x32xf32, #tpu.memory_space<hbm>> -> memref<640x32xf32, #tpu.memory_space<hbm>>
        tpu.enqueue_dma source(%dma_start3A_169 : memref<640x32xf32, #tpu.memory_space<hbm>>) target(%dma_start3A_167 : memref<640x32xf32, #tpu.memory_space<vmem_shared>>) target_semaphore(%run_scoped3A : memref<!tpu.dma_semaphore, #tpu.memory_space<semaphore_mem>>)
        %dma_wait3A_170 = arith.constant 0 : i32
        %dma_wait3A_171 = tpu.memref_slice %arg16[%mul3A_0, %dma_wait3A_170] : memref<10240x32xf32, #tpu.memory_space<vmem_shared>> -> memref<640x32xf32, #tpu.memory_space<vmem_shared>>
        %dma_wait3A_172 = arith.constant 0 : i32
        %dma_wait3A_173 = tpu.memref_slice %arg2[%mul3A_0, %dma_wait3A_172] : memref<10240x32xf32, #tpu.memory_space<hbm>> -> memref<640x32xf32, #tpu.memory_space<hbm>>
        tpu.wait_dma2 semaphore(%run_scoped3A : memref<!tpu.dma_semaphore, #tpu.memory_space<semaphore_mem>>) src(%dma_wait3A_173 : memref<640x32xf32, #tpu.memory_space<hbm>>) dst(%dma_wait3A_171 : memref<640x32xf32, #tpu.memory_space<vmem_shared>>)
        tpu.yield
      }) : () -> ()
    } else {
    }
    %eq3A_3 = arith.constant 1 : i32
    %eq3A_4 = arith.cmpi eq, %arg0, %eq3A_3 : i32
    %convert_element_type3A_5 = arith.extui %eq3A_4 : i1 to i32
    %cond3A_6 = arith.constant 0 : i32
    %cond3A_7 = arith.cmpi ne, %convert_element_type3A_5, %cond3A_6 : i32
    scf.if %cond3A_7 {
      "tpu.region"() ({
        %run_scoped3A = tpu.sem_alloc : memref<!tpu.dma_semaphore, #tpu.memory_space<semaphore_mem>>
        %dma_start3A_166 = arith.constant 0 : i32
        %dma_start3A_167 = tpu.memref_slice %arg16[%mul3A_0, %dma_start3A_166] : memref<10240x32xf32, #tpu.memory_space<vmem_shared>> -> memref<640x32xf32, #tpu.memory_space<vmem_shared>>
        %dma_start3A_168 = arith.constant 0 : i32
        %dma_start3A_169 = tpu.memref_slice %arg3[%mul3A_0, %dma_start3A_168] : memref<10240x32xf32, #tpu.memory_space<hbm>> -> memref<640x32xf32, #tpu.memory_space<hbm>>
        tpu.enqueue_dma source(%dma_start3A_169 : memref<640x32xf32, #tpu.memory_space<hbm>>) target(%dma_start3A_167 : memref<640x32xf32, #tpu.memory_space<vmem_shared>>) target_semaphore(%run_scoped3A : memref<!tpu.dma_semaphore, #tpu.memory_space<semaphore_mem>>)
        %dma_wait3A_170 = arith.constant 0 : i32
        %dma_wait3A_171 = tpu.memref_slice %arg16[%mul3A_0, %dma_wait3A_170] : memref<10240x32xf32, #tpu.memory_space<vmem_shared>> -> memref<640x32xf32, #tpu.memory_space<vmem_shared>>
        %dma_wait3A_172 = arith.constant 0 : i32
        %dma_wait3A_173 = tpu.memref_slice %arg3[%mul3A_0, %dma_wait3A_172] : memref<10240x32xf32, #tpu.memory_space<hbm>> -> memref<640x32xf32, #tpu.memory_space<hbm>>
        tpu.wait_dma2 semaphore(%run_scoped3A : memref<!tpu.dma_semaphore, #tpu.memory_space<semaphore_mem>>) src(%dma_wait3A_173 : memref<640x32xf32, #tpu.memory_space<hbm>>) dst(%dma_wait3A_171 : memref<640x32xf32, #tpu.memory_space<vmem_shared>>)
        tpu.yield
      }) : () -> ()
    } else {
    }
    %scan3A = arith.constant 0 : i32
    %scan3A_8 = arith.constant 0 : i32
    %scan3A_9 = arith.constant 128 : i32
    %scan3A_10 = arith.addi %scan3A_8, %scan3A_9 : i32
    %scan3A_11 = arith.constant 1 : i32
    %scan3A_12 = scf.for %scan3A_166 = %scan3A_8 to %scan3A_10 step %scan3A_11 iter_args(%scan3A_167 = %scan3A) -> (i32)  : i32 {
      %broadcast_in_dim3A = arith.constant 0.000000e+00 : f32
      %broadcast_in_dim3A_168 = vector.broadcast %broadcast_in_dim3A : f32 to vector<16xf32>
      %swap3A = arith.index_cast %scan3A_166 : i32 to index
      %swap3A_169 = arith.constant 0 : index
      %swap3A_170 = tpu.vector_load %arg10[%swap3A, %swap3A_169] {strides = array<i32>} : memref<128x32xf32, #tpu.memory_space<vmem>>, vector<1x16xf32>,
      %swap3A_171 = vector.shape_cast %swap3A_170 : vector<1x16xf32> to vector<16xf32>
      %swap3A_172 = vector.shape_cast %broadcast_in_dim3A_168 : vector<16xf32> to vector<1x16xf32>
      tpu.vector_store %arg10[%swap3A, %swap3A_169], %swap3A_172 {strides = array<i32>} : memref<128x32xf32, #tpu.memory_space<vmem>>, vector<1x16xf32>,
      %broadcast_in_dim3A_173 = arith.constant 0.000000e+00 : f32
      %broadcast_in_dim3A_174 = vector.broadcast %broadcast_in_dim3A_173 : f32 to vector<16xf32>
      %swap3A_175 = arith.index_cast %scan3A_166 : i32 to index
      %swap3A_176 = arith.constant 16 : index
      %swap3A_177 = tpu.vector_load %arg10[%swap3A_175, %swap3A_176] {strides = array<i32>} : memref<128x32xf32, #tpu.memory_space<vmem>>, vector<1x16xf32>,
      %swap3A_178 = vector.shape_cast %swap3A_177 : vector<1x16xf32> to vector<16xf32>
      %swap3A_179 = vector.shape_cast %broadcast_in_dim3A_174 : vector<16xf32> to vector<1x16xf32>
      tpu.vector_store %arg10[%swap3A_175, %swap3A_176], %swap3A_179 {strides = array<i32>} : memref<128x32xf32, #tpu.memory_space<vmem>>, vector<1x16xf32>,
      %scan3A_180 = arith.constant 0 : i32
      scf.yield %scan3A_180 : i32
    }
    %scan3A_13 = arith.constant 128 : i32
    %add3A = arith.constant 0 : i32
    %add3A_14 = arith.addi %mul3A_0, %add3A : i32
    "tpu.region"() ({
      %run_scoped3A = tpu.sem_alloc : memref<!tpu.dma_semaphore, #tpu.memory_space<semaphore_mem>>
      %dma_start3A_166 = arith.constant 0 : i32
      %dma_start3A_167 = tpu.memref_slice %arg17[%add3A_14, %dma_start3A_166] : memref<10240x32xf32, #tpu.memory_space<vmem_shared>> -> memref<128x32xf32, #tpu.memory_space<vmem_shared>>
      %dma_start3A_168 = arith.constant 0 : i32
      %dma_start3A_169 = tpu.memref_slice %arg17[%add3A_14, %dma_start3A_168] : memref<10240x32xf32, #tpu.memory_space<vmem_shared>> -> memref<128x32xf32, #tpu.memory_space<vmem_shared>>
      tpu.enqueue_dma source(%arg10 : memref<128x32xf32, #tpu.memory_space<vmem>>) target(%dma_start3A_169 : memref<128x32xf32, #tpu.memory_space<vmem_shared>>) target_semaphore(%run_scoped3A : memref<!tpu.dma_semaphore, #tpu.memory_space<semaphore_mem>>)
      %dma_wait3A_170 = arith.constant 0 : i32
      %dma_wait3A_171 = tpu.memref_slice %arg17[%add3A_14, %dma_wait3A_170] : memref<10240x32xf32, #tpu.memory_space<vmem_shared>> -> memref<128x32xf32, #tpu.memory_space<vmem_shared>>
      %dma_wait3A_172 = arith.constant 0 : i32
      %dma_wait3A_173 = tpu.memref_slice %arg17[%add3A_14, %dma_wait3A_172] : memref<10240x32xf32, #tpu.memory_space<vmem_shared>> -> memref<128x32xf32, #tpu.memory_space<vmem_shared>>
      tpu.wait_dma2 semaphore(%run_scoped3A : memref<!tpu.dma_semaphore, #tpu.memory_space<semaphore_mem>>) src(%arg10 : memref<128x32xf32, #tpu.memory_space<vmem>>) dst(%dma_wait3A_173 : memref<128x32xf32, #tpu.memory_space<vmem_shared>>)
      tpu.yield
    }) : () -> ()
    %add3A_15 = arith.constant 128 : i32
    %add3A_16 = arith.addi %mul3A_0, %add3A_15 : i32
    "tpu.region"() ({
      %run_scoped3A = tpu.sem_alloc : memref<!tpu.dma_semaphore, #tpu.memory_space<semaphore_mem>>
      %dma_start3A_166 = arith.constant 0 : i32
      %dma_start3A_167 = tpu.memref_slice %arg17[%add3A_16, %dma_start3A_166] : memref<10240x32xf32, #tpu.memory_space<vmem_shared>> -> memref<128x32xf32, #tpu.memory_space<vmem_shared>>
      %dma_start3A_168 = arith.constant 0 : i32
      %dma_start3A_169 = tpu.memref_slice %arg17[%add3A_16, %dma_start3A_168] : memref<10240x32xf32, #tpu.memory_space<vmem_shared>> -> memref<128x32xf32, #tpu.memory_space<vmem_shared>>
      tpu.enqueue_dma source(%arg10 : memref<128x32xf32, #tpu.memory_space<vmem>>) target(%dma_start3A_169 : memref<128x32xf32, #tpu.memory_space<vmem_shared>>) target_semaphore(%run_scoped3A : memref<!tpu.dma_semaphore, #tpu.memory_space<semaphore_mem>>)
      %dma_wait3A_170 = arith.constant 0 : i32
      %dma_wait3A_171 = tpu.memref_slice %arg17[%add3A_16, %dma_wait3A_170] : memref<10240x32xf32, #tpu.memory_space<vmem_shared>> -> memref<128x32xf32, #tpu.memory_space<vmem_shared>>
      %dma_wait3A_172 = arith.constant 0 : i32
      %dma_wait3A_173 = tpu.memref_slice %arg17[%add3A_16, %dma_wait3A_172] : memref<10240x32xf32, #tpu.memory_space<vmem_shared>> -> memref<128x32xf32, #tpu.memory_space<vmem_shared>>
      tpu.wait_dma2 semaphore(%run_scoped3A : memref<!tpu.dma_semaphore, #tpu.memory_space<semaphore_mem>>) src(%arg10 : memref<128x32xf32, #tpu.memory_space<vmem>>) dst(%dma_wait3A_173 : memref<128x32xf32, #tpu.memory_space<vmem_shared>>)
      tpu.yield
    }) : () -> ()
    %add3A_17 = arith.constant 256 : i32
    %add3A_18 = arith.addi %mul3A_0, %add3A_17 : i32
    "tpu.region"() ({
      %run_scoped3A = tpu.sem_alloc : memref<!tpu.dma_semaphore, #tpu.memory_space<semaphore_mem>>
      %dma_start3A_166 = arith.constant 0 : i32
      %dma_start3A_167 = tpu.memref_slice %arg17[%add3A_18, %dma_start3A_166] : memref<10240x32xf32, #tpu.memory_space<vmem_shared>> -> memref<128x32xf32, #tpu.memory_space<vmem_shared>>
      %dma_start3A_168 = arith.constant 0 : i32
      %dma_start3A_169 = tpu.memref_slice %arg17[%add3A_18, %dma_start3A_168] : memref<10240x32xf32, #tpu.memory_space<vmem_shared>> -> memref<128x32xf32, #tpu.memory_space<vmem_shared>>
      tpu.enqueue_dma source(%arg10 : memref<128x32xf32, #tpu.memory_space<vmem>>) target(%dma_start3A_169 : memref<128x32xf32, #tpu.memory_space<vmem_shared>>) target_semaphore(%run_scoped3A : memref<!tpu.dma_semaphore, #tpu.memory_space<semaphore_mem>>)
      %dma_wait3A_170 = arith.constant 0 : i32
      %dma_wait3A_171 = tpu.memref_slice %arg17[%add3A_18, %dma_wait3A_170] : memref<10240x32xf32, #tpu.memory_space<vmem_shared>> -> memref<128x32xf32, #tpu.memory_space<vmem_shared>>
      %dma_wait3A_172 = arith.constant 0 : i32
      %dma_wait3A_173 = tpu.memref_slice %arg17[%add3A_18, %dma_wait3A_172] : memref<10240x32xf32, #tpu.memory_space<vmem_shared>> -> memref<128x32xf32, #tpu.memory_space<vmem_shared>>
      tpu.wait_dma2 semaphore(%run_scoped3A : memref<!tpu.dma_semaphore, #tpu.memory_space<semaphore_mem>>) src(%arg10 : memref<128x32xf32, #tpu.memory_space<vmem>>) dst(%dma_wait3A_173 : memref<128x32xf32, #tpu.memory_space<vmem_shared>>)
      tpu.yield
    }) : () -> ()
    %add3A_19 = arith.constant 384 : i32
    %add3A_20 = arith.addi %mul3A_0, %add3A_19 : i32
    "tpu.region"() ({
      %run_scoped3A = tpu.sem_alloc : memref<!tpu.dma_semaphore, #tpu.memory_space<semaphore_mem>>
      %dma_start3A_166 = arith.constant 0 : i32
      %dma_start3A_167 = tpu.memref_slice %arg17[%add3A_20, %dma_start3A_166] : memref<10240x32xf32, #tpu.memory_space<vmem_shared>> -> memref<128x32xf32, #tpu.memory_space<vmem_shared>>
      %dma_start3A_168 = arith.constant 0 : i32
      %dma_start3A_169 = tpu.memref_slice %arg17[%add3A_20, %dma_start3A_168] : memref<10240x32xf32, #tpu.memory_space<vmem_shared>> -> memref<128x32xf32, #tpu.memory_space<vmem_shared>>
      tpu.enqueue_dma source(%arg10 : memref<128x32xf32, #tpu.memory_space<vmem>>) target(%dma_start3A_169 : memref<128x32xf32, #tpu.memory_space<vmem_shared>>) target_semaphore(%run_scoped3A : memref<!tpu.dma_semaphore, #tpu.memory_space<semaphore_mem>>)
      %dma_wait3A_170 = arith.constant 0 : i32
      %dma_wait3A_171 = tpu.memref_slice %arg17[%add3A_20, %dma_wait3A_170] : memref<10240x32xf32, #tpu.memory_space<vmem_shared>> -> memref<128x32xf32, #tpu.memory_space<vmem_shared>>
      %dma_wait3A_172 = arith.constant 0 : i32
      %dma_wait3A_173 = tpu.memref_slice %arg17[%add3A_20, %dma_wait3A_172] : memref<10240x32xf32, #tpu.memory_space<vmem_shared>> -> memref<128x32xf32, #tpu.memory_space<vmem_shared>>
      tpu.wait_dma2 semaphore(%run_scoped3A : memref<!tpu.dma_semaphore, #tpu.memory_space<semaphore_mem>>) src(%arg10 : memref<128x32xf32, #tpu.memory_space<vmem>>) dst(%dma_wait3A_173 : memref<128x32xf32, #tpu.memory_space<vmem_shared>>)
      tpu.yield
    }) : () -> ()
    %add3A_21 = arith.constant 512 : i32
    %add3A_22 = arith.addi %mul3A_0, %add3A_21 : i32
    "tpu.region"() ({
      %run_scoped3A = tpu.sem_alloc : memref<!tpu.dma_semaphore, #tpu.memory_space<semaphore_mem>>
      %dma_start3A_166 = arith.constant 0 : i32
      %dma_start3A_167 = tpu.memref_slice %arg17[%add3A_22, %dma_start3A_166] : memref<10240x32xf32, #tpu.memory_space<vmem_shared>> -> memref<128x32xf32, #tpu.memory_space<vmem_shared>>
      %dma_start3A_168 = arith.constant 0 : i32
      %dma_start3A_169 = tpu.memref_slice %arg17[%add3A_22, %dma_start3A_168] : memref<10240x32xf32, #tpu.memory_space<vmem_shared>> -> memref<128x32xf32, #tpu.memory_space<vmem_shared>>
      tpu.enqueue_dma source(%arg10 : memref<128x32xf32, #tpu.memory_space<vmem>>) target(%dma_start3A_169 : memref<128x32xf32, #tpu.memory_space<vmem_shared>>) target_semaphore(%run_scoped3A : memref<!tpu.dma_semaphore, #tpu.memory_space<semaphore_mem>>)
      %dma_wait3A_170 = arith.constant 0 : i32
      %dma_wait3A_171 = tpu.memref_slice %arg17[%add3A_22, %dma_wait3A_170] : memref<10240x32xf32, #tpu.memory_space<vmem_shared>> -> memref<128x32xf32, #tpu.memory_space<vmem_shared>>
      %dma_wait3A_172 = arith.constant 0 : i32
      %dma_wait3A_173 = tpu.memref_slice %arg17[%add3A_22, %dma_wait3A_172] : memref<10240x32xf32, #tpu.memory_space<vmem_shared>> -> memref<128x32xf32, #tpu.memory_space<vmem_shared>>
      tpu.wait_dma2 semaphore(%run_scoped3A : memref<!tpu.dma_semaphore, #tpu.memory_space<semaphore_mem>>) src(%arg10 : memref<128x32xf32, #tpu.memory_space<vmem>>) dst(%dma_wait3A_173 : memref<128x32xf32, #tpu.memory_space<vmem_shared>>)
      tpu.yield
    }) : () -> ()
    %barrier3A = arith.constant 0 : index
    tpu.barrier barrier_id(%barrier3A)
    %dma_start3A = arith.constant 0 : i32
    %dma_start3A_23 = arith.constant 0 : i32
    %dma_start3A_24 = tpu.memref_slice %arg8[%dma_start3A, %dma_start3A_23] : memref<160x128xi32, #tpu.memory_space<vmem>> -> memref<1x128xi32, #tpu.memory_space<vmem>>
    %dma_start3A_25 = tpu.memref_squeeze %dma_start3A_24 : memref<1x128xi32, #tpu.memory_space<vmem>> -> memref<128xi32, #tpu.memory_space<vmem>>
    %dma_start3A_26 = arith.constant 0 : i32
    %dma_start3A_27 = arith.constant 0 : i32
    %dma_start3A_28 = tpu.memref_slice %arg16[%dma_start3A_26, %dma_start3A_27] : memref<10240x32xf32, #tpu.memory_space<vmem_shared>> -> memref<10240x32xf32, #tpu.memory_space<vmem_shared>>
    tpu.enqueue_indirect_dma source(%dma_start3A_28 : memref<10240x32xf32, #tpu.memory_space<vmem_shared>>) target(%arg10 : memref<128x32xf32, #tpu.memory_space<vmem>>) offsets(%dma_start3A_25 : memref<128xi32, #tpu.memory_space<vmem>>) semaphore(%arg18 : memref<!tpu.dma_semaphore, #tpu.memory_space<semaphore_mem>>)
    %dma_start3A_29 = arith.constant 1 : i32
    %dma_start3A_30 = arith.constant 0 : i32
    %dma_start3A_31 = tpu.memref_slice %arg8[%dma_start3A_29, %dma_start3A_30] : memref<160x128xi32, #tpu.memory_space<vmem>> -> memref<1x128xi32, #tpu.memory_space<vmem>>
    %dma_start3A_32 = tpu.memref_squeeze %dma_start3A_31 : memref<1x128xi32, #tpu.memory_space<vmem>> -> memref<128xi32, #tpu.memory_space<vmem>>
    %dma_start3A_33 = arith.constant 0 : i32
    %dma_start3A_34 = arith.constant 0 : i32
    %dma_start3A_35 = tpu.memref_slice %arg16[%dma_start3A_33, %dma_start3A_34] : memref<10240x32xf32, #tpu.memory_space<vmem_shared>> -> memref<10240x32xf32, #tpu.memory_space<vmem_shared>>
    tpu.enqueue_indirect_dma source(%dma_start3A_35 : memref<10240x32xf32, #tpu.memory_space<vmem_shared>>) target(%arg11 : memref<128x32xf32, #tpu.memory_space<vmem>>) offsets(%dma_start3A_32 : memref<128xi32, #tpu.memory_space<vmem>>) semaphore(%arg19 : memref<!tpu.dma_semaphore, #tpu.memory_space<semaphore_mem>>)
    %scan3A_36 = arith.constant 0 : i32
    %scan3A_37 = arith.constant 0 : i32
    %scan3A_38 = arith.constant 79 : i32
    %scan3A_39 = arith.addi %scan3A_37, %scan3A_38 : i32
    %scan3A_40 = arith.constant 1 : i32
    %scan3A_41 = scf.for %scan3A_166 = %scan3A_37 to %scan3A_39 step %scan3A_40 iter_args(%scan3A_167 = %scan3A_36) -> (i32)  : i32 {
      %mul3A_168 = arith.constant 2 : i32
      %mul3A_169 = arith.muli %mul3A_168, %scan3A_166 : i32
      %dma_wait3A_170 = arith.constant 0 : i32
      %dma_wait3A_171 = arith.constant 0 : i32
      %dma_wait3A_172 = tpu.memref_slice %arg2[%dma_wait3A_170, %dma_wait3A_171] : memref<10240x32xf32, #tpu.memory_space<hbm>> -> memref<128x32xf32, #tpu.memory_space<hbm>>
      %dma_wait3A_173 = arith.constant 0 : i32
      %dma_wait3A_174 = arith.constant 0 : i32
      %dma_wait3A_175 = tpu.memref_slice %arg2[%dma_wait3A_173, %dma_wait3A_174] : memref<10240x32xf32, #tpu.memory_space<hbm>> -> memref<128x32xf32, #tpu.memory_space<hbm>>
      tpu.wait_dma2 semaphore(%arg18 : memref<!tpu.dma_semaphore, #tpu.memory_space<semaphore_mem>>) src(%dma_wait3A_175 : memref<128x32xf32, #tpu.memory_space<hbm>>) dst(%arg10 : memref<128x32xf32, #tpu.memory_space<vmem>>)
      %add3A_176 = arith.constant 0 : i32
      %add3A_177 = arith.addi %mul3A_169, %add3A_176 : i32
      %dma_start3A_178 = arith.constant 0 : i32
      %dma_start3A_179 = tpu.memref_slice %arg9[%add3A_177, %dma_start3A_178] : memref<160x128xi32, #tpu.memory_space<vmem>> -> memref<1x128xi32, #tpu.memory_space<vmem>>
      %dma_start3A_180 = tpu.memref_squeeze %dma_start3A_179 : memref<1x128xi32, #tpu.memory_space<vmem>> -> memref<128xi32, #tpu.memory_space<vmem>>
      %dma_start3A_181 = arith.constant 0 : i32
      %dma_start3A_182 = arith.constant 0 : i32
      %dma_start3A_183 = tpu.memref_slice %arg17[%dma_start3A_181, %dma_start3A_182] : memref<10240x32xf32, #tpu.memory_space<vmem_shared>> -> memref<10240x32xf32, #tpu.memory_space<vmem_shared>>
      tpu.enqueue_indirect_dma source(%arg10 : memref<128x32xf32, #tpu.memory_space<vmem>>) target(%dma_start3A_183 : memref<10240x32xf32, #tpu.memory_space<vmem_shared>>) offsets(%dma_start3A_180 : memref<128xi32, #tpu.memory_space<vmem>>) semaphore(%arg22 : memref<!tpu.dma_semaphore, #tpu.memory_space<semaphore_mem>>) {add = true}
      %dma_wait3A_184 = arith.constant 0 : i32
      %dma_wait3A_185 = arith.constant 0 : i32
      %dma_wait3A_186 = tpu.memref_slice %arg2[%dma_wait3A_184, %dma_wait3A_185] : memref<10240x32xf32, #tpu.memory_space<hbm>> -> memref<128x32xf32, #tpu.memory_space<hbm>>
      %dma_wait3A_187 = arith.constant 0 : i32
      %dma_wait3A_188 = arith.constant 0 : i32
      %dma_wait3A_189 = tpu.memref_slice %arg2[%dma_wait3A_187, %dma_wait3A_188] : memref<10240x32xf32, #tpu.memory_space<hbm>> -> memref<128x32xf32, #tpu.memory_space<hbm>>
      tpu.wait_dma2 semaphore(%arg19 : memref<!tpu.dma_semaphore, #tpu.memory_space<semaphore_mem>>) src(%dma_wait3A_189 : memref<128x32xf32, #tpu.memory_space<hbm>>) dst(%arg11 : memref<128x32xf32, #tpu.memory_space<vmem>>)
      %add3A_190 = arith.constant 1 : i32
      %add3A_191 = arith.addi %mul3A_169, %add3A_190 : i32
      %dma_start3A_192 = arith.constant 0 : i32
      %dma_start3A_193 = tpu.memref_slice %arg9[%add3A_191, %dma_start3A_192] : memref<160x128xi32, #tpu.memory_space<vmem>> -> memref<1x128xi32, #tpu.memory_space<vmem>>
      %dma_start3A_194 = tpu.memref_squeeze %dma_start3A_193 : memref<1x128xi32, #tpu.memory_space<vmem>> -> memref<128xi32, #tpu.memory_space<vmem>>
      %dma_start3A_195 = arith.constant 0 : i32
      %dma_start3A_196 = arith.constant 0 : i32
      %dma_start3A_197 = tpu.memref_slice %arg17[%dma_start3A_195, %dma_start3A_196] : memref<10240x32xf32, #tpu.memory_space<vmem_shared>> -> memref<10240x32xf32, #tpu.memory_space<vmem_shared>>
      tpu.enqueue_indirect_dma source(%arg11 : memref<128x32xf32, #tpu.memory_space<vmem>>) target(%dma_start3A_197 : memref<10240x32xf32, #tpu.memory_space<vmem_shared>>) offsets(%dma_start3A_194 : memref<128xi32, #tpu.memory_space<vmem>>) semaphore(%arg23 : memref<!tpu.dma_semaphore, #tpu.memory_space<semaphore_mem>>) {add = true}
      %dma_wait3A_198 = arith.constant 0 : i32
      %dma_wait3A_199 = arith.constant 0 : i32
      %dma_wait3A_200 = tpu.memref_slice %arg2[%dma_wait3A_198, %dma_wait3A_199] : memref<10240x32xf32, #tpu.memory_space<hbm>> -> memref<128x32xf32, #tpu.memory_space<hbm>>
      %dma_wait3A_201 = arith.constant 0 : i32
      %dma_wait3A_202 = arith.constant 0 : i32
      %dma_wait3A_203 = tpu.memref_slice %arg2[%dma_wait3A_201, %dma_wait3A_202] : memref<10240x32xf32, #tpu.memory_space<hbm>> -> memref<128x32xf32, #tpu.memory_space<hbm>>
      tpu.wait_dma2 semaphore(%arg22 : memref<!tpu.dma_semaphore, #tpu.memory_space<semaphore_mem>>) src(%dma_wait3A_203 : memref<128x32xf32, #tpu.memory_space<hbm>>) dst(%arg10 : memref<128x32xf32, #tpu.memory_space<vmem>>)
      %add3A_204 = arith.constant 2 : i32
      %add3A_205 = arith.addi %mul3A_169, %add3A_204 : i32
      %add3A_206 = arith.constant 0 : i32
      %add3A_207 = arith.addi %add3A_205, %add3A_206 : i32
      %dma_start3A_208 = arith.constant 0 : i32
      %dma_start3A_209 = tpu.memref_slice %arg8[%add3A_207, %dma_start3A_208] : memref<160x128xi32, #tpu.memory_space<vmem>> -> memref<1x128xi32, #tpu.memory_space<vmem>>
      %dma_start3A_210 = tpu.memref_squeeze %dma_start3A_209 : memref<1x128xi32, #tpu.memory_space<vmem>> -> memref<128xi32, #tpu.memory_space<vmem>>
      %dma_start3A_211 = arith.constant 0 : i32
      %dma_start3A_212 = arith.constant 0 : i32
      %dma_start3A_213 = tpu.memref_slice %arg16[%dma_start3A_211, %dma_start3A_212] : memref<10240x32xf32, #tpu.memory_space<vmem_shared>> -> memref<10240x32xf32, #tpu.memory_space<vmem_shared>>
      tpu.enqueue_indirect_dma source(%dma_start3A_213 : memref<10240x32xf32, #tpu.memory_space<vmem_shared>>) target(%arg10 : memref<128x32xf32, #tpu.memory_space<vmem>>) offsets(%dma_start3A_210 : memref<128xi32, #tpu.memory_space<vmem>>) semaphore(%arg18 : memref<!tpu.dma_semaphore, #tpu.memory_space<semaphore_mem>>)
      %dma_wait3A_214 = arith.constant 0 : i32
      %dma_wait3A_215 = arith.constant 0 : i32
      %dma_wait3A_216 = tpu.memref_slice %arg2[%dma_wait3A_214, %dma_wait3A_215] : memref<10240x32xf32, #tpu.memory_space<hbm>> -> memref<128x32xf32, #tpu.memory_space<hbm>>
      %dma_wait3A_217 = arith.constant 0 : i32
      %dma_wait3A_218 = arith.constant 0 : i32
      %dma_wait3A_219 = tpu.memref_slice %arg2[%dma_wait3A_217, %dma_wait3A_218] : memref<10240x32xf32, #tpu.memory_space<hbm>> -> memref<128x32xf32, #tpu.memory_space<hbm>>
      tpu.wait_dma2 semaphore(%arg23 : memref<!tpu.dma_semaphore, #tpu.memory_space<semaphore_mem>>) src(%dma_wait3A_219 : memref<128x32xf32, #tpu.memory_space<hbm>>) dst(%arg11 : memref<128x32xf32, #tpu.memory_space<vmem>>)
      %add3A_220 = arith.constant 2 : i32
      %add3A_221 = arith.addi %mul3A_169, %add3A_220 : i32
      %add3A_222 = arith.constant 1 : i32
      %add3A_223 = arith.addi %add3A_221, %add3A_222 : i32
      %dma_start3A_224 = arith.constant 0 : i32
      %dma_start3A_225 = tpu.memref_slice %arg8[%add3A_223, %dma_start3A_224] : memref<160x128xi32, #tpu.memory_space<vmem>> -> memref<1x128xi32, #tpu.memory_space<vmem>>
      %dma_start3A_226 = tpu.memref_squeeze %dma_start3A_225 : memref<1x128xi32, #tpu.memory_space<vmem>> -> memref<128xi32, #tpu.memory_space<vmem>>
      %dma_start3A_227 = arith.constant 0 : i32
      %dma_start3A_228 = arith.constant 0 : i32
      %dma_start3A_229 = tpu.memref_slice %arg16[%dma_start3A_227, %dma_start3A_228] : memref<10240x32xf32, #tpu.memory_space<vmem_shared>> -> memref<10240x32xf32, #tpu.memory_space<vmem_shared>>
      tpu.enqueue_indirect_dma source(%dma_start3A_229 : memref<10240x32xf32, #tpu.memory_space<vmem_shared>>) target(%arg11 : memref<128x32xf32, #tpu.memory_space<vmem>>) offsets(%dma_start3A_226 : memref<128xi32, #tpu.memory_space<vmem>>) semaphore(%arg19 : memref<!tpu.dma_semaphore, #tpu.memory_space<semaphore_mem>>)
      %scan3A_230 = arith.constant 0 : i32
      scf.yield %scan3A_230 : i32
    }
    %scan3A_42 = arith.constant 79 : i32
    %dma_wait3A = arith.constant 0 : i32
    %dma_wait3A_43 = arith.constant 0 : i32
    %dma_wait3A_44 = tpu.memref_slice %arg2[%dma_wait3A, %dma_wait3A_43] : memref<10240x32xf32, #tpu.memory_space<hbm>> -> memref<128x32xf32, #tpu.memory_space<hbm>>
    %dma_wait3A_45 = arith.constant 0 : i32
    %dma_wait3A_46 = arith.constant 0 : i32
    %dma_wait3A_47 = tpu.memref_slice %arg2[%dma_wait3A_45, %dma_wait3A_46] : memref<10240x32xf32, #tpu.memory_space<hbm>> -> memref<128x32xf32, #tpu.memory_space<hbm>>
    tpu.wait_dma2 semaphore(%arg18 : memref<!tpu.dma_semaphore, #tpu.memory_space<semaphore_mem>>) src(%dma_wait3A_47 : memref<128x32xf32, #tpu.memory_space<hbm>>) dst(%arg10 : memref<128x32xf32, #tpu.memory_space<vmem>>)
    %dma_start3A_48 = arith.constant 158 : i32
    %dma_start3A_49 = arith.constant 0 : i32
    %dma_start3A_50 = tpu.memref_slice %arg9[%dma_start3A_48, %dma_start3A_49] : memref<160x128xi32, #tpu.memory_space<vmem>> -> memref<1x128xi32, #tpu.memory_space<vmem>>
    %dma_start3A_51 = tpu.memref_squeeze %dma_start3A_50 : memref<1x128xi32, #tpu.memory_space<vmem>> -> memref<128xi32, #tpu.memory_space<vmem>>
    %dma_start3A_52 = arith.constant 0 : i32
    %dma_start3A_53 = arith.constant 0 : i32
    %dma_start3A_54 = tpu.memref_slice %arg17[%dma_start3A_52, %dma_start3A_53] : memref<10240x32xf32, #tpu.memory_space<vmem_shared>> -> memref<10240x32xf32, #tpu.memory_space<vmem_shared>>
    tpu.enqueue_indirect_dma source(%arg10 : memref<128x32xf32, #tpu.memory_space<vmem>>) target(%dma_start3A_54 : memref<10240x32xf32, #tpu.memory_space<vmem_shared>>) offsets(%dma_start3A_51 : memref<128xi32, #tpu.memory_space<vmem>>) semaphore(%arg22 : memref<!tpu.dma_semaphore, #tpu.memory_space<semaphore_mem>>) {add = true}
    %dma_wait3A_55 = arith.constant 0 : i32
    %dma_wait3A_56 = arith.constant 0 : i32
    %dma_wait3A_57 = tpu.memref_slice %arg2[%dma_wait3A_55, %dma_wait3A_56] : memref<10240x32xf32, #tpu.memory_space<hbm>> -> memref<128x32xf32, #tpu.memory_space<hbm>>
    %dma_wait3A_58 = arith.constant 0 : i32
    %dma_wait3A_59 = arith.constant 0 : i32
    %dma_wait3A_60 = tpu.memref_slice %arg2[%dma_wait3A_58, %dma_wait3A_59] : memref<10240x32xf32, #tpu.memory_space<hbm>> -> memref<128x32xf32, #tpu.memory_space<hbm>>
    tpu.wait_dma2 semaphore(%arg19 : memref<!tpu.dma_semaphore, #tpu.memory_space<semaphore_mem>>) src(%dma_wait3A_60 : memref<128x32xf32, #tpu.memory_space<hbm>>) dst(%arg11 : memref<128x32xf32, #tpu.memory_space<vmem>>)
    %dma_start3A_61 = arith.constant 159 : i32
    %dma_start3A_62 = arith.constant 0 : i32
    %dma_start3A_63 = tpu.memref_slice %arg9[%dma_start3A_61, %dma_start3A_62] : memref<160x128xi32, #tpu.memory_space<vmem>> -> memref<1x128xi32, #tpu.memory_space<vmem>>
    %dma_start3A_64 = tpu.memref_squeeze %dma_start3A_63 : memref<1x128xi32, #tpu.memory_space<vmem>> -> memref<128xi32, #tpu.memory_space<vmem>>
    %dma_start3A_65 = arith.constant 0 : i32
    %dma_start3A_66 = arith.constant 0 : i32
    %dma_start3A_67 = tpu.memref_slice %arg17[%dma_start3A_65, %dma_start3A_66] : memref<10240x32xf32, #tpu.memory_space<vmem_shared>> -> memref<10240x32xf32, #tpu.memory_space<vmem_shared>>
    tpu.enqueue_indirect_dma source(%arg11 : memref<128x32xf32, #tpu.memory_space<vmem>>) target(%dma_start3A_67 : memref<10240x32xf32, #tpu.memory_space<vmem_shared>>) offsets(%dma_start3A_64 : memref<128xi32, #tpu.memory_space<vmem>>) semaphore(%arg23 : memref<!tpu.dma_semaphore, #tpu.memory_space<semaphore_mem>>) {add = true}
    %dma_wait3A_68 = arith.constant 0 : i32
    %dma_wait3A_69 = arith.constant 0 : i32
    %dma_wait3A_70 = tpu.memref_slice %arg2[%dma_wait3A_68, %dma_wait3A_69] : memref<10240x32xf32, #tpu.memory_space<hbm>> -> memref<128x32xf32, #tpu.memory_space<hbm>>
    %dma_wait3A_71 = arith.constant 0 : i32
    %dma_wait3A_72 = arith.constant 0 : i32
    %dma_wait3A_73 = tpu.memref_slice %arg2[%dma_wait3A_71, %dma_wait3A_72] : memref<10240x32xf32, #tpu.memory_space<hbm>> -> memref<128x32xf32, #tpu.memory_space<hbm>>
    tpu.wait_dma2 semaphore(%arg22 : memref<!tpu.dma_semaphore, #tpu.memory_space<semaphore_mem>>) src(%dma_wait3A_73 : memref<128x32xf32, #tpu.memory_space<hbm>>) dst(%arg10 : memref<128x32xf32, #tpu.memory_space<vmem>>)
    %dma_wait3A_74 = arith.constant 0 : i32
    %dma_wait3A_75 = arith.constant 0 : i32
    %dma_wait3A_76 = tpu.memref_slice %arg2[%dma_wait3A_74, %dma_wait3A_75] : memref<10240x32xf32, #tpu.memory_space<hbm>> -> memref<128x32xf32, #tpu.memory_space<hbm>>
    %dma_wait3A_77 = arith.constant 0 : i32
    %dma_wait3A_78 = arith.constant 0 : i32
    %dma_wait3A_79 = tpu.memref_slice %arg2[%dma_wait3A_77, %dma_wait3A_78] : memref<10240x32xf32, #tpu.memory_space<hbm>> -> memref<128x32xf32, #tpu.memory_space<hbm>>
    tpu.wait_dma2 semaphore(%arg23 : memref<!tpu.dma_semaphore, #tpu.memory_space<semaphore_mem>>) src(%dma_wait3A_79 : memref<128x32xf32, #tpu.memory_space<hbm>>) dst(%arg11 : memref<128x32xf32, #tpu.memory_space<vmem>>)
    %barrier3A_80 = arith.constant 0 : index
    tpu.barrier barrier_id(%barrier3A_80)
    "tpu.region"() ({
      %run_scoped3A = tpu.sem_alloc : memref<!tpu.dma_semaphore, #tpu.memory_space<semaphore_mem>>
      %dma_start3A_166 = arith.constant 0 : i32
      %dma_start3A_167 = tpu.memref_slice %arg17[%mul3A_0, %dma_start3A_166] : memref<10240x32xf32, #tpu.memory_space<vmem_shared>> -> memref<640x32xf32, #tpu.memory_space<vmem_shared>>
      %dma_start3A_168 = arith.constant 0 : i32
      %dma_start3A_169 = tpu.memref_slice %arg17[%mul3A_0, %dma_start3A_168] : memref<10240x32xf32, #tpu.memory_space<vmem_shared>> -> memref<640x32xf32, #tpu.memory_space<vmem_shared>>
      tpu.enqueue_dma source(%dma_start3A_169 : memref<640x32xf32, #tpu.memory_space<vmem_shared>>) target(%arg14 : memref<640x32xf32, #tpu.memory_space<vmem>>) target_semaphore(%run_scoped3A : memref<!tpu.dma_semaphore, #tpu.memory_space<semaphore_mem>>)
      %dma_wait3A_170 = arith.constant 0 : i32
      %dma_wait3A_171 = tpu.memref_slice %arg17[%mul3A_0, %dma_wait3A_170] : memref<10240x32xf32, #tpu.memory_space<vmem_shared>> -> memref<640x32xf32, #tpu.memory_space<vmem_shared>>
      %dma_wait3A_172 = arith.constant 0 : i32
      %dma_wait3A_173 = tpu.memref_slice %arg17[%mul3A_0, %dma_wait3A_172] : memref<10240x32xf32, #tpu.memory_space<vmem_shared>> -> memref<640x32xf32, #tpu.memory_space<vmem_shared>>
      tpu.wait_dma2 semaphore(%run_scoped3A : memref<!tpu.dma_semaphore, #tpu.memory_space<semaphore_mem>>) src(%dma_wait3A_173 : memref<640x32xf32, #tpu.memory_space<vmem_shared>>) dst(%arg14 : memref<640x32xf32, #tpu.memory_space<vmem>>)
      tpu.yield
    }) : () -> ()
    %scan3A_81 = arith.constant 0 : i32
    %scan3A_82 = arith.constant 0 : i32
    %scan3A_83 = arith.constant 40 : i32
    %scan3A_84 = arith.addi %scan3A_82, %scan3A_83 : i32
    %scan3A_85 = arith.constant 1 : i32
    %scan3A_86 = scf.for %scan3A_166 = %scan3A_82 to %scan3A_84 step %scan3A_85 iter_args(%scan3A_167 = %scan3A_81) -> (i32)  : i32 {
      %mul3A_168 = arith.constant 16 : i32
      %mul3A_169 = arith.muli %scan3A_166, %mul3A_168 : i32
      %get3A = arith.index_cast %mul3A_169 : i32 to index
      %get3A_170 = tpu.vector_load %arg15[%get3A] {strides = array<i32>} : memref<640xf32, #tpu.memory_space<vmem>>, vector<16xf32>,
      %get3A_171 = vector.shape_cast %get3A_170 : vector<16xf32> to vector<16xf32>
      %mul3A_172 = arith.constant 16 : i32
      %mul3A_173 = arith.muli %scan3A_166, %mul3A_172 : i32
      %add3A_174 = arith.constant 0 : i32
      %add3A_175 = arith.addi %mul3A_173, %add3A_174 : i32
      %slice3A = vector.extract_strided_slice %get3A_171 {offsets = [0], sizes = [1], strides = [1]} : vector<16xf32> to vector<1xf32>
      %squeeze3A = vector.extract %slice3A[0] : f32 from vector<1xf32>
      %get3A_176 = arith.index_cast %add3A_175 : i32 to index
      %get3A_177 = arith.constant 0 : index
      %get3A_178 = tpu.vector_load %arg14[%get3A_176, %get3A_177] {strides = array<i32>} : memref<640x32xf32, #tpu.memory_space<vmem>>, vector<1x16xf32>,
      %get3A_179 = vector.shape_cast %get3A_178 : vector<1x16xf32> to vector<16xf32>
      %mul3A_180 = vector.broadcast %squeeze3A : f32 to vector<16xf32>
      %mul3A_181 = arith.mulf %get3A_179, %mul3A_180 : vector<16xf32>
      %swap3A = arith.index_cast %add3A_175 : i32 to index
      %swap3A_182 = arith.constant 0 : index
      %swap3A_183 = tpu.vector_load %arg14[%swap3A, %swap3A_182] {strides = array<i32>} : memref<640x32xf32, #tpu.memory_space<vmem>>, vector<1x16xf32>,
      %swap3A_184 = vector.shape_cast %swap3A_183 : vector<1x16xf32> to vector<16xf32>
      %swap3A_185 = vector.shape_cast %mul3A_181 : vector<16xf32> to vector<1x16xf32>
      tpu.vector_store %arg14[%swap3A, %swap3A_182], %swap3A_185 {strides = array<i32>} : memref<640x32xf32, #tpu.memory_space<vmem>>, vector<1x16xf32>,
      %get3A_186 = arith.index_cast %add3A_175 : i32 to index
      %get3A_187 = arith.constant 16 : index
      %get3A_188 = tpu.vector_load %arg14[%get3A_186, %get3A_187] {strides = array<i32>} : memref<640x32xf32, #tpu.memory_space<vmem>>, vector<1x16xf32>,
      %get3A_189 = vector.shape_cast %get3A_188 : vector<1x16xf32> to vector<16xf32>
      %mul3A_190 = vector.broadcast %squeeze3A : f32 to vector<16xf32>
      %mul3A_191 = arith.mulf %get3A_189, %mul3A_190 : vector<16xf32>
      %swap3A_192 = arith.index_cast %add3A_175 : i32 to index
      %swap3A_193 = arith.constant 16 : index
      %swap3A_194 = tpu.vector_load %arg14[%swap3A_192, %swap3A_193] {strides = array<i32>} : memref<640x32xf32, #tpu.memory_space<vmem>>, vector<1x16xf32>,
      %swap3A_195 = vector.shape_cast %swap3A_194 : vector<1x16xf32> to vector<16xf32>
      %swap3A_196 = vector.shape_cast %mul3A_191 : vector<16xf32> to vector<1x16xf32>
      tpu.vector_store %arg14[%swap3A_192, %swap3A_193], %swap3A_196 {strides = array<i32>} : memref<640x32xf32, #tpu.memory_space<vmem>>, vector<1x16xf32>,
      %mul3A_197 = arith.constant 16 : i32
      %mul3A_198 = arith.muli %scan3A_166, %mul3A_197 : i32
      %add3A_199 = arith.constant 1 : i32
      %add3A_200 = arith.addi %mul3A_198, %add3A_199 : i32
      %slice3A_201 = vector.extract_strided_slice %get3A_171 {offsets = [1], sizes = [1], strides = [1]} : vector<16xf32> to vector<1xf32>
      %squeeze3A_202 = vector.extract %slice3A_201[0] : f32 from vector<1xf32>
      %get3A_203 = arith.index_cast %add3A_200 : i32 to index
      %get3A_204 = arith.constant 0 : index
      %get3A_205 = tpu.vector_load %arg14[%get3A_203, %get3A_204] {strides = array<i32>} : memref<640x32xf32, #tpu.memory_space<vmem>>, vector<1x16xf32>,
      %get3A_206 = vector.shape_cast %get3A_205 : vector<1x16xf32> to vector<16xf32>
      %mul3A_207 = vector.broadcast %squeeze3A_202 : f32 to vector<16xf32>
      %mul3A_208 = arith.mulf %get3A_206, %mul3A_207 : vector<16xf32>
      %swap3A_209 = arith.index_cast %add3A_200 : i32 to index
      %swap3A_210 = arith.constant 0 : index
      %swap3A_211 = tpu.vector_load %arg14[%swap3A_209, %swap3A_210] {strides = array<i32>} : memref<640x32xf32, #tpu.memory_space<vmem>>, vector<1x16xf32>,
      %swap3A_212 = vector.shape_cast %swap3A_211 : vector<1x16xf32> to vector<16xf32>
      %swap3A_213 = vector.shape_cast %mul3A_208 : vector<16xf32> to vector<1x16xf32>
      tpu.vector_store %arg14[%swap3A_209, %swap3A_210], %swap3A_213 {strides = array<i32>} : memref<640x32xf32, #tpu.memory_space<vmem>>, vector<1x16xf32>,
      %get3A_214 = arith.index_cast %add3A_200 : i32 to index
      %get3A_215 = arith.constant 16 : index
      %get3A_216 = tpu.vector_load %arg14[%get3A_214, %get3A_215] {strides = array<i32>} : memref<640x32xf32, #tpu.memory_space<vmem>>, vector<1x16xf32>,
      %get3A_217 = vector.shape_cast %get3A_216 : vector<1x16xf32> to vector<16xf32>
      %mul3A_218 = vector.broadcast %squeeze3A_202 : f32 to vector<16xf32>
      %mul3A_219 = arith.mulf %get3A_217, %mul3A_218 : vector<16xf32>
      %swap3A_220 = arith.index_cast %add3A_200 : i32 to index
      %swap3A_221 = arith.constant 16 : index
      %swap3A_222 = tpu.vector_load %arg14[%swap3A_220, %swap3A_221] {strides = array<i32>} : memref<640x32xf32, #tpu.memory_space<vmem>>, vector<1x16xf32>,
      %swap3A_223 = vector.shape_cast %swap3A_222 : vector<1x16xf32> to vector<16xf32>
      %swap3A_224 = vector.shape_cast %mul3A_219 : vector<16xf32> to vector<1x16xf32>
      tpu.vector_store %arg14[%swap3A_220, %swap3A_221], %swap3A_224 {strides = array<i32>} : memref<640x32xf32, #tpu.memory_space<vmem>>, vector<1x16xf32>,
      %mul3A_225 = arith.constant 16 : i32
      %mul3A_226 = arith.muli %scan3A_166, %mul3A_225 : i32
      %add3A_227 = arith.constant 2 : i32
      %add3A_228 = arith.addi %mul3A_226, %add3A_227 : i32
      %slice3A_229 = vector.extract_strided_slice %get3A_171 {offsets = [2], sizes = [1], strides = [1]} : vector<16xf32> to vector<1xf32>
      %squeeze3A_230 = vector.extract %slice3A_229[0] : f32 from vector<1xf32>
      %get3A_231 = arith.index_cast %add3A_228 : i32 to index
      %get3A_232 = arith.constant 0 : index
      %get3A_233 = tpu.vector_load %arg14[%get3A_231, %get3A_232] {strides = array<i32>} : memref<640x32xf32, #tpu.memory_space<vmem>>, vector<1x16xf32>,
      %get3A_234 = vector.shape_cast %get3A_233 : vector<1x16xf32> to vector<16xf32>
      %mul3A_235 = vector.broadcast %squeeze3A_230 : f32 to vector<16xf32>
      %mul3A_236 = arith.mulf %get3A_234, %mul3A_235 : vector<16xf32>
      %swap3A_237 = arith.index_cast %add3A_228 : i32 to index
      %swap3A_238 = arith.constant 0 : index
      %swap3A_239 = tpu.vector_load %arg14[%swap3A_237, %swap3A_238] {strides = array<i32>} : memref<640x32xf32, #tpu.memory_space<vmem>>, vector<1x16xf32>,
      %swap3A_240 = vector.shape_cast %swap3A_239 : vector<1x16xf32> to vector<16xf32>
      %swap3A_241 = vector.shape_cast %mul3A_236 : vector<16xf32> to vector<1x16xf32>
      tpu.vector_store %arg14[%swap3A_237, %swap3A_238], %swap3A_241 {strides = array<i32>} : memref<640x32xf32, #tpu.memory_space<vmem>>, vector<1x16xf32>,
      %get3A_242 = arith.index_cast %add3A_228 : i32 to index
      %get3A_243 = arith.constant 16 : index
      %get3A_244 = tpu.vector_load %arg14[%get3A_242, %get3A_243] {strides = array<i32>} : memref<640x32xf32, #tpu.memory_space<vmem>>, vector<1x16xf32>,
      %get3A_245 = vector.shape_cast %get3A_244 : vector<1x16xf32> to vector<16xf32>
      %mul3A_246 = vector.broadcast %squeeze3A_230 : f32 to vector<16xf32>
      %mul3A_247 = arith.mulf %get3A_245, %mul3A_246 : vector<16xf32>
      %swap3A_248 = arith.index_cast %add3A_228 : i32 to index
      %swap3A_249 = arith.constant 16 : index
      %swap3A_250 = tpu.vector_load %arg14[%swap3A_248, %swap3A_249] {strides = array<i32>} : memref<640x32xf32, #tpu.memory_space<vmem>>, vector<1x16xf32>,
      %swap3A_251 = vector.shape_cast %swap3A_250 : vector<1x16xf32> to vector<16xf32>
      %swap3A_252 = vector.shape_cast %mul3A_247 : vector<16xf32> to vector<1x16xf32>
      tpu.vector_store %arg14[%swap3A_248, %swap3A_249], %swap3A_252 {strides = array<i32>} : memref<640x32xf32, #tpu.memory_space<vmem>>, vector<1x16xf32>,
      %mul3A_253 = arith.constant 16 : i32
      %mul3A_254 = arith.muli %scan3A_166, %mul3A_253 : i32
      %add3A_255 = arith.constant 3 : i32
      %add3A_256 = arith.addi %mul3A_254, %add3A_255 : i32
      %slice3A_257 = vector.extract_strided_slice %get3A_171 {offsets = [3], sizes = [1], strides = [1]} : vector<16xf32> to vector<1xf32>
      %squeeze3A_258 = vector.extract %slice3A_257[0] : f32 from vector<1xf32>
      %get3A_259 = arith.index_cast %add3A_256 : i32 to index
      %get3A_260 = arith.constant 0 : index
      %get3A_261 = tpu.vector_load %arg14[%get3A_259, %get3A_260] {strides = array<i32>} : memref<640x32xf32, #tpu.memory_space<vmem>>, vector<1x16xf32>,
      %get3A_262 = vector.shape_cast %get3A_261 : vector<1x16xf32> to vector<16xf32>
      %mul3A_263 = vector.broadcast %squeeze3A_258 : f32 to vector<16xf32>
      %mul3A_264 = arith.mulf %get3A_262, %mul3A_263 : vector<16xf32>
      %swap3A_265 = arith.index_cast %add3A_256 : i32 to index
      %swap3A_266 = arith.constant 0 : index
      %swap3A_267 = tpu.vector_load %arg14[%swap3A_265, %swap3A_266] {strides = array<i32>} : memref<640x32xf32, #tpu.memory_space<vmem>>, vector<1x16xf32>,
      %swap3A_268 = vector.shape_cast %swap3A_267 : vector<1x16xf32> to vector<16xf32>
      %swap3A_269 = vector.shape_cast %mul3A_264 : vector<16xf32> to vector<1x16xf32>
      tpu.vector_store %arg14[%swap3A_265, %swap3A_266], %swap3A_269 {strides = array<i32>} : memref<640x32xf32, #tpu.memory_space<vmem>>, vector<1x16xf32>,
      %get3A_270 = arith.index_cast %add3A_256 : i32 to index
      %get3A_271 = arith.constant 16 : index
      %get3A_272 = tpu.vector_load %arg14[%get3A_270, %get3A_271] {strides = array<i32>} : memref<640x32xf32, #tpu.memory_space<vmem>>, vector<1x16xf32>,
      %get3A_273 = vector.shape_cast %get3A_272 : vector<1x16xf32> to vector<16xf32>
      %mul3A_274 = vector.broadcast %squeeze3A_258 : f32 to vector<16xf32>
      %mul3A_275 = arith.mulf %get3A_273, %mul3A_274 : vector<16xf32>
      %swap3A_276 = arith.index_cast %add3A_256 : i32 to index
      %swap3A_277 = arith.constant 16 : index
      %swap3A_278 = tpu.vector_load %arg14[%swap3A_276, %swap3A_277] {strides = array<i32>} : memref<640x32xf32, #tpu.memory_space<vmem>>, vector<1x16xf32>,
      %swap3A_279 = vector.shape_cast %swap3A_278 : vector<1x16xf32> to vector<16xf32>
      %swap3A_280 = vector.shape_cast %mul3A_275 : vector<16xf32> to vector<1x16xf32>
      tpu.vector_store %arg14[%swap3A_276, %swap3A_277], %swap3A_280 {strides = array<i32>} : memref<640x32xf32, #tpu.memory_space<vmem>>, vector<1x16xf32>,
      %mul3A_281 = arith.constant 16 : i32
      %mul3A_282 = arith.muli %scan3A_166, %mul3A_281 : i32
      %add3A_283 = arith.constant 4 : i32
      %add3A_284 = arith.addi %mul3A_282, %add3A_283 : i32
      %slice3A_285 = vector.extract_strided_slice %get3A_171 {offsets = [4], sizes = [1], strides = [1]} : vector<16xf32> to vector<1xf32>
      %squeeze3A_286 = vector.extract %slice3A_285[0] : f32 from vector<1xf32>
      %get3A_287 = arith.index_cast %add3A_284 : i32 to index
      %get3A_288 = arith.constant 0 : index
      %get3A_289 = tpu.vector_load %arg14[%get3A_287, %get3A_288] {strides = array<i32>} : memref<640x32xf32, #tpu.memory_space<vmem>>, vector<1x16xf32>,
      %get3A_290 = vector.shape_cast %get3A_289 : vector<1x16xf32> to vector<16xf32>
      %mul3A_291 = vector.broadcast %squeeze3A_286 : f32 to vector<16xf32>
      %mul3A_292 = arith.mulf %get3A_290, %mul3A_291 : vector<16xf32>
      %swap3A_293 = arith.index_cast %add3A_284 : i32 to index
      %swap3A_294 = arith.constant 0 : index
      %swap3A_295 = tpu.vector_load %arg14[%swap3A_293, %swap3A_294] {strides = array<i32>} : memref<640x32xf32, #tpu.memory_space<vmem>>, vector<1x16xf32>,
      %swap3A_296 = vector.shape_cast %swap3A_295 : vector<1x16xf32> to vector<16xf32>
      %swap3A_297 = vector.shape_cast %mul3A_292 : vector<16xf32> to vector<1x16xf32>
      tpu.vector_store %arg14[%swap3A_293, %swap3A_294], %swap3A_297 {strides = array<i32>} : memref<640x32xf32, #tpu.memory_space<vmem>>, vector<1x16xf32>,
      %get3A_298 = arith.index_cast %add3A_284 : i32 to index
      %get3A_299 = arith.constant 16 : index
      %get3A_300 = tpu.vector_load %arg14[%get3A_298, %get3A_299] {strides = array<i32>} : memref<640x32xf32, #tpu.memory_space<vmem>>, vector<1x16xf32>,
      %get3A_301 = vector.shape_cast %get3A_300 : vector<1x16xf32> to vector<16xf32>
      %mul3A_302 = vector.broadcast %squeeze3A_286 : f32 to vector<16xf32>
      %mul3A_303 = arith.mulf %get3A_301, %mul3A_302 : vector<16xf32>
      %swap3A_304 = arith.index_cast %add3A_284 : i32 to index
      %swap3A_305 = arith.constant 16 : index
      %swap3A_306 = tpu.vector_load %arg14[%swap3A_304, %swap3A_305] {strides = array<i32>} : memref<640x32xf32, #tpu.memory_space<vmem>>, vector<1x16xf32>,
      %swap3A_307 = vector.shape_cast %swap3A_306 : vector<1x16xf32> to vector<16xf32>
      %swap3A_308 = vector.shape_cast %mul3A_303 : vector<16xf32> to vector<1x16xf32>
      tpu.vector_store %arg14[%swap3A_304, %swap3A_305], %swap3A_308 {strides = array<i32>} : memref<640x32xf32, #tpu.memory_space<vmem>>, vector<1x16xf32>,
      %mul3A_309 = arith.constant 16 : i32
      %mul3A_310 = arith.muli %scan3A_166, %mul3A_309 : i32
      %add3A_311 = arith.constant 5 : i32
      %add3A_312 = arith.addi %mul3A_310, %add3A_311 : i32
      %slice3A_313 = vector.extract_strided_slice %get3A_171 {offsets = [5], sizes = [1], strides = [1]} : vector<16xf32> to vector<1xf32>
      %squeeze3A_314 = vector.extract %slice3A_313[0] : f32 from vector<1xf32>
      %get3A_315 = arith.index_cast %add3A_312 : i32 to index
      %get3A_316 = arith.constant 0 : index
      %get3A_317 = tpu.vector_load %arg14[%get3A_315, %get3A_316] {strides = array<i32>} : memref<640x32xf32, #tpu.memory_space<vmem>>, vector<1x16xf32>,
      %get3A_318 = vector.shape_cast %get3A_317 : vector<1x16xf32> to vector<16xf32>
      %mul3A_319 = vector.broadcast %squeeze3A_314 : f32 to vector<16xf32>
      %mul3A_320 = arith.mulf %get3A_318, %mul3A_319 : vector<16xf32>
      %swap3A_321 = arith.index_cast %add3A_312 : i32 to index
      %swap3A_322 = arith.constant 0 : index
      %swap3A_323 = tpu.vector_load %arg14[%swap3A_321, %swap3A_322] {strides = array<i32>} : memref<640x32xf32, #tpu.memory_space<vmem>>, vector<1x16xf32>,
      %swap3A_324 = vector.shape_cast %swap3A_323 : vector<1x16xf32> to vector<16xf32>
      %swap3A_325 = vector.shape_cast %mul3A_320 : vector<16xf32> to vector<1x16xf32>
      tpu.vector_store %arg14[%swap3A_321, %swap3A_322], %swap3A_325 {strides = array<i32>} : memref<640x32xf32, #tpu.memory_space<vmem>>, vector<1x16xf32>,
      %get3A_326 = arith.index_cast %add3A_312 : i32 to index
      %get3A_327 = arith.constant 16 : index
      %get3A_328 = tpu.vector_load %arg14[%get3A_326, %get3A_327] {strides = array<i32>} : memref<640x32xf32, #tpu.memory_space<vmem>>, vector<1x16xf32>,
      %get3A_329 = vector.shape_cast %get3A_328 : vector<1x16xf32> to vector<16xf32>
      %mul3A_330 = vector.broadcast %squeeze3A_314 : f32 to vector<16xf32>
      %mul3A_331 = arith.mulf %get3A_329, %mul3A_330 : vector<16xf32>
      %swap3A_332 = arith.index_cast %add3A_312 : i32 to index
      %swap3A_333 = arith.constant 16 : index
      %swap3A_334 = tpu.vector_load %arg14[%swap3A_332, %swap3A_333] {strides = array<i32>} : memref<640x32xf32, #tpu.memory_space<vmem>>, vector<1x16xf32>,
      %swap3A_335 = vector.shape_cast %swap3A_334 : vector<1x16xf32> to vector<16xf32>
      %swap3A_336 = vector.shape_cast %mul3A_331 : vector<16xf32> to vector<1x16xf32>
      tpu.vector_store %arg14[%swap3A_332, %swap3A_333], %swap3A_336 {strides = array<i32>} : memref<640x32xf32, #tpu.memory_space<vmem>>, vector<1x16xf32>,
      %mul3A_337 = arith.constant 16 : i32
      %mul3A_338 = arith.muli %scan3A_166, %mul3A_337 : i32
      %add3A_339 = arith.constant 6 : i32
      %add3A_340 = arith.addi %mul3A_338, %add3A_339 : i32
      %slice3A_341 = vector.extract_strided_slice %get3A_171 {offsets = [6], sizes = [1], strides = [1]} : vector<16xf32> to vector<1xf32>
      %squeeze3A_342 = vector.extract %slice3A_341[0] : f32 from vector<1xf32>
      %get3A_343 = arith.index_cast %add3A_340 : i32 to index
      %get3A_344 = arith.constant 0 : index
      %get3A_345 = tpu.vector_load %arg14[%get3A_343, %get3A_344] {strides = array<i32>} : memref<640x32xf32, #tpu.memory_space<vmem>>, vector<1x16xf32>,
      %get3A_346 = vector.shape_cast %get3A_345 : vector<1x16xf32> to vector<16xf32>
      %mul3A_347 = vector.broadcast %squeeze3A_342 : f32 to vector<16xf32>
      %mul3A_348 = arith.mulf %get3A_346, %mul3A_347 : vector<16xf32>
      %swap3A_349 = arith.index_cast %add3A_340 : i32 to index
      %swap3A_350 = arith.constant 0 : index
      %swap3A_351 = tpu.vector_load %arg14[%swap3A_349, %swap3A_350] {strides = array<i32>} : memref<640x32xf32, #tpu.memory_space<vmem>>, vector<1x16xf32>,
      %swap3A_352 = vector.shape_cast %swap3A_351 : vector<1x16xf32> to vector<16xf32>
      %swap3A_353 = vector.shape_cast %mul3A_348 : vector<16xf32> to vector<1x16xf32>
      tpu.vector_store %arg14[%swap3A_349, %swap3A_350], %swap3A_353 {strides = array<i32>} : memref<640x32xf32, #tpu.memory_space<vmem>>, vector<1x16xf32>,
      %get3A_354 = arith.index_cast %add3A_340 : i32 to index
      %get3A_355 = arith.constant 16 : index
      %get3A_356 = tpu.vector_load %arg14[%get3A_354, %get3A_355] {strides = array<i32>} : memref<640x32xf32, #tpu.memory_space<vmem>>, vector<1x16xf32>,
      %get3A_357 = vector.shape_cast %get3A_356 : vector<1x16xf32> to vector<16xf32>
      %mul3A_358 = vector.broadcast %squeeze3A_342 : f32 to vector<16xf32>
      %mul3A_359 = arith.mulf %get3A_357, %mul3A_358 : vector<16xf32>
      %swap3A_360 = arith.index_cast %add3A_340 : i32 to index
      %swap3A_361 = arith.constant 16 : index
      %swap3A_362 = tpu.vector_load %arg14[%swap3A_360, %swap3A_361] {strides = array<i32>} : memref<640x32xf32, #tpu.memory_space<vmem>>, vector<1x16xf32>,
      %swap3A_363 = vector.shape_cast %swap3A_362 : vector<1x16xf32> to vector<16xf32>
      %swap3A_364 = vector.shape_cast %mul3A_359 : vector<16xf32> to vector<1x16xf32>
      tpu.vector_store %arg14[%swap3A_360, %swap3A_361], %swap3A_364 {strides = array<i32>} : memref<640x32xf32, #tpu.memory_space<vmem>>, vector<1x16xf32>,
      %mul3A_365 = arith.constant 16 : i32
      %mul3A_366 = arith.muli %scan3A_166, %mul3A_365 : i32
      %add3A_367 = arith.constant 7 : i32
      %add3A_368 = arith.addi %mul3A_366, %add3A_367 : i32
      %slice3A_369 = vector.extract_strided_slice %get3A_171 {offsets = [7], sizes = [1], strides = [1]} : vector<16xf32> to vector<1xf32>
      %squeeze3A_370 = vector.extract %slice3A_369[0] : f32 from vector<1xf32>
      %get3A_371 = arith.index_cast %add3A_368 : i32 to index
      %get3A_372 = arith.constant 0 : index
      %get3A_373 = tpu.vector_load %arg14[%get3A_371, %get3A_372] {strides = array<i32>} : memref<640x32xf32, #tpu.memory_space<vmem>>, vector<1x16xf32>,
      %get3A_374 = vector.shape_cast %get3A_373 : vector<1x16xf32> to vector<16xf32>
      %mul3A_375 = vector.broadcast %squeeze3A_370 : f32 to vector<16xf32>
      %mul3A_376 = arith.mulf %get3A_374, %mul3A_375 : vector<16xf32>
      %swap3A_377 = arith.index_cast %add3A_368 : i32 to index
      %swap3A_378 = arith.constant 0 : index
      %swap3A_379 = tpu.vector_load %arg14[%swap3A_377, %swap3A_378] {strides = array<i32>} : memref<640x32xf32, #tpu.memory_space<vmem>>, vector<1x16xf32>,
      %swap3A_380 = vector.shape_cast %swap3A_379 : vector<1x16xf32> to vector<16xf32>
      %swap3A_381 = vector.shape_cast %mul3A_376 : vector<16xf32> to vector<1x16xf32>
      tpu.vector_store %arg14[%swap3A_377, %swap3A_378], %swap3A_381 {strides = array<i32>} : memref<640x32xf32, #tpu.memory_space<vmem>>, vector<1x16xf32>,
      %get3A_382 = arith.index_cast %add3A_368 : i32 to index
      %get3A_383 = arith.constant 16 : index
      %get3A_384 = tpu.vector_load %arg14[%get3A_382, %get3A_383] {strides = array<i32>} : memref<640x32xf32, #tpu.memory_space<vmem>>, vector<1x16xf32>,
      %get3A_385 = vector.shape_cast %get3A_384 : vector<1x16xf32> to vector<16xf32>
      %mul3A_386 = vector.broadcast %squeeze3A_370 : f32 to vector<16xf32>
      %mul3A_387 = arith.mulf %get3A_385, %mul3A_386 : vector<16xf32>
      %swap3A_388 = arith.index_cast %add3A_368 : i32 to index
      %swap3A_389 = arith.constant 16 : index
      %swap3A_390 = tpu.vector_load %arg14[%swap3A_388, %swap3A_389] {strides = array<i32>} : memref<640x32xf32, #tpu.memory_space<vmem>>, vector<1x16xf32>,
      %swap3A_391 = vector.shape_cast %swap3A_390 : vector<1x16xf32> to vector<16xf32>
      %swap3A_392 = vector.shape_cast %mul3A_387 : vector<16xf32> to vector<1x16xf32>
      tpu.vector_store %arg14[%swap3A_388, %swap3A_389], %swap3A_392 {strides = array<i32>} : memref<640x32xf32, #tpu.memory_space<vmem>>, vector<1x16xf32>,
      %mul3A_393 = arith.constant 16 : i32
      %mul3A_394 = arith.muli %scan3A_166, %mul3A_393 : i32
      %add3A_395 = arith.constant 8 : i32
      %add3A_396 = arith.addi %mul3A_394, %add3A_395 : i32
      %slice3A_397 = vector.extract_strided_slice %get3A_171 {offsets = [8], sizes = [1], strides = [1]} : vector<16xf32> to vector<1xf32>
      %squeeze3A_398 = vector.extract %slice3A_397[0] : f32 from vector<1xf32>
      %get3A_399 = arith.index_cast %add3A_396 : i32 to index
      %get3A_400 = arith.constant 0 : index
      %get3A_401 = tpu.vector_load %arg14[%get3A_399, %get3A_400] {strides = array<i32>} : memref<640x32xf32, #tpu.memory_space<vmem>>, vector<1x16xf32>,
      %get3A_402 = vector.shape_cast %get3A_401 : vector<1x16xf32> to vector<16xf32>
      %mul3A_403 = vector.broadcast %squeeze3A_398 : f32 to vector<16xf32>
      %mul3A_404 = arith.mulf %get3A_402, %mul3A_403 : vector<16xf32>
      %swap3A_405 = arith.index_cast %add3A_396 : i32 to index
      %swap3A_406 = arith.constant 0 : index
      %swap3A_407 = tpu.vector_load %arg14[%swap3A_405, %swap3A_406] {strides = array<i32>} : memref<640x32xf32, #tpu.memory_space<vmem>>, vector<1x16xf32>,
      %swap3A_408 = vector.shape_cast %swap3A_407 : vector<1x16xf32> to vector<16xf32>
      %swap3A_409 = vector.shape_cast %mul3A_404 : vector<16xf32> to vector<1x16xf32>
      tpu.vector_store %arg14[%swap3A_405, %swap3A_406], %swap3A_409 {strides = array<i32>} : memref<640x32xf32, #tpu.memory_space<vmem>>, vector<1x16xf32>,
      %get3A_410 = arith.index_cast %add3A_396 : i32 to index
      %get3A_411 = arith.constant 16 : index
      %get3A_412 = tpu.vector_load %arg14[%get3A_410, %get3A_411] {strides = array<i32>} : memref<640x32xf32, #tpu.memory_space<vmem>>, vector<1x16xf32>,
      %get3A_413 = vector.shape_cast %get3A_412 : vector<1x16xf32> to vector<16xf32>
      %mul3A_414 = vector.broadcast %squeeze3A_398 : f32 to vector<16xf32>
      %mul3A_415 = arith.mulf %get3A_413, %mul3A_414 : vector<16xf32>
      %swap3A_416 = arith.index_cast %add3A_396 : i32 to index
      %swap3A_417 = arith.constant 16 : index
      %swap3A_418 = tpu.vector_load %arg14[%swap3A_416, %swap3A_417] {strides = array<i32>} : memref<640x32xf32, #tpu.memory_space<vmem>>, vector<1x16xf32>,
      %swap3A_419 = vector.shape_cast %swap3A_418 : vector<1x16xf32> to vector<16xf32>
      %swap3A_420 = vector.shape_cast %mul3A_415 : vector<16xf32> to vector<1x16xf32>
      tpu.vector_store %arg14[%swap3A_416, %swap3A_417], %swap3A_420 {strides = array<i32>} : memref<640x32xf32, #tpu.memory_space<vmem>>, vector<1x16xf32>,
      %mul3A_421 = arith.constant 16 : i32
      %mul3A_422 = arith.muli %scan3A_166, %mul3A_421 : i32
      %add3A_423 = arith.constant 9 : i32
      %add3A_424 = arith.addi %mul3A_422, %add3A_423 : i32
      %slice3A_425 = vector.extract_strided_slice %get3A_171 {offsets = [9], sizes = [1], strides = [1]} : vector<16xf32> to vector<1xf32>
      %squeeze3A_426 = vector.extract %slice3A_425[0] : f32 from vector<1xf32>
      %get3A_427 = arith.index_cast %add3A_424 : i32 to index
      %get3A_428 = arith.constant 0 : index
      %get3A_429 = tpu.vector_load %arg14[%get3A_427, %get3A_428] {strides = array<i32>} : memref<640x32xf32, #tpu.memory_space<vmem>>, vector<1x16xf32>,
      %get3A_430 = vector.shape_cast %get3A_429 : vector<1x16xf32> to vector<16xf32>
      %mul3A_431 = vector.broadcast %squeeze3A_426 : f32 to vector<16xf32>
      %mul3A_432 = arith.mulf %get3A_430, %mul3A_431 : vector<16xf32>
      %swap3A_433 = arith.index_cast %add3A_424 : i32 to index
      %swap3A_434 = arith.constant 0 : index
      %swap3A_435 = tpu.vector_load %arg14[%swap3A_433, %swap3A_434] {strides = array<i32>} : memref<640x32xf32, #tpu.memory_space<vmem>>, vector<1x16xf32>,
      %swap3A_436 = vector.shape_cast %swap3A_435 : vector<1x16xf32> to vector<16xf32>
      %swap3A_437 = vector.shape_cast %mul3A_432 : vector<16xf32> to vector<1x16xf32>
      tpu.vector_store %arg14[%swap3A_433, %swap3A_434], %swap3A_437 {strides = array<i32>} : memref<640x32xf32, #tpu.memory_space<vmem>>, vector<1x16xf32>,
      %get3A_438 = arith.index_cast %add3A_424 : i32 to index
      %get3A_439 = arith.constant 16 : index
      %get3A_440 = tpu.vector_load %arg14[%get3A_438, %get3A_439] {strides = array<i32>} : memref<640x32xf32, #tpu.memory_space<vmem>>, vector<1x16xf32>,
      %get3A_441 = vector.shape_cast %get3A_440 : vector<1x16xf32> to vector<16xf32>
      %mul3A_442 = vector.broadcast %squeeze3A_426 : f32 to vector<16xf32>
      %mul3A_443 = arith.mulf %get3A_441, %mul3A_442 : vector<16xf32>
      %swap3A_444 = arith.index_cast %add3A_424 : i32 to index
      %swap3A_445 = arith.constant 16 : index
      %swap3A_446 = tpu.vector_load %arg14[%swap3A_444, %swap3A_445] {strides = array<i32>} : memref<640x32xf32, #tpu.memory_space<vmem>>, vector<1x16xf32>,
      %swap3A_447 = vector.shape_cast %swap3A_446 : vector<1x16xf32> to vector<16xf32>
      %swap3A_448 = vector.shape_cast %mul3A_443 : vector<16xf32> to vector<1x16xf32>
      tpu.vector_store %arg14[%swap3A_444, %swap3A_445], %swap3A_448 {strides = array<i32>} : memref<640x32xf32, #tpu.memory_space<vmem>>, vector<1x16xf32>,
      %mul3A_449 = arith.constant 16 : i32
      %mul3A_450 = arith.muli %scan3A_166, %mul3A_449 : i32
      %add3A_451 = arith.constant 10 : i32
      %add3A_452 = arith.addi %mul3A_450, %add3A_451 : i32
      %slice3A_453 = vector.extract_strided_slice %get3A_171 {offsets = [10], sizes = [1], strides = [1]} : vector<16xf32> to vector<1xf32>
      %squeeze3A_454 = vector.extract %slice3A_453[0] : f32 from vector<1xf32>
      %get3A_455 = arith.index_cast %add3A_452 : i32 to index
      %get3A_456 = arith.constant 0 : index
      %get3A_457 = tpu.vector_load %arg14[%get3A_455, %get3A_456] {strides = array<i32>} : memref<640x32xf32, #tpu.memory_space<vmem>>, vector<1x16xf32>,
      %get3A_458 = vector.shape_cast %get3A_457 : vector<1x16xf32> to vector<16xf32>
      %mul3A_459 = vector.broadcast %squeeze3A_454 : f32 to vector<16xf32>
      %mul3A_460 = arith.mulf %get3A_458, %mul3A_459 : vector<16xf32>
      %swap3A_461 = arith.index_cast %add3A_452 : i32 to index
      %swap3A_462 = arith.constant 0 : index
      %swap3A_463 = tpu.vector_load %arg14[%swap3A_461, %swap3A_462] {strides = array<i32>} : memref<640x32xf32, #tpu.memory_space<vmem>>, vector<1x16xf32>,
      %swap3A_464 = vector.shape_cast %swap3A_463 : vector<1x16xf32> to vector<16xf32>
      %swap3A_465 = vector.shape_cast %mul3A_460 : vector<16xf32> to vector<1x16xf32>
      tpu.vector_store %arg14[%swap3A_461, %swap3A_462], %swap3A_465 {strides = array<i32>} : memref<640x32xf32, #tpu.memory_space<vmem>>, vector<1x16xf32>,
      %get3A_466 = arith.index_cast %add3A_452 : i32 to index
      %get3A_467 = arith.constant 16 : index
      %get3A_468 = tpu.vector_load %arg14[%get3A_466, %get3A_467] {strides = array<i32>} : memref<640x32xf32, #tpu.memory_space<vmem>>, vector<1x16xf32>,
      %get3A_469 = vector.shape_cast %get3A_468 : vector<1x16xf32> to vector<16xf32>
      %mul3A_470 = vector.broadcast %squeeze3A_454 : f32 to vector<16xf32>
      %mul3A_471 = arith.mulf %get3A_469, %mul3A_470 : vector<16xf32>
      %swap3A_472 = arith.index_cast %add3A_452 : i32 to index
      %swap3A_473 = arith.constant 16 : index
      %swap3A_474 = tpu.vector_load %arg14[%swap3A_472, %swap3A_473] {strides = array<i32>} : memref<640x32xf32, #tpu.memory_space<vmem>>, vector<1x16xf32>,
      %swap3A_475 = vector.shape_cast %swap3A_474 : vector<1x16xf32> to vector<16xf32>
      %swap3A_476 = vector.shape_cast %mul3A_471 : vector<16xf32> to vector<1x16xf32>
      tpu.vector_store %arg14[%swap3A_472, %swap3A_473], %swap3A_476 {strides = array<i32>} : memref<640x32xf32, #tpu.memory_space<vmem>>, vector<1x16xf32>,
      %mul3A_477 = arith.constant 16 : i32
      %mul3A_478 = arith.muli %scan3A_166, %mul3A_477 : i32
      %add3A_479 = arith.constant 11 : i32
      %add3A_480 = arith.addi %mul3A_478, %add3A_479 : i32
      %slice3A_481 = vector.extract_strided_slice %get3A_171 {offsets = [11], sizes = [1], strides = [1]} : vector<16xf32> to vector<1xf32>
      %squeeze3A_482 = vector.extract %slice3A_481[0] : f32 from vector<1xf32>
      %get3A_483 = arith.index_cast %add3A_480 : i32 to index
      %get3A_484 = arith.constant 0 : index
      %get3A_485 = tpu.vector_load %arg14[%get3A_483, %get3A_484] {strides = array<i32>} : memref<640x32xf32, #tpu.memory_space<vmem>>, vector<1x16xf32>,
      %get3A_486 = vector.shape_cast %get3A_485 : vector<1x16xf32> to vector<16xf32>
      %mul3A_487 = vector.broadcast %squeeze3A_482 : f32 to vector<16xf32>
      %mul3A_488 = arith.mulf %get3A_486, %mul3A_487 : vector<16xf32>
      %swap3A_489 = arith.index_cast %add3A_480 : i32 to index
      %swap3A_490 = arith.constant 0 : index
      %swap3A_491 = tpu.vector_load %arg14[%swap3A_489, %swap3A_490] {strides = array<i32>} : memref<640x32xf32, #tpu.memory_space<vmem>>, vector<1x16xf32>,
      %swap3A_492 = vector.shape_cast %swap3A_491 : vector<1x16xf32> to vector<16xf32>
      %swap3A_493 = vector.shape_cast %mul3A_488 : vector<16xf32> to vector<1x16xf32>
      tpu.vector_store %arg14[%swap3A_489, %swap3A_490], %swap3A_493 {strides = array<i32>} : memref<640x32xf32, #tpu.memory_space<vmem>>, vector<1x16xf32>,
      %get3A_494 = arith.index_cast %add3A_480 : i32 to index
      %get3A_495 = arith.constant 16 : index
      %get3A_496 = tpu.vector_load %arg14[%get3A_494, %get3A_495] {strides = array<i32>} : memref<640x32xf32, #tpu.memory_space<vmem>>, vector<1x16xf32>,
      %get3A_497 = vector.shape_cast %get3A_496 : vector<1x16xf32> to vector<16xf32>
      %mul3A_498 = vector.broadcast %squeeze3A_482 : f32 to vector<16xf32>
      %mul3A_499 = arith.mulf %get3A_497, %mul3A_498 : vector<16xf32>
      %swap3A_500 = arith.index_cast %add3A_480 : i32 to index
      %swap3A_501 = arith.constant 16 : index
      %swap3A_502 = tpu.vector_load %arg14[%swap3A_500, %swap3A_501] {strides = array<i32>} : memref<640x32xf32, #tpu.memory_space<vmem>>, vector<1x16xf32>,
      %swap3A_503 = vector.shape_cast %swap3A_502 : vector<1x16xf32> to vector<16xf32>
      %swap3A_504 = vector.shape_cast %mul3A_499 : vector<16xf32> to vector<1x16xf32>
      tpu.vector_store %arg14[%swap3A_500, %swap3A_501], %swap3A_504 {strides = array<i32>} : memref<640x32xf32, #tpu.memory_space<vmem>>, vector<1x16xf32>,
      %mul3A_505 = arith.constant 16 : i32
      %mul3A_506 = arith.muli %scan3A_166, %mul3A_505 : i32
      %add3A_507 = arith.constant 12 : i32
      %add3A_508 = arith.addi %mul3A_506, %add3A_507 : i32
      %slice3A_509 = vector.extract_strided_slice %get3A_171 {offsets = [12], sizes = [1], strides = [1]} : vector<16xf32> to vector<1xf32>
      %squeeze3A_510 = vector.extract %slice3A_509[0] : f32 from vector<1xf32>
      %get3A_511 = arith.index_cast %add3A_508 : i32 to index
      %get3A_512 = arith.constant 0 : index
      %get3A_513 = tpu.vector_load %arg14[%get3A_511, %get3A_512] {strides = array<i32>} : memref<640x32xf32, #tpu.memory_space<vmem>>, vector<1x16xf32>,
      %get3A_514 = vector.shape_cast %get3A_513 : vector<1x16xf32> to vector<16xf32>
      %mul3A_515 = vector.broadcast %squeeze3A_510 : f32 to vector<16xf32>
      %mul3A_516 = arith.mulf %get3A_514, %mul3A_515 : vector<16xf32>
      %swap3A_517 = arith.index_cast %add3A_508 : i32 to index
      %swap3A_518 = arith.constant 0 : index
      %swap3A_519 = tpu.vector_load %arg14[%swap3A_517, %swap3A_518] {strides = array<i32>} : memref<640x32xf32, #tpu.memory_space<vmem>>, vector<1x16xf32>,
      %swap3A_520 = vector.shape_cast %swap3A_519 : vector<1x16xf32> to vector<16xf32>
      %swap3A_521 = vector.shape_cast %mul3A_516 : vector<16xf32> to vector<1x16xf32>
      tpu.vector_store %arg14[%swap3A_517, %swap3A_518], %swap3A_521 {strides = array<i32>} : memref<640x32xf32, #tpu.memory_space<vmem>>, vector<1x16xf32>,
      %get3A_522 = arith.index_cast %add3A_508 : i32 to index
      %get3A_523 = arith.constant 16 : index
      %get3A_524 = tpu.vector_load %arg14[%get3A_522, %get3A_523] {strides = array<i32>} : memref<640x32xf32, #tpu.memory_space<vmem>>, vector<1x16xf32>,
      %get3A_525 = vector.shape_cast %get3A_524 : vector<1x16xf32> to vector<16xf32>
      %mul3A_526 = vector.broadcast %squeeze3A_510 : f32 to vector<16xf32>
      %mul3A_527 = arith.mulf %get3A_525, %mul3A_526 : vector<16xf32>
      %swap3A_528 = arith.index_cast %add3A_508 : i32 to index
      %swap3A_529 = arith.constant 16 : index
      %swap3A_530 = tpu.vector_load %arg14[%swap3A_528, %swap3A_529] {strides = array<i32>} : memref<640x32xf32, #tpu.memory_space<vmem>>, vector<1x16xf32>,
      %swap3A_531 = vector.shape_cast %swap3A_530 : vector<1x16xf32> to vector<16xf32>
      %swap3A_532 = vector.shape_cast %mul3A_527 : vector<16xf32> to vector<1x16xf32>
      tpu.vector_store %arg14[%swap3A_528, %swap3A_529], %swap3A_532 {strides = array<i32>} : memref<640x32xf32, #tpu.memory_space<vmem>>, vector<1x16xf32>,
      %mul3A_533 = arith.constant 16 : i32
      %mul3A_534 = arith.muli %scan3A_166, %mul3A_533 : i32
      %add3A_535 = arith.constant 13 : i32
      %add3A_536 = arith.addi %mul3A_534, %add3A_535 : i32
      %slice3A_537 = vector.extract_strided_slice %get3A_171 {offsets = [13], sizes = [1], strides = [1]} : vector<16xf32> to vector<1xf32>
      %squeeze3A_538 = vector.extract %slice3A_537[0] : f32 from vector<1xf32>
      %get3A_539 = arith.index_cast %add3A_536 : i32 to index
      %get3A_540 = arith.constant 0 : index
      %get3A_541 = tpu.vector_load %arg14[%get3A_539, %get3A_540] {strides = array<i32>} : memref<640x32xf32, #tpu.memory_space<vmem>>, vector<1x16xf32>,
      %get3A_542 = vector.shape_cast %get3A_541 : vector<1x16xf32> to vector<16xf32>
      %mul3A_543 = vector.broadcast %squeeze3A_538 : f32 to vector<16xf32>
      %mul3A_544 = arith.mulf %get3A_542, %mul3A_543 : vector<16xf32>
      %swap3A_545 = arith.index_cast %add3A_536 : i32 to index
      %swap3A_546 = arith.constant 0 : index
      %swap3A_547 = tpu.vector_load %arg14[%swap3A_545, %swap3A_546] {strides = array<i32>} : memref<640x32xf32, #tpu.memory_space<vmem>>, vector<1x16xf32>,
      %swap3A_548 = vector.shape_cast %swap3A_547 : vector<1x16xf32> to vector<16xf32>
      %swap3A_549 = vector.shape_cast %mul3A_544 : vector<16xf32> to vector<1x16xf32>
      tpu.vector_store %arg14[%swap3A_545, %swap3A_546], %swap3A_549 {strides = array<i32>} : memref<640x32xf32, #tpu.memory_space<vmem>>, vector<1x16xf32>,
      %get3A_550 = arith.index_cast %add3A_536 : i32 to index
      %get3A_551 = arith.constant 16 : index
      %get3A_552 = tpu.vector_load %arg14[%get3A_550, %get3A_551] {strides = array<i32>} : memref<640x32xf32, #tpu.memory_space<vmem>>, vector<1x16xf32>,
      %get3A_553 = vector.shape_cast %get3A_552 : vector<1x16xf32> to vector<16xf32>
      %mul3A_554 = vector.broadcast %squeeze3A_538 : f32 to vector<16xf32>
      %mul3A_555 = arith.mulf %get3A_553, %mul3A_554 : vector<16xf32>
      %swap3A_556 = arith.index_cast %add3A_536 : i32 to index
      %swap3A_557 = arith.constant 16 : index
      %swap3A_558 = tpu.vector_load %arg14[%swap3A_556, %swap3A_557] {strides = array<i32>} : memref<640x32xf32, #tpu.memory_space<vmem>>, vector<1x16xf32>,
      %swap3A_559 = vector.shape_cast %swap3A_558 : vector<1x16xf32> to vector<16xf32>
      %swap3A_560 = vector.shape_cast %mul3A_555 : vector<16xf32> to vector<1x16xf32>
      tpu.vector_store %arg14[%swap3A_556, %swap3A_557], %swap3A_560 {strides = array<i32>} : memref<640x32xf32, #tpu.memory_space<vmem>>, vector<1x16xf32>,
      %mul3A_561 = arith.constant 16 : i32
      %mul3A_562 = arith.muli %scan3A_166, %mul3A_561 : i32
      %add3A_563 = arith.constant 14 : i32
      %add3A_564 = arith.addi %mul3A_562, %add3A_563 : i32
      %slice3A_565 = vector.extract_strided_slice %get3A_171 {offsets = [14], sizes = [1], strides = [1]} : vector<16xf32> to vector<1xf32>
      %squeeze3A_566 = vector.extract %slice3A_565[0] : f32 from vector<1xf32>
      %get3A_567 = arith.index_cast %add3A_564 : i32 to index
      %get3A_568 = arith.constant 0 : index
      %get3A_569 = tpu.vector_load %arg14[%get3A_567, %get3A_568] {strides = array<i32>} : memref<640x32xf32, #tpu.memory_space<vmem>>, vector<1x16xf32>,
      %get3A_570 = vector.shape_cast %get3A_569 : vector<1x16xf32> to vector<16xf32>
      %mul3A_571 = vector.broadcast %squeeze3A_566 : f32 to vector<16xf32>
      %mul3A_572 = arith.mulf %get3A_570, %mul3A_571 : vector<16xf32>
      %swap3A_573 = arith.index_cast %add3A_564 : i32 to index
      %swap3A_574 = arith.constant 0 : index
      %swap3A_575 = tpu.vector_load %arg14[%swap3A_573, %swap3A_574] {strides = array<i32>} : memref<640x32xf32, #tpu.memory_space<vmem>>, vector<1x16xf32>,
      %swap3A_576 = vector.shape_cast %swap3A_575 : vector<1x16xf32> to vector<16xf32>
      %swap3A_577 = vector.shape_cast %mul3A_572 : vector<16xf32> to vector<1x16xf32>
      tpu.vector_store %arg14[%swap3A_573, %swap3A_574], %swap3A_577 {strides = array<i32>} : memref<640x32xf32, #tpu.memory_space<vmem>>, vector<1x16xf32>,
      %get3A_578 = arith.index_cast %add3A_564 : i32 to index
      %get3A_579 = arith.constant 16 : index
      %get3A_580 = tpu.vector_load %arg14[%get3A_578, %get3A_579] {strides = array<i32>} : memref<640x32xf32, #tpu.memory_space<vmem>>, vector<1x16xf32>,
      %get3A_581 = vector.shape_cast %get3A_580 : vector<1x16xf32> to vector<16xf32>
      %mul3A_582 = vector.broadcast %squeeze3A_566 : f32 to vector<16xf32>
      %mul3A_583 = arith.mulf %get3A_581, %mul3A_582 : vector<16xf32>
      %swap3A_584 = arith.index_cast %add3A_564 : i32 to index
      %swap3A_585 = arith.constant 16 : index
      %swap3A_586 = tpu.vector_load %arg14[%swap3A_584, %swap3A_585] {strides = array<i32>} : memref<640x32xf32, #tpu.memory_space<vmem>>, vector<1x16xf32>,
      %swap3A_587 = vector.shape_cast %swap3A_586 : vector<1x16xf32> to vector<16xf32>
      %swap3A_588 = vector.shape_cast %mul3A_583 : vector<16xf32> to vector<1x16xf32>
      tpu.vector_store %arg14[%swap3A_584, %swap3A_585], %swap3A_588 {strides = array<i32>} : memref<640x32xf32, #tpu.memory_space<vmem>>, vector<1x16xf32>,
      %mul3A_589 = arith.constant 16 : i32
      %mul3A_590 = arith.muli %scan3A_166, %mul3A_589 : i32
      %add3A_591 = arith.constant 15 : i32
      %add3A_592 = arith.addi %mul3A_590, %add3A_591 : i32
      %slice3A_593 = vector.extract_strided_slice %get3A_171 {offsets = [15], sizes = [1], strides = [1]} : vector<16xf32> to vector<1xf32>
      %squeeze3A_594 = vector.extract %slice3A_593[0] : f32 from vector<1xf32>
      %get3A_595 = arith.index_cast %add3A_592 : i32 to index
      %get3A_596 = arith.constant 0 : index
      %get3A_597 = tpu.vector_load %arg14[%get3A_595, %get3A_596] {strides = array<i32>} : memref<640x32xf32, #tpu.memory_space<vmem>>, vector<1x16xf32>,
      %get3A_598 = vector.shape_cast %get3A_597 : vector<1x16xf32> to vector<16xf32>
      %mul3A_599 = vector.broadcast %squeeze3A_594 : f32 to vector<16xf32>
      %mul3A_600 = arith.mulf %get3A_598, %mul3A_599 : vector<16xf32>
      %swap3A_601 = arith.index_cast %add3A_592 : i32 to index
      %swap3A_602 = arith.constant 0 : index
      %swap3A_603 = tpu.vector_load %arg14[%swap3A_601, %swap3A_602] {strides = array<i32>} : memref<640x32xf32, #tpu.memory_space<vmem>>, vector<1x16xf32>,
      %swap3A_604 = vector.shape_cast %swap3A_603 : vector<1x16xf32> to vector<16xf32>
      %swap3A_605 = vector.shape_cast %mul3A_600 : vector<16xf32> to vector<1x16xf32>
      tpu.vector_store %arg14[%swap3A_601, %swap3A_602], %swap3A_605 {strides = array<i32>} : memref<640x32xf32, #tpu.memory_space<vmem>>, vector<1x16xf32>,
      %get3A_606 = arith.index_cast %add3A_592 : i32 to index
      %get3A_607 = arith.constant 16 : index
      %get3A_608 = tpu.vector_load %arg14[%get3A_606, %get3A_607] {strides = array<i32>} : memref<640x32xf32, #tpu.memory_space<vmem>>, vector<1x16xf32>,
      %get3A_609 = vector.shape_cast %get3A_608 : vector<1x16xf32> to vector<16xf32>
      %mul3A_610 = vector.broadcast %squeeze3A_594 : f32 to vector<16xf32>
      %mul3A_611 = arith.mulf %get3A_609, %mul3A_610 : vector<16xf32>
      %swap3A_612 = arith.index_cast %add3A_592 : i32 to index
      %swap3A_613 = arith.constant 16 : index
      %swap3A_614 = tpu.vector_load %arg14[%swap3A_612, %swap3A_613] {strides = array<i32>} : memref<640x32xf32, #tpu.memory_space<vmem>>, vector<1x16xf32>,
      %swap3A_615 = vector.shape_cast %swap3A_614 : vector<1x16xf32> to vector<16xf32>
      %swap3A_616 = vector.shape_cast %mul3A_611 : vector<16xf32> to vector<1x16xf32>
      tpu.vector_store %arg14[%swap3A_612, %swap3A_613], %swap3A_616 {strides = array<i32>} : memref<640x32xf32, #tpu.memory_space<vmem>>, vector<1x16xf32>,
      %scan3A_617 = arith.constant 0 : i32
      scf.yield %scan3A_617 : i32
    }
    %scan3A_87 = arith.constant 40 : i32
    "tpu.region"() ({
      %run_scoped3A = tpu.sem_alloc : memref<!tpu.dma_semaphore, #tpu.memory_space<semaphore_mem>>
      %dma_start3A_166 = arith.constant 0 : i32
      %dma_start3A_167 = tpu.memref_slice %arg17[%mul3A_0, %dma_start3A_166] : memref<10240x32xf32, #tpu.memory_space<vmem_shared>> -> memref<640x32xf32, #tpu.memory_space<vmem_shared>>
      %dma_start3A_168 = arith.constant 0 : i32
      %dma_start3A_169 = tpu.memref_slice %arg17[%mul3A_0, %dma_start3A_168] : memref<10240x32xf32, #tpu.memory_space<vmem_shared>> -> memref<640x32xf32, #tpu.memory_space<vmem_shared>>
      tpu.enqueue_dma source(%arg14 : memref<640x32xf32, #tpu.memory_space<vmem>>) target(%dma_start3A_169 : memref<640x32xf32, #tpu.memory_space<vmem_shared>>) target_semaphore(%run_scoped3A : memref<!tpu.dma_semaphore, #tpu.memory_space<semaphore_mem>>)
      %dma_wait3A_170 = arith.constant 0 : i32
      %dma_wait3A_171 = tpu.memref_slice %arg17[%mul3A_0, %dma_wait3A_170] : memref<10240x32xf32, #tpu.memory_space<vmem_shared>> -> memref<640x32xf32, #tpu.memory_space<vmem_shared>>
      %dma_wait3A_172 = arith.constant 0 : i32
      %dma_wait3A_173 = tpu.memref_slice %arg17[%mul3A_0, %dma_wait3A_172] : memref<10240x32xf32, #tpu.memory_space<vmem_shared>> -> memref<640x32xf32, #tpu.memory_space<vmem_shared>>
      tpu.wait_dma2 semaphore(%run_scoped3A : memref<!tpu.dma_semaphore, #tpu.memory_space<semaphore_mem>>) src(%arg14 : memref<640x32xf32, #tpu.memory_space<vmem>>) dst(%dma_wait3A_173 : memref<640x32xf32, #tpu.memory_space<vmem_shared>>)
      tpu.yield
    }) : () -> ()
    %scan3A_88 = arith.constant 0 : i32
    %scan3A_89 = arith.constant 0 : i32
    %scan3A_90 = arith.constant 128 : i32
    %scan3A_91 = arith.addi %scan3A_89, %scan3A_90 : i32
    %scan3A_92 = arith.constant 1 : i32
    %scan3A_93 = scf.for %scan3A_166 = %scan3A_89 to %scan3A_91 step %scan3A_92 iter_args(%scan3A_167 = %scan3A_88) -> (i32)  : i32 {
      %broadcast_in_dim3A = arith.constant 0.000000e+00 : f32
      %broadcast_in_dim3A_168 = vector.broadcast %broadcast_in_dim3A : f32 to vector<16xf32>
      %swap3A = arith.index_cast %scan3A_166 : i32 to index
      %swap3A_169 = arith.constant 0 : index
      %swap3A_170 = tpu.vector_load %arg10[%swap3A, %swap3A_169] {strides = array<i32>} : memref<128x32xf32, #tpu.memory_space<vmem>>, vector<1x16xf32>,
      %swap3A_171 = vector.shape_cast %swap3A_170 : vector<1x16xf32> to vector<16xf32>
      %swap3A_172 = vector.shape_cast %broadcast_in_dim3A_168 : vector<16xf32> to vector<1x16xf32>
      tpu.vector_store %arg10[%swap3A, %swap3A_169], %swap3A_172 {strides = array<i32>} : memref<128x32xf32, #tpu.memory_space<vmem>>, vector<1x16xf32>,
      %broadcast_in_dim3A_173 = arith.constant 0.000000e+00 : f32
      %broadcast_in_dim3A_174 = vector.broadcast %broadcast_in_dim3A_173 : f32 to vector<16xf32>
      %swap3A_175 = arith.index_cast %scan3A_166 : i32 to index
      %swap3A_176 = arith.constant 16 : index
      %swap3A_177 = tpu.vector_load %arg10[%swap3A_175, %swap3A_176] {strides = array<i32>} : memref<128x32xf32, #tpu.memory_space<vmem>>, vector<1x16xf32>,
      %swap3A_178 = vector.shape_cast %swap3A_177 : vector<1x16xf32> to vector<16xf32>
      %swap3A_179 = vector.shape_cast %broadcast_in_dim3A_174 : vector<16xf32> to vector<1x16xf32>
      tpu.vector_store %arg10[%swap3A_175, %swap3A_176], %swap3A_179 {strides = array<i32>} : memref<128x32xf32, #tpu.memory_space<vmem>>, vector<1x16xf32>,
      %scan3A_180 = arith.constant 0 : i32
      scf.yield %scan3A_180 : i32
    }
    %scan3A_94 = arith.constant 128 : i32
    %add3A_95 = arith.constant 0 : i32
    %add3A_96 = arith.addi %mul3A_0, %add3A_95 : i32
    "tpu.region"() ({
      %run_scoped3A = tpu.sem_alloc : memref<!tpu.dma_semaphore, #tpu.memory_space<semaphore_mem>>
      %dma_start3A_166 = arith.constant 0 : i32
      %dma_start3A_167 = tpu.memref_slice %arg16[%add3A_96, %dma_start3A_166] : memref<10240x32xf32, #tpu.memory_space<vmem_shared>> -> memref<128x32xf32, #tpu.memory_space<vmem_shared>>
      %dma_start3A_168 = arith.constant 0 : i32
      %dma_start3A_169 = tpu.memref_slice %arg16[%add3A_96, %dma_start3A_168] : memref<10240x32xf32, #tpu.memory_space<vmem_shared>> -> memref<128x32xf32, #tpu.memory_space<vmem_shared>>
      tpu.enqueue_dma source(%arg10 : memref<128x32xf32, #tpu.memory_space<vmem>>) target(%dma_start3A_169 : memref<128x32xf32, #tpu.memory_space<vmem_shared>>) target_semaphore(%run_scoped3A : memref<!tpu.dma_semaphore, #tpu.memory_space<semaphore_mem>>)
      %dma_wait3A_170 = arith.constant 0 : i32
      %dma_wait3A_171 = tpu.memref_slice %arg16[%add3A_96, %dma_wait3A_170] : memref<10240x32xf32, #tpu.memory_space<vmem_shared>> -> memref<128x32xf32, #tpu.memory_space<vmem_shared>>
      %dma_wait3A_172 = arith.constant 0 : i32
      %dma_wait3A_173 = tpu.memref_slice %arg16[%add3A_96, %dma_wait3A_172] : memref<10240x32xf32, #tpu.memory_space<vmem_shared>> -> memref<128x32xf32, #tpu.memory_space<vmem_shared>>
      tpu.wait_dma2 semaphore(%run_scoped3A : memref<!tpu.dma_semaphore, #tpu.memory_space<semaphore_mem>>) src(%arg10 : memref<128x32xf32, #tpu.memory_space<vmem>>) dst(%dma_wait3A_173 : memref<128x32xf32, #tpu.memory_space<vmem_shared>>)
      tpu.yield
    }) : () -> ()
    %add3A_97 = arith.constant 128 : i32
    %add3A_98 = arith.addi %mul3A_0, %add3A_97 : i32
    "tpu.region"() ({
      %run_scoped3A = tpu.sem_alloc : memref<!tpu.dma_semaphore, #tpu.memory_space<semaphore_mem>>
      %dma_start3A_166 = arith.constant 0 : i32
      %dma_start3A_167 = tpu.memref_slice %arg16[%add3A_98, %dma_start3A_166] : memref<10240x32xf32, #tpu.memory_space<vmem_shared>> -> memref<128x32xf32, #tpu.memory_space<vmem_shared>>
      %dma_start3A_168 = arith.constant 0 : i32
      %dma_start3A_169 = tpu.memref_slice %arg16[%add3A_98, %dma_start3A_168] : memref<10240x32xf32, #tpu.memory_space<vmem_shared>> -> memref<128x32xf32, #tpu.memory_space<vmem_shared>>
      tpu.enqueue_dma source(%arg10 : memref<128x32xf32, #tpu.memory_space<vmem>>) target(%dma_start3A_169 : memref<128x32xf32, #tpu.memory_space<vmem_shared>>) target_semaphore(%run_scoped3A : memref<!tpu.dma_semaphore, #tpu.memory_space<semaphore_mem>>)
      %dma_wait3A_170 = arith.constant 0 : i32
      %dma_wait3A_171 = tpu.memref_slice %arg16[%add3A_98, %dma_wait3A_170] : memref<10240x32xf32, #tpu.memory_space<vmem_shared>> -> memref<128x32xf32, #tpu.memory_space<vmem_shared>>
      %dma_wait3A_172 = arith.constant 0 : i32
      %dma_wait3A_173 = tpu.memref_slice %arg16[%add3A_98, %dma_wait3A_172] : memref<10240x32xf32, #tpu.memory_space<vmem_shared>> -> memref<128x32xf32, #tpu.memory_space<vmem_shared>>
      tpu.wait_dma2 semaphore(%run_scoped3A : memref<!tpu.dma_semaphore, #tpu.memory_space<semaphore_mem>>) src(%arg10 : memref<128x32xf32, #tpu.memory_space<vmem>>) dst(%dma_wait3A_173 : memref<128x32xf32, #tpu.memory_space<vmem_shared>>)
      tpu.yield
    }) : () -> ()
    %add3A_99 = arith.constant 256 : i32
    %add3A_100 = arith.addi %mul3A_0, %add3A_99 : i32
    "tpu.region"() ({
      %run_scoped3A = tpu.sem_alloc : memref<!tpu.dma_semaphore, #tpu.memory_space<semaphore_mem>>
      %dma_start3A_166 = arith.constant 0 : i32
      %dma_start3A_167 = tpu.memref_slice %arg16[%add3A_100, %dma_start3A_166] : memref<10240x32xf32, #tpu.memory_space<vmem_shared>> -> memref<128x32xf32, #tpu.memory_space<vmem_shared>>
      %dma_start3A_168 = arith.constant 0 : i32
      %dma_start3A_169 = tpu.memref_slice %arg16[%add3A_100, %dma_start3A_168] : memref<10240x32xf32, #tpu.memory_space<vmem_shared>> -> memref<128x32xf32, #tpu.memory_space<vmem_shared>>
      tpu.enqueue_dma source(%arg10 : memref<128x32xf32, #tpu.memory_space<vmem>>) target(%dma_start3A_169 : memref<128x32xf32, #tpu.memory_space<vmem_shared>>) target_semaphore(%run_scoped3A : memref<!tpu.dma_semaphore, #tpu.memory_space<semaphore_mem>>)
      %dma_wait3A_170 = arith.constant 0 : i32
      %dma_wait3A_171 = tpu.memref_slice %arg16[%add3A_100, %dma_wait3A_170] : memref<10240x32xf32, #tpu.memory_space<vmem_shared>> -> memref<128x32xf32, #tpu.memory_space<vmem_shared>>
      %dma_wait3A_172 = arith.constant 0 : i32
      %dma_wait3A_173 = tpu.memref_slice %arg16[%add3A_100, %dma_wait3A_172] : memref<10240x32xf32, #tpu.memory_space<vmem_shared>> -> memref<128x32xf32, #tpu.memory_space<vmem_shared>>
      tpu.wait_dma2 semaphore(%run_scoped3A : memref<!tpu.dma_semaphore, #tpu.memory_space<semaphore_mem>>) src(%arg10 : memref<128x32xf32, #tpu.memory_space<vmem>>) dst(%dma_wait3A_173 : memref<128x32xf32, #tpu.memory_space<vmem_shared>>)
      tpu.yield
    }) : () -> ()
    %add3A_101 = arith.constant 384 : i32
    %add3A_102 = arith.addi %mul3A_0, %add3A_101 : i32
    "tpu.region"() ({
      %run_scoped3A = tpu.sem_alloc : memref<!tpu.dma_semaphore, #tpu.memory_space<semaphore_mem>>
      %dma_start3A_166 = arith.constant 0 : i32
      %dma_start3A_167 = tpu.memref_slice %arg16[%add3A_102, %dma_start3A_166] : memref<10240x32xf32, #tpu.memory_space<vmem_shared>> -> memref<128x32xf32, #tpu.memory_space<vmem_shared>>
      %dma_start3A_168 = arith.constant 0 : i32
      %dma_start3A_169 = tpu.memref_slice %arg16[%add3A_102, %dma_start3A_168] : memref<10240x32xf32, #tpu.memory_space<vmem_shared>> -> memref<128x32xf32, #tpu.memory_space<vmem_shared>>
      tpu.enqueue_dma source(%arg10 : memref<128x32xf32, #tpu.memory_space<vmem>>) target(%dma_start3A_169 : memref<128x32xf32, #tpu.memory_space<vmem_shared>>) target_semaphore(%run_scoped3A : memref<!tpu.dma_semaphore, #tpu.memory_space<semaphore_mem>>)
      %dma_wait3A_170 = arith.constant 0 : i32
      %dma_wait3A_171 = tpu.memref_slice %arg16[%add3A_102, %dma_wait3A_170] : memref<10240x32xf32, #tpu.memory_space<vmem_shared>> -> memref<128x32xf32, #tpu.memory_space<vmem_shared>>
      %dma_wait3A_172 = arith.constant 0 : i32
      %dma_wait3A_173 = tpu.memref_slice %arg16[%add3A_102, %dma_wait3A_172] : memref<10240x32xf32, #tpu.memory_space<vmem_shared>> -> memref<128x32xf32, #tpu.memory_space<vmem_shared>>
      tpu.wait_dma2 semaphore(%run_scoped3A : memref<!tpu.dma_semaphore, #tpu.memory_space<semaphore_mem>>) src(%arg10 : memref<128x32xf32, #tpu.memory_space<vmem>>) dst(%dma_wait3A_173 : memref<128x32xf32, #tpu.memory_space<vmem_shared>>)
      tpu.yield
    }) : () -> ()
    %add3A_103 = arith.constant 512 : i32
    %add3A_104 = arith.addi %mul3A_0, %add3A_103 : i32
    "tpu.region"() ({
      %run_scoped3A = tpu.sem_alloc : memref<!tpu.dma_semaphore, #tpu.memory_space<semaphore_mem>>
      %dma_start3A_166 = arith.constant 0 : i32
      %dma_start3A_167 = tpu.memref_slice %arg16[%add3A_104, %dma_start3A_166] : memref<10240x32xf32, #tpu.memory_space<vmem_shared>> -> memref<128x32xf32, #tpu.memory_space<vmem_shared>>
      %dma_start3A_168 = arith.constant 0 : i32
      %dma_start3A_169 = tpu.memref_slice %arg16[%add3A_104, %dma_start3A_168] : memref<10240x32xf32, #tpu.memory_space<vmem_shared>> -> memref<128x32xf32, #tpu.memory_space<vmem_shared>>
      tpu.enqueue_dma source(%arg10 : memref<128x32xf32, #tpu.memory_space<vmem>>) target(%dma_start3A_169 : memref<128x32xf32, #tpu.memory_space<vmem_shared>>) target_semaphore(%run_scoped3A : memref<!tpu.dma_semaphore, #tpu.memory_space<semaphore_mem>>)
      %dma_wait3A_170 = arith.constant 0 : i32
      %dma_wait3A_171 = tpu.memref_slice %arg16[%add3A_104, %dma_wait3A_170] : memref<10240x32xf32, #tpu.memory_space<vmem_shared>> -> memref<128x32xf32, #tpu.memory_space<vmem_shared>>
      %dma_wait3A_172 = arith.constant 0 : i32
      %dma_wait3A_173 = tpu.memref_slice %arg16[%add3A_104, %dma_wait3A_172] : memref<10240x32xf32, #tpu.memory_space<vmem_shared>> -> memref<128x32xf32, #tpu.memory_space<vmem_shared>>
      tpu.wait_dma2 semaphore(%run_scoped3A : memref<!tpu.dma_semaphore, #tpu.memory_space<semaphore_mem>>) src(%arg10 : memref<128x32xf32, #tpu.memory_space<vmem>>) dst(%dma_wait3A_173 : memref<128x32xf32, #tpu.memory_space<vmem_shared>>)
      tpu.yield
    }) : () -> ()
    %barrier3A_105 = arith.constant 0 : index
    tpu.barrier barrier_id(%barrier3A_105)
    %dma_start3A_106 = arith.constant 0 : i32
    %dma_start3A_107 = arith.constant 0 : i32
    %dma_start3A_108 = tpu.memref_slice %arg9[%dma_start3A_106, %dma_start3A_107] : memref<160x128xi32, #tpu.memory_space<vmem>> -> memref<1x128xi32, #tpu.memory_space<vmem>>
    %dma_start3A_109 = tpu.memref_squeeze %dma_start3A_108 : memref<1x128xi32, #tpu.memory_space<vmem>> -> memref<128xi32, #tpu.memory_space<vmem>>
    %dma_start3A_110 = arith.constant 0 : i32
    %dma_start3A_111 = arith.constant 0 : i32
    %dma_start3A_112 = tpu.memref_slice %arg17[%dma_start3A_110, %dma_start3A_111] : memref<10240x32xf32, #tpu.memory_space<vmem_shared>> -> memref<10240x32xf32, #tpu.memory_space<vmem_shared>>
    tpu.enqueue_indirect_dma source(%dma_start3A_112 : memref<10240x32xf32, #tpu.memory_space<vmem_shared>>) target(%arg10 : memref<128x32xf32, #tpu.memory_space<vmem>>) offsets(%dma_start3A_109 : memref<128xi32, #tpu.memory_space<vmem>>) semaphore(%arg18 : memref<!tpu.dma_semaphore, #tpu.memory_space<semaphore_mem>>)
    %dma_start3A_113 = arith.constant 1 : i32
    %dma_start3A_114 = arith.constant 0 : i32
    %dma_start3A_115 = tpu.memref_slice %arg9[%dma_start3A_113, %dma_start3A_114] : memref<160x128xi32, #tpu.memory_space<vmem>> -> memref<1x128xi32, #tpu.memory_space<vmem>>
    %dma_start3A_116 = tpu.memref_squeeze %dma_start3A_115 : memref<1x128xi32, #tpu.memory_space<vmem>> -> memref<128xi32, #tpu.memory_space<vmem>>
    %dma_start3A_117 = arith.constant 0 : i32
    %dma_start3A_118 = arith.constant 0 : i32
    %dma_start3A_119 = tpu.memref_slice %arg17[%dma_start3A_117, %dma_start3A_118] : memref<10240x32xf32, #tpu.memory_space<vmem_shared>> -> memref<10240x32xf32, #tpu.memory_space<vmem_shared>>
    tpu.enqueue_indirect_dma source(%dma_start3A_119 : memref<10240x32xf32, #tpu.memory_space<vmem_shared>>) target(%arg11 : memref<128x32xf32, #tpu.memory_space<vmem>>) offsets(%dma_start3A_116 : memref<128xi32, #tpu.memory_space<vmem>>) semaphore(%arg19 : memref<!tpu.dma_semaphore, #tpu.memory_space<semaphore_mem>>)
    %scan3A_120 = arith.constant 0 : i32
    %scan3A_121 = arith.constant 0 : i32
    %scan3A_122 = arith.constant 79 : i32
    %scan3A_123 = arith.addi %scan3A_121, %scan3A_122 : i32
    %scan3A_124 = arith.constant 1 : i32
    %scan3A_125 = scf.for %scan3A_166 = %scan3A_121 to %scan3A_123 step %scan3A_124 iter_args(%scan3A_167 = %scan3A_120) -> (i32)  : i32 {
      %mul3A_168 = arith.constant 2 : i32
      %mul3A_169 = arith.muli %mul3A_168, %scan3A_166 : i32
      %dma_wait3A_170 = arith.constant 0 : i32
      %dma_wait3A_171 = arith.constant 0 : i32
      %dma_wait3A_172 = tpu.memref_slice %arg2[%dma_wait3A_170, %dma_wait3A_171] : memref<10240x32xf32, #tpu.memory_space<hbm>> -> memref<128x32xf32, #tpu.memory_space<hbm>>
      %dma_wait3A_173 = arith.constant 0 : i32
      %dma_wait3A_174 = arith.constant 0 : i32
      %dma_wait3A_175 = tpu.memref_slice %arg2[%dma_wait3A_173, %dma_wait3A_174] : memref<10240x32xf32, #tpu.memory_space<hbm>> -> memref<128x32xf32, #tpu.memory_space<hbm>>
      tpu.wait_dma2 semaphore(%arg18 : memref<!tpu.dma_semaphore, #tpu.memory_space<semaphore_mem>>) src(%dma_wait3A_175 : memref<128x32xf32, #tpu.memory_space<hbm>>) dst(%arg10 : memref<128x32xf32, #tpu.memory_space<vmem>>)
      %add3A_176 = arith.constant 0 : i32
      %add3A_177 = arith.addi %mul3A_169, %add3A_176 : i32
      %dma_start3A_178 = arith.constant 0 : i32
      %dma_start3A_179 = tpu.memref_slice %arg8[%add3A_177, %dma_start3A_178] : memref<160x128xi32, #tpu.memory_space<vmem>> -> memref<1x128xi32, #tpu.memory_space<vmem>>
      %dma_start3A_180 = tpu.memref_squeeze %dma_start3A_179 : memref<1x128xi32, #tpu.memory_space<vmem>> -> memref<128xi32, #tpu.memory_space<vmem>>
      %dma_start3A_181 = arith.constant 0 : i32
      %dma_start3A_182 = arith.constant 0 : i32
      %dma_start3A_183 = tpu.memref_slice %arg16[%dma_start3A_181, %dma_start3A_182] : memref<10240x32xf32, #tpu.memory_space<vmem_shared>> -> memref<10240x32xf32, #tpu.memory_space<vmem_shared>>
      tpu.enqueue_indirect_dma source(%arg10 : memref<128x32xf32, #tpu.memory_space<vmem>>) target(%dma_start3A_183 : memref<10240x32xf32, #tpu.memory_space<vmem_shared>>) offsets(%dma_start3A_180 : memref<128xi32, #tpu.memory_space<vmem>>) semaphore(%arg22 : memref<!tpu.dma_semaphore, #tpu.memory_space<semaphore_mem>>) {add = true}
      %dma_wait3A_184 = arith.constant 0 : i32
      %dma_wait3A_185 = arith.constant 0 : i32
      %dma_wait3A_186 = tpu.memref_slice %arg2[%dma_wait3A_184, %dma_wait3A_185] : memref<10240x32xf32, #tpu.memory_space<hbm>> -> memref<128x32xf32, #tpu.memory_space<hbm>>
      %dma_wait3A_187 = arith.constant 0 : i32
      %dma_wait3A_188 = arith.constant 0 : i32
      %dma_wait3A_189 = tpu.memref_slice %arg2[%dma_wait3A_187, %dma_wait3A_188] : memref<10240x32xf32, #tpu.memory_space<hbm>> -> memref<128x32xf32, #tpu.memory_space<hbm>>
      tpu.wait_dma2 semaphore(%arg19 : memref<!tpu.dma_semaphore, #tpu.memory_space<semaphore_mem>>) src(%dma_wait3A_189 : memref<128x32xf32, #tpu.memory_space<hbm>>) dst(%arg11 : memref<128x32xf32, #tpu.memory_space<vmem>>)
      %add3A_190 = arith.constant 1 : i32
      %add3A_191 = arith.addi %mul3A_169, %add3A_190 : i32
      %dma_start3A_192 = arith.constant 0 : i32
      %dma_start3A_193 = tpu.memref_slice %arg8[%add3A_191, %dma_start3A_192] : memref<160x128xi32, #tpu.memory_space<vmem>> -> memref<1x128xi32, #tpu.memory_space<vmem>>
      %dma_start3A_194 = tpu.memref_squeeze %dma_start3A_193 : memref<1x128xi32, #tpu.memory_space<vmem>> -> memref<128xi32, #tpu.memory_space<vmem>>
      %dma_start3A_195 = arith.constant 0 : i32
      %dma_start3A_196 = arith.constant 0 : i32
      %dma_start3A_197 = tpu.memref_slice %arg16[%dma_start3A_195, %dma_start3A_196] : memref<10240x32xf32, #tpu.memory_space<vmem_shared>> -> memref<10240x32xf32, #tpu.memory_space<vmem_shared>>
      tpu.enqueue_indirect_dma source(%arg11 : memref<128x32xf32, #tpu.memory_space<vmem>>) target(%dma_start3A_197 : memref<10240x32xf32, #tpu.memory_space<vmem_shared>>) offsets(%dma_start3A_194 : memref<128xi32, #tpu.memory_space<vmem>>) semaphore(%arg23 : memref<!tpu.dma_semaphore, #tpu.memory_space<semaphore_mem>>) {add = true}
      %dma_wait3A_198 = arith.constant 0 : i32
      %dma_wait3A_199 = arith.constant 0 : i32
      %dma_wait3A_200 = tpu.memref_slice %arg2[%dma_wait3A_198, %dma_wait3A_199] : memref<10240x32xf32, #tpu.memory_space<hbm>> -> memref<128x32xf32, #tpu.memory_space<hbm>>
      %dma_wait3A_201 = arith.constant 0 : i32
      %dma_wait3A_202 = arith.constant 0 : i32
      %dma_wait3A_203 = tpu.memref_slice %arg2[%dma_wait3A_201, %dma_wait3A_202] : memref<10240x32xf32, #tpu.memory_space<hbm>> -> memref<128x32xf32, #tpu.memory_space<hbm>>
      tpu.wait_dma2 semaphore(%arg22 : memref<!tpu.dma_semaphore, #tpu.memory_space<semaphore_mem>>) src(%dma_wait3A_203 : memref<128x32xf32, #tpu.memory_space<hbm>>) dst(%arg10 : memref<128x32xf32, #tpu.memory_space<vmem>>)
      %add3A_204 = arith.constant 2 : i32
      %add3A_205 = arith.addi %mul3A_169, %add3A_204 : i32
      %add3A_206 = arith.constant 0 : i32
      %add3A_207 = arith.addi %add3A_205, %add3A_206 : i32
      %dma_start3A_208 = arith.constant 0 : i32
      %dma_start3A_209 = tpu.memref_slice %arg9[%add3A_207, %dma_start3A_208] : memref<160x128xi32, #tpu.memory_space<vmem>> -> memref<1x128xi32, #tpu.memory_space<vmem>>
      %dma_start3A_210 = tpu.memref_squeeze %dma_start3A_209 : memref<1x128xi32, #tpu.memory_space<vmem>> -> memref<128xi32, #tpu.memory_space<vmem>>
      %dma_start3A_211 = arith.constant 0 : i32
      %dma_start3A_212 = arith.constant 0 : i32
      %dma_start3A_213 = tpu.memref_slice %arg17[%dma_start3A_211, %dma_start3A_212] : memref<10240x32xf32, #tpu.memory_space<vmem_shared>> -> memref<10240x32xf32, #tpu.memory_space<vmem_shared>>
      tpu.enqueue_indirect_dma source(%dma_start3A_213 : memref<10240x32xf32, #tpu.memory_space<vmem_shared>>) target(%arg10 : memref<128x32xf32, #tpu.memory_space<vmem>>) offsets(%dma_start3A_210 : memref<128xi32, #tpu.memory_space<vmem>>) semaphore(%arg18 : memref<!tpu.dma_semaphore, #tpu.memory_space<semaphore_mem>>)
      %dma_wait3A_214 = arith.constant 0 : i32
      %dma_wait3A_215 = arith.constant 0 : i32
      %dma_wait3A_216 = tpu.memref_slice %arg2[%dma_wait3A_214, %dma_wait3A_215] : memref<10240x32xf32, #tpu.memory_space<hbm>> -> memref<128x32xf32, #tpu.memory_space<hbm>>
      %dma_wait3A_217 = arith.constant 0 : i32
      %dma_wait3A_218 = arith.constant 0 : i32
      %dma_wait3A_219 = tpu.memref_slice %arg2[%dma_wait3A_217, %dma_wait3A_218] : memref<10240x32xf32, #tpu.memory_space<hbm>> -> memref<128x32xf32, #tpu.memory_space<hbm>>
      tpu.wait_dma2 semaphore(%arg23 : memref<!tpu.dma_semaphore, #tpu.memory_space<semaphore_mem>>) src(%dma_wait3A_219 : memref<128x32xf32, #tpu.memory_space<hbm>>) dst(%arg11 : memref<128x32xf32, #tpu.memory_space<vmem>>)
      %add3A_220 = arith.constant 2 : i32
      %add3A_221 = arith.addi %mul3A_169, %add3A_220 : i32
      %add3A_222 = arith.constant 1 : i32
      %add3A_223 = arith.addi %add3A_221, %add3A_222 : i32
      %dma_start3A_224 = arith.constant 0 : i32
      %dma_start3A_225 = tpu.memref_slice %arg9[%add3A_223, %dma_start3A_224] : memref<160x128xi32, #tpu.memory_space<vmem>> -> memref<1x128xi32, #tpu.memory_space<vmem>>
      %dma_start3A_226 = tpu.memref_squeeze %dma_start3A_225 : memref<1x128xi32, #tpu.memory_space<vmem>> -> memref<128xi32, #tpu.memory_space<vmem>>
      %dma_start3A_227 = arith.constant 0 : i32
      %dma_start3A_228 = arith.constant 0 : i32
      %dma_start3A_229 = tpu.memref_slice %arg17[%dma_start3A_227, %dma_start3A_228] : memref<10240x32xf32, #tpu.memory_space<vmem_shared>> -> memref<10240x32xf32, #tpu.memory_space<vmem_shared>>
      tpu.enqueue_indirect_dma source(%dma_start3A_229 : memref<10240x32xf32, #tpu.memory_space<vmem_shared>>) target(%arg11 : memref<128x32xf32, #tpu.memory_space<vmem>>) offsets(%dma_start3A_226 : memref<128xi32, #tpu.memory_space<vmem>>) semaphore(%arg19 : memref<!tpu.dma_semaphore, #tpu.memory_space<semaphore_mem>>)
      %scan3A_230 = arith.constant 0 : i32
      scf.yield %scan3A_230 : i32
    }
    %scan3A_126 = arith.constant 79 : i32
    %dma_wait3A_127 = arith.constant 0 : i32
    %dma_wait3A_128 = arith.constant 0 : i32
    %dma_wait3A_129 = tpu.memref_slice %arg2[%dma_wait3A_127, %dma_wait3A_128] : memref<10240x32xf32, #tpu.memory_space<hbm>> -> memref<128x32xf32, #tpu.memory_space<hbm>>
    %dma_wait3A_130 = arith.constant 0 : i32
    %dma_wait3A_131 = arith.constant 0 : i32
    %dma_wait3A_132 = tpu.memref_slice %arg2[%dma_wait3A_130, %dma_wait3A_131] : memref<10240x32xf32, #tpu.memory_space<hbm>> -> memref<128x32xf32, #tpu.memory_space<hbm>>
    tpu.wait_dma2 semaphore(%arg18 : memref<!tpu.dma_semaphore, #tpu.memory_space<semaphore_mem>>) src(%dma_wait3A_132 : memref<128x32xf32, #tpu.memory_space<hbm>>) dst(%arg10 : memref<128x32xf32, #tpu.memory_space<vmem>>)
    %dma_start3A_133 = arith.constant 158 : i32
    %dma_start3A_134 = arith.constant 0 : i32
    %dma_start3A_135 = tpu.memref_slice %arg8[%dma_start3A_133, %dma_start3A_134] : memref<160x128xi32, #tpu.memory_space<vmem>> -> memref<1x128xi32, #tpu.memory_space<vmem>>
    %dma_start3A_136 = tpu.memref_squeeze %dma_start3A_135 : memref<1x128xi32, #tpu.memory_space<vmem>> -> memref<128xi32, #tpu.memory_space<vmem>>
    %dma_start3A_137 = arith.constant 0 : i32
    %dma_start3A_138 = arith.constant 0 : i32
    %dma_start3A_139 = tpu.memref_slice %arg16[%dma_start3A_137, %dma_start3A_138] : memref<10240x32xf32, #tpu.memory_space<vmem_shared>> -> memref<10240x32xf32, #tpu.memory_space<vmem_shared>>
    tpu.enqueue_indirect_dma source(%arg10 : memref<128x32xf32, #tpu.memory_space<vmem>>) target(%dma_start3A_139 : memref<10240x32xf32, #tpu.memory_space<vmem_shared>>) offsets(%dma_start3A_136 : memref<128xi32, #tpu.memory_space<vmem>>) semaphore(%arg22 : memref<!tpu.dma_semaphore, #tpu.memory_space<semaphore_mem>>) {add = true}
    %dma_wait3A_140 = arith.constant 0 : i32
    %dma_wait3A_141 = arith.constant 0 : i32
    %dma_wait3A_142 = tpu.memref_slice %arg2[%dma_wait3A_140, %dma_wait3A_141] : memref<10240x32xf32, #tpu.memory_space<hbm>> -> memref<128x32xf32, #tpu.memory_space<hbm>>
    %dma_wait3A_143 = arith.constant 0 : i32
    %dma_wait3A_144 = arith.constant 0 : i32
    %dma_wait3A_145 = tpu.memref_slice %arg2[%dma_wait3A_143, %dma_wait3A_144] : memref<10240x32xf32, #tpu.memory_space<hbm>> -> memref<128x32xf32, #tpu.memory_space<hbm>>
    tpu.wait_dma2 semaphore(%arg19 : memref<!tpu.dma_semaphore, #tpu.memory_space<semaphore_mem>>) src(%dma_wait3A_145 : memref<128x32xf32, #tpu.memory_space<hbm>>) dst(%arg11 : memref<128x32xf32, #tpu.memory_space<vmem>>)
    %dma_start3A_146 = arith.constant 159 : i32
    %dma_start3A_147 = arith.constant 0 : i32
    %dma_start3A_148 = tpu.memref_slice %arg8[%dma_start3A_146, %dma_start3A_147] : memref<160x128xi32, #tpu.memory_space<vmem>> -> memref<1x128xi32, #tpu.memory_space<vmem>>
    %dma_start3A_149 = tpu.memref_squeeze %dma_start3A_148 : memref<1x128xi32, #tpu.memory_space<vmem>> -> memref<128xi32, #tpu.memory_space<vmem>>
    %dma_start3A_150 = arith.constant 0 : i32
    %dma_start3A_151 = arith.constant 0 : i32
    %dma_start3A_152 = tpu.memref_slice %arg16[%dma_start3A_150, %dma_start3A_151] : memref<10240x32xf32, #tpu.memory_space<vmem_shared>> -> memref<10240x32xf32, #tpu.memory_space<vmem_shared>>
    tpu.enqueue_indirect_dma source(%arg11 : memref<128x32xf32, #tpu.memory_space<vmem>>) target(%dma_start3A_152 : memref<10240x32xf32, #tpu.memory_space<vmem_shared>>) offsets(%dma_start3A_149 : memref<128xi32, #tpu.memory_space<vmem>>) semaphore(%arg23 : memref<!tpu.dma_semaphore, #tpu.memory_space<semaphore_mem>>) {add = true}
    %dma_wait3A_153 = arith.constant 0 : i32
    %dma_wait3A_154 = arith.constant 0 : i32
    %dma_wait3A_155 = tpu.memref_slice %arg2[%dma_wait3A_153, %dma_wait3A_154] : memref<10240x32xf32, #tpu.memory_space<hbm>> -> memref<128x32xf32, #tpu.memory_space<hbm>>
    %dma_wait3A_156 = arith.constant 0 : i32
    %dma_wait3A_157 = arith.constant 0 : i32
    %dma_wait3A_158 = tpu.memref_slice %arg2[%dma_wait3A_156, %dma_wait3A_157] : memref<10240x32xf32, #tpu.memory_space<hbm>> -> memref<128x32xf32, #tpu.memory_space<hbm>>
    tpu.wait_dma2 semaphore(%arg22 : memref<!tpu.dma_semaphore, #tpu.memory_space<semaphore_mem>>) src(%dma_wait3A_158 : memref<128x32xf32, #tpu.memory_space<hbm>>) dst(%arg10 : memref<128x32xf32, #tpu.memory_space<vmem>>)
    %dma_wait3A_159 = arith.constant 0 : i32
    %dma_wait3A_160 = arith.constant 0 : i32
    %dma_wait3A_161 = tpu.memref_slice %arg2[%dma_wait3A_159, %dma_wait3A_160] : memref<10240x32xf32, #tpu.memory_space<hbm>> -> memref<128x32xf32, #tpu.memory_space<hbm>>
    %dma_wait3A_162 = arith.constant 0 : i32
    %dma_wait3A_163 = arith.constant 0 : i32
    %dma_wait3A_164 = tpu.memref_slice %arg2[%dma_wait3A_162, %dma_wait3A_163] : memref<10240x32xf32, #tpu.memory_space<hbm>> -> memref<128x32xf32, #tpu.memory_space<hbm>>
    tpu.wait_dma2 semaphore(%arg23 : memref<!tpu.dma_semaphore, #tpu.memory_space<semaphore_mem>>) src(%dma_wait3A_164 : memref<128x32xf32, #tpu.memory_space<hbm>>) dst(%arg11 : memref<128x32xf32, #tpu.memory_space<vmem>>)
    %barrier3A_165 = arith.constant 0 : index
    tpu.barrier barrier_id(%barrier3A_165)
    "tpu.region"() ({
      %run_scoped3A = tpu.sem_alloc : memref<!tpu.dma_semaphore, #tpu.memory_space<semaphore_mem>>
      %dma_start3A_166 = arith.constant 0 : i32
      %dma_start3A_167 = tpu.memref_slice %arg7[%arg0, %mul3A_0, %dma_start3A_166] : memref<2x10240x32xf32, #tpu.memory_space<hbm>> -> memref<1x640x32xf32, #tpu.memory_space<hbm>>
      %dma_start3A_168 = tpu.memref_squeeze %dma_start3A_167 : memref<1x640x32xf32, #tpu.memory_space<hbm>> -> memref<640x32xf32, #tpu.memory_space<hbm>>
      %dma_start3A_169 = arith.constant 0 : i32
      %dma_start3A_170 = tpu.memref_slice %arg16[%mul3A_0, %dma_start3A_169] : memref<10240x32xf32, #tpu.memory_space<vmem_shared>> -> memref<640x32xf32, #tpu.memory_space<vmem_shared>>
      tpu.enqueue_dma source(%dma_start3A_170 : memref<640x32xf32, #tpu.memory_space<vmem_shared>>) target(%dma_start3A_168 : memref<640x32xf32, #tpu.memory_space<hbm>>) target_semaphore(%run_scoped3A : memref<!tpu.dma_semaphore, #tpu.memory_space<semaphore_mem>>)
      %dma_wait3A_171 = arith.constant 0 : i32
      %dma_wait3A_172 = tpu.memref_slice %arg7[%arg0, %mul3A_0, %dma_wait3A_171] : memref<2x10240x32xf32, #tpu.memory_space<hbm>> -> memref<1x640x32xf32, #tpu.memory_space<hbm>>
      %dma_wait3A_173 = tpu.memref_squeeze %dma_wait3A_172 : memref<1x640x32xf32, #tpu.memory_space<hbm>> -> memref<640x32xf32, #tpu.memory_space<hbm>>
      %dma_wait3A_174 = arith.constant 0 : i32
      %dma_wait3A_175 = tpu.memref_slice %arg16[%mul3A_0, %dma_wait3A_174] : memref<10240x32xf32, #tpu.memory_space<vmem_shared>> -> memref<640x32xf32, #tpu.memory_space<vmem_shared>>
      tpu.wait_dma2 semaphore(%run_scoped3A : memref<!tpu.dma_semaphore, #tpu.memory_space<semaphore_mem>>) src(%dma_wait3A_175 : memref<640x32xf32, #tpu.memory_space<vmem_shared>>) dst(%dma_wait3A_173 : memref<640x32xf32, #tpu.memory_space<hbm>>)
      tpu.yield
    }) : () -> ()
    return
  }
}

#map = affine_map<(d0, d1) -> (0, 0, 0, 0)>
#map1 = affine_map<(d0, d1) -> (0, 0, 0)>
module attributes {stable_mosaic.version = 14 : i64} {
  func.func @_degrees_body(%arg0: i32, %arg1: i32, %arg2: memref<2x16x160x128xi32, #tpu.memory_space<hbm>>, %arg3: memref<2x10240x16xf32, #tpu.memory_space<hbm>>, %arg4: memref<160x128xi32, #tpu.memory_space<vmem>>, %arg5: memref<128x16xf32, #tpu.memory_space<vmem>>, %arg6: memref<10240x16xf32, #tpu.memory_space<vmem_shared>>) attributes {dimension_semantics = [#tpu.dimension_semantics<core_parallel>, #tpu.dimension_semantics<subcore_parallel>], iteration_bounds = array<i64: 2, 16>, scalar_prefetch = 0 : i64, scratch_operands = 3 : i64, tpu.core_type = #tpu.core_type<sc_vector_subcore>, window_params = [{transform_indices = #map}, {transform_indices = #map1}]} {
    %mul3A = arith.constant 640 : i32
    %mul3A_0 = arith.muli %arg1, %mul3A : i32
    "tpu.region"() ({
      %run_scoped3A = tpu.sem_alloc : memref<!tpu.dma_semaphore, #tpu.memory_space<semaphore_mem>>
      %dma_start3A = arith.constant 0 : i32
      %dma_start3A_31 = arith.constant 0 : i32
      %dma_start3A_32 = tpu.memref_slice %arg2[%arg0, %arg1, %dma_start3A, %dma_start3A_31] : memref<2x16x160x128xi32, #tpu.memory_space<hbm>> -> memref<1x1x160x128xi32, #tpu.memory_space<hbm>>
      %dma_start3A_33 = tpu.memref_squeeze %dma_start3A_32 : memref<1x1x160x128xi32, #tpu.memory_space<hbm>> -> memref<160x128xi32, #tpu.memory_space<hbm>>
      %dma_start3A_34 = arith.constant 0 : i32
      %dma_start3A_35 = arith.constant 0 : i32
      %dma_start3A_36 = tpu.memref_slice %arg2[%arg0, %arg1, %dma_start3A_34, %dma_start3A_35] : memref<2x16x160x128xi32, #tpu.memory_space<hbm>> -> memref<1x1x160x128xi32, #tpu.memory_space<hbm>>
      %dma_start3A_37 = tpu.memref_squeeze %dma_start3A_36 : memref<1x1x160x128xi32, #tpu.memory_space<hbm>> -> memref<160x128xi32, #tpu.memory_space<hbm>>
      tpu.enqueue_dma source(%dma_start3A_37 : memref<160x128xi32, #tpu.memory_space<hbm>>) target(%arg4 : memref<160x128xi32, #tpu.memory_space<vmem>>) target_semaphore(%run_scoped3A : memref<!tpu.dma_semaphore, #tpu.memory_space<semaphore_mem>>)
      %dma_wait3A = arith.constant 0 : i32
      %dma_wait3A_38 = arith.constant 0 : i32
      %dma_wait3A_39 = tpu.memref_slice %arg2[%arg0, %arg1, %dma_wait3A, %dma_wait3A_38] : memref<2x16x160x128xi32, #tpu.memory_space<hbm>> -> memref<1x1x160x128xi32, #tpu.memory_space<hbm>>
      %dma_wait3A_40 = tpu.memref_squeeze %dma_wait3A_39 : memref<1x1x160x128xi32, #tpu.memory_space<hbm>> -> memref<160x128xi32, #tpu.memory_space<hbm>>
      %dma_wait3A_41 = arith.constant 0 : i32
      %dma_wait3A_42 = arith.constant 0 : i32
      %dma_wait3A_43 = tpu.memref_slice %arg2[%arg0, %arg1, %dma_wait3A_41, %dma_wait3A_42] : memref<2x16x160x128xi32, #tpu.memory_space<hbm>> -> memref<1x1x160x128xi32, #tpu.memory_space<hbm>>
      %dma_wait3A_44 = tpu.memref_squeeze %dma_wait3A_43 : memref<1x1x160x128xi32, #tpu.memory_space<hbm>> -> memref<160x128xi32, #tpu.memory_space<hbm>>
      tpu.wait_dma2 semaphore(%run_scoped3A : memref<!tpu.dma_semaphore, #tpu.memory_space<semaphore_mem>>) src(%dma_wait3A_44 : memref<160x128xi32, #tpu.memory_space<hbm>>) dst(%arg4 : memref<160x128xi32, #tpu.memory_space<vmem>>)
      tpu.yield
    }) : () -> ()
    %scan3A = arith.constant 0 : i32
    %scan3A_1 = arith.constant 0 : i32
    %scan3A_2 = arith.constant 128 : i32
    %scan3A_3 = arith.addi %scan3A_1, %scan3A_2 : i32
    %scan3A_4 = arith.constant 1 : i32
    %scan3A_5 = scf.for %scan3A_31 = %scan3A_1 to %scan3A_3 step %scan3A_4 iter_args(%scan3A_32 = %scan3A) -> (i32)  : i32 {
      %broadcast_in_dim3A = arith.constant 0.000000e+00 : f32
      %broadcast_in_dim3A_33 = vector.broadcast %broadcast_in_dim3A : f32 to vector<16xf32>
      %swap3A = arith.index_cast %scan3A_31 : i32 to index
      %swap3A_34 = arith.constant 0 : index
      %swap3A_35 = tpu.vector_load %arg5[%swap3A, %swap3A_34] {strides = array<i32>} : memref<128x16xf32, #tpu.memory_space<vmem>>, vector<1x16xf32>,
      %swap3A_36 = vector.shape_cast %swap3A_35 : vector<1x16xf32> to vector<16xf32>
      %swap3A_37 = vector.shape_cast %broadcast_in_dim3A_33 : vector<16xf32> to vector<1x16xf32>
      tpu.vector_store %arg5[%swap3A, %swap3A_34], %swap3A_37 {strides = array<i32>} : memref<128x16xf32, #tpu.memory_space<vmem>>, vector<1x16xf32>,
      %scan3A_38 = arith.constant 0 : i32
      scf.yield %scan3A_38 : i32
    }
    %scan3A_6 = arith.constant 128 : i32
    %add3A = arith.constant 0 : i32
    %add3A_7 = arith.addi %mul3A_0, %add3A : i32
    "tpu.region"() ({
      %run_scoped3A = tpu.sem_alloc : memref<!tpu.dma_semaphore, #tpu.memory_space<semaphore_mem>>
      %dma_start3A = arith.constant 0 : i32
      %dma_start3A_31 = tpu.memref_slice %arg6[%add3A_7, %dma_start3A] : memref<10240x16xf32, #tpu.memory_space<vmem_shared>> -> memref<128x16xf32, #tpu.memory_space<vmem_shared>>
      %dma_start3A_32 = arith.constant 0 : i32
      %dma_start3A_33 = tpu.memref_slice %arg6[%add3A_7, %dma_start3A_32] : memref<10240x16xf32, #tpu.memory_space<vmem_shared>> -> memref<128x16xf32, #tpu.memory_space<vmem_shared>>
      tpu.enqueue_dma source(%arg5 : memref<128x16xf32, #tpu.memory_space<vmem>>) target(%dma_start3A_33 : memref<128x16xf32, #tpu.memory_space<vmem_shared>>) target_semaphore(%run_scoped3A : memref<!tpu.dma_semaphore, #tpu.memory_space<semaphore_mem>>)
      %dma_wait3A = arith.constant 0 : i32
      %dma_wait3A_34 = tpu.memref_slice %arg6[%add3A_7, %dma_wait3A] : memref<10240x16xf32, #tpu.memory_space<vmem_shared>> -> memref<128x16xf32, #tpu.memory_space<vmem_shared>>
      %dma_wait3A_35 = arith.constant 0 : i32
      %dma_wait3A_36 = tpu.memref_slice %arg6[%add3A_7, %dma_wait3A_35] : memref<10240x16xf32, #tpu.memory_space<vmem_shared>> -> memref<128x16xf32, #tpu.memory_space<vmem_shared>>
      tpu.wait_dma2 semaphore(%run_scoped3A : memref<!tpu.dma_semaphore, #tpu.memory_space<semaphore_mem>>) src(%arg5 : memref<128x16xf32, #tpu.memory_space<vmem>>) dst(%dma_wait3A_36 : memref<128x16xf32, #tpu.memory_space<vmem_shared>>)
      tpu.yield
    }) : () -> ()
    %add3A_8 = arith.constant 128 : i32
    %add3A_9 = arith.addi %mul3A_0, %add3A_8 : i32
    "tpu.region"() ({
      %run_scoped3A = tpu.sem_alloc : memref<!tpu.dma_semaphore, #tpu.memory_space<semaphore_mem>>
      %dma_start3A = arith.constant 0 : i32
      %dma_start3A_31 = tpu.memref_slice %arg6[%add3A_9, %dma_start3A] : memref<10240x16xf32, #tpu.memory_space<vmem_shared>> -> memref<128x16xf32, #tpu.memory_space<vmem_shared>>
      %dma_start3A_32 = arith.constant 0 : i32
      %dma_start3A_33 = tpu.memref_slice %arg6[%add3A_9, %dma_start3A_32] : memref<10240x16xf32, #tpu.memory_space<vmem_shared>> -> memref<128x16xf32, #tpu.memory_space<vmem_shared>>
      tpu.enqueue_dma source(%arg5 : memref<128x16xf32, #tpu.memory_space<vmem>>) target(%dma_start3A_33 : memref<128x16xf32, #tpu.memory_space<vmem_shared>>) target_semaphore(%run_scoped3A : memref<!tpu.dma_semaphore, #tpu.memory_space<semaphore_mem>>)
      %dma_wait3A = arith.constant 0 : i32
      %dma_wait3A_34 = tpu.memref_slice %arg6[%add3A_9, %dma_wait3A] : memref<10240x16xf32, #tpu.memory_space<vmem_shared>> -> memref<128x16xf32, #tpu.memory_space<vmem_shared>>
      %dma_wait3A_35 = arith.constant 0 : i32
      %dma_wait3A_36 = tpu.memref_slice %arg6[%add3A_9, %dma_wait3A_35] : memref<10240x16xf32, #tpu.memory_space<vmem_shared>> -> memref<128x16xf32, #tpu.memory_space<vmem_shared>>
      tpu.wait_dma2 semaphore(%run_scoped3A : memref<!tpu.dma_semaphore, #tpu.memory_space<semaphore_mem>>) src(%arg5 : memref<128x16xf32, #tpu.memory_space<vmem>>) dst(%dma_wait3A_36 : memref<128x16xf32, #tpu.memory_space<vmem_shared>>)
      tpu.yield
    }) : () -> ()
    %add3A_10 = arith.constant 256 : i32
    %add3A_11 = arith.addi %mul3A_0, %add3A_10 : i32
    "tpu.region"() ({
      %run_scoped3A = tpu.sem_alloc : memref<!tpu.dma_semaphore, #tpu.memory_space<semaphore_mem>>
      %dma_start3A = arith.constant 0 : i32
      %dma_start3A_31 = tpu.memref_slice %arg6[%add3A_11, %dma_start3A] : memref<10240x16xf32, #tpu.memory_space<vmem_shared>> -> memref<128x16xf32, #tpu.memory_space<vmem_shared>>
      %dma_start3A_32 = arith.constant 0 : i32
      %dma_start3A_33 = tpu.memref_slice %arg6[%add3A_11, %dma_start3A_32] : memref<10240x16xf32, #tpu.memory_space<vmem_shared>> -> memref<128x16xf32, #tpu.memory_space<vmem_shared>>
      tpu.enqueue_dma source(%arg5 : memref<128x16xf32, #tpu.memory_space<vmem>>) target(%dma_start3A_33 : memref<128x16xf32, #tpu.memory_space<vmem_shared>>) target_semaphore(%run_scoped3A : memref<!tpu.dma_semaphore, #tpu.memory_space<semaphore_mem>>)
      %dma_wait3A = arith.constant 0 : i32
      %dma_wait3A_34 = tpu.memref_slice %arg6[%add3A_11, %dma_wait3A] : memref<10240x16xf32, #tpu.memory_space<vmem_shared>> -> memref<128x16xf32, #tpu.memory_space<vmem_shared>>
      %dma_wait3A_35 = arith.constant 0 : i32
      %dma_wait3A_36 = tpu.memref_slice %arg6[%add3A_11, %dma_wait3A_35] : memref<10240x16xf32, #tpu.memory_space<vmem_shared>> -> memref<128x16xf32, #tpu.memory_space<vmem_shared>>
      tpu.wait_dma2 semaphore(%run_scoped3A : memref<!tpu.dma_semaphore, #tpu.memory_space<semaphore_mem>>) src(%arg5 : memref<128x16xf32, #tpu.memory_space<vmem>>) dst(%dma_wait3A_36 : memref<128x16xf32, #tpu.memory_space<vmem_shared>>)
      tpu.yield
    }) : () -> ()
    %add3A_12 = arith.constant 384 : i32
    %add3A_13 = arith.addi %mul3A_0, %add3A_12 : i32
    "tpu.region"() ({
      %run_scoped3A = tpu.sem_alloc : memref<!tpu.dma_semaphore, #tpu.memory_space<semaphore_mem>>
      %dma_start3A = arith.constant 0 : i32
      %dma_start3A_31 = tpu.memref_slice %arg6[%add3A_13, %dma_start3A] : memref<10240x16xf32, #tpu.memory_space<vmem_shared>> -> memref<128x16xf32, #tpu.memory_space<vmem_shared>>
      %dma_start3A_32 = arith.constant 0 : i32
      %dma_start3A_33 = tpu.memref_slice %arg6[%add3A_13, %dma_start3A_32] : memref<10240x16xf32, #tpu.memory_space<vmem_shared>> -> memref<128x16xf32, #tpu.memory_space<vmem_shared>>
      tpu.enqueue_dma source(%arg5 : memref<128x16xf32, #tpu.memory_space<vmem>>) target(%dma_start3A_33 : memref<128x16xf32, #tpu.memory_space<vmem_shared>>) target_semaphore(%run_scoped3A : memref<!tpu.dma_semaphore, #tpu.memory_space<semaphore_mem>>)
      %dma_wait3A = arith.constant 0 : i32
      %dma_wait3A_34 = tpu.memref_slice %arg6[%add3A_13, %dma_wait3A] : memref<10240x16xf32, #tpu.memory_space<vmem_shared>> -> memref<128x16xf32, #tpu.memory_space<vmem_shared>>
      %dma_wait3A_35 = arith.constant 0 : i32
      %dma_wait3A_36 = tpu.memref_slice %arg6[%add3A_13, %dma_wait3A_35] : memref<10240x16xf32, #tpu.memory_space<vmem_shared>> -> memref<128x16xf32, #tpu.memory_space<vmem_shared>>
      tpu.wait_dma2 semaphore(%run_scoped3A : memref<!tpu.dma_semaphore, #tpu.memory_space<semaphore_mem>>) src(%arg5 : memref<128x16xf32, #tpu.memory_space<vmem>>) dst(%dma_wait3A_36 : memref<128x16xf32, #tpu.memory_space<vmem_shared>>)
      tpu.yield
    }) : () -> ()
    %add3A_14 = arith.constant 512 : i32
    %add3A_15 = arith.addi %mul3A_0, %add3A_14 : i32
    "tpu.region"() ({
      %run_scoped3A = tpu.sem_alloc : memref<!tpu.dma_semaphore, #tpu.memory_space<semaphore_mem>>
      %dma_start3A = arith.constant 0 : i32
      %dma_start3A_31 = tpu.memref_slice %arg6[%add3A_15, %dma_start3A] : memref<10240x16xf32, #tpu.memory_space<vmem_shared>> -> memref<128x16xf32, #tpu.memory_space<vmem_shared>>
      %dma_start3A_32 = arith.constant 0 : i32
      %dma_start3A_33 = tpu.memref_slice %arg6[%add3A_15, %dma_start3A_32] : memref<10240x16xf32, #tpu.memory_space<vmem_shared>> -> memref<128x16xf32, #tpu.memory_space<vmem_shared>>
      tpu.enqueue_dma source(%arg5 : memref<128x16xf32, #tpu.memory_space<vmem>>) target(%dma_start3A_33 : memref<128x16xf32, #tpu.memory_space<vmem_shared>>) target_semaphore(%run_scoped3A : memref<!tpu.dma_semaphore, #tpu.memory_space<semaphore_mem>>)
      %dma_wait3A = arith.constant 0 : i32
      %dma_wait3A_34 = tpu.memref_slice %arg6[%add3A_15, %dma_wait3A] : memref<10240x16xf32, #tpu.memory_space<vmem_shared>> -> memref<128x16xf32, #tpu.memory_space<vmem_shared>>
      %dma_wait3A_35 = arith.constant 0 : i32
      %dma_wait3A_36 = tpu.memref_slice %arg6[%add3A_15, %dma_wait3A_35] : memref<10240x16xf32, #tpu.memory_space<vmem_shared>> -> memref<128x16xf32, #tpu.memory_space<vmem_shared>>
      tpu.wait_dma2 semaphore(%run_scoped3A : memref<!tpu.dma_semaphore, #tpu.memory_space<semaphore_mem>>) src(%arg5 : memref<128x16xf32, #tpu.memory_space<vmem>>) dst(%dma_wait3A_36 : memref<128x16xf32, #tpu.memory_space<vmem_shared>>)
      tpu.yield
    }) : () -> ()
    %scan3A_16 = arith.constant 0 : i32
    %scan3A_17 = arith.constant 0 : i32
    %scan3A_18 = arith.constant 128 : i32
    %scan3A_19 = arith.addi %scan3A_17, %scan3A_18 : i32
    %scan3A_20 = arith.constant 1 : i32
    %scan3A_21 = scf.for %scan3A_31 = %scan3A_17 to %scan3A_19 step %scan3A_20 iter_args(%scan3A_32 = %scan3A_16) -> (i32)  : i32 {
      %broadcast_in_dim3A = arith.constant 1.000000e+00 : f32
      %broadcast_in_dim3A_33 = vector.broadcast %broadcast_in_dim3A : f32 to vector<16xf32>
      %swap3A = arith.index_cast %scan3A_31 : i32 to index
      %swap3A_34 = arith.constant 0 : index
      %swap3A_35 = tpu.vector_load %arg5[%swap3A, %swap3A_34] {strides = array<i32>} : memref<128x16xf32, #tpu.memory_space<vmem>>, vector<1x16xf32>,
      %swap3A_36 = vector.shape_cast %swap3A_35 : vector<1x16xf32> to vector<16xf32>
      %swap3A_37 = vector.shape_cast %broadcast_in_dim3A_33 : vector<16xf32> to vector<1x16xf32>
      tpu.vector_store %arg5[%swap3A, %swap3A_34], %swap3A_37 {strides = array<i32>} : memref<128x16xf32, #tpu.memory_space<vmem>>, vector<1x16xf32>,
      %scan3A_38 = arith.constant 0 : i32
      scf.yield %scan3A_38 : i32
    }
    %scan3A_22 = arith.constant 128 : i32
    %barrier3A = arith.constant 0 : index
    tpu.barrier barrier_id(%barrier3A)
    %scan3A_23 = arith.constant 0 : i32
    %scan3A_24 = arith.constant 0 : i32
    %scan3A_25 = arith.constant 160 : i32
    %scan3A_26 = arith.addi %scan3A_24, %scan3A_25 : i32
    %scan3A_27 = arith.constant 1 : i32
    %scan3A_28 = scf.for %scan3A_31 = %scan3A_24 to %scan3A_26 step %scan3A_27 iter_args(%scan3A_32 = %scan3A_23) -> (i32)  : i32 {
      "tpu.region"() ({
        %run_scoped3A = tpu.sem_alloc : memref<!tpu.dma_semaphore, #tpu.memory_space<semaphore_mem>>
        %dma_start3A = arith.constant 0 : i32
        %dma_start3A_34 = tpu.memref_slice %arg4[%scan3A_31, %dma_start3A] : memref<160x128xi32, #tpu.memory_space<vmem>> -> memref<1x128xi32, #tpu.memory_space<vmem>>
        %dma_start3A_35 = tpu.memref_squeeze %dma_start3A_34 : memref<1x128xi32, #tpu.memory_space<vmem>> -> memref<128xi32, #tpu.memory_space<vmem>>
        %dma_start3A_36 = arith.constant 0 : i32
        %dma_start3A_37 = arith.constant 0 : i32
        %dma_start3A_38 = tpu.memref_slice %arg6[%dma_start3A_36, %dma_start3A_37] : memref<10240x16xf32, #tpu.memory_space<vmem_shared>> -> memref<10240x16xf32, #tpu.memory_space<vmem_shared>>
        tpu.enqueue_indirect_dma source(%arg5 : memref<128x16xf32, #tpu.memory_space<vmem>>) target(%dma_start3A_38 : memref<10240x16xf32, #tpu.memory_space<vmem_shared>>) offsets(%dma_start3A_35 : memref<128xi32, #tpu.memory_space<vmem>>) semaphore(%run_scoped3A : memref<!tpu.dma_semaphore, #tpu.memory_space<semaphore_mem>>) {add = true}
        %dma_wait3A = arith.constant 0 : i32
        %dma_wait3A_39 = tpu.memref_slice %arg4[%scan3A_31, %dma_wait3A] : memref<160x128xi32, #tpu.memory_space<vmem>> -> memref<1x128xi32, #tpu.memory_space<vmem>>
        %dma_wait3A_40 = tpu.memref_squeeze %dma_wait3A_39 : memref<1x128xi32, #tpu.memory_space<vmem>> -> memref<128xi32, #tpu.memory_space<vmem>>
        %dma_wait3A_41 = arith.constant 0 : i32
        %dma_wait3A_42 = arith.constant 0 : i32
        %dma_wait3A_43 = tpu.memref_slice %arg6[%dma_wait3A_41, %dma_wait3A_42] : memref<10240x16xf32, #tpu.memory_space<vmem_shared>> -> memref<10240x16xf32, #tpu.memory_space<vmem_shared>>
        tpu.wait_indirect_dma semaphore(%run_scoped3A : memref<!tpu.dma_semaphore, #tpu.memory_space<semaphore_mem>>) src(%arg5 : memref<128x16xf32, #tpu.memory_space<vmem>>) dst(%dma_wait3A_43 : memref<10240x16xf32, #tpu.memory_space<vmem_shared>>)
        tpu.yield
      }) : () -> ()
      %scan3A_33 = arith.constant 0 : i32
      scf.yield %scan3A_33 : i32
    }
    %scan3A_29 = arith.constant 160 : i32
    %barrier3A_30 = arith.constant 0 : index
    tpu.barrier barrier_id(%barrier3A_30)
    "tpu.region"() ({
      %run_scoped3A = tpu.sem_alloc : memref<!tpu.dma_semaphore, #tpu.memory_space<semaphore_mem>>
      %dma_start3A = arith.constant 0 : i32
      %dma_start3A_31 = tpu.memref_slice %arg3[%arg0, %mul3A_0, %dma_start3A] : memref<2x10240x16xf32, #tpu.memory_space<hbm>> -> memref<1x640x16xf32, #tpu.memory_space<hbm>>
      %dma_start3A_32 = tpu.memref_squeeze %dma_start3A_31 : memref<1x640x16xf32, #tpu.memory_space<hbm>> -> memref<640x16xf32, #tpu.memory_space<hbm>>
      %dma_start3A_33 = arith.constant 0 : i32
      %dma_start3A_34 = tpu.memref_slice %arg6[%mul3A_0, %dma_start3A_33] : memref<10240x16xf32, #tpu.memory_space<vmem_shared>> -> memref<640x16xf32, #tpu.memory_space<vmem_shared>>
      tpu.enqueue_dma source(%dma_start3A_34 : memref<640x16xf32, #tpu.memory_space<vmem_shared>>) target(%dma_start3A_32 : memref<640x16xf32, #tpu.memory_space<hbm>>) target_semaphore(%run_scoped3A : memref<!tpu.dma_semaphore, #tpu.memory_space<semaphore_mem>>)
      %dma_wait3A = arith.constant 0 : i32
      %dma_wait3A_35 = tpu.memref_slice %arg3[%arg0, %mul3A_0, %dma_wait3A] : memref<2x10240x16xf32, #tpu.memory_space<hbm>> -> memref<1x640x16xf32, #tpu.memory_space<hbm>>
      %dma_wait3A_36 = tpu.memref_squeeze %dma_wait3A_35 : memref<1x640x16xf32, #tpu.memory_space<hbm>> -> memref<640x16xf32, #tpu.memory_space<hbm>>
      %dma_wait3A_37 = arith.constant 0 : i32
      %dma_wait3A_38 = tpu.memref_slice %arg6[%mul3A_0, %dma_wait3A_37] : memref<10240x16xf32, #tpu.memory_space<vmem_shared>> -> memref<640x16xf32, #tpu.memory_space<vmem_shared>>
      tpu.wait_dma2 semaphore(%run_scoped3A : memref<!tpu.dma_semaphore, #tpu.memory_space<semaphore_mem>>) src(%dma_wait3A_38 : memref<640x16xf32, #tpu.memory_space<vmem_shared>>) dst(%dma_wait3A_36 : memref<640x16xf32, #tpu.memory_space<hbm>>)
      tpu.yield
    }) : () -> ()
    return
  }
}

#map = affine_map<(d0, d1) -> (0, 0)>
#map1 = affine_map<(d0, d1) -> (0, 0, 0)>
#map2 = affine_map<(d0, d1) -> (0)>
module attributes {stable_mosaic.version = 14 : i64} {
  func.func @_conv_body(%arg0: i32, %arg1: i32, %arg2: memref<10240x32xf32, #tpu.memory_space<hbm>>, %arg3: memref<10240x32xf32, #tpu.memory_space<hbm>>, %arg4: memref<16x160x128xi32, #tpu.memory_space<hbm>>, %arg5: memref<16x160x128xi32, #tpu.memory_space<hbm>>, %arg6: memref<10240xf32, #tpu.memory_space<hbm>>, %arg7: memref<2x10240x32xf32, #tpu.memory_space<hbm>>, %arg8: memref<160x128xi32, #tpu.memory_space<vmem>>, %arg9: memref<160x128xi32, #tpu.memory_space<vmem>>, %arg10: memref<128x32xf32, #tpu.memory_space<vmem>>, %arg11: memref<128x32xf32, #tpu.memory_space<vmem>>, %arg12: memref<128x32xf32, #tpu.memory_space<vmem>>, %arg13: memref<128x32xf32, #tpu.memory_space<vmem>>, %arg14: memref<640x32xf32, #tpu.memory_space<vmem>>, %arg15: memref<640xf32, #tpu.memory_space<vmem>>, %arg16: memref<10240x32xf32, #tpu.memory_space<vmem_shared>>, %arg17: memref<10240x32xf32, #tpu.memory_space<vmem_shared>>, %arg18: memref<!tpu.dma_semaphore, #tpu.memory_space<semaphore_mem>>, %arg19: memref<!tpu.dma_semaphore, #tpu.memory_space<semaphore_mem>>, %arg20: memref<!tpu.dma_semaphore, #tpu.memory_space<semaphore_mem>>, %arg21: memref<!tpu.dma_semaphore, #tpu.memory_space<semaphore_mem>>, %arg22: memref<!tpu.dma_semaphore, #tpu.memory_space<semaphore_mem>>, %arg23: memref<!tpu.dma_semaphore, #tpu.memory_space<semaphore_mem>>, %arg24: memref<!tpu.dma_semaphore, #tpu.memory_space<semaphore_mem>>, %arg25: memref<!tpu.dma_semaphore, #tpu.memory_space<semaphore_mem>>) attributes {dimension_semantics = [#tpu.dimension_semantics<core_parallel>, #tpu.dimension_semantics<subcore_parallel>], iteration_bounds = array<i64: 2, 16>, scalar_prefetch = 0 : i64, scratch_operands = 18 : i64, tpu.core_type = #tpu.core_type<sc_vector_subcore>, window_params = [{transform_indices = #map}, {transform_indices = #map}, {transform_indices = #map1}, {transform_indices = #map1}, {transform_indices = #map2}, {transform_indices = #map1}]} {
    %mul3A = arith.constant 640 : i32
    %mul3A_0 = arith.muli %arg1, %mul3A : i32
    "tpu.region"() ({
      %run_scoped3A = tpu.sem_alloc : memref<!tpu.dma_semaphore, #tpu.memory_space<semaphore_mem>>
      %dma_start3A_166 = arith.constant 0 : i32
      %dma_start3A_167 = arith.constant 0 : i32
      %dma_start3A_168 = tpu.memref_slice %arg4[%arg1, %dma_start3A_166, %dma_start3A_167] : memref<16x160x128xi32, #tpu.memory_space<hbm>> -> memref<1x160x128xi32, #tpu.memory_space<hbm>>
      %dma_start3A_169 = tpu.memref_squeeze %dma_start3A_168 : memref<1x160x128xi32, #tpu.memory_space<hbm>> -> memref<160x128xi32, #tpu.memory_space<hbm>>
      %dma_start3A_170 = arith.constant 0 : i32
      %dma_start3A_171 = arith.constant 0 : i32
      %dma_start3A_172 = tpu.memref_slice %arg4[%arg1, %dma_start3A_170, %dma_start3A_171] : memref<16x160x128xi32, #tpu.memory_space<hbm>> -> memref<1x160x128xi32, #tpu.memory_space<hbm>>
      %dma_start3A_173 = tpu.memref_squeeze %dma_start3A_172 : memref<1x160x128xi32, #tpu.memory_space<hbm>> -> memref<160x128xi32, #tpu.memory_space<hbm>>
      tpu.enqueue_dma source(%dma_start3A_173 : memref<160x128xi32, #tpu.memory_space<hbm>>) target(%arg8 : memref<160x128xi32, #tpu.memory_space<vmem>>) target_semaphore(%run_scoped3A : memref<!tpu.dma_semaphore, #tpu.memory_space<semaphore_mem>>)
      %dma_wait3A_174 = arith.constant 0 : i32
      %dma_wait3A_175 = arith.constant 0 : i32
      %dma_wait3A_176 = tpu.memref_slice %arg4[%arg1, %dma_wait3A_174, %dma_wait3A_175] : memref<16x160x128xi32, #tpu.memory_space<hbm>> -> memref<1x160x128xi32, #tpu.memory_space<hbm>>
      %dma_wait3A_177 = tpu.memref_squeeze %dma_wait3A_176 : memref<1x160x128xi32, #tpu.memory_space<hbm>> -> memref<160x128xi32, #tpu.memory_space<hbm>>
      %dma_wait3A_178 = arith.constant 0 : i32
      %dma_wait3A_179 = arith.constant 0 : i32
      %dma_wait3A_180 = tpu.memref_slice %arg4[%arg1, %dma_wait3A_178, %dma_wait3A_179] : memref<16x160x128xi32, #tpu.memory_space<hbm>> -> memref<1x160x128xi32, #tpu.memory_space<hbm>>
      %dma_wait3A_181 = tpu.memref_squeeze %dma_wait3A_180 : memref<1x160x128xi32, #tpu.memory_space<hbm>> -> memref<160x128xi32, #tpu.memory_space<hbm>>
      tpu.wait_dma2 semaphore(%run_scoped3A : memref<!tpu.dma_semaphore, #tpu.memory_space<semaphore_mem>>) src(%dma_wait3A_181 : memref<160x128xi32, #tpu.memory_space<hbm>>) dst(%arg8 : memref<160x128xi32, #tpu.memory_space<vmem>>)
      tpu.yield
    }) : () -> ()
    "tpu.region"() ({
      %run_scoped3A = tpu.sem_alloc : memref<!tpu.dma_semaphore, #tpu.memory_space<semaphore_mem>>
      %dma_start3A_166 = arith.constant 0 : i32
      %dma_start3A_167 = arith.constant 0 : i32
      %dma_start3A_168 = tpu.memref_slice %arg5[%arg1, %dma_start3A_166, %dma_start3A_167] : memref<16x160x128xi32, #tpu.memory_space<hbm>> -> memref<1x160x128xi32, #tpu.memory_space<hbm>>
      %dma_start3A_169 = tpu.memref_squeeze %dma_start3A_168 : memref<1x160x128xi32, #tpu.memory_space<hbm>> -> memref<160x128xi32, #tpu.memory_space<hbm>>
      %dma_start3A_170 = arith.constant 0 : i32
      %dma_start3A_171 = arith.constant 0 : i32
      %dma_start3A_172 = tpu.memref_slice %arg5[%arg1, %dma_start3A_170, %dma_start3A_171] : memref<16x160x128xi32, #tpu.memory_space<hbm>> -> memref<1x160x128xi32, #tpu.memory_space<hbm>>
      %dma_start3A_173 = tpu.memref_squeeze %dma_start3A_172 : memref<1x160x128xi32, #tpu.memory_space<hbm>> -> memref<160x128xi32, #tpu.memory_space<hbm>>
      tpu.enqueue_dma source(%dma_start3A_173 : memref<160x128xi32, #tpu.memory_space<hbm>>) target(%arg9 : memref<160x128xi32, #tpu.memory_space<vmem>>) target_semaphore(%run_scoped3A : memref<!tpu.dma_semaphore, #tpu.memory_space<semaphore_mem>>)
      %dma_wait3A_174 = arith.constant 0 : i32
      %dma_wait3A_175 = arith.constant 0 : i32
      %dma_wait3A_176 = tpu.memref_slice %arg5[%arg1, %dma_wait3A_174, %dma_wait3A_175] : memref<16x160x128xi32, #tpu.memory_space<hbm>> -> memref<1x160x128xi32, #tpu.memory_space<hbm>>
      %dma_wait3A_177 = tpu.memref_squeeze %dma_wait3A_176 : memref<1x160x128xi32, #tpu.memory_space<hbm>> -> memref<160x128xi32, #tpu.memory_space<hbm>>
      %dma_wait3A_178 = arith.constant 0 : i32
      %dma_wait3A_179 = arith.constant 0 : i32
      %dma_wait3A_180 = tpu.memref_slice %arg5[%arg1, %dma_wait3A_178, %dma_wait3A_179] : memref<16x160x128xi32, #tpu.memory_space<hbm>> -> memref<1x160x128xi32, #tpu.memory_space<hbm>>
      %dma_wait3A_181 = tpu.memref_squeeze %dma_wait3A_180 : memref<1x160x128xi32, #tpu.memory_space<hbm>> -> memref<160x128xi32, #tpu.memory_space<hbm>>
      tpu.wait_dma2 semaphore(%run_scoped3A : memref<!tpu.dma_semaphore, #tpu.memory_space<semaphore_mem>>) src(%dma_wait3A_181 : memref<160x128xi32, #tpu.memory_space<hbm>>) dst(%arg9 : memref<160x128xi32, #tpu.memory_space<vmem>>)
      tpu.yield
    }) : () -> ()
    "tpu.region"() ({
      %run_scoped3A = tpu.sem_alloc : memref<!tpu.dma_semaphore, #tpu.memory_space<semaphore_mem>>
      %dma_start3A_166 = tpu.memref_slice %arg6[%mul3A_0] : memref<10240xf32, #tpu.memory_space<hbm>> -> memref<640xf32, #tpu.memory_space<hbm>>
      %dma_start3A_167 = tpu.memref_slice %arg6[%mul3A_0] : memref<10240xf32, #tpu.memory_space<hbm>> -> memref<640xf32, #tpu.memory_space<hbm>>
      tpu.enqueue_dma source(%dma_start3A_167 : memref<640xf32, #tpu.memory_space<hbm>>) target(%arg15 : memref<640xf32, #tpu.memory_space<vmem>>) target_semaphore(%run_scoped3A : memref<!tpu.dma_semaphore, #tpu.memory_space<semaphore_mem>>)
      %dma_wait3A_168 = tpu.memref_slice %arg6[%mul3A_0] : memref<10240xf32, #tpu.memory_space<hbm>> -> memref<640xf32, #tpu.memory_space<hbm>>
      %dma_wait3A_169 = tpu.memref_slice %arg6[%mul3A_0] : memref<10240xf32, #tpu.memory_space<hbm>> -> memref<640xf32, #tpu.memory_space<hbm>>
      tpu.wait_dma2 semaphore(%run_scoped3A : memref<!tpu.dma_semaphore, #tpu.memory_space<semaphore_mem>>) src(%dma_wait3A_169 : memref<640xf32, #tpu.memory_space<hbm>>) dst(%arg15 : memref<640xf32, #tpu.memory_space<vmem>>)
      tpu.yield
    }) : () -> ()
    %eq3A = arith.constant 0 : i32
    %eq3A_1 = arith.cmpi eq, %arg0, %eq3A : i32
    %convert_element_type3A = arith.extui %eq3A_1 : i1 to i32
    %cond3A = arith.constant 0 : i32
    %cond3A_2 = arith.cmpi ne, %convert_element_type3A, %cond3A : i32
    scf.if %cond3A_2 {
      "tpu.region"() ({
        %run_scoped3A = tpu.sem_alloc : memref<!tpu.dma_semaphore, #tpu.memory_space<semaphore_mem>>
        %dma_start3A_166 = arith.constant 0 : i32
        %dma_start3A_167 = tpu.memref_slice %arg16[%mul3A_0, %dma_start3A_166] : memref<10240x32xf32, #tpu.memory_space<vmem_shared>> -> memref<640x32xf32, #tpu.memory_space<vmem_shared>>
        %dma_start3A_168 = arith.constant 0 : i32
        %dma_start3A_169 = tpu.memref_slice %arg2[%mul3A_0, %dma_start3A_168] : memref<10240x32xf32, #tpu.memory_space<hbm>> -> memref<640x32xf32, #tpu.memory_space<hbm>>
        tpu.enqueue_dma source(%dma_start3A_169 : memref<640x32xf32, #tpu.memory_space<hbm>>) target(%dma_start3A_167 : memref<640x32xf32, #tpu.memory_space<vmem_shared>>) target_semaphore(%run_scoped3A : memref<!tpu.dma_semaphore, #tpu.memory_space<semaphore_mem>>)
        %dma_wait3A_170 = arith.constant 0 : i32
        %dma_wait3A_171 = tpu.memref_slice %arg16[%mul3A_0, %dma_wait3A_170] : memref<10240x32xf32, #tpu.memory_space<vmem_shared>> -> memref<640x32xf32, #tpu.memory_space<vmem_shared>>
        %dma_wait3A_172 = arith.constant 0 : i32
        %dma_wait3A_173 = tpu.memref_slice %arg2[%mul3A_0, %dma_wait3A_172] : memref<10240x32xf32, #tpu.memory_space<hbm>> -> memref<640x32xf32, #tpu.memory_space<hbm>>
        tpu.wait_dma2 semaphore(%run_scoped3A : memref<!tpu.dma_semaphore, #tpu.memory_space<semaphore_mem>>) src(%dma_wait3A_173 : memref<640x32xf32, #tpu.memory_space<hbm>>) dst(%dma_wait3A_171 : memref<640x32xf32, #tpu.memory_space<vmem_shared>>)
        tpu.yield
      }) : () -> ()
    } else {
    }
    %eq3A_3 = arith.constant 1 : i32
    %eq3A_4 = arith.cmpi eq, %arg0, %eq3A_3 : i32
    %convert_element_type3A_5 = arith.extui %eq3A_4 : i1 to i32
    %cond3A_6 = arith.constant 0 : i32
    %cond3A_7 = arith.cmpi ne, %convert_element_type3A_5, %cond3A_6 : i32
    scf.if %cond3A_7 {
      "tpu.region"() ({
        %run_scoped3A = tpu.sem_alloc : memref<!tpu.dma_semaphore, #tpu.memory_space<semaphore_mem>>
        %dma_start3A_166 = arith.constant 0 : i32
        %dma_start3A_167 = tpu.memref_slice %arg16[%mul3A_0, %dma_start3A_166] : memref<10240x32xf32, #tpu.memory_space<vmem_shared>> -> memref<640x32xf32, #tpu.memory_space<vmem_shared>>
        %dma_start3A_168 = arith.constant 0 : i32
        %dma_start3A_169 = tpu.memref_slice %arg3[%mul3A_0, %dma_start3A_168] : memref<10240x32xf32, #tpu.memory_space<hbm>> -> memref<640x32xf32, #tpu.memory_space<hbm>>
        tpu.enqueue_dma source(%dma_start3A_169 : memref<640x32xf32, #tpu.memory_space<hbm>>) target(%dma_start3A_167 : memref<640x32xf32, #tpu.memory_space<vmem_shared>>) target_semaphore(%run_scoped3A : memref<!tpu.dma_semaphore, #tpu.memory_space<semaphore_mem>>)
        %dma_wait3A_170 = arith.constant 0 : i32
        %dma_wait3A_171 = tpu.memref_slice %arg16[%mul3A_0, %dma_wait3A_170] : memref<10240x32xf32, #tpu.memory_space<vmem_shared>> -> memref<640x32xf32, #tpu.memory_space<vmem_shared>>
        %dma_wait3A_172 = arith.constant 0 : i32
        %dma_wait3A_173 = tpu.memref_slice %arg3[%mul3A_0, %dma_wait3A_172] : memref<10240x32xf32, #tpu.memory_space<hbm>> -> memref<640x32xf32, #tpu.memory_space<hbm>>
        tpu.wait_dma2 semaphore(%run_scoped3A : memref<!tpu.dma_semaphore, #tpu.memory_space<semaphore_mem>>) src(%dma_wait3A_173 : memref<640x32xf32, #tpu.memory_space<hbm>>) dst(%dma_wait3A_171 : memref<640x32xf32, #tpu.memory_space<vmem_shared>>)
        tpu.yield
      }) : () -> ()
    } else {
    }
    %scan3A = arith.constant 0 : i32
    %scan3A_8 = arith.constant 0 : i32
    %scan3A_9 = arith.constant 128 : i32
    %scan3A_10 = arith.addi %scan3A_8, %scan3A_9 : i32
    %scan3A_11 = arith.constant 1 : i32
    %scan3A_12 = scf.for %scan3A_166 = %scan3A_8 to %scan3A_10 step %scan3A_11 iter_args(%scan3A_167 = %scan3A) -> (i32)  : i32 {
      %broadcast_in_dim3A = arith.constant 0.000000e+00 : f32
      %broadcast_in_dim3A_168 = vector.broadcast %broadcast_in_dim3A : f32 to vector<16xf32>
      %swap3A = arith.index_cast %scan3A_166 : i32 to index
      %swap3A_169 = arith.constant 0 : index
      %swap3A_170 = tpu.vector_load %arg10[%swap3A, %swap3A_169] {strides = array<i32>} : memref<128x32xf32, #tpu.memory_space<vmem>>, vector<1x16xf32>,
      %swap3A_171 = vector.shape_cast %swap3A_170 : vector<1x16xf32> to vector<16xf32>
      %swap3A_172 = vector.shape_cast %broadcast_in_dim3A_168 : vector<16xf32> to vector<1x16xf32>
      tpu.vector_store %arg10[%swap3A, %swap3A_169], %swap3A_172 {strides = array<i32>} : memref<128x32xf32, #tpu.memory_space<vmem>>, vector<1x16xf32>,
      %broadcast_in_dim3A_173 = arith.constant 0.000000e+00 : f32
      %broadcast_in_dim3A_174 = vector.broadcast %broadcast_in_dim3A_173 : f32 to vector<16xf32>
      %swap3A_175 = arith.index_cast %scan3A_166 : i32 to index
      %swap3A_176 = arith.constant 16 : index
      %swap3A_177 = tpu.vector_load %arg10[%swap3A_175, %swap3A_176] {strides = array<i32>} : memref<128x32xf32, #tpu.memory_space<vmem>>, vector<1x16xf32>,
      %swap3A_178 = vector.shape_cast %swap3A_177 : vector<1x16xf32> to vector<16xf32>
      %swap3A_179 = vector.shape_cast %broadcast_in_dim3A_174 : vector<16xf32> to vector<1x16xf32>
      tpu.vector_store %arg10[%swap3A_175, %swap3A_176], %swap3A_179 {strides = array<i32>} : memref<128x32xf32, #tpu.memory_space<vmem>>, vector<1x16xf32>,
      %scan3A_180 = arith.constant 0 : i32
      scf.yield %scan3A_180 : i32
    }
    %scan3A_13 = arith.constant 128 : i32
    %add3A = arith.constant 0 : i32
    %add3A_14 = arith.addi %mul3A_0, %add3A : i32
    "tpu.region"() ({
      %run_scoped3A = tpu.sem_alloc : memref<!tpu.dma_semaphore, #tpu.memory_space<semaphore_mem>>
      %dma_start3A_166 = arith.constant 0 : i32
      %dma_start3A_167 = tpu.memref_slice %arg17[%add3A_14, %dma_start3A_166] : memref<10240x32xf32, #tpu.memory_space<vmem_shared>> -> memref<128x32xf32, #tpu.memory_space<vmem_shared>>
      %dma_start3A_168 = arith.constant 0 : i32
      %dma_start3A_169 = tpu.memref_slice %arg17[%add3A_14, %dma_start3A_168] : memref<10240x32xf32, #tpu.memory_space<vmem_shared>> -> memref<128x32xf32, #tpu.memory_space<vmem_shared>>
      tpu.enqueue_dma source(%arg10 : memref<128x32xf32, #tpu.memory_space<vmem>>) target(%dma_start3A_169 : memref<128x32xf32, #tpu.memory_space<vmem_shared>>) target_semaphore(%run_scoped3A : memref<!tpu.dma_semaphore, #tpu.memory_space<semaphore_mem>>)
      %dma_wait3A_170 = arith.constant 0 : i32
      %dma_wait3A_171 = tpu.memref_slice %arg17[%add3A_14, %dma_wait3A_170] : memref<10240x32xf32, #tpu.memory_space<vmem_shared>> -> memref<128x32xf32, #tpu.memory_space<vmem_shared>>
      %dma_wait3A_172 = arith.constant 0 : i32
      %dma_wait3A_173 = tpu.memref_slice %arg17[%add3A_14, %dma_wait3A_172] : memref<10240x32xf32, #tpu.memory_space<vmem_shared>> -> memref<128x32xf32, #tpu.memory_space<vmem_shared>>
      tpu.wait_dma2 semaphore(%run_scoped3A : memref<!tpu.dma_semaphore, #tpu.memory_space<semaphore_mem>>) src(%arg10 : memref<128x32xf32, #tpu.memory_space<vmem>>) dst(%dma_wait3A_173 : memref<128x32xf32, #tpu.memory_space<vmem_shared>>)
      tpu.yield
    }) : () -> ()
    %add3A_15 = arith.constant 128 : i32
    %add3A_16 = arith.addi %mul3A_0, %add3A_15 : i32
    "tpu.region"() ({
      %run_scoped3A = tpu.sem_alloc : memref<!tpu.dma_semaphore, #tpu.memory_space<semaphore_mem>>
      %dma_start3A_166 = arith.constant 0 : i32
      %dma_start3A_167 = tpu.memref_slice %arg17[%add3A_16, %dma_start3A_166] : memref<10240x32xf32, #tpu.memory_space<vmem_shared>> -> memref<128x32xf32, #tpu.memory_space<vmem_shared>>
      %dma_start3A_168 = arith.constant 0 : i32
      %dma_start3A_169 = tpu.memref_slice %arg17[%add3A_16, %dma_start3A_168] : memref<10240x32xf32, #tpu.memory_space<vmem_shared>> -> memref<128x32xf32, #tpu.memory_space<vmem_shared>>
      tpu.enqueue_dma source(%arg10 : memref<128x32xf32, #tpu.memory_space<vmem>>) target(%dma_start3A_169 : memref<128x32xf32, #tpu.memory_space<vmem_shared>>) target_semaphore(%run_scoped3A : memref<!tpu.dma_semaphore, #tpu.memory_space<semaphore_mem>>)
      %dma_wait3A_170 = arith.constant 0 : i32
      %dma_wait3A_171 = tpu.memref_slice %arg17[%add3A_16, %dma_wait3A_170] : memref<10240x32xf32, #tpu.memory_space<vmem_shared>> -> memref<128x32xf32, #tpu.memory_space<vmem_shared>>
      %dma_wait3A_172 = arith.constant 0 : i32
      %dma_wait3A_173 = tpu.memref_slice %arg17[%add3A_16, %dma_wait3A_172] : memref<10240x32xf32, #tpu.memory_space<vmem_shared>> -> memref<128x32xf32, #tpu.memory_space<vmem_shared>>
      tpu.wait_dma2 semaphore(%run_scoped3A : memref<!tpu.dma_semaphore, #tpu.memory_space<semaphore_mem>>) src(%arg10 : memref<128x32xf32, #tpu.memory_space<vmem>>) dst(%dma_wait3A_173 : memref<128x32xf32, #tpu.memory_space<vmem_shared>>)
      tpu.yield
    }) : () -> ()
    %add3A_17 = arith.constant 256 : i32
    %add3A_18 = arith.addi %mul3A_0, %add3A_17 : i32
    "tpu.region"() ({
      %run_scoped3A = tpu.sem_alloc : memref<!tpu.dma_semaphore, #tpu.memory_space<semaphore_mem>>
      %dma_start3A_166 = arith.constant 0 : i32
      %dma_start3A_167 = tpu.memref_slice %arg17[%add3A_18, %dma_start3A_166] : memref<10240x32xf32, #tpu.memory_space<vmem_shared>> -> memref<128x32xf32, #tpu.memory_space<vmem_shared>>
      %dma_start3A_168 = arith.constant 0 : i32
      %dma_start3A_169 = tpu.memref_slice %arg17[%add3A_18, %dma_start3A_168] : memref<10240x32xf32, #tpu.memory_space<vmem_shared>> -> memref<128x32xf32, #tpu.memory_space<vmem_shared>>
      tpu.enqueue_dma source(%arg10 : memref<128x32xf32, #tpu.memory_space<vmem>>) target(%dma_start3A_169 : memref<128x32xf32, #tpu.memory_space<vmem_shared>>) target_semaphore(%run_scoped3A : memref<!tpu.dma_semaphore, #tpu.memory_space<semaphore_mem>>)
      %dma_wait3A_170 = arith.constant 0 : i32
      %dma_wait3A_171 = tpu.memref_slice %arg17[%add3A_18, %dma_wait3A_170] : memref<10240x32xf32, #tpu.memory_space<vmem_shared>> -> memref<128x32xf32, #tpu.memory_space<vmem_shared>>
      %dma_wait3A_172 = arith.constant 0 : i32
      %dma_wait3A_173 = tpu.memref_slice %arg17[%add3A_18, %dma_wait3A_172] : memref<10240x32xf32, #tpu.memory_space<vmem_shared>> -> memref<128x32xf32, #tpu.memory_space<vmem_shared>>
      tpu.wait_dma2 semaphore(%run_scoped3A : memref<!tpu.dma_semaphore, #tpu.memory_space<semaphore_mem>>) src(%arg10 : memref<128x32xf32, #tpu.memory_space<vmem>>) dst(%dma_wait3A_173 : memref<128x32xf32, #tpu.memory_space<vmem_shared>>)
      tpu.yield
    }) : () -> ()
    %add3A_19 = arith.constant 384 : i32
    %add3A_20 = arith.addi %mul3A_0, %add3A_19 : i32
    "tpu.region"() ({
      %run_scoped3A = tpu.sem_alloc : memref<!tpu.dma_semaphore, #tpu.memory_space<semaphore_mem>>
      %dma_start3A_166 = arith.constant 0 : i32
      %dma_start3A_167 = tpu.memref_slice %arg17[%add3A_20, %dma_start3A_166] : memref<10240x32xf32, #tpu.memory_space<vmem_shared>> -> memref<128x32xf32, #tpu.memory_space<vmem_shared>>
      %dma_start3A_168 = arith.constant 0 : i32
      %dma_start3A_169 = tpu.memref_slice %arg17[%add3A_20, %dma_start3A_168] : memref<10240x32xf32, #tpu.memory_space<vmem_shared>> -> memref<128x32xf32, #tpu.memory_space<vmem_shared>>
      tpu.enqueue_dma source(%arg10 : memref<128x32xf32, #tpu.memory_space<vmem>>) target(%dma_start3A_169 : memref<128x32xf32, #tpu.memory_space<vmem_shared>>) target_semaphore(%run_scoped3A : memref<!tpu.dma_semaphore, #tpu.memory_space<semaphore_mem>>)
      %dma_wait3A_170 = arith.constant 0 : i32
      %dma_wait3A_171 = tpu.memref_slice %arg17[%add3A_20, %dma_wait3A_170] : memref<10240x32xf32, #tpu.memory_space<vmem_shared>> -> memref<128x32xf32, #tpu.memory_space<vmem_shared>>
      %dma_wait3A_172 = arith.constant 0 : i32
      %dma_wait3A_173 = tpu.memref_slice %arg17[%add3A_20, %dma_wait3A_172] : memref<10240x32xf32, #tpu.memory_space<vmem_shared>> -> memref<128x32xf32, #tpu.memory_space<vmem_shared>>
      tpu.wait_dma2 semaphore(%run_scoped3A : memref<!tpu.dma_semaphore, #tpu.memory_space<semaphore_mem>>) src(%arg10 : memref<128x32xf32, #tpu.memory_space<vmem>>) dst(%dma_wait3A_173 : memref<128x32xf32, #tpu.memory_space<vmem_shared>>)
      tpu.yield
    }) : () -> ()
    %add3A_21 = arith.constant 512 : i32
    %add3A_22 = arith.addi %mul3A_0, %add3A_21 : i32
    "tpu.region"() ({
      %run_scoped3A = tpu.sem_alloc : memref<!tpu.dma_semaphore, #tpu.memory_space<semaphore_mem>>
      %dma_start3A_166 = arith.constant 0 : i32
      %dma_start3A_167 = tpu.memref_slice %arg17[%add3A_22, %dma_start3A_166] : memref<10240x32xf32, #tpu.memory_space<vmem_shared>> -> memref<128x32xf32, #tpu.memory_space<vmem_shared>>
      %dma_start3A_168 = arith.constant 0 : i32
      %dma_start3A_169 = tpu.memref_slice %arg17[%add3A_22, %dma_start3A_168] : memref<10240x32xf32, #tpu.memory_space<vmem_shared>> -> memref<128x32xf32, #tpu.memory_space<vmem_shared>>
      tpu.enqueue_dma source(%arg10 : memref<128x32xf32, #tpu.memory_space<vmem>>) target(%dma_start3A_169 : memref<128x32xf32, #tpu.memory_space<vmem_shared>>) target_semaphore(%run_scoped3A : memref<!tpu.dma_semaphore, #tpu.memory_space<semaphore_mem>>)
      %dma_wait3A_170 = arith.constant 0 : i32
      %dma_wait3A_171 = tpu.memref_slice %arg17[%add3A_22, %dma_wait3A_170] : memref<10240x32xf32, #tpu.memory_space<vmem_shared>> -> memref<128x32xf32, #tpu.memory_space<vmem_shared>>
      %dma_wait3A_172 = arith.constant 0 : i32
      %dma_wait3A_173 = tpu.memref_slice %arg17[%add3A_22, %dma_wait3A_172] : memref<10240x32xf32, #tpu.memory_space<vmem_shared>> -> memref<128x32xf32, #tpu.memory_space<vmem_shared>>
      tpu.wait_dma2 semaphore(%run_scoped3A : memref<!tpu.dma_semaphore, #tpu.memory_space<semaphore_mem>>) src(%arg10 : memref<128x32xf32, #tpu.memory_space<vmem>>) dst(%dma_wait3A_173 : memref<128x32xf32, #tpu.memory_space<vmem_shared>>)
      tpu.yield
    }) : () -> ()
    %barrier3A = arith.constant 0 : index
    tpu.barrier barrier_id(%barrier3A)
    %dma_start3A = arith.constant 0 : i32
    %dma_start3A_23 = arith.constant 0 : i32
    %dma_start3A_24 = tpu.memref_slice %arg8[%dma_start3A, %dma_start3A_23] : memref<160x128xi32, #tpu.memory_space<vmem>> -> memref<1x128xi32, #tpu.memory_space<vmem>>
    %dma_start3A_25 = tpu.memref_squeeze %dma_start3A_24 : memref<1x128xi32, #tpu.memory_space<vmem>> -> memref<128xi32, #tpu.memory_space<vmem>>
    %dma_start3A_26 = arith.constant 0 : i32
    %dma_start3A_27 = arith.constant 0 : i32
    %dma_start3A_28 = tpu.memref_slice %arg16[%dma_start3A_26, %dma_start3A_27] : memref<10240x32xf32, #tpu.memory_space<vmem_shared>> -> memref<10240x32xf32, #tpu.memory_space<vmem_shared>>
    tpu.enqueue_indirect_dma source(%dma_start3A_28 : memref<10240x32xf32, #tpu.memory_space<vmem_shared>>) target(%arg10 : memref<128x32xf32, #tpu.memory_space<vmem>>) offsets(%dma_start3A_25 : memref<128xi32, #tpu.memory_space<vmem>>) semaphore(%arg18 : memref<!tpu.dma_semaphore, #tpu.memory_space<semaphore_mem>>)
    %dma_start3A_29 = arith.constant 1 : i32
    %dma_start3A_30 = arith.constant 0 : i32
    %dma_start3A_31 = tpu.memref_slice %arg8[%dma_start3A_29, %dma_start3A_30] : memref<160x128xi32, #tpu.memory_space<vmem>> -> memref<1x128xi32, #tpu.memory_space<vmem>>
    %dma_start3A_32 = tpu.memref_squeeze %dma_start3A_31 : memref<1x128xi32, #tpu.memory_space<vmem>> -> memref<128xi32, #tpu.memory_space<vmem>>
    %dma_start3A_33 = arith.constant 0 : i32
    %dma_start3A_34 = arith.constant 0 : i32
    %dma_start3A_35 = tpu.memref_slice %arg16[%dma_start3A_33, %dma_start3A_34] : memref<10240x32xf32, #tpu.memory_space<vmem_shared>> -> memref<10240x32xf32, #tpu.memory_space<vmem_shared>>
    tpu.enqueue_indirect_dma source(%dma_start3A_35 : memref<10240x32xf32, #tpu.memory_space<vmem_shared>>) target(%arg11 : memref<128x32xf32, #tpu.memory_space<vmem>>) offsets(%dma_start3A_32 : memref<128xi32, #tpu.memory_space<vmem>>) semaphore(%arg19 : memref<!tpu.dma_semaphore, #tpu.memory_space<semaphore_mem>>)
    %scan3A_36 = arith.constant 0 : i32
    %scan3A_37 = arith.constant 0 : i32
    %scan3A_38 = arith.constant 79 : i32
    %scan3A_39 = arith.addi %scan3A_37, %scan3A_38 : i32
    %scan3A_40 = arith.constant 1 : i32
    %scan3A_41 = scf.for %scan3A_166 = %scan3A_37 to %scan3A_39 step %scan3A_40 iter_args(%scan3A_167 = %scan3A_36) -> (i32)  : i32 {
      %mul3A_168 = arith.constant 2 : i32
      %mul3A_169 = arith.muli %mul3A_168, %scan3A_166 : i32
      %dma_wait3A_170 = arith.constant 0 : i32
      %dma_wait3A_171 = arith.constant 0 : i32
      %dma_wait3A_172 = tpu.memref_slice %arg2[%dma_wait3A_170, %dma_wait3A_171] : memref<10240x32xf32, #tpu.memory_space<hbm>> -> memref<128x32xf32, #tpu.memory_space<hbm>>
      %dma_wait3A_173 = arith.constant 0 : i32
      %dma_wait3A_174 = arith.constant 0 : i32
      %dma_wait3A_175 = tpu.memref_slice %arg2[%dma_wait3A_173, %dma_wait3A_174] : memref<10240x32xf32, #tpu.memory_space<hbm>> -> memref<128x32xf32, #tpu.memory_space<hbm>>
      tpu.wait_dma2 semaphore(%arg18 : memref<!tpu.dma_semaphore, #tpu.memory_space<semaphore_mem>>) src(%dma_wait3A_175 : memref<128x32xf32, #tpu.memory_space<hbm>>) dst(%arg10 : memref<128x32xf32, #tpu.memory_space<vmem>>)
      %add3A_176 = arith.constant 0 : i32
      %add3A_177 = arith.addi %mul3A_169, %add3A_176 : i32
      %dma_start3A_178 = arith.constant 0 : i32
      %dma_start3A_179 = tpu.memref_slice %arg9[%add3A_177, %dma_start3A_178] : memref<160x128xi32, #tpu.memory_space<vmem>> -> memref<1x128xi32, #tpu.memory_space<vmem>>
      %dma_start3A_180 = tpu.memref_squeeze %dma_start3A_179 : memref<1x128xi32, #tpu.memory_space<vmem>> -> memref<128xi32, #tpu.memory_space<vmem>>
      %dma_start3A_181 = arith.constant 0 : i32
      %dma_start3A_182 = arith.constant 0 : i32
      %dma_start3A_183 = tpu.memref_slice %arg17[%dma_start3A_181, %dma_start3A_182] : memref<10240x32xf32, #tpu.memory_space<vmem_shared>> -> memref<10240x32xf32, #tpu.memory_space<vmem_shared>>
      tpu.enqueue_indirect_dma source(%arg10 : memref<128x32xf32, #tpu.memory_space<vmem>>) target(%dma_start3A_183 : memref<10240x32xf32, #tpu.memory_space<vmem_shared>>) offsets(%dma_start3A_180 : memref<128xi32, #tpu.memory_space<vmem>>) semaphore(%arg22 : memref<!tpu.dma_semaphore, #tpu.memory_space<semaphore_mem>>) {add = true}
      %dma_wait3A_184 = arith.constant 0 : i32
      %dma_wait3A_185 = arith.constant 0 : i32
      %dma_wait3A_186 = tpu.memref_slice %arg2[%dma_wait3A_184, %dma_wait3A_185] : memref<10240x32xf32, #tpu.memory_space<hbm>> -> memref<128x32xf32, #tpu.memory_space<hbm>>
      %dma_wait3A_187 = arith.constant 0 : i32
      %dma_wait3A_188 = arith.constant 0 : i32
      %dma_wait3A_189 = tpu.memref_slice %arg2[%dma_wait3A_187, %dma_wait3A_188] : memref<10240x32xf32, #tpu.memory_space<hbm>> -> memref<128x32xf32, #tpu.memory_space<hbm>>
      tpu.wait_dma2 semaphore(%arg19 : memref<!tpu.dma_semaphore, #tpu.memory_space<semaphore_mem>>) src(%dma_wait3A_189 : memref<128x32xf32, #tpu.memory_space<hbm>>) dst(%arg11 : memref<128x32xf32, #tpu.memory_space<vmem>>)
      %add3A_190 = arith.constant 1 : i32
      %add3A_191 = arith.addi %mul3A_169, %add3A_190 : i32
      %dma_start3A_192 = arith.constant 0 : i32
      %dma_start3A_193 = tpu.memref_slice %arg9[%add3A_191, %dma_start3A_192] : memref<160x128xi32, #tpu.memory_space<vmem>> -> memref<1x128xi32, #tpu.memory_space<vmem>>
      %dma_start3A_194 = tpu.memref_squeeze %dma_start3A_193 : memref<1x128xi32, #tpu.memory_space<vmem>> -> memref<128xi32, #tpu.memory_space<vmem>>
      %dma_start3A_195 = arith.constant 0 : i32
      %dma_start3A_196 = arith.constant 0 : i32
      %dma_start3A_197 = tpu.memref_slice %arg17[%dma_start3A_195, %dma_start3A_196] : memref<10240x32xf32, #tpu.memory_space<vmem_shared>> -> memref<10240x32xf32, #tpu.memory_space<vmem_shared>>
      tpu.enqueue_indirect_dma source(%arg11 : memref<128x32xf32, #tpu.memory_space<vmem>>) target(%dma_start3A_197 : memref<10240x32xf32, #tpu.memory_space<vmem_shared>>) offsets(%dma_start3A_194 : memref<128xi32, #tpu.memory_space<vmem>>) semaphore(%arg23 : memref<!tpu.dma_semaphore, #tpu.memory_space<semaphore_mem>>) {add = true}
      %dma_wait3A_198 = arith.constant 0 : i32
      %dma_wait3A_199 = arith.constant 0 : i32
      %dma_wait3A_200 = tpu.memref_slice %arg2[%dma_wait3A_198, %dma_wait3A_199] : memref<10240x32xf32, #tpu.memory_space<hbm>> -> memref<128x32xf32, #tpu.memory_space<hbm>>
      %dma_wait3A_201 = arith.constant 0 : i32
      %dma_wait3A_202 = arith.constant 0 : i32
      %dma_wait3A_203 = tpu.memref_slice %arg2[%dma_wait3A_201, %dma_wait3A_202] : memref<10240x32xf32, #tpu.memory_space<hbm>> -> memref<128x32xf32, #tpu.memory_space<hbm>>
      tpu.wait_dma2 semaphore(%arg22 : memref<!tpu.dma_semaphore, #tpu.memory_space<semaphore_mem>>) src(%dma_wait3A_203 : memref<128x32xf32, #tpu.memory_space<hbm>>) dst(%arg10 : memref<128x32xf32, #tpu.memory_space<vmem>>)
      %add3A_204 = arith.constant 2 : i32
      %add3A_205 = arith.addi %mul3A_169, %add3A_204 : i32
      %add3A_206 = arith.constant 0 : i32
      %add3A_207 = arith.addi %add3A_205, %add3A_206 : i32
      %dma_start3A_208 = arith.constant 0 : i32
      %dma_start3A_209 = tpu.memref_slice %arg8[%add3A_207, %dma_start3A_208] : memref<160x128xi32, #tpu.memory_space<vmem>> -> memref<1x128xi32, #tpu.memory_space<vmem>>
      %dma_start3A_210 = tpu.memref_squeeze %dma_start3A_209 : memref<1x128xi32, #tpu.memory_space<vmem>> -> memref<128xi32, #tpu.memory_space<vmem>>
      %dma_start3A_211 = arith.constant 0 : i32
      %dma_start3A_212 = arith.constant 0 : i32
      %dma_start3A_213 = tpu.memref_slice %arg16[%dma_start3A_211, %dma_start3A_212] : memref<10240x32xf32, #tpu.memory_space<vmem_shared>> -> memref<10240x32xf32, #tpu.memory_space<vmem_shared>>
      tpu.enqueue_indirect_dma source(%dma_start3A_213 : memref<10240x32xf32, #tpu.memory_space<vmem_shared>>) target(%arg10 : memref<128x32xf32, #tpu.memory_space<vmem>>) offsets(%dma_start3A_210 : memref<128xi32, #tpu.memory_space<vmem>>) semaphore(%arg18 : memref<!tpu.dma_semaphore, #tpu.memory_space<semaphore_mem>>)
      %dma_wait3A_214 = arith.constant 0 : i32
      %dma_wait3A_215 = arith.constant 0 : i32
      %dma_wait3A_216 = tpu.memref_slice %arg2[%dma_wait3A_214, %dma_wait3A_215] : memref<10240x32xf32, #tpu.memory_space<hbm>> -> memref<128x32xf32, #tpu.memory_space<hbm>>
      %dma_wait3A_217 = arith.constant 0 : i32
      %dma_wait3A_218 = arith.constant 0 : i32
      %dma_wait3A_219 = tpu.memref_slice %arg2[%dma_wait3A_217, %dma_wait3A_218] : memref<10240x32xf32, #tpu.memory_space<hbm>> -> memref<128x32xf32, #tpu.memory_space<hbm>>
      tpu.wait_dma2 semaphore(%arg23 : memref<!tpu.dma_semaphore, #tpu.memory_space<semaphore_mem>>) src(%dma_wait3A_219 : memref<128x32xf32, #tpu.memory_space<hbm>>) dst(%arg11 : memref<128x32xf32, #tpu.memory_space<vmem>>)
      %add3A_220 = arith.constant 2 : i32
      %add3A_221 = arith.addi %mul3A_169, %add3A_220 : i32
      %add3A_222 = arith.constant 1 : i32
      %add3A_223 = arith.addi %add3A_221, %add3A_222 : i32
      %dma_start3A_224 = arith.constant 0 : i32
      %dma_start3A_225 = tpu.memref_slice %arg8[%add3A_223, %dma_start3A_224] : memref<160x128xi32, #tpu.memory_space<vmem>> -> memref<1x128xi32, #tpu.memory_space<vmem>>
      %dma_start3A_226 = tpu.memref_squeeze %dma_start3A_225 : memref<1x128xi32, #tpu.memory_space<vmem>> -> memref<128xi32, #tpu.memory_space<vmem>>
      %dma_start3A_227 = arith.constant 0 : i32
      %dma_start3A_228 = arith.constant 0 : i32
      %dma_start3A_229 = tpu.memref_slice %arg16[%dma_start3A_227, %dma_start3A_228] : memref<10240x32xf32, #tpu.memory_space<vmem_shared>> -> memref<10240x32xf32, #tpu.memory_space<vmem_shared>>
      tpu.enqueue_indirect_dma source(%dma_start3A_229 : memref<10240x32xf32, #tpu.memory_space<vmem_shared>>) target(%arg11 : memref<128x32xf32, #tpu.memory_space<vmem>>) offsets(%dma_start3A_226 : memref<128xi32, #tpu.memory_space<vmem>>) semaphore(%arg19 : memref<!tpu.dma_semaphore, #tpu.memory_space<semaphore_mem>>)
      %scan3A_230 = arith.constant 0 : i32
      scf.yield %scan3A_230 : i32
    }
    %scan3A_42 = arith.constant 79 : i32
    %dma_wait3A = arith.constant 0 : i32
    %dma_wait3A_43 = arith.constant 0 : i32
    %dma_wait3A_44 = tpu.memref_slice %arg2[%dma_wait3A, %dma_wait3A_43] : memref<10240x32xf32, #tpu.memory_space<hbm>> -> memref<128x32xf32, #tpu.memory_space<hbm>>
    %dma_wait3A_45 = arith.constant 0 : i32
    %dma_wait3A_46 = arith.constant 0 : i32
    %dma_wait3A_47 = tpu.memref_slice %arg2[%dma_wait3A_45, %dma_wait3A_46] : memref<10240x32xf32, #tpu.memory_space<hbm>> -> memref<128x32xf32, #tpu.memory_space<hbm>>
    tpu.wait_dma2 semaphore(%arg18 : memref<!tpu.dma_semaphore, #tpu.memory_space<semaphore_mem>>) src(%dma_wait3A_47 : memref<128x32xf32, #tpu.memory_space<hbm>>) dst(%arg10 : memref<128x32xf32, #tpu.memory_space<vmem>>)
    %dma_start3A_48 = arith.constant 158 : i32
    %dma_start3A_49 = arith.constant 0 : i32
    %dma_start3A_50 = tpu.memref_slice %arg9[%dma_start3A_48, %dma_start3A_49] : memref<160x128xi32, #tpu.memory_space<vmem>> -> memref<1x128xi32, #tpu.memory_space<vmem>>
    %dma_start3A_51 = tpu.memref_squeeze %dma_start3A_50 : memref<1x128xi32, #tpu.memory_space<vmem>> -> memref<128xi32, #tpu.memory_space<vmem>>
    %dma_start3A_52 = arith.constant 0 : i32
    %dma_start3A_53 = arith.constant 0 : i32
    %dma_start3A_54 = tpu.memref_slice %arg17[%dma_start3A_52, %dma_start3A_53] : memref<10240x32xf32, #tpu.memory_space<vmem_shared>> -> memref<10240x32xf32, #tpu.memory_space<vmem_shared>>
    tpu.enqueue_indirect_dma source(%arg10 : memref<128x32xf32, #tpu.memory_space<vmem>>) target(%dma_start3A_54 : memref<10240x32xf32, #tpu.memory_space<vmem_shared>>) offsets(%dma_start3A_51 : memref<128xi32, #tpu.memory_space<vmem>>) semaphore(%arg22 : memref<!tpu.dma_semaphore, #tpu.memory_space<semaphore_mem>>) {add = true}
    %dma_wait3A_55 = arith.constant 0 : i32
    %dma_wait3A_56 = arith.constant 0 : i32
    %dma_wait3A_57 = tpu.memref_slice %arg2[%dma_wait3A_55, %dma_wait3A_56] : memref<10240x32xf32, #tpu.memory_space<hbm>> -> memref<128x32xf32, #tpu.memory_space<hbm>>
    %dma_wait3A_58 = arith.constant 0 : i32
    %dma_wait3A_59 = arith.constant 0 : i32
    %dma_wait3A_60 = tpu.memref_slice %arg2[%dma_wait3A_58, %dma_wait3A_59] : memref<10240x32xf32, #tpu.memory_space<hbm>> -> memref<128x32xf32, #tpu.memory_space<hbm>>
    tpu.wait_dma2 semaphore(%arg19 : memref<!tpu.dma_semaphore, #tpu.memory_space<semaphore_mem>>) src(%dma_wait3A_60 : memref<128x32xf32, #tpu.memory_space<hbm>>) dst(%arg11 : memref<128x32xf32, #tpu.memory_space<vmem>>)
    %dma_start3A_61 = arith.constant 159 : i32
    %dma_start3A_62 = arith.constant 0 : i32
    %dma_start3A_63 = tpu.memref_slice %arg9[%dma_start3A_61, %dma_start3A_62] : memref<160x128xi32, #tpu.memory_space<vmem>> -> memref<1x128xi32, #tpu.memory_space<vmem>>
    %dma_start3A_64 = tpu.memref_squeeze %dma_start3A_63 : memref<1x128xi32, #tpu.memory_space<vmem>> -> memref<128xi32, #tpu.memory_space<vmem>>
    %dma_start3A_65 = arith.constant 0 : i32
    %dma_start3A_66 = arith.constant 0 : i32
    %dma_start3A_67 = tpu.memref_slice %arg17[%dma_start3A_65, %dma_start3A_66] : memref<10240x32xf32, #tpu.memory_space<vmem_shared>> -> memref<10240x32xf32, #tpu.memory_space<vmem_shared>>
    tpu.enqueue_indirect_dma source(%arg11 : memref<128x32xf32, #tpu.memory_space<vmem>>) target(%dma_start3A_67 : memref<10240x32xf32, #tpu.memory_space<vmem_shared>>) offsets(%dma_start3A_64 : memref<128xi32, #tpu.memory_space<vmem>>) semaphore(%arg23 : memref<!tpu.dma_semaphore, #tpu.memory_space<semaphore_mem>>) {add = true}
    %dma_wait3A_68 = arith.constant 0 : i32
    %dma_wait3A_69 = arith.constant 0 : i32
    %dma_wait3A_70 = tpu.memref_slice %arg2[%dma_wait3A_68, %dma_wait3A_69] : memref<10240x32xf32, #tpu.memory_space<hbm>> -> memref<128x32xf32, #tpu.memory_space<hbm>>
    %dma_wait3A_71 = arith.constant 0 : i32
    %dma_wait3A_72 = arith.constant 0 : i32
    %dma_wait3A_73 = tpu.memref_slice %arg2[%dma_wait3A_71, %dma_wait3A_72] : memref<10240x32xf32, #tpu.memory_space<hbm>> -> memref<128x32xf32, #tpu.memory_space<hbm>>
    tpu.wait_dma2 semaphore(%arg22 : memref<!tpu.dma_semaphore, #tpu.memory_space<semaphore_mem>>) src(%dma_wait3A_73 : memref<128x32xf32, #tpu.memory_space<hbm>>) dst(%arg10 : memref<128x32xf32, #tpu.memory_space<vmem>>)
    %dma_wait3A_74 = arith.constant 0 : i32
    %dma_wait3A_75 = arith.constant 0 : i32
    %dma_wait3A_76 = tpu.memref_slice %arg2[%dma_wait3A_74, %dma_wait3A_75] : memref<10240x32xf32, #tpu.memory_space<hbm>> -> memref<128x32xf32, #tpu.memory_space<hbm>>
    %dma_wait3A_77 = arith.constant 0 : i32
    %dma_wait3A_78 = arith.constant 0 : i32
    %dma_wait3A_79 = tpu.memref_slice %arg2[%dma_wait3A_77, %dma_wait3A_78] : memref<10240x32xf32, #tpu.memory_space<hbm>> -> memref<128x32xf32, #tpu.memory_space<hbm>>
    tpu.wait_dma2 semaphore(%arg23 : memref<!tpu.dma_semaphore, #tpu.memory_space<semaphore_mem>>) src(%dma_wait3A_79 : memref<128x32xf32, #tpu.memory_space<hbm>>) dst(%arg11 : memref<128x32xf32, #tpu.memory_space<vmem>>)
    %barrier3A_80 = arith.constant 0 : index
    tpu.barrier barrier_id(%barrier3A_80)
    "tpu.region"() ({
      %run_scoped3A = tpu.sem_alloc : memref<!tpu.dma_semaphore, #tpu.memory_space<semaphore_mem>>
      %dma_start3A_166 = arith.constant 0 : i32
      %dma_start3A_167 = tpu.memref_slice %arg17[%mul3A_0, %dma_start3A_166] : memref<10240x32xf32, #tpu.memory_space<vmem_shared>> -> memref<640x32xf32, #tpu.memory_space<vmem_shared>>
      %dma_start3A_168 = arith.constant 0 : i32
      %dma_start3A_169 = tpu.memref_slice %arg17[%mul3A_0, %dma_start3A_168] : memref<10240x32xf32, #tpu.memory_space<vmem_shared>> -> memref<640x32xf32, #tpu.memory_space<vmem_shared>>
      tpu.enqueue_dma source(%dma_start3A_169 : memref<640x32xf32, #tpu.memory_space<vmem_shared>>) target(%arg14 : memref<640x32xf32, #tpu.memory_space<vmem>>) target_semaphore(%run_scoped3A : memref<!tpu.dma_semaphore, #tpu.memory_space<semaphore_mem>>)
      %dma_wait3A_170 = arith.constant 0 : i32
      %dma_wait3A_171 = tpu.memref_slice %arg17[%mul3A_0, %dma_wait3A_170] : memref<10240x32xf32, #tpu.memory_space<vmem_shared>> -> memref<640x32xf32, #tpu.memory_space<vmem_shared>>
      %dma_wait3A_172 = arith.constant 0 : i32
      %dma_wait3A_173 = tpu.memref_slice %arg17[%mul3A_0, %dma_wait3A_172] : memref<10240x32xf32, #tpu.memory_space<vmem_shared>> -> memref<640x32xf32, #tpu.memory_space<vmem_shared>>
      tpu.wait_dma2 semaphore(%run_scoped3A : memref<!tpu.dma_semaphore, #tpu.memory_space<semaphore_mem>>) src(%dma_wait3A_173 : memref<640x32xf32, #tpu.memory_space<vmem_shared>>) dst(%arg14 : memref<640x32xf32, #tpu.memory_space<vmem>>)
      tpu.yield
    }) : () -> ()
    %scan3A_81 = arith.constant 0 : i32
    %scan3A_82 = arith.constant 0 : i32
    %scan3A_83 = arith.constant 40 : i32
    %scan3A_84 = arith.addi %scan3A_82, %scan3A_83 : i32
    %scan3A_85 = arith.constant 1 : i32
    %scan3A_86 = scf.for %scan3A_166 = %scan3A_82 to %scan3A_84 step %scan3A_85 iter_args(%scan3A_167 = %scan3A_81) -> (i32)  : i32 {
      %mul3A_168 = arith.constant 16 : i32
      %mul3A_169 = arith.muli %scan3A_166, %mul3A_168 : i32
      %get3A = arith.index_cast %mul3A_169 : i32 to index
      %get3A_170 = tpu.vector_load %arg15[%get3A] {strides = array<i32>} : memref<640xf32, #tpu.memory_space<vmem>>, vector<16xf32>,
      %get3A_171 = vector.shape_cast %get3A_170 : vector<16xf32> to vector<16xf32>
      %mul3A_172 = arith.constant 16 : i32
      %mul3A_173 = arith.muli %scan3A_166, %mul3A_172 : i32
      %add3A_174 = arith.constant 0 : i32
      %add3A_175 = arith.addi %mul3A_173, %add3A_174 : i32
      %slice3A = vector.extract_strided_slice %get3A_171 {offsets = [0], sizes = [1], strides = [1]} : vector<16xf32> to vector<1xf32>
      %squeeze3A = vector.extract %slice3A[0] : f32 from vector<1xf32>
      %get3A_176 = arith.index_cast %add3A_175 : i32 to index
      %get3A_177 = arith.constant 0 : index
      %get3A_178 = tpu.vector_load %arg14[%get3A_176, %get3A_177] {strides = array<i32>} : memref<640x32xf32, #tpu.memory_space<vmem>>, vector<1x16xf32>,
      %get3A_179 = vector.shape_cast %get3A_178 : vector<1x16xf32> to vector<16xf32>
      %mul3A_180 = vector.broadcast %squeeze3A : f32 to vector<16xf32>
      %mul3A_181 = arith.mulf %get3A_179, %mul3A_180 : vector<16xf32>
      %swap3A = arith.index_cast %add3A_175 : i32 to index
      %swap3A_182 = arith.constant 0 : index
      %swap3A_183 = tpu.vector_load %arg14[%swap3A, %swap3A_182] {strides = array<i32>} : memref<640x32xf32, #tpu.memory_space<vmem>>, vector<1x16xf32>,
      %swap3A_184 = vector.shape_cast %swap3A_183 : vector<1x16xf32> to vector<16xf32>
      %swap3A_185 = vector.shape_cast %mul3A_181 : vector<16xf32> to vector<1x16xf32>
      tpu.vector_store %arg14[%swap3A, %swap3A_182], %swap3A_185 {strides = array<i32>} : memref<640x32xf32, #tpu.memory_space<vmem>>, vector<1x16xf32>,
      %get3A_186 = arith.index_cast %add3A_175 : i32 to index
      %get3A_187 = arith.constant 16 : index
      %get3A_188 = tpu.vector_load %arg14[%get3A_186, %get3A_187] {strides = array<i32>} : memref<640x32xf32, #tpu.memory_space<vmem>>, vector<1x16xf32>,
      %get3A_189 = vector.shape_cast %get3A_188 : vector<1x16xf32> to vector<16xf32>
      %mul3A_190 = vector.broadcast %squeeze3A : f32 to vector<16xf32>
      %mul3A_191 = arith.mulf %get3A_189, %mul3A_190 : vector<16xf32>
      %swap3A_192 = arith.index_cast %add3A_175 : i32 to index
      %swap3A_193 = arith.constant 16 : index
      %swap3A_194 = tpu.vector_load %arg14[%swap3A_192, %swap3A_193] {strides = array<i32>} : memref<640x32xf32, #tpu.memory_space<vmem>>, vector<1x16xf32>,
      %swap3A_195 = vector.shape_cast %swap3A_194 : vector<1x16xf32> to vector<16xf32>
      %swap3A_196 = vector.shape_cast %mul3A_191 : vector<16xf32> to vector<1x16xf32>
      tpu.vector_store %arg14[%swap3A_192, %swap3A_193], %swap3A_196 {strides = array<i32>} : memref<640x32xf32, #tpu.memory_space<vmem>>, vector<1x16xf32>,
      %mul3A_197 = arith.constant 16 : i32
      %mul3A_198 = arith.muli %scan3A_166, %mul3A_197 : i32
      %add3A_199 = arith.constant 1 : i32
      %add3A_200 = arith.addi %mul3A_198, %add3A_199 : i32
      %slice3A_201 = vector.extract_strided_slice %get3A_171 {offsets = [1], sizes = [1], strides = [1]} : vector<16xf32> to vector<1xf32>
      %squeeze3A_202 = vector.extract %slice3A_201[0] : f32 from vector<1xf32>
      %get3A_203 = arith.index_cast %add3A_200 : i32 to index
      %get3A_204 = arith.constant 0 : index
      %get3A_205 = tpu.vector_load %arg14[%get3A_203, %get3A_204] {strides = array<i32>} : memref<640x32xf32, #tpu.memory_space<vmem>>, vector<1x16xf32>,
      %get3A_206 = vector.shape_cast %get3A_205 : vector<1x16xf32> to vector<16xf32>
      %mul3A_207 = vector.broadcast %squeeze3A_202 : f32 to vector<16xf32>
      %mul3A_208 = arith.mulf %get3A_206, %mul3A_207 : vector<16xf32>
      %swap3A_209 = arith.index_cast %add3A_200 : i32 to index
      %swap3A_210 = arith.constant 0 : index
      %swap3A_211 = tpu.vector_load %arg14[%swap3A_209, %swap3A_210] {strides = array<i32>} : memref<640x32xf32, #tpu.memory_space<vmem>>, vector<1x16xf32>,
      %swap3A_212 = vector.shape_cast %swap3A_211 : vector<1x16xf32> to vector<16xf32>
      %swap3A_213 = vector.shape_cast %mul3A_208 : vector<16xf32> to vector<1x16xf32>
      tpu.vector_store %arg14[%swap3A_209, %swap3A_210], %swap3A_213 {strides = array<i32>} : memref<640x32xf32, #tpu.memory_space<vmem>>, vector<1x16xf32>,
      %get3A_214 = arith.index_cast %add3A_200 : i32 to index
      %get3A_215 = arith.constant 16 : index
      %get3A_216 = tpu.vector_load %arg14[%get3A_214, %get3A_215] {strides = array<i32>} : memref<640x32xf32, #tpu.memory_space<vmem>>, vector<1x16xf32>,
      %get3A_217 = vector.shape_cast %get3A_216 : vector<1x16xf32> to vector<16xf32>
      %mul3A_218 = vector.broadcast %squeeze3A_202 : f32 to vector<16xf32>
      %mul3A_219 = arith.mulf %get3A_217, %mul3A_218 : vector<16xf32>
      %swap3A_220 = arith.index_cast %add3A_200 : i32 to index
      %swap3A_221 = arith.constant 16 : index
      %swap3A_222 = tpu.vector_load %arg14[%swap3A_220, %swap3A_221] {strides = array<i32>} : memref<640x32xf32, #tpu.memory_space<vmem>>, vector<1x16xf32>,
      %swap3A_223 = vector.shape_cast %swap3A_222 : vector<1x16xf32> to vector<16xf32>
      %swap3A_224 = vector.shape_cast %mul3A_219 : vector<16xf32> to vector<1x16xf32>
      tpu.vector_store %arg14[%swap3A_220, %swap3A_221], %swap3A_224 {strides = array<i32>} : memref<640x32xf32, #tpu.memory_space<vmem>>, vector<1x16xf32>,
      %mul3A_225 = arith.constant 16 : i32
      %mul3A_226 = arith.muli %scan3A_166, %mul3A_225 : i32
      %add3A_227 = arith.constant 2 : i32
      %add3A_228 = arith.addi %mul3A_226, %add3A_227 : i32
      %slice3A_229 = vector.extract_strided_slice %get3A_171 {offsets = [2], sizes = [1], strides = [1]} : vector<16xf32> to vector<1xf32>
      %squeeze3A_230 = vector.extract %slice3A_229[0] : f32 from vector<1xf32>
      %get3A_231 = arith.index_cast %add3A_228 : i32 to index
      %get3A_232 = arith.constant 0 : index
      %get3A_233 = tpu.vector_load %arg14[%get3A_231, %get3A_232] {strides = array<i32>} : memref<640x32xf32, #tpu.memory_space<vmem>>, vector<1x16xf32>,
      %get3A_234 = vector.shape_cast %get3A_233 : vector<1x16xf32> to vector<16xf32>
      %mul3A_235 = vector.broadcast %squeeze3A_230 : f32 to vector<16xf32>
      %mul3A_236 = arith.mulf %get3A_234, %mul3A_235 : vector<16xf32>
      %swap3A_237 = arith.index_cast %add3A_228 : i32 to index
      %swap3A_238 = arith.constant 0 : index
      %swap3A_239 = tpu.vector_load %arg14[%swap3A_237, %swap3A_238] {strides = array<i32>} : memref<640x32xf32, #tpu.memory_space<vmem>>, vector<1x16xf32>,
      %swap3A_240 = vector.shape_cast %swap3A_239 : vector<1x16xf32> to vector<16xf32>
      %swap3A_241 = vector.shape_cast %mul3A_236 : vector<16xf32> to vector<1x16xf32>
      tpu.vector_store %arg14[%swap3A_237, %swap3A_238], %swap3A_241 {strides = array<i32>} : memref<640x32xf32, #tpu.memory_space<vmem>>, vector<1x16xf32>,
      %get3A_242 = arith.index_cast %add3A_228 : i32 to index
      %get3A_243 = arith.constant 16 : index
      %get3A_244 = tpu.vector_load %arg14[%get3A_242, %get3A_243] {strides = array<i32>} : memref<640x32xf32, #tpu.memory_space<vmem>>, vector<1x16xf32>,
      %get3A_245 = vector.shape_cast %get3A_244 : vector<1x16xf32> to vector<16xf32>
      %mul3A_246 = vector.broadcast %squeeze3A_230 : f32 to vector<16xf32>
      %mul3A_247 = arith.mulf %get3A_245, %mul3A_246 : vector<16xf32>
      %swap3A_248 = arith.index_cast %add3A_228 : i32 to index
      %swap3A_249 = arith.constant 16 : index
      %swap3A_250 = tpu.vector_load %arg14[%swap3A_248, %swap3A_249] {strides = array<i32>} : memref<640x32xf32, #tpu.memory_space<vmem>>, vector<1x16xf32>,
      %swap3A_251 = vector.shape_cast %swap3A_250 : vector<1x16xf32> to vector<16xf32>
      %swap3A_252 = vector.shape_cast %mul3A_247 : vector<16xf32> to vector<1x16xf32>
      tpu.vector_store %arg14[%swap3A_248, %swap3A_249], %swap3A_252 {strides = array<i32>} : memref<640x32xf32, #tpu.memory_space<vmem>>, vector<1x16xf32>,
      %mul3A_253 = arith.constant 16 : i32
      %mul3A_254 = arith.muli %scan3A_166, %mul3A_253 : i32
      %add3A_255 = arith.constant 3 : i32
      %add3A_256 = arith.addi %mul3A_254, %add3A_255 : i32
      %slice3A_257 = vector.extract_strided_slice %get3A_171 {offsets = [3], sizes = [1], strides = [1]} : vector<16xf32> to vector<1xf32>
      %squeeze3A_258 = vector.extract %slice3A_257[0] : f32 from vector<1xf32>
      %get3A_259 = arith.index_cast %add3A_256 : i32 to index
      %get3A_260 = arith.constant 0 : index
      %get3A_261 = tpu.vector_load %arg14[%get3A_259, %get3A_260] {strides = array<i32>} : memref<640x32xf32, #tpu.memory_space<vmem>>, vector<1x16xf32>,
      %get3A_262 = vector.shape_cast %get3A_261 : vector<1x16xf32> to vector<16xf32>
      %mul3A_263 = vector.broadcast %squeeze3A_258 : f32 to vector<16xf32>
      %mul3A_264 = arith.mulf %get3A_262, %mul3A_263 : vector<16xf32>
      %swap3A_265 = arith.index_cast %add3A_256 : i32 to index
      %swap3A_266 = arith.constant 0 : index
      %swap3A_267 = tpu.vector_load %arg14[%swap3A_265, %swap3A_266] {strides = array<i32>} : memref<640x32xf32, #tpu.memory_space<vmem>>, vector<1x16xf32>,
      %swap3A_268 = vector.shape_cast %swap3A_267 : vector<1x16xf32> to vector<16xf32>
      %swap3A_269 = vector.shape_cast %mul3A_264 : vector<16xf32> to vector<1x16xf32>
      tpu.vector_store %arg14[%swap3A_265, %swap3A_266], %swap3A_269 {strides = array<i32>} : memref<640x32xf32, #tpu.memory_space<vmem>>, vector<1x16xf32>,
      %get3A_270 = arith.index_cast %add3A_256 : i32 to index
      %get3A_271 = arith.constant 16 : index
      %get3A_272 = tpu.vector_load %arg14[%get3A_270, %get3A_271] {strides = array<i32>} : memref<640x32xf32, #tpu.memory_space<vmem>>, vector<1x16xf32>,
      %get3A_273 = vector.shape_cast %get3A_272 : vector<1x16xf32> to vector<16xf32>
      %mul3A_274 = vector.broadcast %squeeze3A_258 : f32 to vector<16xf32>
      %mul3A_275 = arith.mulf %get3A_273, %mul3A_274 : vector<16xf32>
      %swap3A_276 = arith.index_cast %add3A_256 : i32 to index
      %swap3A_277 = arith.constant 16 : index
      %swap3A_278 = tpu.vector_load %arg14[%swap3A_276, %swap3A_277] {strides = array<i32>} : memref<640x32xf32, #tpu.memory_space<vmem>>, vector<1x16xf32>,
      %swap3A_279 = vector.shape_cast %swap3A_278 : vector<1x16xf32> to vector<16xf32>
      %swap3A_280 = vector.shape_cast %mul3A_275 : vector<16xf32> to vector<1x16xf32>
      tpu.vector_store %arg14[%swap3A_276, %swap3A_277], %swap3A_280 {strides = array<i32>} : memref<640x32xf32, #tpu.memory_space<vmem>>, vector<1x16xf32>,
      %mul3A_281 = arith.constant 16 : i32
      %mul3A_282 = arith.muli %scan3A_166, %mul3A_281 : i32
      %add3A_283 = arith.constant 4 : i32
      %add3A_284 = arith.addi %mul3A_282, %add3A_283 : i32
      %slice3A_285 = vector.extract_strided_slice %get3A_171 {offsets = [4], sizes = [1], strides = [1]} : vector<16xf32> to vector<1xf32>
      %squeeze3A_286 = vector.extract %slice3A_285[0] : f32 from vector<1xf32>
      %get3A_287 = arith.index_cast %add3A_284 : i32 to index
      %get3A_288 = arith.constant 0 : index
      %get3A_289 = tpu.vector_load %arg14[%get3A_287, %get3A_288] {strides = array<i32>} : memref<640x32xf32, #tpu.memory_space<vmem>>, vector<1x16xf32>,
      %get3A_290 = vector.shape_cast %get3A_289 : vector<1x16xf32> to vector<16xf32>
      %mul3A_291 = vector.broadcast %squeeze3A_286 : f32 to vector<16xf32>
      %mul3A_292 = arith.mulf %get3A_290, %mul3A_291 : vector<16xf32>
      %swap3A_293 = arith.index_cast %add3A_284 : i32 to index
      %swap3A_294 = arith.constant 0 : index
      %swap3A_295 = tpu.vector_load %arg14[%swap3A_293, %swap3A_294] {strides = array<i32>} : memref<640x32xf32, #tpu.memory_space<vmem>>, vector<1x16xf32>,
      %swap3A_296 = vector.shape_cast %swap3A_295 : vector<1x16xf32> to vector<16xf32>
      %swap3A_297 = vector.shape_cast %mul3A_292 : vector<16xf32> to vector<1x16xf32>
      tpu.vector_store %arg14[%swap3A_293, %swap3A_294], %swap3A_297 {strides = array<i32>} : memref<640x32xf32, #tpu.memory_space<vmem>>, vector<1x16xf32>,
      %get3A_298 = arith.index_cast %add3A_284 : i32 to index
      %get3A_299 = arith.constant 16 : index
      %get3A_300 = tpu.vector_load %arg14[%get3A_298, %get3A_299] {strides = array<i32>} : memref<640x32xf32, #tpu.memory_space<vmem>>, vector<1x16xf32>,
      %get3A_301 = vector.shape_cast %get3A_300 : vector<1x16xf32> to vector<16xf32>
      %mul3A_302 = vector.broadcast %squeeze3A_286 : f32 to vector<16xf32>
      %mul3A_303 = arith.mulf %get3A_301, %mul3A_302 : vector<16xf32>
      %swap3A_304 = arith.index_cast %add3A_284 : i32 to index
      %swap3A_305 = arith.constant 16 : index
      %swap3A_306 = tpu.vector_load %arg14[%swap3A_304, %swap3A_305] {strides = array<i32>} : memref<640x32xf32, #tpu.memory_space<vmem>>, vector<1x16xf32>,
      %swap3A_307 = vector.shape_cast %swap3A_306 : vector<1x16xf32> to vector<16xf32>
      %swap3A_308 = vector.shape_cast %mul3A_303 : vector<16xf32> to vector<1x16xf32>
      tpu.vector_store %arg14[%swap3A_304, %swap3A_305], %swap3A_308 {strides = array<i32>} : memref<640x32xf32, #tpu.memory_space<vmem>>, vector<1x16xf32>,
      %mul3A_309 = arith.constant 16 : i32
      %mul3A_310 = arith.muli %scan3A_166, %mul3A_309 : i32
      %add3A_311 = arith.constant 5 : i32
      %add3A_312 = arith.addi %mul3A_310, %add3A_311 : i32
      %slice3A_313 = vector.extract_strided_slice %get3A_171 {offsets = [5], sizes = [1], strides = [1]} : vector<16xf32> to vector<1xf32>
      %squeeze3A_314 = vector.extract %slice3A_313[0] : f32 from vector<1xf32>
      %get3A_315 = arith.index_cast %add3A_312 : i32 to index
      %get3A_316 = arith.constant 0 : index
      %get3A_317 = tpu.vector_load %arg14[%get3A_315, %get3A_316] {strides = array<i32>} : memref<640x32xf32, #tpu.memory_space<vmem>>, vector<1x16xf32>,
      %get3A_318 = vector.shape_cast %get3A_317 : vector<1x16xf32> to vector<16xf32>
      %mul3A_319 = vector.broadcast %squeeze3A_314 : f32 to vector<16xf32>
      %mul3A_320 = arith.mulf %get3A_318, %mul3A_319 : vector<16xf32>
      %swap3A_321 = arith.index_cast %add3A_312 : i32 to index
      %swap3A_322 = arith.constant 0 : index
      %swap3A_323 = tpu.vector_load %arg14[%swap3A_321, %swap3A_322] {strides = array<i32>} : memref<640x32xf32, #tpu.memory_space<vmem>>, vector<1x16xf32>,
      %swap3A_324 = vector.shape_cast %swap3A_323 : vector<1x16xf32> to vector<16xf32>
      %swap3A_325 = vector.shape_cast %mul3A_320 : vector<16xf32> to vector<1x16xf32>
      tpu.vector_store %arg14[%swap3A_321, %swap3A_322], %swap3A_325 {strides = array<i32>} : memref<640x32xf32, #tpu.memory_space<vmem>>, vector<1x16xf32>,
      %get3A_326 = arith.index_cast %add3A_312 : i32 to index
      %get3A_327 = arith.constant 16 : index
      %get3A_328 = tpu.vector_load %arg14[%get3A_326, %get3A_327] {strides = array<i32>} : memref<640x32xf32, #tpu.memory_space<vmem>>, vector<1x16xf32>,
      %get3A_329 = vector.shape_cast %get3A_328 : vector<1x16xf32> to vector<16xf32>
      %mul3A_330 = vector.broadcast %squeeze3A_314 : f32 to vector<16xf32>
      %mul3A_331 = arith.mulf %get3A_329, %mul3A_330 : vector<16xf32>
      %swap3A_332 = arith.index_cast %add3A_312 : i32 to index
      %swap3A_333 = arith.constant 16 : index
      %swap3A_334 = tpu.vector_load %arg14[%swap3A_332, %swap3A_333] {strides = array<i32>} : memref<640x32xf32, #tpu.memory_space<vmem>>, vector<1x16xf32>,
      %swap3A_335 = vector.shape_cast %swap3A_334 : vector<1x16xf32> to vector<16xf32>
      %swap3A_336 = vector.shape_cast %mul3A_331 : vector<16xf32> to vector<1x16xf32>
      tpu.vector_store %arg14[%swap3A_332, %swap3A_333], %swap3A_336 {strides = array<i32>} : memref<640x32xf32, #tpu.memory_space<vmem>>, vector<1x16xf32>,
      %mul3A_337 = arith.constant 16 : i32
      %mul3A_338 = arith.muli %scan3A_166, %mul3A_337 : i32
      %add3A_339 = arith.constant 6 : i32
      %add3A_340 = arith.addi %mul3A_338, %add3A_339 : i32
      %slice3A_341 = vector.extract_strided_slice %get3A_171 {offsets = [6], sizes = [1], strides = [1]} : vector<16xf32> to vector<1xf32>
      %squeeze3A_342 = vector.extract %slice3A_341[0] : f32 from vector<1xf32>
      %get3A_343 = arith.index_cast %add3A_340 : i32 to index
      %get3A_344 = arith.constant 0 : index
      %get3A_345 = tpu.vector_load %arg14[%get3A_343, %get3A_344] {strides = array<i32>} : memref<640x32xf32, #tpu.memory_space<vmem>>, vector<1x16xf32>,
      %get3A_346 = vector.shape_cast %get3A_345 : vector<1x16xf32> to vector<16xf32>
      %mul3A_347 = vector.broadcast %squeeze3A_342 : f32 to vector<16xf32>
      %mul3A_348 = arith.mulf %get3A_346, %mul3A_347 : vector<16xf32>
      %swap3A_349 = arith.index_cast %add3A_340 : i32 to index
      %swap3A_350 = arith.constant 0 : index
      %swap3A_351 = tpu.vector_load %arg14[%swap3A_349, %swap3A_350] {strides = array<i32>} : memref<640x32xf32, #tpu.memory_space<vmem>>, vector<1x16xf32>,
      %swap3A_352 = vector.shape_cast %swap3A_351 : vector<1x16xf32> to vector<16xf32>
      %swap3A_353 = vector.shape_cast %mul3A_348 : vector<16xf32> to vector<1x16xf32>
      tpu.vector_store %arg14[%swap3A_349, %swap3A_350], %swap3A_353 {strides = array<i32>} : memref<640x32xf32, #tpu.memory_space<vmem>>, vector<1x16xf32>,
      %get3A_354 = arith.index_cast %add3A_340 : i32 to index
      %get3A_355 = arith.constant 16 : index
      %get3A_356 = tpu.vector_load %arg14[%get3A_354, %get3A_355] {strides = array<i32>} : memref<640x32xf32, #tpu.memory_space<vmem>>, vector<1x16xf32>,
      %get3A_357 = vector.shape_cast %get3A_356 : vector<1x16xf32> to vector<16xf32>
      %mul3A_358 = vector.broadcast %squeeze3A_342 : f32 to vector<16xf32>
      %mul3A_359 = arith.mulf %get3A_357, %mul3A_358 : vector<16xf32>
      %swap3A_360 = arith.index_cast %add3A_340 : i32 to index
      %swap3A_361 = arith.constant 16 : index
      %swap3A_362 = tpu.vector_load %arg14[%swap3A_360, %swap3A_361] {strides = array<i32>} : memref<640x32xf32, #tpu.memory_space<vmem>>, vector<1x16xf32>,
      %swap3A_363 = vector.shape_cast %swap3A_362 : vector<1x16xf32> to vector<16xf32>
      %swap3A_364 = vector.shape_cast %mul3A_359 : vector<16xf32> to vector<1x16xf32>
      tpu.vector_store %arg14[%swap3A_360, %swap3A_361], %swap3A_364 {strides = array<i32>} : memref<640x32xf32, #tpu.memory_space<vmem>>, vector<1x16xf32>,
      %mul3A_365 = arith.constant 16 : i32
      %mul3A_366 = arith.muli %scan3A_166, %mul3A_365 : i32
      %add3A_367 = arith.constant 7 : i32
      %add3A_368 = arith.addi %mul3A_366, %add3A_367 : i32
      %slice3A_369 = vector.extract_strided_slice %get3A_171 {offsets = [7], sizes = [1], strides = [1]} : vector<16xf32> to vector<1xf32>
      %squeeze3A_370 = vector.extract %slice3A_369[0] : f32 from vector<1xf32>
      %get3A_371 = arith.index_cast %add3A_368 : i32 to index
      %get3A_372 = arith.constant 0 : index
      %get3A_373 = tpu.vector_load %arg14[%get3A_371, %get3A_372] {strides = array<i32>} : memref<640x32xf32, #tpu.memory_space<vmem>>, vector<1x16xf32>,
      %get3A_374 = vector.shape_cast %get3A_373 : vector<1x16xf32> to vector<16xf32>
      %mul3A_375 = vector.broadcast %squeeze3A_370 : f32 to vector<16xf32>
      %mul3A_376 = arith.mulf %get3A_374, %mul3A_375 : vector<16xf32>
      %swap3A_377 = arith.index_cast %add3A_368 : i32 to index
      %swap3A_378 = arith.constant 0 : index
      %swap3A_379 = tpu.vector_load %arg14[%swap3A_377, %swap3A_378] {strides = array<i32>} : memref<640x32xf32, #tpu.memory_space<vmem>>, vector<1x16xf32>,
      %swap3A_380 = vector.shape_cast %swap3A_379 : vector<1x16xf32> to vector<16xf32>
      %swap3A_381 = vector.shape_cast %mul3A_376 : vector<16xf32> to vector<1x16xf32>
      tpu.vector_store %arg14[%swap3A_377, %swap3A_378], %swap3A_381 {strides = array<i32>} : memref<640x32xf32, #tpu.memory_space<vmem>>, vector<1x16xf32>,
      %get3A_382 = arith.index_cast %add3A_368 : i32 to index
      %get3A_383 = arith.constant 16 : index
      %get3A_384 = tpu.vector_load %arg14[%get3A_382, %get3A_383] {strides = array<i32>} : memref<640x32xf32, #tpu.memory_space<vmem>>, vector<1x16xf32>,
      %get3A_385 = vector.shape_cast %get3A_384 : vector<1x16xf32> to vector<16xf32>
      %mul3A_386 = vector.broadcast %squeeze3A_370 : f32 to vector<16xf32>
      %mul3A_387 = arith.mulf %get3A_385, %mul3A_386 : vector<16xf32>
      %swap3A_388 = arith.index_cast %add3A_368 : i32 to index
      %swap3A_389 = arith.constant 16 : index
      %swap3A_390 = tpu.vector_load %arg14[%swap3A_388, %swap3A_389] {strides = array<i32>} : memref<640x32xf32, #tpu.memory_space<vmem>>, vector<1x16xf32>,
      %swap3A_391 = vector.shape_cast %swap3A_390 : vector<1x16xf32> to vector<16xf32>
      %swap3A_392 = vector.shape_cast %mul3A_387 : vector<16xf32> to vector<1x16xf32>
      tpu.vector_store %arg14[%swap3A_388, %swap3A_389], %swap3A_392 {strides = array<i32>} : memref<640x32xf32, #tpu.memory_space<vmem>>, vector<1x16xf32>,
      %mul3A_393 = arith.constant 16 : i32
      %mul3A_394 = arith.muli %scan3A_166, %mul3A_393 : i32
      %add3A_395 = arith.constant 8 : i32
      %add3A_396 = arith.addi %mul3A_394, %add3A_395 : i32
      %slice3A_397 = vector.extract_strided_slice %get3A_171 {offsets = [8], sizes = [1], strides = [1]} : vector<16xf32> to vector<1xf32>
      %squeeze3A_398 = vector.extract %slice3A_397[0] : f32 from vector<1xf32>
      %get3A_399 = arith.index_cast %add3A_396 : i32 to index
      %get3A_400 = arith.constant 0 : index
      %get3A_401 = tpu.vector_load %arg14[%get3A_399, %get3A_400] {strides = array<i32>} : memref<640x32xf32, #tpu.memory_space<vmem>>, vector<1x16xf32>,
      %get3A_402 = vector.shape_cast %get3A_401 : vector<1x16xf32> to vector<16xf32>
      %mul3A_403 = vector.broadcast %squeeze3A_398 : f32 to vector<16xf32>
      %mul3A_404 = arith.mulf %get3A_402, %mul3A_403 : vector<16xf32>
      %swap3A_405 = arith.index_cast %add3A_396 : i32 to index
      %swap3A_406 = arith.constant 0 : index
      %swap3A_407 = tpu.vector_load %arg14[%swap3A_405, %swap3A_406] {strides = array<i32>} : memref<640x32xf32, #tpu.memory_space<vmem>>, vector<1x16xf32>,
      %swap3A_408 = vector.shape_cast %swap3A_407 : vector<1x16xf32> to vector<16xf32>
      %swap3A_409 = vector.shape_cast %mul3A_404 : vector<16xf32> to vector<1x16xf32>
      tpu.vector_store %arg14[%swap3A_405, %swap3A_406], %swap3A_409 {strides = array<i32>} : memref<640x32xf32, #tpu.memory_space<vmem>>, vector<1x16xf32>,
      %get3A_410 = arith.index_cast %add3A_396 : i32 to index
      %get3A_411 = arith.constant 16 : index
      %get3A_412 = tpu.vector_load %arg14[%get3A_410, %get3A_411] {strides = array<i32>} : memref<640x32xf32, #tpu.memory_space<vmem>>, vector<1x16xf32>,
      %get3A_413 = vector.shape_cast %get3A_412 : vector<1x16xf32> to vector<16xf32>
      %mul3A_414 = vector.broadcast %squeeze3A_398 : f32 to vector<16xf32>
      %mul3A_415 = arith.mulf %get3A_413, %mul3A_414 : vector<16xf32>
      %swap3A_416 = arith.index_cast %add3A_396 : i32 to index
      %swap3A_417 = arith.constant 16 : index
      %swap3A_418 = tpu.vector_load %arg14[%swap3A_416, %swap3A_417] {strides = array<i32>} : memref<640x32xf32, #tpu.memory_space<vmem>>, vector<1x16xf32>,
      %swap3A_419 = vector.shape_cast %swap3A_418 : vector<1x16xf32> to vector<16xf32>
      %swap3A_420 = vector.shape_cast %mul3A_415 : vector<16xf32> to vector<1x16xf32>
      tpu.vector_store %arg14[%swap3A_416, %swap3A_417], %swap3A_420 {strides = array<i32>} : memref<640x32xf32, #tpu.memory_space<vmem>>, vector<1x16xf32>,
      %mul3A_421 = arith.constant 16 : i32
      %mul3A_422 = arith.muli %scan3A_166, %mul3A_421 : i32
      %add3A_423 = arith.constant 9 : i32
      %add3A_424 = arith.addi %mul3A_422, %add3A_423 : i32
      %slice3A_425 = vector.extract_strided_slice %get3A_171 {offsets = [9], sizes = [1], strides = [1]} : vector<16xf32> to vector<1xf32>
      %squeeze3A_426 = vector.extract %slice3A_425[0] : f32 from vector<1xf32>
      %get3A_427 = arith.index_cast %add3A_424 : i32 to index
      %get3A_428 = arith.constant 0 : index
      %get3A_429 = tpu.vector_load %arg14[%get3A_427, %get3A_428] {strides = array<i32>} : memref<640x32xf32, #tpu.memory_space<vmem>>, vector<1x16xf32>,
      %get3A_430 = vector.shape_cast %get3A_429 : vector<1x16xf32> to vector<16xf32>
      %mul3A_431 = vector.broadcast %squeeze3A_426 : f32 to vector<16xf32>
      %mul3A_432 = arith.mulf %get3A_430, %mul3A_431 : vector<16xf32>
      %swap3A_433 = arith.index_cast %add3A_424 : i32 to index
      %swap3A_434 = arith.constant 0 : index
      %swap3A_435 = tpu.vector_load %arg14[%swap3A_433, %swap3A_434] {strides = array<i32>} : memref<640x32xf32, #tpu.memory_space<vmem>>, vector<1x16xf32>,
      %swap3A_436 = vector.shape_cast %swap3A_435 : vector<1x16xf32> to vector<16xf32>
      %swap3A_437 = vector.shape_cast %mul3A_432 : vector<16xf32> to vector<1x16xf32>
      tpu.vector_store %arg14[%swap3A_433, %swap3A_434], %swap3A_437 {strides = array<i32>} : memref<640x32xf32, #tpu.memory_space<vmem>>, vector<1x16xf32>,
      %get3A_438 = arith.index_cast %add3A_424 : i32 to index
      %get3A_439 = arith.constant 16 : index
      %get3A_440 = tpu.vector_load %arg14[%get3A_438, %get3A_439] {strides = array<i32>} : memref<640x32xf32, #tpu.memory_space<vmem>>, vector<1x16xf32>,
      %get3A_441 = vector.shape_cast %get3A_440 : vector<1x16xf32> to vector<16xf32>
      %mul3A_442 = vector.broadcast %squeeze3A_426 : f32 to vector<16xf32>
      %mul3A_443 = arith.mulf %get3A_441, %mul3A_442 : vector<16xf32>
      %swap3A_444 = arith.index_cast %add3A_424 : i32 to index
      %swap3A_445 = arith.constant 16 : index
      %swap3A_446 = tpu.vector_load %arg14[%swap3A_444, %swap3A_445] {strides = array<i32>} : memref<640x32xf32, #tpu.memory_space<vmem>>, vector<1x16xf32>,
      %swap3A_447 = vector.shape_cast %swap3A_446 : vector<1x16xf32> to vector<16xf32>
      %swap3A_448 = vector.shape_cast %mul3A_443 : vector<16xf32> to vector<1x16xf32>
      tpu.vector_store %arg14[%swap3A_444, %swap3A_445], %swap3A_448 {strides = array<i32>} : memref<640x32xf32, #tpu.memory_space<vmem>>, vector<1x16xf32>,
      %mul3A_449 = arith.constant 16 : i32
      %mul3A_450 = arith.muli %scan3A_166, %mul3A_449 : i32
      %add3A_451 = arith.constant 10 : i32
      %add3A_452 = arith.addi %mul3A_450, %add3A_451 : i32
      %slice3A_453 = vector.extract_strided_slice %get3A_171 {offsets = [10], sizes = [1], strides = [1]} : vector<16xf32> to vector<1xf32>
      %squeeze3A_454 = vector.extract %slice3A_453[0] : f32 from vector<1xf32>
      %get3A_455 = arith.index_cast %add3A_452 : i32 to index
      %get3A_456 = arith.constant 0 : index
      %get3A_457 = tpu.vector_load %arg14[%get3A_455, %get3A_456] {strides = array<i32>} : memref<640x32xf32, #tpu.memory_space<vmem>>, vector<1x16xf32>,
      %get3A_458 = vector.shape_cast %get3A_457 : vector<1x16xf32> to vector<16xf32>
      %mul3A_459 = vector.broadcast %squeeze3A_454 : f32 to vector<16xf32>
      %mul3A_460 = arith.mulf %get3A_458, %mul3A_459 : vector<16xf32>
      %swap3A_461 = arith.index_cast %add3A_452 : i32 to index
      %swap3A_462 = arith.constant 0 : index
      %swap3A_463 = tpu.vector_load %arg14[%swap3A_461, %swap3A_462] {strides = array<i32>} : memref<640x32xf32, #tpu.memory_space<vmem>>, vector<1x16xf32>,
      %swap3A_464 = vector.shape_cast %swap3A_463 : vector<1x16xf32> to vector<16xf32>
      %swap3A_465 = vector.shape_cast %mul3A_460 : vector<16xf32> to vector<1x16xf32>
      tpu.vector_store %arg14[%swap3A_461, %swap3A_462], %swap3A_465 {strides = array<i32>} : memref<640x32xf32, #tpu.memory_space<vmem>>, vector<1x16xf32>,
      %get3A_466 = arith.index_cast %add3A_452 : i32 to index
      %get3A_467 = arith.constant 16 : index
      %get3A_468 = tpu.vector_load %arg14[%get3A_466, %get3A_467] {strides = array<i32>} : memref<640x32xf32, #tpu.memory_space<vmem>>, vector<1x16xf32>,
      %get3A_469 = vector.shape_cast %get3A_468 : vector<1x16xf32> to vector<16xf32>
      %mul3A_470 = vector.broadcast %squeeze3A_454 : f32 to vector<16xf32>
      %mul3A_471 = arith.mulf %get3A_469, %mul3A_470 : vector<16xf32>
      %swap3A_472 = arith.index_cast %add3A_452 : i32 to index
      %swap3A_473 = arith.constant 16 : index
      %swap3A_474 = tpu.vector_load %arg14[%swap3A_472, %swap3A_473] {strides = array<i32>} : memref<640x32xf32, #tpu.memory_space<vmem>>, vector<1x16xf32>,
      %swap3A_475 = vector.shape_cast %swap3A_474 : vector<1x16xf32> to vector<16xf32>
      %swap3A_476 = vector.shape_cast %mul3A_471 : vector<16xf32> to vector<1x16xf32>
      tpu.vector_store %arg14[%swap3A_472, %swap3A_473], %swap3A_476 {strides = array<i32>} : memref<640x32xf32, #tpu.memory_space<vmem>>, vector<1x16xf32>,
      %mul3A_477 = arith.constant 16 : i32
      %mul3A_478 = arith.muli %scan3A_166, %mul3A_477 : i32
      %add3A_479 = arith.constant 11 : i32
      %add3A_480 = arith.addi %mul3A_478, %add3A_479 : i32
      %slice3A_481 = vector.extract_strided_slice %get3A_171 {offsets = [11], sizes = [1], strides = [1]} : vector<16xf32> to vector<1xf32>
      %squeeze3A_482 = vector.extract %slice3A_481[0] : f32 from vector<1xf32>
      %get3A_483 = arith.index_cast %add3A_480 : i32 to index
      %get3A_484 = arith.constant 0 : index
      %get3A_485 = tpu.vector_load %arg14[%get3A_483, %get3A_484] {strides = array<i32>} : memref<640x32xf32, #tpu.memory_space<vmem>>, vector<1x16xf32>,
      %get3A_486 = vector.shape_cast %get3A_485 : vector<1x16xf32> to vector<16xf32>
      %mul3A_487 = vector.broadcast %squeeze3A_482 : f32 to vector<16xf32>
      %mul3A_488 = arith.mulf %get3A_486, %mul3A_487 : vector<16xf32>
      %swap3A_489 = arith.index_cast %add3A_480 : i32 to index
      %swap3A_490 = arith.constant 0 : index
      %swap3A_491 = tpu.vector_load %arg14[%swap3A_489, %swap3A_490] {strides = array<i32>} : memref<640x32xf32, #tpu.memory_space<vmem>>, vector<1x16xf32>,
      %swap3A_492 = vector.shape_cast %swap3A_491 : vector<1x16xf32> to vector<16xf32>
      %swap3A_493 = vector.shape_cast %mul3A_488 : vector<16xf32> to vector<1x16xf32>
      tpu.vector_store %arg14[%swap3A_489, %swap3A_490], %swap3A_493 {strides = array<i32>} : memref<640x32xf32, #tpu.memory_space<vmem>>, vector<1x16xf32>,
      %get3A_494 = arith.index_cast %add3A_480 : i32 to index
      %get3A_495 = arith.constant 16 : index
      %get3A_496 = tpu.vector_load %arg14[%get3A_494, %get3A_495] {strides = array<i32>} : memref<640x32xf32, #tpu.memory_space<vmem>>, vector<1x16xf32>,
      %get3A_497 = vector.shape_cast %get3A_496 : vector<1x16xf32> to vector<16xf32>
      %mul3A_498 = vector.broadcast %squeeze3A_482 : f32 to vector<16xf32>
      %mul3A_499 = arith.mulf %get3A_497, %mul3A_498 : vector<16xf32>
      %swap3A_500 = arith.index_cast %add3A_480 : i32 to index
      %swap3A_501 = arith.constant 16 : index
      %swap3A_502 = tpu.vector_load %arg14[%swap3A_500, %swap3A_501] {strides = array<i32>} : memref<640x32xf32, #tpu.memory_space<vmem>>, vector<1x16xf32>,
      %swap3A_503 = vector.shape_cast %swap3A_502 : vector<1x16xf32> to vector<16xf32>
      %swap3A_504 = vector.shape_cast %mul3A_499 : vector<16xf32> to vector<1x16xf32>
      tpu.vector_store %arg14[%swap3A_500, %swap3A_501], %swap3A_504 {strides = array<i32>} : memref<640x32xf32, #tpu.memory_space<vmem>>, vector<1x16xf32>,
      %mul3A_505 = arith.constant 16 : i32
      %mul3A_506 = arith.muli %scan3A_166, %mul3A_505 : i32
      %add3A_507 = arith.constant 12 : i32
      %add3A_508 = arith.addi %mul3A_506, %add3A_507 : i32
      %slice3A_509 = vector.extract_strided_slice %get3A_171 {offsets = [12], sizes = [1], strides = [1]} : vector<16xf32> to vector<1xf32>
      %squeeze3A_510 = vector.extract %slice3A_509[0] : f32 from vector<1xf32>
      %get3A_511 = arith.index_cast %add3A_508 : i32 to index
      %get3A_512 = arith.constant 0 : index
      %get3A_513 = tpu.vector_load %arg14[%get3A_511, %get3A_512] {strides = array<i32>} : memref<640x32xf32, #tpu.memory_space<vmem>>, vector<1x16xf32>,
      %get3A_514 = vector.shape_cast %get3A_513 : vector<1x16xf32> to vector<16xf32>
      %mul3A_515 = vector.broadcast %squeeze3A_510 : f32 to vector<16xf32>
      %mul3A_516 = arith.mulf %get3A_514, %mul3A_515 : vector<16xf32>
      %swap3A_517 = arith.index_cast %add3A_508 : i32 to index
      %swap3A_518 = arith.constant 0 : index
      %swap3A_519 = tpu.vector_load %arg14[%swap3A_517, %swap3A_518] {strides = array<i32>} : memref<640x32xf32, #tpu.memory_space<vmem>>, vector<1x16xf32>,
      %swap3A_520 = vector.shape_cast %swap3A_519 : vector<1x16xf32> to vector<16xf32>
      %swap3A_521 = vector.shape_cast %mul3A_516 : vector<16xf32> to vector<1x16xf32>
      tpu.vector_store %arg14[%swap3A_517, %swap3A_518], %swap3A_521 {strides = array<i32>} : memref<640x32xf32, #tpu.memory_space<vmem>>, vector<1x16xf32>,
      %get3A_522 = arith.index_cast %add3A_508 : i32 to index
      %get3A_523 = arith.constant 16 : index
      %get3A_524 = tpu.vector_load %arg14[%get3A_522, %get3A_523] {strides = array<i32>} : memref<640x32xf32, #tpu.memory_space<vmem>>, vector<1x16xf32>,
      %get3A_525 = vector.shape_cast %get3A_524 : vector<1x16xf32> to vector<16xf32>
      %mul3A_526 = vector.broadcast %squeeze3A_510 : f32 to vector<16xf32>
      %mul3A_527 = arith.mulf %get3A_525, %mul3A_526 : vector<16xf32>
      %swap3A_528 = arith.index_cast %add3A_508 : i32 to index
      %swap3A_529 = arith.constant 16 : index
      %swap3A_530 = tpu.vector_load %arg14[%swap3A_528, %swap3A_529] {strides = array<i32>} : memref<640x32xf32, #tpu.memory_space<vmem>>, vector<1x16xf32>,
      %swap3A_531 = vector.shape_cast %swap3A_530 : vector<1x16xf32> to vector<16xf32>
      %swap3A_532 = vector.shape_cast %mul3A_527 : vector<16xf32> to vector<1x16xf32>
      tpu.vector_store %arg14[%swap3A_528, %swap3A_529], %swap3A_532 {strides = array<i32>} : memref<640x32xf32, #tpu.memory_space<vmem>>, vector<1x16xf32>,
      %mul3A_533 = arith.constant 16 : i32
      %mul3A_534 = arith.muli %scan3A_166, %mul3A_533 : i32
      %add3A_535 = arith.constant 13 : i32
      %add3A_536 = arith.addi %mul3A_534, %add3A_535 : i32
      %slice3A_537 = vector.extract_strided_slice %get3A_171 {offsets = [13], sizes = [1], strides = [1]} : vector<16xf32> to vector<1xf32>
      %squeeze3A_538 = vector.extract %slice3A_537[0] : f32 from vector<1xf32>
      %get3A_539 = arith.index_cast %add3A_536 : i32 to index
      %get3A_540 = arith.constant 0 : index
      %get3A_541 = tpu.vector_load %arg14[%get3A_539, %get3A_540] {strides = array<i32>} : memref<640x32xf32, #tpu.memory_space<vmem>>, vector<1x16xf32>,
      %get3A_542 = vector.shape_cast %get3A_541 : vector<1x16xf32> to vector<16xf32>
      %mul3A_543 = vector.broadcast %squeeze3A_538 : f32 to vector<16xf32>
      %mul3A_544 = arith.mulf %get3A_542, %mul3A_543 : vector<16xf32>
      %swap3A_545 = arith.index_cast %add3A_536 : i32 to index
      %swap3A_546 = arith.constant 0 : index
      %swap3A_547 = tpu.vector_load %arg14[%swap3A_545, %swap3A_546] {strides = array<i32>} : memref<640x32xf32, #tpu.memory_space<vmem>>, vector<1x16xf32>,
      %swap3A_548 = vector.shape_cast %swap3A_547 : vector<1x16xf32> to vector<16xf32>
      %swap3A_549 = vector.shape_cast %mul3A_544 : vector<16xf32> to vector<1x16xf32>
      tpu.vector_store %arg14[%swap3A_545, %swap3A_546], %swap3A_549 {strides = array<i32>} : memref<640x32xf32, #tpu.memory_space<vmem>>, vector<1x16xf32>,
      %get3A_550 = arith.index_cast %add3A_536 : i32 to index
      %get3A_551 = arith.constant 16 : index
      %get3A_552 = tpu.vector_load %arg14[%get3A_550, %get3A_551] {strides = array<i32>} : memref<640x32xf32, #tpu.memory_space<vmem>>, vector<1x16xf32>,
      %get3A_553 = vector.shape_cast %get3A_552 : vector<1x16xf32> to vector<16xf32>
      %mul3A_554 = vector.broadcast %squeeze3A_538 : f32 to vector<16xf32>
      %mul3A_555 = arith.mulf %get3A_553, %mul3A_554 : vector<16xf32>
      %swap3A_556 = arith.index_cast %add3A_536 : i32 to index
      %swap3A_557 = arith.constant 16 : index
      %swap3A_558 = tpu.vector_load %arg14[%swap3A_556, %swap3A_557] {strides = array<i32>} : memref<640x32xf32, #tpu.memory_space<vmem>>, vector<1x16xf32>,
      %swap3A_559 = vector.shape_cast %swap3A_558 : vector<1x16xf32> to vector<16xf32>
      %swap3A_560 = vector.shape_cast %mul3A_555 : vector<16xf32> to vector<1x16xf32>
      tpu.vector_store %arg14[%swap3A_556, %swap3A_557], %swap3A_560 {strides = array<i32>} : memref<640x32xf32, #tpu.memory_space<vmem>>, vector<1x16xf32>,
      %mul3A_561 = arith.constant 16 : i32
      %mul3A_562 = arith.muli %scan3A_166, %mul3A_561 : i32
      %add3A_563 = arith.constant 14 : i32
      %add3A_564 = arith.addi %mul3A_562, %add3A_563 : i32
      %slice3A_565 = vector.extract_strided_slice %get3A_171 {offsets = [14], sizes = [1], strides = [1]} : vector<16xf32> to vector<1xf32>
      %squeeze3A_566 = vector.extract %slice3A_565[0] : f32 from vector<1xf32>
      %get3A_567 = arith.index_cast %add3A_564 : i32 to index
      %get3A_568 = arith.constant 0 : index
      %get3A_569 = tpu.vector_load %arg14[%get3A_567, %get3A_568] {strides = array<i32>} : memref<640x32xf32, #tpu.memory_space<vmem>>, vector<1x16xf32>,
      %get3A_570 = vector.shape_cast %get3A_569 : vector<1x16xf32> to vector<16xf32>
      %mul3A_571 = vector.broadcast %squeeze3A_566 : f32 to vector<16xf32>
      %mul3A_572 = arith.mulf %get3A_570, %mul3A_571 : vector<16xf32>
      %swap3A_573 = arith.index_cast %add3A_564 : i32 to index
      %swap3A_574 = arith.constant 0 : index
      %swap3A_575 = tpu.vector_load %arg14[%swap3A_573, %swap3A_574] {strides = array<i32>} : memref<640x32xf32, #tpu.memory_space<vmem>>, vector<1x16xf32>,
      %swap3A_576 = vector.shape_cast %swap3A_575 : vector<1x16xf32> to vector<16xf32>
      %swap3A_577 = vector.shape_cast %mul3A_572 : vector<16xf32> to vector<1x16xf32>
      tpu.vector_store %arg14[%swap3A_573, %swap3A_574], %swap3A_577 {strides = array<i32>} : memref<640x32xf32, #tpu.memory_space<vmem>>, vector<1x16xf32>,
      %get3A_578 = arith.index_cast %add3A_564 : i32 to index
      %get3A_579 = arith.constant 16 : index
      %get3A_580 = tpu.vector_load %arg14[%get3A_578, %get3A_579] {strides = array<i32>} : memref<640x32xf32, #tpu.memory_space<vmem>>, vector<1x16xf32>,
      %get3A_581 = vector.shape_cast %get3A_580 : vector<1x16xf32> to vector<16xf32>
      %mul3A_582 = vector.broadcast %squeeze3A_566 : f32 to vector<16xf32>
      %mul3A_583 = arith.mulf %get3A_581, %mul3A_582 : vector<16xf32>
      %swap3A_584 = arith.index_cast %add3A_564 : i32 to index
      %swap3A_585 = arith.constant 16 : index
      %swap3A_586 = tpu.vector_load %arg14[%swap3A_584, %swap3A_585] {strides = array<i32>} : memref<640x32xf32, #tpu.memory_space<vmem>>, vector<1x16xf32>,
      %swap3A_587 = vector.shape_cast %swap3A_586 : vector<1x16xf32> to vector<16xf32>
      %swap3A_588 = vector.shape_cast %mul3A_583 : vector<16xf32> to vector<1x16xf32>
      tpu.vector_store %arg14[%swap3A_584, %swap3A_585], %swap3A_588 {strides = array<i32>} : memref<640x32xf32, #tpu.memory_space<vmem>>, vector<1x16xf32>,
      %mul3A_589 = arith.constant 16 : i32
      %mul3A_590 = arith.muli %scan3A_166, %mul3A_589 : i32
      %add3A_591 = arith.constant 15 : i32
      %add3A_592 = arith.addi %mul3A_590, %add3A_591 : i32
      %slice3A_593 = vector.extract_strided_slice %get3A_171 {offsets = [15], sizes = [1], strides = [1]} : vector<16xf32> to vector<1xf32>
      %squeeze3A_594 = vector.extract %slice3A_593[0] : f32 from vector<1xf32>
      %get3A_595 = arith.index_cast %add3A_592 : i32 to index
      %get3A_596 = arith.constant 0 : index
      %get3A_597 = tpu.vector_load %arg14[%get3A_595, %get3A_596] {strides = array<i32>} : memref<640x32xf32, #tpu.memory_space<vmem>>, vector<1x16xf32>,
      %get3A_598 = vector.shape_cast %get3A_597 : vector<1x16xf32> to vector<16xf32>
      %mul3A_599 = vector.broadcast %squeeze3A_594 : f32 to vector<16xf32>
      %mul3A_600 = arith.mulf %get3A_598, %mul3A_599 : vector<16xf32>
      %swap3A_601 = arith.index_cast %add3A_592 : i32 to index
      %swap3A_602 = arith.constant 0 : index
      %swap3A_603 = tpu.vector_load %arg14[%swap3A_601, %swap3A_602] {strides = array<i32>} : memref<640x32xf32, #tpu.memory_space<vmem>>, vector<1x16xf32>,
      %swap3A_604 = vector.shape_cast %swap3A_603 : vector<1x16xf32> to vector<16xf32>
      %swap3A_605 = vector.shape_cast %mul3A_600 : vector<16xf32> to vector<1x16xf32>
      tpu.vector_store %arg14[%swap3A_601, %swap3A_602], %swap3A_605 {strides = array<i32>} : memref<640x32xf32, #tpu.memory_space<vmem>>, vector<1x16xf32>,
      %get3A_606 = arith.index_cast %add3A_592 : i32 to index
      %get3A_607 = arith.constant 16 : index
      %get3A_608 = tpu.vector_load %arg14[%get3A_606, %get3A_607] {strides = array<i32>} : memref<640x32xf32, #tpu.memory_space<vmem>>, vector<1x16xf32>,
      %get3A_609 = vector.shape_cast %get3A_608 : vector<1x16xf32> to vector<16xf32>
      %mul3A_610 = vector.broadcast %squeeze3A_594 : f32 to vector<16xf32>
      %mul3A_611 = arith.mulf %get3A_609, %mul3A_610 : vector<16xf32>
      %swap3A_612 = arith.index_cast %add3A_592 : i32 to index
      %swap3A_613 = arith.constant 16 : index
      %swap3A_614 = tpu.vector_load %arg14[%swap3A_612, %swap3A_613] {strides = array<i32>} : memref<640x32xf32, #tpu.memory_space<vmem>>, vector<1x16xf32>,
      %swap3A_615 = vector.shape_cast %swap3A_614 : vector<1x16xf32> to vector<16xf32>
      %swap3A_616 = vector.shape_cast %mul3A_611 : vector<16xf32> to vector<1x16xf32>
      tpu.vector_store %arg14[%swap3A_612, %swap3A_613], %swap3A_616 {strides = array<i32>} : memref<640x32xf32, #tpu.memory_space<vmem>>, vector<1x16xf32>,
      %scan3A_617 = arith.constant 0 : i32
      scf.yield %scan3A_617 : i32
    }
    %scan3A_87 = arith.constant 40 : i32
    "tpu.region"() ({
      %run_scoped3A = tpu.sem_alloc : memref<!tpu.dma_semaphore, #tpu.memory_space<semaphore_mem>>
      %dma_start3A_166 = arith.constant 0 : i32
      %dma_start3A_167 = tpu.memref_slice %arg17[%mul3A_0, %dma_start3A_166] : memref<10240x32xf32, #tpu.memory_space<vmem_shared>> -> memref<640x32xf32, #tpu.memory_space<vmem_shared>>
      %dma_start3A_168 = arith.constant 0 : i32
      %dma_start3A_169 = tpu.memref_slice %arg17[%mul3A_0, %dma_start3A_168] : memref<10240x32xf32, #tpu.memory_space<vmem_shared>> -> memref<640x32xf32, #tpu.memory_space<vmem_shared>>
      tpu.enqueue_dma source(%arg14 : memref<640x32xf32, #tpu.memory_space<vmem>>) target(%dma_start3A_169 : memref<640x32xf32, #tpu.memory_space<vmem_shared>>) target_semaphore(%run_scoped3A : memref<!tpu.dma_semaphore, #tpu.memory_space<semaphore_mem>>)
      %dma_wait3A_170 = arith.constant 0 : i32
      %dma_wait3A_171 = tpu.memref_slice %arg17[%mul3A_0, %dma_wait3A_170] : memref<10240x32xf32, #tpu.memory_space<vmem_shared>> -> memref<640x32xf32, #tpu.memory_space<vmem_shared>>
      %dma_wait3A_172 = arith.constant 0 : i32
      %dma_wait3A_173 = tpu.memref_slice %arg17[%mul3A_0, %dma_wait3A_172] : memref<10240x32xf32, #tpu.memory_space<vmem_shared>> -> memref<640x32xf32, #tpu.memory_space<vmem_shared>>
      tpu.wait_dma2 semaphore(%run_scoped3A : memref<!tpu.dma_semaphore, #tpu.memory_space<semaphore_mem>>) src(%arg14 : memref<640x32xf32, #tpu.memory_space<vmem>>) dst(%dma_wait3A_173 : memref<640x32xf32, #tpu.memory_space<vmem_shared>>)
      tpu.yield
    }) : () -> ()
    %scan3A_88 = arith.constant 0 : i32
    %scan3A_89 = arith.constant 0 : i32
    %scan3A_90 = arith.constant 128 : i32
    %scan3A_91 = arith.addi %scan3A_89, %scan3A_90 : i32
    %scan3A_92 = arith.constant 1 : i32
    %scan3A_93 = scf.for %scan3A_166 = %scan3A_89 to %scan3A_91 step %scan3A_92 iter_args(%scan3A_167 = %scan3A_88) -> (i32)  : i32 {
      %broadcast_in_dim3A = arith.constant 0.000000e+00 : f32
      %broadcast_in_dim3A_168 = vector.broadcast %broadcast_in_dim3A : f32 to vector<16xf32>
      %swap3A = arith.index_cast %scan3A_166 : i32 to index
      %swap3A_169 = arith.constant 0 : index
      %swap3A_170 = tpu.vector_load %arg10[%swap3A, %swap3A_169] {strides = array<i32>} : memref<128x32xf32, #tpu.memory_space<vmem>>, vector<1x16xf32>,
      %swap3A_171 = vector.shape_cast %swap3A_170 : vector<1x16xf32> to vector<16xf32>
      %swap3A_172 = vector.shape_cast %broadcast_in_dim3A_168 : vector<16xf32> to vector<1x16xf32>
      tpu.vector_store %arg10[%swap3A, %swap3A_169], %swap3A_172 {strides = array<i32>} : memref<128x32xf32, #tpu.memory_space<vmem>>, vector<1x16xf32>,
      %broadcast_in_dim3A_173 = arith.constant 0.000000e+00 : f32
      %broadcast_in_dim3A_174 = vector.broadcast %broadcast_in_dim3A_173 : f32 to vector<16xf32>
      %swap3A_175 = arith.index_cast %scan3A_166 : i32 to index
      %swap3A_176 = arith.constant 16 : index
      %swap3A_177 = tpu.vector_load %arg10[%swap3A_175, %swap3A_176] {strides = array<i32>} : memref<128x32xf32, #tpu.memory_space<vmem>>, vector<1x16xf32>,
      %swap3A_178 = vector.shape_cast %swap3A_177 : vector<1x16xf32> to vector<16xf32>
      %swap3A_179 = vector.shape_cast %broadcast_in_dim3A_174 : vector<16xf32> to vector<1x16xf32>
      tpu.vector_store %arg10[%swap3A_175, %swap3A_176], %swap3A_179 {strides = array<i32>} : memref<128x32xf32, #tpu.memory_space<vmem>>, vector<1x16xf32>,
      %scan3A_180 = arith.constant 0 : i32
      scf.yield %scan3A_180 : i32
    }
    %scan3A_94 = arith.constant 128 : i32
    %add3A_95 = arith.constant 0 : i32
    %add3A_96 = arith.addi %mul3A_0, %add3A_95 : i32
    "tpu.region"() ({
      %run_scoped3A = tpu.sem_alloc : memref<!tpu.dma_semaphore, #tpu.memory_space<semaphore_mem>>
      %dma_start3A_166 = arith.constant 0 : i32
      %dma_start3A_167 = tpu.memref_slice %arg16[%add3A_96, %dma_start3A_166] : memref<10240x32xf32, #tpu.memory_space<vmem_shared>> -> memref<128x32xf32, #tpu.memory_space<vmem_shared>>
      %dma_start3A_168 = arith.constant 0 : i32
      %dma_start3A_169 = tpu.memref_slice %arg16[%add3A_96, %dma_start3A_168] : memref<10240x32xf32, #tpu.memory_space<vmem_shared>> -> memref<128x32xf32, #tpu.memory_space<vmem_shared>>
      tpu.enqueue_dma source(%arg10 : memref<128x32xf32, #tpu.memory_space<vmem>>) target(%dma_start3A_169 : memref<128x32xf32, #tpu.memory_space<vmem_shared>>) target_semaphore(%run_scoped3A : memref<!tpu.dma_semaphore, #tpu.memory_space<semaphore_mem>>)
      %dma_wait3A_170 = arith.constant 0 : i32
      %dma_wait3A_171 = tpu.memref_slice %arg16[%add3A_96, %dma_wait3A_170] : memref<10240x32xf32, #tpu.memory_space<vmem_shared>> -> memref<128x32xf32, #tpu.memory_space<vmem_shared>>
      %dma_wait3A_172 = arith.constant 0 : i32
      %dma_wait3A_173 = tpu.memref_slice %arg16[%add3A_96, %dma_wait3A_172] : memref<10240x32xf32, #tpu.memory_space<vmem_shared>> -> memref<128x32xf32, #tpu.memory_space<vmem_shared>>
      tpu.wait_dma2 semaphore(%run_scoped3A : memref<!tpu.dma_semaphore, #tpu.memory_space<semaphore_mem>>) src(%arg10 : memref<128x32xf32, #tpu.memory_space<vmem>>) dst(%dma_wait3A_173 : memref<128x32xf32, #tpu.memory_space<vmem_shared>>)
      tpu.yield
    }) : () -> ()
    %add3A_97 = arith.constant 128 : i32
    %add3A_98 = arith.addi %mul3A_0, %add3A_97 : i32
    "tpu.region"() ({
      %run_scoped3A = tpu.sem_alloc : memref<!tpu.dma_semaphore, #tpu.memory_space<semaphore_mem>>
      %dma_start3A_166 = arith.constant 0 : i32
      %dma_start3A_167 = tpu.memref_slice %arg16[%add3A_98, %dma_start3A_166] : memref<10240x32xf32, #tpu.memory_space<vmem_shared>> -> memref<128x32xf32, #tpu.memory_space<vmem_shared>>
      %dma_start3A_168 = arith.constant 0 : i32
      %dma_start3A_169 = tpu.memref_slice %arg16[%add3A_98, %dma_start3A_168] : memref<10240x32xf32, #tpu.memory_space<vmem_shared>> -> memref<128x32xf32, #tpu.memory_space<vmem_shared>>
      tpu.enqueue_dma source(%arg10 : memref<128x32xf32, #tpu.memory_space<vmem>>) target(%dma_start3A_169 : memref<128x32xf32, #tpu.memory_space<vmem_shared>>) target_semaphore(%run_scoped3A : memref<!tpu.dma_semaphore, #tpu.memory_space<semaphore_mem>>)
      %dma_wait3A_170 = arith.constant 0 : i32
      %dma_wait3A_171 = tpu.memref_slice %arg16[%add3A_98, %dma_wait3A_170] : memref<10240x32xf32, #tpu.memory_space<vmem_shared>> -> memref<128x32xf32, #tpu.memory_space<vmem_shared>>
      %dma_wait3A_172 = arith.constant 0 : i32
      %dma_wait3A_173 = tpu.memref_slice %arg16[%add3A_98, %dma_wait3A_172] : memref<10240x32xf32, #tpu.memory_space<vmem_shared>> -> memref<128x32xf32, #tpu.memory_space<vmem_shared>>
      tpu.wait_dma2 semaphore(%run_scoped3A : memref<!tpu.dma_semaphore, #tpu.memory_space<semaphore_mem>>) src(%arg10 : memref<128x32xf32, #tpu.memory_space<vmem>>) dst(%dma_wait3A_173 : memref<128x32xf32, #tpu.memory_space<vmem_shared>>)
      tpu.yield
    }) : () -> ()
    %add3A_99 = arith.constant 256 : i32
    %add3A_100 = arith.addi %mul3A_0, %add3A_99 : i32
    "tpu.region"() ({
      %run_scoped3A = tpu.sem_alloc : memref<!tpu.dma_semaphore, #tpu.memory_space<semaphore_mem>>
      %dma_start3A_166 = arith.constant 0 : i32
      %dma_start3A_167 = tpu.memref_slice %arg16[%add3A_100, %dma_start3A_166] : memref<10240x32xf32, #tpu.memory_space<vmem_shared>> -> memref<128x32xf32, #tpu.memory_space<vmem_shared>>
      %dma_start3A_168 = arith.constant 0 : i32
      %dma_start3A_169 = tpu.memref_slice %arg16[%add3A_100, %dma_start3A_168] : memref<10240x32xf32, #tpu.memory_space<vmem_shared>> -> memref<128x32xf32, #tpu.memory_space<vmem_shared>>
      tpu.enqueue_dma source(%arg10 : memref<128x32xf32, #tpu.memory_space<vmem>>) target(%dma_start3A_169 : memref<128x32xf32, #tpu.memory_space<vmem_shared>>) target_semaphore(%run_scoped3A : memref<!tpu.dma_semaphore, #tpu.memory_space<semaphore_mem>>)
      %dma_wait3A_170 = arith.constant 0 : i32
      %dma_wait3A_171 = tpu.memref_slice %arg16[%add3A_100, %dma_wait3A_170] : memref<10240x32xf32, #tpu.memory_space<vmem_shared>> -> memref<128x32xf32, #tpu.memory_space<vmem_shared>>
      %dma_wait3A_172 = arith.constant 0 : i32
      %dma_wait3A_173 = tpu.memref_slice %arg16[%add3A_100, %dma_wait3A_172] : memref<10240x32xf32, #tpu.memory_space<vmem_shared>> -> memref<128x32xf32, #tpu.memory_space<vmem_shared>>
      tpu.wait_dma2 semaphore(%run_scoped3A : memref<!tpu.dma_semaphore, #tpu.memory_space<semaphore_mem>>) src(%arg10 : memref<128x32xf32, #tpu.memory_space<vmem>>) dst(%dma_wait3A_173 : memref<128x32xf32, #tpu.memory_space<vmem_shared>>)
      tpu.yield
    }) : () -> ()
    %add3A_101 = arith.constant 384 : i32
    %add3A_102 = arith.addi %mul3A_0, %add3A_101 : i32
    "tpu.region"() ({
      %run_scoped3A = tpu.sem_alloc : memref<!tpu.dma_semaphore, #tpu.memory_space<semaphore_mem>>
      %dma_start3A_166 = arith.constant 0 : i32
      %dma_start3A_167 = tpu.memref_slice %arg16[%add3A_102, %dma_start3A_166] : memref<10240x32xf32, #tpu.memory_space<vmem_shared>> -> memref<128x32xf32, #tpu.memory_space<vmem_shared>>
      %dma_start3A_168 = arith.constant 0 : i32
      %dma_start3A_169 = tpu.memref_slice %arg16[%add3A_102, %dma_start3A_168] : memref<10240x32xf32, #tpu.memory_space<vmem_shared>> -> memref<128x32xf32, #tpu.memory_space<vmem_shared>>
      tpu.enqueue_dma source(%arg10 : memref<128x32xf32, #tpu.memory_space<vmem>>) target(%dma_start3A_169 : memref<128x32xf32, #tpu.memory_space<vmem_shared>>) target_semaphore(%run_scoped3A : memref<!tpu.dma_semaphore, #tpu.memory_space<semaphore_mem>>)
      %dma_wait3A_170 = arith.constant 0 : i32
      %dma_wait3A_171 = tpu.memref_slice %arg16[%add3A_102, %dma_wait3A_170] : memref<10240x32xf32, #tpu.memory_space<vmem_shared>> -> memref<128x32xf32, #tpu.memory_space<vmem_shared>>
      %dma_wait3A_172 = arith.constant 0 : i32
      %dma_wait3A_173 = tpu.memref_slice %arg16[%add3A_102, %dma_wait3A_172] : memref<10240x32xf32, #tpu.memory_space<vmem_shared>> -> memref<128x32xf32, #tpu.memory_space<vmem_shared>>
      tpu.wait_dma2 semaphore(%run_scoped3A : memref<!tpu.dma_semaphore, #tpu.memory_space<semaphore_mem>>) src(%arg10 : memref<128x32xf32, #tpu.memory_space<vmem>>) dst(%dma_wait3A_173 : memref<128x32xf32, #tpu.memory_space<vmem_shared>>)
      tpu.yield
    }) : () -> ()
    %add3A_103 = arith.constant 512 : i32
    %add3A_104 = arith.addi %mul3A_0, %add3A_103 : i32
    "tpu.region"() ({
      %run_scoped3A = tpu.sem_alloc : memref<!tpu.dma_semaphore, #tpu.memory_space<semaphore_mem>>
      %dma_start3A_166 = arith.constant 0 : i32
      %dma_start3A_167 = tpu.memref_slice %arg16[%add3A_104, %dma_start3A_166] : memref<10240x32xf32, #tpu.memory_space<vmem_shared>> -> memref<128x32xf32, #tpu.memory_space<vmem_shared>>
      %dma_start3A_168 = arith.constant 0 : i32
      %dma_start3A_169 = tpu.memref_slice %arg16[%add3A_104, %dma_start3A_168] : memref<10240x32xf32, #tpu.memory_space<vmem_shared>> -> memref<128x32xf32, #tpu.memory_space<vmem_shared>>
      tpu.enqueue_dma source(%arg10 : memref<128x32xf32, #tpu.memory_space<vmem>>) target(%dma_start3A_169 : memref<128x32xf32, #tpu.memory_space<vmem_shared>>) target_semaphore(%run_scoped3A : memref<!tpu.dma_semaphore, #tpu.memory_space<semaphore_mem>>)
      %dma_wait3A_170 = arith.constant 0 : i32
      %dma_wait3A_171 = tpu.memref_slice %arg16[%add3A_104, %dma_wait3A_170] : memref<10240x32xf32, #tpu.memory_space<vmem_shared>> -> memref<128x32xf32, #tpu.memory_space<vmem_shared>>
      %dma_wait3A_172 = arith.constant 0 : i32
      %dma_wait3A_173 = tpu.memref_slice %arg16[%add3A_104, %dma_wait3A_172] : memref<10240x32xf32, #tpu.memory_space<vmem_shared>> -> memref<128x32xf32, #tpu.memory_space<vmem_shared>>
      tpu.wait_dma2 semaphore(%run_scoped3A : memref<!tpu.dma_semaphore, #tpu.memory_space<semaphore_mem>>) src(%arg10 : memref<128x32xf32, #tpu.memory_space<vmem>>) dst(%dma_wait3A_173 : memref<128x32xf32, #tpu.memory_space<vmem_shared>>)
      tpu.yield
    }) : () -> ()
    %barrier3A_105 = arith.constant 0 : index
    tpu.barrier barrier_id(%barrier3A_105)
    %dma_start3A_106 = arith.constant 0 : i32
    %dma_start3A_107 = arith.constant 0 : i32
    %dma_start3A_108 = tpu.memref_slice %arg9[%dma_start3A_106, %dma_start3A_107] : memref<160x128xi32, #tpu.memory_space<vmem>> -> memref<1x128xi32, #tpu.memory_space<vmem>>
    %dma_start3A_109 = tpu.memref_squeeze %dma_start3A_108 : memref<1x128xi32, #tpu.memory_space<vmem>> -> memref<128xi32, #tpu.memory_space<vmem>>
    %dma_start3A_110 = arith.constant 0 : i32
    %dma_start3A_111 = arith.constant 0 : i32
    %dma_start3A_112 = tpu.memref_slice %arg17[%dma_start3A_110, %dma_start3A_111] : memref<10240x32xf32, #tpu.memory_space<vmem_shared>> -> memref<10240x32xf32, #tpu.memory_space<vmem_shared>>
    tpu.enqueue_indirect_dma source(%dma_start3A_112 : memref<10240x32xf32, #tpu.memory_space<vmem_shared>>) target(%arg10 : memref<128x32xf32, #tpu.memory_space<vmem>>) offsets(%dma_start3A_109 : memref<128xi32, #tpu.memory_space<vmem>>) semaphore(%arg18 : memref<!tpu.dma_semaphore, #tpu.memory_space<semaphore_mem>>)
    %dma_start3A_113 = arith.constant 1 : i32
    %dma_start3A_114 = arith.constant 0 : i32
    %dma_start3A_115 = tpu.memref_slice %arg9[%dma_start3A_113, %dma_start3A_114] : memref<160x128xi32, #tpu.memory_space<vmem>> -> memref<1x128xi32, #tpu.memory_space<vmem>>
    %dma_start3A_116 = tpu.memref_squeeze %dma_start3A_115 : memref<1x128xi32, #tpu.memory_space<vmem>> -> memref<128xi32, #tpu.memory_space<vmem>>
    %dma_start3A_117 = arith.constant 0 : i32
    %dma_start3A_118 = arith.constant 0 : i32
    %dma_start3A_119 = tpu.memref_slice %arg17[%dma_start3A_117, %dma_start3A_118] : memref<10240x32xf32, #tpu.memory_space<vmem_shared>> -> memref<10240x32xf32, #tpu.memory_space<vmem_shared>>
    tpu.enqueue_indirect_dma source(%dma_start3A_119 : memref<10240x32xf32, #tpu.memory_space<vmem_shared>>) target(%arg11 : memref<128x32xf32, #tpu.memory_space<vmem>>) offsets(%dma_start3A_116 : memref<128xi32, #tpu.memory_space<vmem>>) semaphore(%arg19 : memref<!tpu.dma_semaphore, #tpu.memory_space<semaphore_mem>>)
    %scan3A_120 = arith.constant 0 : i32
    %scan3A_121 = arith.constant 0 : i32
    %scan3A_122 = arith.constant 79 : i32
    %scan3A_123 = arith.addi %scan3A_121, %scan3A_122 : i32
    %scan3A_124 = arith.constant 1 : i32
    %scan3A_125 = scf.for %scan3A_166 = %scan3A_121 to %scan3A_123 step %scan3A_124 iter_args(%scan3A_167 = %scan3A_120) -> (i32)  : i32 {
      %mul3A_168 = arith.constant 2 : i32
      %mul3A_169 = arith.muli %mul3A_168, %scan3A_166 : i32
      %dma_wait3A_170 = arith.constant 0 : i32
      %dma_wait3A_171 = arith.constant 0 : i32
      %dma_wait3A_172 = tpu.memref_slice %arg2[%dma_wait3A_170, %dma_wait3A_171] : memref<10240x32xf32, #tpu.memory_space<hbm>> -> memref<128x32xf32, #tpu.memory_space<hbm>>
      %dma_wait3A_173 = arith.constant 0 : i32
      %dma_wait3A_174 = arith.constant 0 : i32
      %dma_wait3A_175 = tpu.memref_slice %arg2[%dma_wait3A_173, %dma_wait3A_174] : memref<10240x32xf32, #tpu.memory_space<hbm>> -> memref<128x32xf32, #tpu.memory_space<hbm>>
      tpu.wait_dma2 semaphore(%arg18 : memref<!tpu.dma_semaphore, #tpu.memory_space<semaphore_mem>>) src(%dma_wait3A_175 : memref<128x32xf32, #tpu.memory_space<hbm>>) dst(%arg10 : memref<128x32xf32, #tpu.memory_space<vmem>>)
      %add3A_176 = arith.constant 0 : i32
      %add3A_177 = arith.addi %mul3A_169, %add3A_176 : i32
      %dma_start3A_178 = arith.constant 0 : i32
      %dma_start3A_179 = tpu.memref_slice %arg8[%add3A_177, %dma_start3A_178] : memref<160x128xi32, #tpu.memory_space<vmem>> -> memref<1x128xi32, #tpu.memory_space<vmem>>
      %dma_start3A_180 = tpu.memref_squeeze %dma_start3A_179 : memref<1x128xi32, #tpu.memory_space<vmem>> -> memref<128xi32, #tpu.memory_space<vmem>>
      %dma_start3A_181 = arith.constant 0 : i32
      %dma_start3A_182 = arith.constant 0 : i32
      %dma_start3A_183 = tpu.memref_slice %arg16[%dma_start3A_181, %dma_start3A_182] : memref<10240x32xf32, #tpu.memory_space<vmem_shared>> -> memref<10240x32xf32, #tpu.memory_space<vmem_shared>>
      tpu.enqueue_indirect_dma source(%arg10 : memref<128x32xf32, #tpu.memory_space<vmem>>) target(%dma_start3A_183 : memref<10240x32xf32, #tpu.memory_space<vmem_shared>>) offsets(%dma_start3A_180 : memref<128xi32, #tpu.memory_space<vmem>>) semaphore(%arg22 : memref<!tpu.dma_semaphore, #tpu.memory_space<semaphore_mem>>) {add = true}
      %dma_wait3A_184 = arith.constant 0 : i32
      %dma_wait3A_185 = arith.constant 0 : i32
      %dma_wait3A_186 = tpu.memref_slice %arg2[%dma_wait3A_184, %dma_wait3A_185] : memref<10240x32xf32, #tpu.memory_space<hbm>> -> memref<128x32xf32, #tpu.memory_space<hbm>>
      %dma_wait3A_187 = arith.constant 0 : i32
      %dma_wait3A_188 = arith.constant 0 : i32
      %dma_wait3A_189 = tpu.memref_slice %arg2[%dma_wait3A_187, %dma_wait3A_188] : memref<10240x32xf32, #tpu.memory_space<hbm>> -> memref<128x32xf32, #tpu.memory_space<hbm>>
      tpu.wait_dma2 semaphore(%arg19 : memref<!tpu.dma_semaphore, #tpu.memory_space<semaphore_mem>>) src(%dma_wait3A_189 : memref<128x32xf32, #tpu.memory_space<hbm>>) dst(%arg11 : memref<128x32xf32, #tpu.memory_space<vmem>>)
      %add3A_190 = arith.constant 1 : i32
      %add3A_191 = arith.addi %mul3A_169, %add3A_190 : i32
      %dma_start3A_192 = arith.constant 0 : i32
      %dma_start3A_193 = tpu.memref_slice %arg8[%add3A_191, %dma_start3A_192] : memref<160x128xi32, #tpu.memory_space<vmem>> -> memref<1x128xi32, #tpu.memory_space<vmem>>
      %dma_start3A_194 = tpu.memref_squeeze %dma_start3A_193 : memref<1x128xi32, #tpu.memory_space<vmem>> -> memref<128xi32, #tpu.memory_space<vmem>>
      %dma_start3A_195 = arith.constant 0 : i32
      %dma_start3A_196 = arith.constant 0 : i32
      %dma_start3A_197 = tpu.memref_slice %arg16[%dma_start3A_195, %dma_start3A_196] : memref<10240x32xf32, #tpu.memory_space<vmem_shared>> -> memref<10240x32xf32, #tpu.memory_space<vmem_shared>>
      tpu.enqueue_indirect_dma source(%arg11 : memref<128x32xf32, #tpu.memory_space<vmem>>) target(%dma_start3A_197 : memref<10240x32xf32, #tpu.memory_space<vmem_shared>>) offsets(%dma_start3A_194 : memref<128xi32, #tpu.memory_space<vmem>>) semaphore(%arg23 : memref<!tpu.dma_semaphore, #tpu.memory_space<semaphore_mem>>) {add = true}
      %dma_wait3A_198 = arith.constant 0 : i32
      %dma_wait3A_199 = arith.constant 0 : i32
      %dma_wait3A_200 = tpu.memref_slice %arg2[%dma_wait3A_198, %dma_wait3A_199] : memref<10240x32xf32, #tpu.memory_space<hbm>> -> memref<128x32xf32, #tpu.memory_space<hbm>>
      %dma_wait3A_201 = arith.constant 0 : i32
      %dma_wait3A_202 = arith.constant 0 : i32
      %dma_wait3A_203 = tpu.memref_slice %arg2[%dma_wait3A_201, %dma_wait3A_202] : memref<10240x32xf32, #tpu.memory_space<hbm>> -> memref<128x32xf32, #tpu.memory_space<hbm>>
      tpu.wait_dma2 semaphore(%arg22 : memref<!tpu.dma_semaphore, #tpu.memory_space<semaphore_mem>>) src(%dma_wait3A_203 : memref<128x32xf32, #tpu.memory_space<hbm>>) dst(%arg10 : memref<128x32xf32, #tpu.memory_space<vmem>>)
      %add3A_204 = arith.constant 2 : i32
      %add3A_205 = arith.addi %mul3A_169, %add3A_204 : i32
      %add3A_206 = arith.constant 0 : i32
      %add3A_207 = arith.addi %add3A_205, %add3A_206 : i32
      %dma_start3A_208 = arith.constant 0 : i32
      %dma_start3A_209 = tpu.memref_slice %arg9[%add3A_207, %dma_start3A_208] : memref<160x128xi32, #tpu.memory_space<vmem>> -> memref<1x128xi32, #tpu.memory_space<vmem>>
      %dma_start3A_210 = tpu.memref_squeeze %dma_start3A_209 : memref<1x128xi32, #tpu.memory_space<vmem>> -> memref<128xi32, #tpu.memory_space<vmem>>
      %dma_start3A_211 = arith.constant 0 : i32
      %dma_start3A_212 = arith.constant 0 : i32
      %dma_start3A_213 = tpu.memref_slice %arg17[%dma_start3A_211, %dma_start3A_212] : memref<10240x32xf32, #tpu.memory_space<vmem_shared>> -> memref<10240x32xf32, #tpu.memory_space<vmem_shared>>
      tpu.enqueue_indirect_dma source(%dma_start3A_213 : memref<10240x32xf32, #tpu.memory_space<vmem_shared>>) target(%arg10 : memref<128x32xf32, #tpu.memory_space<vmem>>) offsets(%dma_start3A_210 : memref<128xi32, #tpu.memory_space<vmem>>) semaphore(%arg18 : memref<!tpu.dma_semaphore, #tpu.memory_space<semaphore_mem>>)
      %dma_wait3A_214 = arith.constant 0 : i32
      %dma_wait3A_215 = arith.constant 0 : i32
      %dma_wait3A_216 = tpu.memref_slice %arg2[%dma_wait3A_214, %dma_wait3A_215] : memref<10240x32xf32, #tpu.memory_space<hbm>> -> memref<128x32xf32, #tpu.memory_space<hbm>>
      %dma_wait3A_217 = arith.constant 0 : i32
      %dma_wait3A_218 = arith.constant 0 : i32
      %dma_wait3A_219 = tpu.memref_slice %arg2[%dma_wait3A_217, %dma_wait3A_218] : memref<10240x32xf32, #tpu.memory_space<hbm>> -> memref<128x32xf32, #tpu.memory_space<hbm>>
      tpu.wait_dma2 semaphore(%arg23 : memref<!tpu.dma_semaphore, #tpu.memory_space<semaphore_mem>>) src(%dma_wait3A_219 : memref<128x32xf32, #tpu.memory_space<hbm>>) dst(%arg11 : memref<128x32xf32, #tpu.memory_space<vmem>>)
      %add3A_220 = arith.constant 2 : i32
      %add3A_221 = arith.addi %mul3A_169, %add3A_220 : i32
      %add3A_222 = arith.constant 1 : i32
      %add3A_223 = arith.addi %add3A_221, %add3A_222 : i32
      %dma_start3A_224 = arith.constant 0 : i32
      %dma_start3A_225 = tpu.memref_slice %arg9[%add3A_223, %dma_start3A_224] : memref<160x128xi32, #tpu.memory_space<vmem>> -> memref<1x128xi32, #tpu.memory_space<vmem>>
      %dma_start3A_226 = tpu.memref_squeeze %dma_start3A_225 : memref<1x128xi32, #tpu.memory_space<vmem>> -> memref<128xi32, #tpu.memory_space<vmem>>
      %dma_start3A_227 = arith.constant 0 : i32
      %dma_start3A_228 = arith.constant 0 : i32
      %dma_start3A_229 = tpu.memref_slice %arg17[%dma_start3A_227, %dma_start3A_228] : memref<10240x32xf32, #tpu.memory_space<vmem_shared>> -> memref<10240x32xf32, #tpu.memory_space<vmem_shared>>
      tpu.enqueue_indirect_dma source(%dma_start3A_229 : memref<10240x32xf32, #tpu.memory_space<vmem_shared>>) target(%arg11 : memref<128x32xf32, #tpu.memory_space<vmem>>) offsets(%dma_start3A_226 : memref<128xi32, #tpu.memory_space<vmem>>) semaphore(%arg19 : memref<!tpu.dma_semaphore, #tpu.memory_space<semaphore_mem>>)
      %scan3A_230 = arith.constant 0 : i32
      scf.yield %scan3A_230 : i32
    }
    %scan3A_126 = arith.constant 79 : i32
    %dma_wait3A_127 = arith.constant 0 : i32
    %dma_wait3A_128 = arith.constant 0 : i32
    %dma_wait3A_129 = tpu.memref_slice %arg2[%dma_wait3A_127, %dma_wait3A_128] : memref<10240x32xf32, #tpu.memory_space<hbm>> -> memref<128x32xf32, #tpu.memory_space<hbm>>
    %dma_wait3A_130 = arith.constant 0 : i32
    %dma_wait3A_131 = arith.constant 0 : i32
    %dma_wait3A_132 = tpu.memref_slice %arg2[%dma_wait3A_130, %dma_wait3A_131] : memref<10240x32xf32, #tpu.memory_space<hbm>> -> memref<128x32xf32, #tpu.memory_space<hbm>>
    tpu.wait_dma2 semaphore(%arg18 : memref<!tpu.dma_semaphore, #tpu.memory_space<semaphore_mem>>) src(%dma_wait3A_132 : memref<128x32xf32, #tpu.memory_space<hbm>>) dst(%arg10 : memref<128x32xf32, #tpu.memory_space<vmem>>)
    %dma_start3A_133 = arith.constant 158 : i32
    %dma_start3A_134 = arith.constant 0 : i32
    %dma_start3A_135 = tpu.memref_slice %arg8[%dma_start3A_133, %dma_start3A_134] : memref<160x128xi32, #tpu.memory_space<vmem>> -> memref<1x128xi32, #tpu.memory_space<vmem>>
    %dma_start3A_136 = tpu.memref_squeeze %dma_start3A_135 : memref<1x128xi32, #tpu.memory_space<vmem>> -> memref<128xi32, #tpu.memory_space<vmem>>
    %dma_start3A_137 = arith.constant 0 : i32
    %dma_start3A_138 = arith.constant 0 : i32
    %dma_start3A_139 = tpu.memref_slice %arg16[%dma_start3A_137, %dma_start3A_138] : memref<10240x32xf32, #tpu.memory_space<vmem_shared>> -> memref<10240x32xf32, #tpu.memory_space<vmem_shared>>
    tpu.enqueue_indirect_dma source(%arg10 : memref<128x32xf32, #tpu.memory_space<vmem>>) target(%dma_start3A_139 : memref<10240x32xf32, #tpu.memory_space<vmem_shared>>) offsets(%dma_start3A_136 : memref<128xi32, #tpu.memory_space<vmem>>) semaphore(%arg22 : memref<!tpu.dma_semaphore, #tpu.memory_space<semaphore_mem>>) {add = true}
    %dma_wait3A_140 = arith.constant 0 : i32
    %dma_wait3A_141 = arith.constant 0 : i32
    %dma_wait3A_142 = tpu.memref_slice %arg2[%dma_wait3A_140, %dma_wait3A_141] : memref<10240x32xf32, #tpu.memory_space<hbm>> -> memref<128x32xf32, #tpu.memory_space<hbm>>
    %dma_wait3A_143 = arith.constant 0 : i32
    %dma_wait3A_144 = arith.constant 0 : i32
    %dma_wait3A_145 = tpu.memref_slice %arg2[%dma_wait3A_143, %dma_wait3A_144] : memref<10240x32xf32, #tpu.memory_space<hbm>> -> memref<128x32xf32, #tpu.memory_space<hbm>>
    tpu.wait_dma2 semaphore(%arg19 : memref<!tpu.dma_semaphore, #tpu.memory_space<semaphore_mem>>) src(%dma_wait3A_145 : memref<128x32xf32, #tpu.memory_space<hbm>>) dst(%arg11 : memref<128x32xf32, #tpu.memory_space<vmem>>)
    %dma_start3A_146 = arith.constant 159 : i32
    %dma_start3A_147 = arith.constant 0 : i32
    %dma_start3A_148 = tpu.memref_slice %arg8[%dma_start3A_146, %dma_start3A_147] : memref<160x128xi32, #tpu.memory_space<vmem>> -> memref<1x128xi32, #tpu.memory_space<vmem>>
    %dma_start3A_149 = tpu.memref_squeeze %dma_start3A_148 : memref<1x128xi32, #tpu.memory_space<vmem>> -> memref<128xi32, #tpu.memory_space<vmem>>
    %dma_start3A_150 = arith.constant 0 : i32
    %dma_start3A_151 = arith.constant 0 : i32
    %dma_start3A_152 = tpu.memref_slice %arg16[%dma_start3A_150, %dma_start3A_151] : memref<10240x32xf32, #tpu.memory_space<vmem_shared>> -> memref<10240x32xf32, #tpu.memory_space<vmem_shared>>
    tpu.enqueue_indirect_dma source(%arg11 : memref<128x32xf32, #tpu.memory_space<vmem>>) target(%dma_start3A_152 : memref<10240x32xf32, #tpu.memory_space<vmem_shared>>) offsets(%dma_start3A_149 : memref<128xi32, #tpu.memory_space<vmem>>) semaphore(%arg23 : memref<!tpu.dma_semaphore, #tpu.memory_space<semaphore_mem>>) {add = true}
    %dma_wait3A_153 = arith.constant 0 : i32
    %dma_wait3A_154 = arith.constant 0 : i32
    %dma_wait3A_155 = tpu.memref_slice %arg2[%dma_wait3A_153, %dma_wait3A_154] : memref<10240x32xf32, #tpu.memory_space<hbm>> -> memref<128x32xf32, #tpu.memory_space<hbm>>
    %dma_wait3A_156 = arith.constant 0 : i32
    %dma_wait3A_157 = arith.constant 0 : i32
    %dma_wait3A_158 = tpu.memref_slice %arg2[%dma_wait3A_156, %dma_wait3A_157] : memref<10240x32xf32, #tpu.memory_space<hbm>> -> memref<128x32xf32, #tpu.memory_space<hbm>>
    tpu.wait_dma2 semaphore(%arg22 : memref<!tpu.dma_semaphore, #tpu.memory_space<semaphore_mem>>) src(%dma_wait3A_158 : memref<128x32xf32, #tpu.memory_space<hbm>>) dst(%arg10 : memref<128x32xf32, #tpu.memory_space<vmem>>)
    %dma_wait3A_159 = arith.constant 0 : i32
    %dma_wait3A_160 = arith.constant 0 : i32
    %dma_wait3A_161 = tpu.memref_slice %arg2[%dma_wait3A_159, %dma_wait3A_160] : memref<10240x32xf32, #tpu.memory_space<hbm>> -> memref<128x32xf32, #tpu.memory_space<hbm>>
    %dma_wait3A_162 = arith.constant 0 : i32
    %dma_wait3A_163 = arith.constant 0 : i32
    %dma_wait3A_164 = tpu.memref_slice %arg2[%dma_wait3A_162, %dma_wait3A_163] : memref<10240x32xf32, #tpu.memory_space<hbm>> -> memref<128x32xf32, #tpu.memory_space<hbm>>
    tpu.wait_dma2 semaphore(%arg23 : memref<!tpu.dma_semaphore, #tpu.memory_space<semaphore_mem>>) src(%dma_wait3A_164 : memref<128x32xf32, #tpu.memory_space<hbm>>) dst(%arg11 : memref<128x32xf32, #tpu.memory_space<vmem>>)
    %barrier3A_165 = arith.constant 0 : index
    tpu.barrier barrier_id(%barrier3A_165)
    "tpu.region"() ({
      %run_scoped3A = tpu.sem_alloc : memref<!tpu.dma_semaphore, #tpu.memory_space<semaphore_mem>>
      %dma_start3A_166 = arith.constant 0 : i32
      %dma_start3A_167 = tpu.memref_slice %arg7[%arg0, %mul3A_0, %dma_start3A_166] : memref<2x10240x32xf32, #tpu.memory_space<hbm>> -> memref<1x640x32xf32, #tpu.memory_space<hbm>>
      %dma_start3A_168 = tpu.memref_squeeze %dma_start3A_167 : memref<1x640x32xf32, #tpu.memory_space<hbm>> -> memref<640x32xf32, #tpu.memory_space<hbm>>
      %dma_start3A_169 = arith.constant 0 : i32
      %dma_start3A_170 = tpu.memref_slice %arg16[%mul3A_0, %dma_start3A_169] : memref<10240x32xf32, #tpu.memory_space<vmem_shared>> -> memref<640x32xf32, #tpu.memory_space<vmem_shared>>
      tpu.enqueue_dma source(%dma_start3A_170 : memref<640x32xf32, #tpu.memory_space<vmem_shared>>) target(%dma_start3A_168 : memref<640x32xf32, #tpu.memory_space<hbm>>) target_semaphore(%run_scoped3A : memref<!tpu.dma_semaphore, #tpu.memory_space<semaphore_mem>>)
      %dma_wait3A_171 = arith.constant 0 : i32
      %dma_wait3A_172 = tpu.memref_slice %arg7[%arg0, %mul3A_0, %dma_wait3A_171] : memref<2x10240x32xf32, #tpu.memory_space<hbm>> -> memref<1x640x32xf32, #tpu.memory_space<hbm>>
      %dma_wait3A_173 = tpu.memref_squeeze %dma_wait3A_172 : memref<1x640x32xf32, #tpu.memory_space<hbm>> -> memref<640x32xf32, #tpu.memory_space<hbm>>
      %dma_wait3A_174 = arith.constant 0 : i32
      %dma_wait3A_175 = tpu.memref_slice %arg16[%mul3A_0, %dma_wait3A_174] : memref<10240x32xf32, #tpu.memory_space<vmem_shared>> -> memref<640x32xf32, #tpu.memory_space<vmem_shared>>
      tpu.wait_dma2 semaphore(%run_scoped3A : memref<!tpu.dma_semaphore, #tpu.memory_space<semaphore_mem>>) src(%dma_wait3A_175 : memref<640x32xf32, #tpu.memory_space<vmem_shared>>) dst(%dma_wait3A_173 : memref<640x32xf32, #tpu.memory_space<hbm>>)
      tpu.yield
    }) : () -> ()
    return
  }
}

#map = affine_map<(d0, d1) -> (0, 0)>
#map1 = affine_map<(d0, d1) -> (0, 0, 0)>
#map2 = affine_map<(d0, d1) -> (0)>
module attributes {stable_mosaic.version = 14 : i64} {
  func.func @_conv_body(%arg0: i32, %arg1: i32, %arg2: memref<10240x32xf32, #tpu.memory_space<hbm>>, %arg3: memref<10240x32xf32, #tpu.memory_space<hbm>>, %arg4: memref<16x160x128xi32, #tpu.memory_space<hbm>>, %arg5: memref<16x160x128xi32, #tpu.memory_space<hbm>>, %arg6: memref<10240xf32, #tpu.memory_space<hbm>>, %arg7: memref<2x10240x32xf32, #tpu.memory_space<hbm>>, %arg8: memref<160x128xi32, #tpu.memory_space<vmem>>, %arg9: memref<160x128xi32, #tpu.memory_space<vmem>>, %arg10: memref<128x32xf32, #tpu.memory_space<vmem>>, %arg11: memref<128x32xf32, #tpu.memory_space<vmem>>, %arg12: memref<128x32xf32, #tpu.memory_space<vmem>>, %arg13: memref<128x32xf32, #tpu.memory_space<vmem>>, %arg14: memref<640x32xf32, #tpu.memory_space<vmem>>, %arg15: memref<640xf32, #tpu.memory_space<vmem>>, %arg16: memref<10240x32xf32, #tpu.memory_space<vmem_shared>>, %arg17: memref<10240x32xf32, #tpu.memory_space<vmem_shared>>, %arg18: memref<!tpu.dma_semaphore, #tpu.memory_space<semaphore_mem>>, %arg19: memref<!tpu.dma_semaphore, #tpu.memory_space<semaphore_mem>>, %arg20: memref<!tpu.dma_semaphore, #tpu.memory_space<semaphore_mem>>, %arg21: memref<!tpu.dma_semaphore, #tpu.memory_space<semaphore_mem>>, %arg22: memref<!tpu.dma_semaphore, #tpu.memory_space<semaphore_mem>>, %arg23: memref<!tpu.dma_semaphore, #tpu.memory_space<semaphore_mem>>, %arg24: memref<!tpu.dma_semaphore, #tpu.memory_space<semaphore_mem>>, %arg25: memref<!tpu.dma_semaphore, #tpu.memory_space<semaphore_mem>>) attributes {dimension_semantics = [#tpu.dimension_semantics<core_parallel>, #tpu.dimension_semantics<subcore_parallel>], iteration_bounds = array<i64: 2, 16>, scalar_prefetch = 0 : i64, scratch_operands = 18 : i64, tpu.core_type = #tpu.core_type<sc_vector_subcore>, window_params = [{transform_indices = #map}, {transform_indices = #map}, {transform_indices = #map1}, {transform_indices = #map1}, {transform_indices = #map2}, {transform_indices = #map1}]} {
    %mul3A = arith.constant 640 : i32
    %mul3A_0 = arith.muli %arg1, %mul3A : i32
    "tpu.region"() ({
      %run_scoped3A = tpu.sem_alloc : memref<!tpu.dma_semaphore, #tpu.memory_space<semaphore_mem>>
      %dma_start3A_166 = arith.constant 0 : i32
      %dma_start3A_167 = arith.constant 0 : i32
      %dma_start3A_168 = tpu.memref_slice %arg4[%arg1, %dma_start3A_166, %dma_start3A_167] : memref<16x160x128xi32, #tpu.memory_space<hbm>> -> memref<1x160x128xi32, #tpu.memory_space<hbm>>
      %dma_start3A_169 = tpu.memref_squeeze %dma_start3A_168 : memref<1x160x128xi32, #tpu.memory_space<hbm>> -> memref<160x128xi32, #tpu.memory_space<hbm>>
      %dma_start3A_170 = arith.constant 0 : i32
      %dma_start3A_171 = arith.constant 0 : i32
      %dma_start3A_172 = tpu.memref_slice %arg4[%arg1, %dma_start3A_170, %dma_start3A_171] : memref<16x160x128xi32, #tpu.memory_space<hbm>> -> memref<1x160x128xi32, #tpu.memory_space<hbm>>
      %dma_start3A_173 = tpu.memref_squeeze %dma_start3A_172 : memref<1x160x128xi32, #tpu.memory_space<hbm>> -> memref<160x128xi32, #tpu.memory_space<hbm>>
      tpu.enqueue_dma source(%dma_start3A_173 : memref<160x128xi32, #tpu.memory_space<hbm>>) target(%arg8 : memref<160x128xi32, #tpu.memory_space<vmem>>) target_semaphore(%run_scoped3A : memref<!tpu.dma_semaphore, #tpu.memory_space<semaphore_mem>>)
      %dma_wait3A_174 = arith.constant 0 : i32
      %dma_wait3A_175 = arith.constant 0 : i32
      %dma_wait3A_176 = tpu.memref_slice %arg4[%arg1, %dma_wait3A_174, %dma_wait3A_175] : memref<16x160x128xi32, #tpu.memory_space<hbm>> -> memref<1x160x128xi32, #tpu.memory_space<hbm>>
      %dma_wait3A_177 = tpu.memref_squeeze %dma_wait3A_176 : memref<1x160x128xi32, #tpu.memory_space<hbm>> -> memref<160x128xi32, #tpu.memory_space<hbm>>
      %dma_wait3A_178 = arith.constant 0 : i32
      %dma_wait3A_179 = arith.constant 0 : i32
      %dma_wait3A_180 = tpu.memref_slice %arg4[%arg1, %dma_wait3A_178, %dma_wait3A_179] : memref<16x160x128xi32, #tpu.memory_space<hbm>> -> memref<1x160x128xi32, #tpu.memory_space<hbm>>
      %dma_wait3A_181 = tpu.memref_squeeze %dma_wait3A_180 : memref<1x160x128xi32, #tpu.memory_space<hbm>> -> memref<160x128xi32, #tpu.memory_space<hbm>>
      tpu.wait_dma2 semaphore(%run_scoped3A : memref<!tpu.dma_semaphore, #tpu.memory_space<semaphore_mem>>) src(%dma_wait3A_181 : memref<160x128xi32, #tpu.memory_space<hbm>>) dst(%arg8 : memref<160x128xi32, #tpu.memory_space<vmem>>)
      tpu.yield
    }) : () -> ()
    "tpu.region"() ({
      %run_scoped3A = tpu.sem_alloc : memref<!tpu.dma_semaphore, #tpu.memory_space<semaphore_mem>>
      %dma_start3A_166 = arith.constant 0 : i32
      %dma_start3A_167 = arith.constant 0 : i32
      %dma_start3A_168 = tpu.memref_slice %arg5[%arg1, %dma_start3A_166, %dma_start3A_167] : memref<16x160x128xi32, #tpu.memory_space<hbm>> -> memref<1x160x128xi32, #tpu.memory_space<hbm>>
      %dma_start3A_169 = tpu.memref_squeeze %dma_start3A_168 : memref<1x160x128xi32, #tpu.memory_space<hbm>> -> memref<160x128xi32, #tpu.memory_space<hbm>>
      %dma_start3A_170 = arith.constant 0 : i32
      %dma_start3A_171 = arith.constant 0 : i32
      %dma_start3A_172 = tpu.memref_slice %arg5[%arg1, %dma_start3A_170, %dma_start3A_171] : memref<16x160x128xi32, #tpu.memory_space<hbm>> -> memref<1x160x128xi32, #tpu.memory_space<hbm>>
      %dma_start3A_173 = tpu.memref_squeeze %dma_start3A_172 : memref<1x160x128xi32, #tpu.memory_space<hbm>> -> memref<160x128xi32, #tpu.memory_space<hbm>>
      tpu.enqueue_dma source(%dma_start3A_173 : memref<160x128xi32, #tpu.memory_space<hbm>>) target(%arg9 : memref<160x128xi32, #tpu.memory_space<vmem>>) target_semaphore(%run_scoped3A : memref<!tpu.dma_semaphore, #tpu.memory_space<semaphore_mem>>)
      %dma_wait3A_174 = arith.constant 0 : i32
      %dma_wait3A_175 = arith.constant 0 : i32
      %dma_wait3A_176 = tpu.memref_slice %arg5[%arg1, %dma_wait3A_174, %dma_wait3A_175] : memref<16x160x128xi32, #tpu.memory_space<hbm>> -> memref<1x160x128xi32, #tpu.memory_space<hbm>>
      %dma_wait3A_177 = tpu.memref_squeeze %dma_wait3A_176 : memref<1x160x128xi32, #tpu.memory_space<hbm>> -> memref<160x128xi32, #tpu.memory_space<hbm>>
      %dma_wait3A_178 = arith.constant 0 : i32
      %dma_wait3A_179 = arith.constant 0 : i32
      %dma_wait3A_180 = tpu.memref_slice %arg5[%arg1, %dma_wait3A_178, %dma_wait3A_179] : memref<16x160x128xi32, #tpu.memory_space<hbm>> -> memref<1x160x128xi32, #tpu.memory_space<hbm>>
      %dma_wait3A_181 = tpu.memref_squeeze %dma_wait3A_180 : memref<1x160x128xi32, #tpu.memory_space<hbm>> -> memref<160x128xi32, #tpu.memory_space<hbm>>
      tpu.wait_dma2 semaphore(%run_scoped3A : memref<!tpu.dma_semaphore, #tpu.memory_space<semaphore_mem>>) src(%dma_wait3A_181 : memref<160x128xi32, #tpu.memory_space<hbm>>) dst(%arg9 : memref<160x128xi32, #tpu.memory_space<vmem>>)
      tpu.yield
    }) : () -> ()
    "tpu.region"() ({
      %run_scoped3A = tpu.sem_alloc : memref<!tpu.dma_semaphore, #tpu.memory_space<semaphore_mem>>
      %dma_start3A_166 = tpu.memref_slice %arg6[%mul3A_0] : memref<10240xf32, #tpu.memory_space<hbm>> -> memref<640xf32, #tpu.memory_space<hbm>>
      %dma_start3A_167 = tpu.memref_slice %arg6[%mul3A_0] : memref<10240xf32, #tpu.memory_space<hbm>> -> memref<640xf32, #tpu.memory_space<hbm>>
      tpu.enqueue_dma source(%dma_start3A_167 : memref<640xf32, #tpu.memory_space<hbm>>) target(%arg15 : memref<640xf32, #tpu.memory_space<vmem>>) target_semaphore(%run_scoped3A : memref<!tpu.dma_semaphore, #tpu.memory_space<semaphore_mem>>)
      %dma_wait3A_168 = tpu.memref_slice %arg6[%mul3A_0] : memref<10240xf32, #tpu.memory_space<hbm>> -> memref<640xf32, #tpu.memory_space<hbm>>
      %dma_wait3A_169 = tpu.memref_slice %arg6[%mul3A_0] : memref<10240xf32, #tpu.memory_space<hbm>> -> memref<640xf32, #tpu.memory_space<hbm>>
      tpu.wait_dma2 semaphore(%run_scoped3A : memref<!tpu.dma_semaphore, #tpu.memory_space<semaphore_mem>>) src(%dma_wait3A_169 : memref<640xf32, #tpu.memory_space<hbm>>) dst(%arg15 : memref<640xf32, #tpu.memory_space<vmem>>)
      tpu.yield
    }) : () -> ()
    %eq3A = arith.constant 0 : i32
    %eq3A_1 = arith.cmpi eq, %arg0, %eq3A : i32
    %convert_element_type3A = arith.extui %eq3A_1 : i1 to i32
    %cond3A = arith.constant 0 : i32
    %cond3A_2 = arith.cmpi ne, %convert_element_type3A, %cond3A : i32
    scf.if %cond3A_2 {
      "tpu.region"() ({
        %run_scoped3A = tpu.sem_alloc : memref<!tpu.dma_semaphore, #tpu.memory_space<semaphore_mem>>
        %dma_start3A_166 = arith.constant 0 : i32
        %dma_start3A_167 = tpu.memref_slice %arg16[%mul3A_0, %dma_start3A_166] : memref<10240x32xf32, #tpu.memory_space<vmem_shared>> -> memref<640x32xf32, #tpu.memory_space<vmem_shared>>
        %dma_start3A_168 = arith.constant 0 : i32
        %dma_start3A_169 = tpu.memref_slice %arg2[%mul3A_0, %dma_start3A_168] : memref<10240x32xf32, #tpu.memory_space<hbm>> -> memref<640x32xf32, #tpu.memory_space<hbm>>
        tpu.enqueue_dma source(%dma_start3A_169 : memref<640x32xf32, #tpu.memory_space<hbm>>) target(%dma_start3A_167 : memref<640x32xf32, #tpu.memory_space<vmem_shared>>) target_semaphore(%run_scoped3A : memref<!tpu.dma_semaphore, #tpu.memory_space<semaphore_mem>>)
        %dma_wait3A_170 = arith.constant 0 : i32
        %dma_wait3A_171 = tpu.memref_slice %arg16[%mul3A_0, %dma_wait3A_170] : memref<10240x32xf32, #tpu.memory_space<vmem_shared>> -> memref<640x32xf32, #tpu.memory_space<vmem_shared>>
        %dma_wait3A_172 = arith.constant 0 : i32
        %dma_wait3A_173 = tpu.memref_slice %arg2[%mul3A_0, %dma_wait3A_172] : memref<10240x32xf32, #tpu.memory_space<hbm>> -> memref<640x32xf32, #tpu.memory_space<hbm>>
        tpu.wait_dma2 semaphore(%run_scoped3A : memref<!tpu.dma_semaphore, #tpu.memory_space<semaphore_mem>>) src(%dma_wait3A_173 : memref<640x32xf32, #tpu.memory_space<hbm>>) dst(%dma_wait3A_171 : memref<640x32xf32, #tpu.memory_space<vmem_shared>>)
        tpu.yield
      }) : () -> ()
    } else {
    }
    %eq3A_3 = arith.constant 1 : i32
    %eq3A_4 = arith.cmpi eq, %arg0, %eq3A_3 : i32
    %convert_element_type3A_5 = arith.extui %eq3A_4 : i1 to i32
    %cond3A_6 = arith.constant 0 : i32
    %cond3A_7 = arith.cmpi ne, %convert_element_type3A_5, %cond3A_6 : i32
    scf.if %cond3A_7 {
      "tpu.region"() ({
        %run_scoped3A = tpu.sem_alloc : memref<!tpu.dma_semaphore, #tpu.memory_space<semaphore_mem>>
        %dma_start3A_166 = arith.constant 0 : i32
        %dma_start3A_167 = tpu.memref_slice %arg16[%mul3A_0, %dma_start3A_166] : memref<10240x32xf32, #tpu.memory_space<vmem_shared>> -> memref<640x32xf32, #tpu.memory_space<vmem_shared>>
        %dma_start3A_168 = arith.constant 0 : i32
        %dma_start3A_169 = tpu.memref_slice %arg3[%mul3A_0, %dma_start3A_168] : memref<10240x32xf32, #tpu.memory_space<hbm>> -> memref<640x32xf32, #tpu.memory_space<hbm>>
        tpu.enqueue_dma source(%dma_start3A_169 : memref<640x32xf32, #tpu.memory_space<hbm>>) target(%dma_start3A_167 : memref<640x32xf32, #tpu.memory_space<vmem_shared>>) target_semaphore(%run_scoped3A : memref<!tpu.dma_semaphore, #tpu.memory_space<semaphore_mem>>)
        %dma_wait3A_170 = arith.constant 0 : i32
        %dma_wait3A_171 = tpu.memref_slice %arg16[%mul3A_0, %dma_wait3A_170] : memref<10240x32xf32, #tpu.memory_space<vmem_shared>> -> memref<640x32xf32, #tpu.memory_space<vmem_shared>>
        %dma_wait3A_172 = arith.constant 0 : i32
        %dma_wait3A_173 = tpu.memref_slice %arg3[%mul3A_0, %dma_wait3A_172] : memref<10240x32xf32, #tpu.memory_space<hbm>> -> memref<640x32xf32, #tpu.memory_space<hbm>>
        tpu.wait_dma2 semaphore(%run_scoped3A : memref<!tpu.dma_semaphore, #tpu.memory_space<semaphore_mem>>) src(%dma_wait3A_173 : memref<640x32xf32, #tpu.memory_space<hbm>>) dst(%dma_wait3A_171 : memref<640x32xf32, #tpu.memory_space<vmem_shared>>)
        tpu.yield
      }) : () -> ()
    } else {
    }
    %scan3A = arith.constant 0 : i32
    %scan3A_8 = arith.constant 0 : i32
    %scan3A_9 = arith.constant 128 : i32
    %scan3A_10 = arith.addi %scan3A_8, %scan3A_9 : i32
    %scan3A_11 = arith.constant 1 : i32
    %scan3A_12 = scf.for %scan3A_166 = %scan3A_8 to %scan3A_10 step %scan3A_11 iter_args(%scan3A_167 = %scan3A) -> (i32)  : i32 {
      %broadcast_in_dim3A = arith.constant 0.000000e+00 : f32
      %broadcast_in_dim3A_168 = vector.broadcast %broadcast_in_dim3A : f32 to vector<16xf32>
      %swap3A = arith.index_cast %scan3A_166 : i32 to index
      %swap3A_169 = arith.constant 0 : index
      %swap3A_170 = tpu.vector_load %arg10[%swap3A, %swap3A_169] {strides = array<i32>} : memref<128x32xf32, #tpu.memory_space<vmem>>, vector<1x16xf32>,
      %swap3A_171 = vector.shape_cast %swap3A_170 : vector<1x16xf32> to vector<16xf32>
      %swap3A_172 = vector.shape_cast %broadcast_in_dim3A_168 : vector<16xf32> to vector<1x16xf32>
      tpu.vector_store %arg10[%swap3A, %swap3A_169], %swap3A_172 {strides = array<i32>} : memref<128x32xf32, #tpu.memory_space<vmem>>, vector<1x16xf32>,
      %broadcast_in_dim3A_173 = arith.constant 0.000000e+00 : f32
      %broadcast_in_dim3A_174 = vector.broadcast %broadcast_in_dim3A_173 : f32 to vector<16xf32>
      %swap3A_175 = arith.index_cast %scan3A_166 : i32 to index
      %swap3A_176 = arith.constant 16 : index
      %swap3A_177 = tpu.vector_load %arg10[%swap3A_175, %swap3A_176] {strides = array<i32>} : memref<128x32xf32, #tpu.memory_space<vmem>>, vector<1x16xf32>,
      %swap3A_178 = vector.shape_cast %swap3A_177 : vector<1x16xf32> to vector<16xf32>
      %swap3A_179 = vector.shape_cast %broadcast_in_dim3A_174 : vector<16xf32> to vector<1x16xf32>
      tpu.vector_store %arg10[%swap3A_175, %swap3A_176], %swap3A_179 {strides = array<i32>} : memref<128x32xf32, #tpu.memory_space<vmem>>, vector<1x16xf32>,
      %scan3A_180 = arith.constant 0 : i32
      scf.yield %scan3A_180 : i32
    }
    %scan3A_13 = arith.constant 128 : i32
    %add3A = arith.constant 0 : i32
    %add3A_14 = arith.addi %mul3A_0, %add3A : i32
    "tpu.region"() ({
      %run_scoped3A = tpu.sem_alloc : memref<!tpu.dma_semaphore, #tpu.memory_space<semaphore_mem>>
      %dma_start3A_166 = arith.constant 0 : i32
      %dma_start3A_167 = tpu.memref_slice %arg17[%add3A_14, %dma_start3A_166] : memref<10240x32xf32, #tpu.memory_space<vmem_shared>> -> memref<128x32xf32, #tpu.memory_space<vmem_shared>>
      %dma_start3A_168 = arith.constant 0 : i32
      %dma_start3A_169 = tpu.memref_slice %arg17[%add3A_14, %dma_start3A_168] : memref<10240x32xf32, #tpu.memory_space<vmem_shared>> -> memref<128x32xf32, #tpu.memory_space<vmem_shared>>
      tpu.enqueue_dma source(%arg10 : memref<128x32xf32, #tpu.memory_space<vmem>>) target(%dma_start3A_169 : memref<128x32xf32, #tpu.memory_space<vmem_shared>>) target_semaphore(%run_scoped3A : memref<!tpu.dma_semaphore, #tpu.memory_space<semaphore_mem>>)
      %dma_wait3A_170 = arith.constant 0 : i32
      %dma_wait3A_171 = tpu.memref_slice %arg17[%add3A_14, %dma_wait3A_170] : memref<10240x32xf32, #tpu.memory_space<vmem_shared>> -> memref<128x32xf32, #tpu.memory_space<vmem_shared>>
      %dma_wait3A_172 = arith.constant 0 : i32
      %dma_wait3A_173 = tpu.memref_slice %arg17[%add3A_14, %dma_wait3A_172] : memref<10240x32xf32, #tpu.memory_space<vmem_shared>> -> memref<128x32xf32, #tpu.memory_space<vmem_shared>>
      tpu.wait_dma2 semaphore(%run_scoped3A : memref<!tpu.dma_semaphore, #tpu.memory_space<semaphore_mem>>) src(%arg10 : memref<128x32xf32, #tpu.memory_space<vmem>>) dst(%dma_wait3A_173 : memref<128x32xf32, #tpu.memory_space<vmem_shared>>)
      tpu.yield
    }) : () -> ()
    %add3A_15 = arith.constant 128 : i32
    %add3A_16 = arith.addi %mul3A_0, %add3A_15 : i32
    "tpu.region"() ({
      %run_scoped3A = tpu.sem_alloc : memref<!tpu.dma_semaphore, #tpu.memory_space<semaphore_mem>>
      %dma_start3A_166 = arith.constant 0 : i32
      %dma_start3A_167 = tpu.memref_slice %arg17[%add3A_16, %dma_start3A_166] : memref<10240x32xf32, #tpu.memory_space<vmem_shared>> -> memref<128x32xf32, #tpu.memory_space<vmem_shared>>
      %dma_start3A_168 = arith.constant 0 : i32
      %dma_start3A_169 = tpu.memref_slice %arg17[%add3A_16, %dma_start3A_168] : memref<10240x32xf32, #tpu.memory_space<vmem_shared>> -> memref<128x32xf32, #tpu.memory_space<vmem_shared>>
      tpu.enqueue_dma source(%arg10 : memref<128x32xf32, #tpu.memory_space<vmem>>) target(%dma_start3A_169 : memref<128x32xf32, #tpu.memory_space<vmem_shared>>) target_semaphore(%run_scoped3A : memref<!tpu.dma_semaphore, #tpu.memory_space<semaphore_mem>>)
      %dma_wait3A_170 = arith.constant 0 : i32
      %dma_wait3A_171 = tpu.memref_slice %arg17[%add3A_16, %dma_wait3A_170] : memref<10240x32xf32, #tpu.memory_space<vmem_shared>> -> memref<128x32xf32, #tpu.memory_space<vmem_shared>>
      %dma_wait3A_172 = arith.constant 0 : i32
      %dma_wait3A_173 = tpu.memref_slice %arg17[%add3A_16, %dma_wait3A_172] : memref<10240x32xf32, #tpu.memory_space<vmem_shared>> -> memref<128x32xf32, #tpu.memory_space<vmem_shared>>
      tpu.wait_dma2 semaphore(%run_scoped3A : memref<!tpu.dma_semaphore, #tpu.memory_space<semaphore_mem>>) src(%arg10 : memref<128x32xf32, #tpu.memory_space<vmem>>) dst(%dma_wait3A_173 : memref<128x32xf32, #tpu.memory_space<vmem_shared>>)
      tpu.yield
    }) : () -> ()
    %add3A_17 = arith.constant 256 : i32
    %add3A_18 = arith.addi %mul3A_0, %add3A_17 : i32
    "tpu.region"() ({
      %run_scoped3A = tpu.sem_alloc : memref<!tpu.dma_semaphore, #tpu.memory_space<semaphore_mem>>
      %dma_start3A_166 = arith.constant 0 : i32
      %dma_start3A_167 = tpu.memref_slice %arg17[%add3A_18, %dma_start3A_166] : memref<10240x32xf32, #tpu.memory_space<vmem_shared>> -> memref<128x32xf32, #tpu.memory_space<vmem_shared>>
      %dma_start3A_168 = arith.constant 0 : i32
      %dma_start3A_169 = tpu.memref_slice %arg17[%add3A_18, %dma_start3A_168] : memref<10240x32xf32, #tpu.memory_space<vmem_shared>> -> memref<128x32xf32, #tpu.memory_space<vmem_shared>>
      tpu.enqueue_dma source(%arg10 : memref<128x32xf32, #tpu.memory_space<vmem>>) target(%dma_start3A_169 : memref<128x32xf32, #tpu.memory_space<vmem_shared>>) target_semaphore(%run_scoped3A : memref<!tpu.dma_semaphore, #tpu.memory_space<semaphore_mem>>)
      %dma_wait3A_170 = arith.constant 0 : i32
      %dma_wait3A_171 = tpu.memref_slice %arg17[%add3A_18, %dma_wait3A_170] : memref<10240x32xf32, #tpu.memory_space<vmem_shared>> -> memref<128x32xf32, #tpu.memory_space<vmem_shared>>
      %dma_wait3A_172 = arith.constant 0 : i32
      %dma_wait3A_173 = tpu.memref_slice %arg17[%add3A_18, %dma_wait3A_172] : memref<10240x32xf32, #tpu.memory_space<vmem_shared>> -> memref<128x32xf32, #tpu.memory_space<vmem_shared>>
      tpu.wait_dma2 semaphore(%run_scoped3A : memref<!tpu.dma_semaphore, #tpu.memory_space<semaphore_mem>>) src(%arg10 : memref<128x32xf32, #tpu.memory_space<vmem>>) dst(%dma_wait3A_173 : memref<128x32xf32, #tpu.memory_space<vmem_shared>>)
      tpu.yield
    }) : () -> ()
    %add3A_19 = arith.constant 384 : i32
    %add3A_20 = arith.addi %mul3A_0, %add3A_19 : i32
    "tpu.region"() ({
      %run_scoped3A = tpu.sem_alloc : memref<!tpu.dma_semaphore, #tpu.memory_space<semaphore_mem>>
      %dma_start3A_166 = arith.constant 0 : i32
      %dma_start3A_167 = tpu.memref_slice %arg17[%add3A_20, %dma_start3A_166] : memref<10240x32xf32, #tpu.memory_space<vmem_shared>> -> memref<128x32xf32, #tpu.memory_space<vmem_shared>>
      %dma_start3A_168 = arith.constant 0 : i32
      %dma_start3A_169 = tpu.memref_slice %arg17[%add3A_20, %dma_start3A_168] : memref<10240x32xf32, #tpu.memory_space<vmem_shared>> -> memref<128x32xf32, #tpu.memory_space<vmem_shared>>
      tpu.enqueue_dma source(%arg10 : memref<128x32xf32, #tpu.memory_space<vmem>>) target(%dma_start3A_169 : memref<128x32xf32, #tpu.memory_space<vmem_shared>>) target_semaphore(%run_scoped3A : memref<!tpu.dma_semaphore, #tpu.memory_space<semaphore_mem>>)
      %dma_wait3A_170 = arith.constant 0 : i32
      %dma_wait3A_171 = tpu.memref_slice %arg17[%add3A_20, %dma_wait3A_170] : memref<10240x32xf32, #tpu.memory_space<vmem_shared>> -> memref<128x32xf32, #tpu.memory_space<vmem_shared>>
      %dma_wait3A_172 = arith.constant 0 : i32
      %dma_wait3A_173 = tpu.memref_slice %arg17[%add3A_20, %dma_wait3A_172] : memref<10240x32xf32, #tpu.memory_space<vmem_shared>> -> memref<128x32xf32, #tpu.memory_space<vmem_shared>>
      tpu.wait_dma2 semaphore(%run_scoped3A : memref<!tpu.dma_semaphore, #tpu.memory_space<semaphore_mem>>) src(%arg10 : memref<128x32xf32, #tpu.memory_space<vmem>>) dst(%dma_wait3A_173 : memref<128x32xf32, #tpu.memory_space<vmem_shared>>)
      tpu.yield
    }) : () -> ()
    %add3A_21 = arith.constant 512 : i32
    %add3A_22 = arith.addi %mul3A_0, %add3A_21 : i32
    "tpu.region"() ({
      %run_scoped3A = tpu.sem_alloc : memref<!tpu.dma_semaphore, #tpu.memory_space<semaphore_mem>>
      %dma_start3A_166 = arith.constant 0 : i32
      %dma_start3A_167 = tpu.memref_slice %arg17[%add3A_22, %dma_start3A_166] : memref<10240x32xf32, #tpu.memory_space<vmem_shared>> -> memref<128x32xf32, #tpu.memory_space<vmem_shared>>
      %dma_start3A_168 = arith.constant 0 : i32
      %dma_start3A_169 = tpu.memref_slice %arg17[%add3A_22, %dma_start3A_168] : memref<10240x32xf32, #tpu.memory_space<vmem_shared>> -> memref<128x32xf32, #tpu.memory_space<vmem_shared>>
      tpu.enqueue_dma source(%arg10 : memref<128x32xf32, #tpu.memory_space<vmem>>) target(%dma_start3A_169 : memref<128x32xf32, #tpu.memory_space<vmem_shared>>) target_semaphore(%run_scoped3A : memref<!tpu.dma_semaphore, #tpu.memory_space<semaphore_mem>>)
      %dma_wait3A_170 = arith.constant 0 : i32
      %dma_wait3A_171 = tpu.memref_slice %arg17[%add3A_22, %dma_wait3A_170] : memref<10240x32xf32, #tpu.memory_space<vmem_shared>> -> memref<128x32xf32, #tpu.memory_space<vmem_shared>>
      %dma_wait3A_172 = arith.constant 0 : i32
      %dma_wait3A_173 = tpu.memref_slice %arg17[%add3A_22, %dma_wait3A_172] : memref<10240x32xf32, #tpu.memory_space<vmem_shared>> -> memref<128x32xf32, #tpu.memory_space<vmem_shared>>
      tpu.wait_dma2 semaphore(%run_scoped3A : memref<!tpu.dma_semaphore, #tpu.memory_space<semaphore_mem>>) src(%arg10 : memref<128x32xf32, #tpu.memory_space<vmem>>) dst(%dma_wait3A_173 : memref<128x32xf32, #tpu.memory_space<vmem_shared>>)
      tpu.yield
    }) : () -> ()
    %barrier3A = arith.constant 0 : index
    tpu.barrier barrier_id(%barrier3A)
    %dma_start3A = arith.constant 0 : i32
    %dma_start3A_23 = arith.constant 0 : i32
    %dma_start3A_24 = tpu.memref_slice %arg8[%dma_start3A, %dma_start3A_23] : memref<160x128xi32, #tpu.memory_space<vmem>> -> memref<1x128xi32, #tpu.memory_space<vmem>>
    %dma_start3A_25 = tpu.memref_squeeze %dma_start3A_24 : memref<1x128xi32, #tpu.memory_space<vmem>> -> memref<128xi32, #tpu.memory_space<vmem>>
    %dma_start3A_26 = arith.constant 0 : i32
    %dma_start3A_27 = arith.constant 0 : i32
    %dma_start3A_28 = tpu.memref_slice %arg16[%dma_start3A_26, %dma_start3A_27] : memref<10240x32xf32, #tpu.memory_space<vmem_shared>> -> memref<10240x32xf32, #tpu.memory_space<vmem_shared>>
    tpu.enqueue_indirect_dma source(%dma_start3A_28 : memref<10240x32xf32, #tpu.memory_space<vmem_shared>>) target(%arg10 : memref<128x32xf32, #tpu.memory_space<vmem>>) offsets(%dma_start3A_25 : memref<128xi32, #tpu.memory_space<vmem>>) semaphore(%arg18 : memref<!tpu.dma_semaphore, #tpu.memory_space<semaphore_mem>>)
    %dma_start3A_29 = arith.constant 1 : i32
    %dma_start3A_30 = arith.constant 0 : i32
    %dma_start3A_31 = tpu.memref_slice %arg8[%dma_start3A_29, %dma_start3A_30] : memref<160x128xi32, #tpu.memory_space<vmem>> -> memref<1x128xi32, #tpu.memory_space<vmem>>
    %dma_start3A_32 = tpu.memref_squeeze %dma_start3A_31 : memref<1x128xi32, #tpu.memory_space<vmem>> -> memref<128xi32, #tpu.memory_space<vmem>>
    %dma_start3A_33 = arith.constant 0 : i32
    %dma_start3A_34 = arith.constant 0 : i32
    %dma_start3A_35 = tpu.memref_slice %arg16[%dma_start3A_33, %dma_start3A_34] : memref<10240x32xf32, #tpu.memory_space<vmem_shared>> -> memref<10240x32xf32, #tpu.memory_space<vmem_shared>>
    tpu.enqueue_indirect_dma source(%dma_start3A_35 : memref<10240x32xf32, #tpu.memory_space<vmem_shared>>) target(%arg11 : memref<128x32xf32, #tpu.memory_space<vmem>>) offsets(%dma_start3A_32 : memref<128xi32, #tpu.memory_space<vmem>>) semaphore(%arg19 : memref<!tpu.dma_semaphore, #tpu.memory_space<semaphore_mem>>)
    %scan3A_36 = arith.constant 0 : i32
    %scan3A_37 = arith.constant 0 : i32
    %scan3A_38 = arith.constant 79 : i32
    %scan3A_39 = arith.addi %scan3A_37, %scan3A_38 : i32
    %scan3A_40 = arith.constant 1 : i32
    %scan3A_41 = scf.for %scan3A_166 = %scan3A_37 to %scan3A_39 step %scan3A_40 iter_args(%scan3A_167 = %scan3A_36) -> (i32)  : i32 {
      %mul3A_168 = arith.constant 2 : i32
      %mul3A_169 = arith.muli %mul3A_168, %scan3A_166 : i32
      %dma_wait3A_170 = arith.constant 0 : i32
      %dma_wait3A_171 = arith.constant 0 : i32
      %dma_wait3A_172 = tpu.memref_slice %arg2[%dma_wait3A_170, %dma_wait3A_171] : memref<10240x32xf32, #tpu.memory_space<hbm>> -> memref<128x32xf32, #tpu.memory_space<hbm>>
      %dma_wait3A_173 = arith.constant 0 : i32
      %dma_wait3A_174 = arith.constant 0 : i32
      %dma_wait3A_175 = tpu.memref_slice %arg2[%dma_wait3A_173, %dma_wait3A_174] : memref<10240x32xf32, #tpu.memory_space<hbm>> -> memref<128x32xf32, #tpu.memory_space<hbm>>
      tpu.wait_dma2 semaphore(%arg18 : memref<!tpu.dma_semaphore, #tpu.memory_space<semaphore_mem>>) src(%dma_wait3A_175 : memref<128x32xf32, #tpu.memory_space<hbm>>) dst(%arg10 : memref<128x32xf32, #tpu.memory_space<vmem>>)
      %add3A_176 = arith.constant 0 : i32
      %add3A_177 = arith.addi %mul3A_169, %add3A_176 : i32
      %dma_start3A_178 = arith.constant 0 : i32
      %dma_start3A_179 = tpu.memref_slice %arg9[%add3A_177, %dma_start3A_178] : memref<160x128xi32, #tpu.memory_space<vmem>> -> memref<1x128xi32, #tpu.memory_space<vmem>>
      %dma_start3A_180 = tpu.memref_squeeze %dma_start3A_179 : memref<1x128xi32, #tpu.memory_space<vmem>> -> memref<128xi32, #tpu.memory_space<vmem>>
      %dma_start3A_181 = arith.constant 0 : i32
      %dma_start3A_182 = arith.constant 0 : i32
      %dma_start3A_183 = tpu.memref_slice %arg17[%dma_start3A_181, %dma_start3A_182] : memref<10240x32xf32, #tpu.memory_space<vmem_shared>> -> memref<10240x32xf32, #tpu.memory_space<vmem_shared>>
      tpu.enqueue_indirect_dma source(%arg10 : memref<128x32xf32, #tpu.memory_space<vmem>>) target(%dma_start3A_183 : memref<10240x32xf32, #tpu.memory_space<vmem_shared>>) offsets(%dma_start3A_180 : memref<128xi32, #tpu.memory_space<vmem>>) semaphore(%arg22 : memref<!tpu.dma_semaphore, #tpu.memory_space<semaphore_mem>>) {add = true}
      %dma_wait3A_184 = arith.constant 0 : i32
      %dma_wait3A_185 = arith.constant 0 : i32
      %dma_wait3A_186 = tpu.memref_slice %arg2[%dma_wait3A_184, %dma_wait3A_185] : memref<10240x32xf32, #tpu.memory_space<hbm>> -> memref<128x32xf32, #tpu.memory_space<hbm>>
      %dma_wait3A_187 = arith.constant 0 : i32
      %dma_wait3A_188 = arith.constant 0 : i32
      %dma_wait3A_189 = tpu.memref_slice %arg2[%dma_wait3A_187, %dma_wait3A_188] : memref<10240x32xf32, #tpu.memory_space<hbm>> -> memref<128x32xf32, #tpu.memory_space<hbm>>
      tpu.wait_dma2 semaphore(%arg19 : memref<!tpu.dma_semaphore, #tpu.memory_space<semaphore_mem>>) src(%dma_wait3A_189 : memref<128x32xf32, #tpu.memory_space<hbm>>) dst(%arg11 : memref<128x32xf32, #tpu.memory_space<vmem>>)
      %add3A_190 = arith.constant 1 : i32
      %add3A_191 = arith.addi %mul3A_169, %add3A_190 : i32
      %dma_start3A_192 = arith.constant 0 : i32
      %dma_start3A_193 = tpu.memref_slice %arg9[%add3A_191, %dma_start3A_192] : memref<160x128xi32, #tpu.memory_space<vmem>> -> memref<1x128xi32, #tpu.memory_space<vmem>>
      %dma_start3A_194 = tpu.memref_squeeze %dma_start3A_193 : memref<1x128xi32, #tpu.memory_space<vmem>> -> memref<128xi32, #tpu.memory_space<vmem>>
      %dma_start3A_195 = arith.constant 0 : i32
      %dma_start3A_196 = arith.constant 0 : i32
      %dma_start3A_197 = tpu.memref_slice %arg17[%dma_start3A_195, %dma_start3A_196] : memref<10240x32xf32, #tpu.memory_space<vmem_shared>> -> memref<10240x32xf32, #tpu.memory_space<vmem_shared>>
      tpu.enqueue_indirect_dma source(%arg11 : memref<128x32xf32, #tpu.memory_space<vmem>>) target(%dma_start3A_197 : memref<10240x32xf32, #tpu.memory_space<vmem_shared>>) offsets(%dma_start3A_194 : memref<128xi32, #tpu.memory_space<vmem>>) semaphore(%arg23 : memref<!tpu.dma_semaphore, #tpu.memory_space<semaphore_mem>>) {add = true}
      %dma_wait3A_198 = arith.constant 0 : i32
      %dma_wait3A_199 = arith.constant 0 : i32
      %dma_wait3A_200 = tpu.memref_slice %arg2[%dma_wait3A_198, %dma_wait3A_199] : memref<10240x32xf32, #tpu.memory_space<hbm>> -> memref<128x32xf32, #tpu.memory_space<hbm>>
      %dma_wait3A_201 = arith.constant 0 : i32
      %dma_wait3A_202 = arith.constant 0 : i32
      %dma_wait3A_203 = tpu.memref_slice %arg2[%dma_wait3A_201, %dma_wait3A_202] : memref<10240x32xf32, #tpu.memory_space<hbm>> -> memref<128x32xf32, #tpu.memory_space<hbm>>
      tpu.wait_dma2 semaphore(%arg22 : memref<!tpu.dma_semaphore, #tpu.memory_space<semaphore_mem>>) src(%dma_wait3A_203 : memref<128x32xf32, #tpu.memory_space<hbm>>) dst(%arg10 : memref<128x32xf32, #tpu.memory_space<vmem>>)
      %add3A_204 = arith.constant 2 : i32
      %add3A_205 = arith.addi %mul3A_169, %add3A_204 : i32
      %add3A_206 = arith.constant 0 : i32
      %add3A_207 = arith.addi %add3A_205, %add3A_206 : i32
      %dma_start3A_208 = arith.constant 0 : i32
      %dma_start3A_209 = tpu.memref_slice %arg8[%add3A_207, %dma_start3A_208] : memref<160x128xi32, #tpu.memory_space<vmem>> -> memref<1x128xi32, #tpu.memory_space<vmem>>
      %dma_start3A_210 = tpu.memref_squeeze %dma_start3A_209 : memref<1x128xi32, #tpu.memory_space<vmem>> -> memref<128xi32, #tpu.memory_space<vmem>>
      %dma_start3A_211 = arith.constant 0 : i32
      %dma_start3A_212 = arith.constant 0 : i32
      %dma_start3A_213 = tpu.memref_slice %arg16[%dma_start3A_211, %dma_start3A_212] : memref<10240x32xf32, #tpu.memory_space<vmem_shared>> -> memref<10240x32xf32, #tpu.memory_space<vmem_shared>>
      tpu.enqueue_indirect_dma source(%dma_start3A_213 : memref<10240x32xf32, #tpu.memory_space<vmem_shared>>) target(%arg10 : memref<128x32xf32, #tpu.memory_space<vmem>>) offsets(%dma_start3A_210 : memref<128xi32, #tpu.memory_space<vmem>>) semaphore(%arg18 : memref<!tpu.dma_semaphore, #tpu.memory_space<semaphore_mem>>)
      %dma_wait3A_214 = arith.constant 0 : i32
      %dma_wait3A_215 = arith.constant 0 : i32
      %dma_wait3A_216 = tpu.memref_slice %arg2[%dma_wait3A_214, %dma_wait3A_215] : memref<10240x32xf32, #tpu.memory_space<hbm>> -> memref<128x32xf32, #tpu.memory_space<hbm>>
      %dma_wait3A_217 = arith.constant 0 : i32
      %dma_wait3A_218 = arith.constant 0 : i32
      %dma_wait3A_219 = tpu.memref_slice %arg2[%dma_wait3A_217, %dma_wait3A_218] : memref<10240x32xf32, #tpu.memory_space<hbm>> -> memref<128x32xf32, #tpu.memory_space<hbm>>
      tpu.wait_dma2 semaphore(%arg23 : memref<!tpu.dma_semaphore, #tpu.memory_space<semaphore_mem>>) src(%dma_wait3A_219 : memref<128x32xf32, #tpu.memory_space<hbm>>) dst(%arg11 : memref<128x32xf32, #tpu.memory_space<vmem>>)
      %add3A_220 = arith.constant 2 : i32
      %add3A_221 = arith.addi %mul3A_169, %add3A_220 : i32
      %add3A_222 = arith.constant 1 : i32
      %add3A_223 = arith.addi %add3A_221, %add3A_222 : i32
      %dma_start3A_224 = arith.constant 0 : i32
      %dma_start3A_225 = tpu.memref_slice %arg8[%add3A_223, %dma_start3A_224] : memref<160x128xi32, #tpu.memory_space<vmem>> -> memref<1x128xi32, #tpu.memory_space<vmem>>
      %dma_start3A_226 = tpu.memref_squeeze %dma_start3A_225 : memref<1x128xi32, #tpu.memory_space<vmem>> -> memref<128xi32, #tpu.memory_space<vmem>>
      %dma_start3A_227 = arith.constant 0 : i32
      %dma_start3A_228 = arith.constant 0 : i32
      %dma_start3A_229 = tpu.memref_slice %arg16[%dma_start3A_227, %dma_start3A_228] : memref<10240x32xf32, #tpu.memory_space<vmem_shared>> -> memref<10240x32xf32, #tpu.memory_space<vmem_shared>>
      tpu.enqueue_indirect_dma source(%dma_start3A_229 : memref<10240x32xf32, #tpu.memory_space<vmem_shared>>) target(%arg11 : memref<128x32xf32, #tpu.memory_space<vmem>>) offsets(%dma_start3A_226 : memref<128xi32, #tpu.memory_space<vmem>>) semaphore(%arg19 : memref<!tpu.dma_semaphore, #tpu.memory_space<semaphore_mem>>)
      %scan3A_230 = arith.constant 0 : i32
      scf.yield %scan3A_230 : i32
    }
    %scan3A_42 = arith.constant 79 : i32
    %dma_wait3A = arith.constant 0 : i32
    %dma_wait3A_43 = arith.constant 0 : i32
    %dma_wait3A_44 = tpu.memref_slice %arg2[%dma_wait3A, %dma_wait3A_43] : memref<10240x32xf32, #tpu.memory_space<hbm>> -> memref<128x32xf32, #tpu.memory_space<hbm>>
    %dma_wait3A_45 = arith.constant 0 : i32
    %dma_wait3A_46 = arith.constant 0 : i32
    %dma_wait3A_47 = tpu.memref_slice %arg2[%dma_wait3A_45, %dma_wait3A_46] : memref<10240x32xf32, #tpu.memory_space<hbm>> -> memref<128x32xf32, #tpu.memory_space<hbm>>
    tpu.wait_dma2 semaphore(%arg18 : memref<!tpu.dma_semaphore, #tpu.memory_space<semaphore_mem>>) src(%dma_wait3A_47 : memref<128x32xf32, #tpu.memory_space<hbm>>) dst(%arg10 : memref<128x32xf32, #tpu.memory_space<vmem>>)
    %dma_start3A_48 = arith.constant 158 : i32
    %dma_start3A_49 = arith.constant 0 : i32
    %dma_start3A_50 = tpu.memref_slice %arg9[%dma_start3A_48, %dma_start3A_49] : memref<160x128xi32, #tpu.memory_space<vmem>> -> memref<1x128xi32, #tpu.memory_space<vmem>>
    %dma_start3A_51 = tpu.memref_squeeze %dma_start3A_50 : memref<1x128xi32, #tpu.memory_space<vmem>> -> memref<128xi32, #tpu.memory_space<vmem>>
    %dma_start3A_52 = arith.constant 0 : i32
    %dma_start3A_53 = arith.constant 0 : i32
    %dma_start3A_54 = tpu.memref_slice %arg17[%dma_start3A_52, %dma_start3A_53] : memref<10240x32xf32, #tpu.memory_space<vmem_shared>> -> memref<10240x32xf32, #tpu.memory_space<vmem_shared>>
    tpu.enqueue_indirect_dma source(%arg10 : memref<128x32xf32, #tpu.memory_space<vmem>>) target(%dma_start3A_54 : memref<10240x32xf32, #tpu.memory_space<vmem_shared>>) offsets(%dma_start3A_51 : memref<128xi32, #tpu.memory_space<vmem>>) semaphore(%arg22 : memref<!tpu.dma_semaphore, #tpu.memory_space<semaphore_mem>>) {add = true}
    %dma_wait3A_55 = arith.constant 0 : i32
    %dma_wait3A_56 = arith.constant 0 : i32
    %dma_wait3A_57 = tpu.memref_slice %arg2[%dma_wait3A_55, %dma_wait3A_56] : memref<10240x32xf32, #tpu.memory_space<hbm>> -> memref<128x32xf32, #tpu.memory_space<hbm>>
    %dma_wait3A_58 = arith.constant 0 : i32
    %dma_wait3A_59 = arith.constant 0 : i32
    %dma_wait3A_60 = tpu.memref_slice %arg2[%dma_wait3A_58, %dma_wait3A_59] : memref<10240x32xf32, #tpu.memory_space<hbm>> -> memref<128x32xf32, #tpu.memory_space<hbm>>
    tpu.wait_dma2 semaphore(%arg19 : memref<!tpu.dma_semaphore, #tpu.memory_space<semaphore_mem>>) src(%dma_wait3A_60 : memref<128x32xf32, #tpu.memory_space<hbm>>) dst(%arg11 : memref<128x32xf32, #tpu.memory_space<vmem>>)
    %dma_start3A_61 = arith.constant 159 : i32
    %dma_start3A_62 = arith.constant 0 : i32
    %dma_start3A_63 = tpu.memref_slice %arg9[%dma_start3A_61, %dma_start3A_62] : memref<160x128xi32, #tpu.memory_space<vmem>> -> memref<1x128xi32, #tpu.memory_space<vmem>>
    %dma_start3A_64 = tpu.memref_squeeze %dma_start3A_63 : memref<1x128xi32, #tpu.memory_space<vmem>> -> memref<128xi32, #tpu.memory_space<vmem>>
    %dma_start3A_65 = arith.constant 0 : i32
    %dma_start3A_66 = arith.constant 0 : i32
    %dma_start3A_67 = tpu.memref_slice %arg17[%dma_start3A_65, %dma_start3A_66] : memref<10240x32xf32, #tpu.memory_space<vmem_shared>> -> memref<10240x32xf32, #tpu.memory_space<vmem_shared>>
    tpu.enqueue_indirect_dma source(%arg11 : memref<128x32xf32, #tpu.memory_space<vmem>>) target(%dma_start3A_67 : memref<10240x32xf32, #tpu.memory_space<vmem_shared>>) offsets(%dma_start3A_64 : memref<128xi32, #tpu.memory_space<vmem>>) semaphore(%arg23 : memref<!tpu.dma_semaphore, #tpu.memory_space<semaphore_mem>>) {add = true}
    %dma_wait3A_68 = arith.constant 0 : i32
    %dma_wait3A_69 = arith.constant 0 : i32
    %dma_wait3A_70 = tpu.memref_slice %arg2[%dma_wait3A_68, %dma_wait3A_69] : memref<10240x32xf32, #tpu.memory_space<hbm>> -> memref<128x32xf32, #tpu.memory_space<hbm>>
    %dma_wait3A_71 = arith.constant 0 : i32
    %dma_wait3A_72 = arith.constant 0 : i32
    %dma_wait3A_73 = tpu.memref_slice %arg2[%dma_wait3A_71, %dma_wait3A_72] : memref<10240x32xf32, #tpu.memory_space<hbm>> -> memref<128x32xf32, #tpu.memory_space<hbm>>
    tpu.wait_dma2 semaphore(%arg22 : memref<!tpu.dma_semaphore, #tpu.memory_space<semaphore_mem>>) src(%dma_wait3A_73 : memref<128x32xf32, #tpu.memory_space<hbm>>) dst(%arg10 : memref<128x32xf32, #tpu.memory_space<vmem>>)
    %dma_wait3A_74 = arith.constant 0 : i32
    %dma_wait3A_75 = arith.constant 0 : i32
    %dma_wait3A_76 = tpu.memref_slice %arg2[%dma_wait3A_74, %dma_wait3A_75] : memref<10240x32xf32, #tpu.memory_space<hbm>> -> memref<128x32xf32, #tpu.memory_space<hbm>>
    %dma_wait3A_77 = arith.constant 0 : i32
    %dma_wait3A_78 = arith.constant 0 : i32
    %dma_wait3A_79 = tpu.memref_slice %arg2[%dma_wait3A_77, %dma_wait3A_78] : memref<10240x32xf32, #tpu.memory_space<hbm>> -> memref<128x32xf32, #tpu.memory_space<hbm>>
    tpu.wait_dma2 semaphore(%arg23 : memref<!tpu.dma_semaphore, #tpu.memory_space<semaphore_mem>>) src(%dma_wait3A_79 : memref<128x32xf32, #tpu.memory_space<hbm>>) dst(%arg11 : memref<128x32xf32, #tpu.memory_space<vmem>>)
    %barrier3A_80 = arith.constant 0 : index
    tpu.barrier barrier_id(%barrier3A_80)
    "tpu.region"() ({
      %run_scoped3A = tpu.sem_alloc : memref<!tpu.dma_semaphore, #tpu.memory_space<semaphore_mem>>
      %dma_start3A_166 = arith.constant 0 : i32
      %dma_start3A_167 = tpu.memref_slice %arg17[%mul3A_0, %dma_start3A_166] : memref<10240x32xf32, #tpu.memory_space<vmem_shared>> -> memref<640x32xf32, #tpu.memory_space<vmem_shared>>
      %dma_start3A_168 = arith.constant 0 : i32
      %dma_start3A_169 = tpu.memref_slice %arg17[%mul3A_0, %dma_start3A_168] : memref<10240x32xf32, #tpu.memory_space<vmem_shared>> -> memref<640x32xf32, #tpu.memory_space<vmem_shared>>
      tpu.enqueue_dma source(%dma_start3A_169 : memref<640x32xf32, #tpu.memory_space<vmem_shared>>) target(%arg14 : memref<640x32xf32, #tpu.memory_space<vmem>>) target_semaphore(%run_scoped3A : memref<!tpu.dma_semaphore, #tpu.memory_space<semaphore_mem>>)
      %dma_wait3A_170 = arith.constant 0 : i32
      %dma_wait3A_171 = tpu.memref_slice %arg17[%mul3A_0, %dma_wait3A_170] : memref<10240x32xf32, #tpu.memory_space<vmem_shared>> -> memref<640x32xf32, #tpu.memory_space<vmem_shared>>
      %dma_wait3A_172 = arith.constant 0 : i32
      %dma_wait3A_173 = tpu.memref_slice %arg17[%mul3A_0, %dma_wait3A_172] : memref<10240x32xf32, #tpu.memory_space<vmem_shared>> -> memref<640x32xf32, #tpu.memory_space<vmem_shared>>
      tpu.wait_dma2 semaphore(%run_scoped3A : memref<!tpu.dma_semaphore, #tpu.memory_space<semaphore_mem>>) src(%dma_wait3A_173 : memref<640x32xf32, #tpu.memory_space<vmem_shared>>) dst(%arg14 : memref<640x32xf32, #tpu.memory_space<vmem>>)
      tpu.yield
    }) : () -> ()
    %scan3A_81 = arith.constant 0 : i32
    %scan3A_82 = arith.constant 0 : i32
    %scan3A_83 = arith.constant 40 : i32
    %scan3A_84 = arith.addi %scan3A_82, %scan3A_83 : i32
    %scan3A_85 = arith.constant 1 : i32
    %scan3A_86 = scf.for %scan3A_166 = %scan3A_82 to %scan3A_84 step %scan3A_85 iter_args(%scan3A_167 = %scan3A_81) -> (i32)  : i32 {
      %mul3A_168 = arith.constant 16 : i32
      %mul3A_169 = arith.muli %scan3A_166, %mul3A_168 : i32
      %get3A = arith.index_cast %mul3A_169 : i32 to index
      %get3A_170 = tpu.vector_load %arg15[%get3A] {strides = array<i32>} : memref<640xf32, #tpu.memory_space<vmem>>, vector<16xf32>,
      %get3A_171 = vector.shape_cast %get3A_170 : vector<16xf32> to vector<16xf32>
      %mul3A_172 = arith.constant 16 : i32
      %mul3A_173 = arith.muli %scan3A_166, %mul3A_172 : i32
      %add3A_174 = arith.constant 0 : i32
      %add3A_175 = arith.addi %mul3A_173, %add3A_174 : i32
      %slice3A = vector.extract_strided_slice %get3A_171 {offsets = [0], sizes = [1], strides = [1]} : vector<16xf32> to vector<1xf32>
      %squeeze3A = vector.extract %slice3A[0] : f32 from vector<1xf32>
      %get3A_176 = arith.index_cast %add3A_175 : i32 to index
      %get3A_177 = arith.constant 0 : index
      %get3A_178 = tpu.vector_load %arg14[%get3A_176, %get3A_177] {strides = array<i32>} : memref<640x32xf32, #tpu.memory_space<vmem>>, vector<1x16xf32>,
      %get3A_179 = vector.shape_cast %get3A_178 : vector<1x16xf32> to vector<16xf32>
      %mul3A_180 = vector.broadcast %squeeze3A : f32 to vector<16xf32>
      %mul3A_181 = arith.mulf %get3A_179, %mul3A_180 : vector<16xf32>
      %swap3A = arith.index_cast %add3A_175 : i32 to index
      %swap3A_182 = arith.constant 0 : index
      %swap3A_183 = tpu.vector_load %arg14[%swap3A, %swap3A_182] {strides = array<i32>} : memref<640x32xf32, #tpu.memory_space<vmem>>, vector<1x16xf32>,
      %swap3A_184 = vector.shape_cast %swap3A_183 : vector<1x16xf32> to vector<16xf32>
      %swap3A_185 = vector.shape_cast %mul3A_181 : vector<16xf32> to vector<1x16xf32>
      tpu.vector_store %arg14[%swap3A, %swap3A_182], %swap3A_185 {strides = array<i32>} : memref<640x32xf32, #tpu.memory_space<vmem>>, vector<1x16xf32>,
      %get3A_186 = arith.index_cast %add3A_175 : i32 to index
      %get3A_187 = arith.constant 16 : index
      %get3A_188 = tpu.vector_load %arg14[%get3A_186, %get3A_187] {strides = array<i32>} : memref<640x32xf32, #tpu.memory_space<vmem>>, vector<1x16xf32>,
      %get3A_189 = vector.shape_cast %get3A_188 : vector<1x16xf32> to vector<16xf32>
      %mul3A_190 = vector.broadcast %squeeze3A : f32 to vector<16xf32>
      %mul3A_191 = arith.mulf %get3A_189, %mul3A_190 : vector<16xf32>
      %swap3A_192 = arith.index_cast %add3A_175 : i32 to index
      %swap3A_193 = arith.constant 16 : index
      %swap3A_194 = tpu.vector_load %arg14[%swap3A_192, %swap3A_193] {strides = array<i32>} : memref<640x32xf32, #tpu.memory_space<vmem>>, vector<1x16xf32>,
      %swap3A_195 = vector.shape_cast %swap3A_194 : vector<1x16xf32> to vector<16xf32>
      %swap3A_196 = vector.shape_cast %mul3A_191 : vector<16xf32> to vector<1x16xf32>
      tpu.vector_store %arg14[%swap3A_192, %swap3A_193], %swap3A_196 {strides = array<i32>} : memref<640x32xf32, #tpu.memory_space<vmem>>, vector<1x16xf32>,
      %mul3A_197 = arith.constant 16 : i32
      %mul3A_198 = arith.muli %scan3A_166, %mul3A_197 : i32
      %add3A_199 = arith.constant 1 : i32
      %add3A_200 = arith.addi %mul3A_198, %add3A_199 : i32
      %slice3A_201 = vector.extract_strided_slice %get3A_171 {offsets = [1], sizes = [1], strides = [1]} : vector<16xf32> to vector<1xf32>
      %squeeze3A_202 = vector.extract %slice3A_201[0] : f32 from vector<1xf32>
      %get3A_203 = arith.index_cast %add3A_200 : i32 to index
      %get3A_204 = arith.constant 0 : index
      %get3A_205 = tpu.vector_load %arg14[%get3A_203, %get3A_204] {strides = array<i32>} : memref<640x32xf32, #tpu.memory_space<vmem>>, vector<1x16xf32>,
      %get3A_206 = vector.shape_cast %get3A_205 : vector<1x16xf32> to vector<16xf32>
      %mul3A_207 = vector.broadcast %squeeze3A_202 : f32 to vector<16xf32>
      %mul3A_208 = arith.mulf %get3A_206, %mul3A_207 : vector<16xf32>
      %swap3A_209 = arith.index_cast %add3A_200 : i32 to index
      %swap3A_210 = arith.constant 0 : index
      %swap3A_211 = tpu.vector_load %arg14[%swap3A_209, %swap3A_210] {strides = array<i32>} : memref<640x32xf32, #tpu.memory_space<vmem>>, vector<1x16xf32>,
      %swap3A_212 = vector.shape_cast %swap3A_211 : vector<1x16xf32> to vector<16xf32>
      %swap3A_213 = vector.shape_cast %mul3A_208 : vector<16xf32> to vector<1x16xf32>
      tpu.vector_store %arg14[%swap3A_209, %swap3A_210], %swap3A_213 {strides = array<i32>} : memref<640x32xf32, #tpu.memory_space<vmem>>, vector<1x16xf32>,
      %get3A_214 = arith.index_cast %add3A_200 : i32 to index
      %get3A_215 = arith.constant 16 : index
      %get3A_216 = tpu.vector_load %arg14[%get3A_214, %get3A_215] {strides = array<i32>} : memref<640x32xf32, #tpu.memory_space<vmem>>, vector<1x16xf32>,
      %get3A_217 = vector.shape_cast %get3A_216 : vector<1x16xf32> to vector<16xf32>
      %mul3A_218 = vector.broadcast %squeeze3A_202 : f32 to vector<16xf32>
      %mul3A_219 = arith.mulf %get3A_217, %mul3A_218 : vector<16xf32>
      %swap3A_220 = arith.index_cast %add3A_200 : i32 to index
      %swap3A_221 = arith.constant 16 : index
      %swap3A_222 = tpu.vector_load %arg14[%swap3A_220, %swap3A_221] {strides = array<i32>} : memref<640x32xf32, #tpu.memory_space<vmem>>, vector<1x16xf32>,
      %swap3A_223 = vector.shape_cast %swap3A_222 : vector<1x16xf32> to vector<16xf32>
      %swap3A_224 = vector.shape_cast %mul3A_219 : vector<16xf32> to vector<1x16xf32>
      tpu.vector_store %arg14[%swap3A_220, %swap3A_221], %swap3A_224 {strides = array<i32>} : memref<640x32xf32, #tpu.memory_space<vmem>>, vector<1x16xf32>,
      %mul3A_225 = arith.constant 16 : i32
      %mul3A_226 = arith.muli %scan3A_166, %mul3A_225 : i32
      %add3A_227 = arith.constant 2 : i32
      %add3A_228 = arith.addi %mul3A_226, %add3A_227 : i32
      %slice3A_229 = vector.extract_strided_slice %get3A_171 {offsets = [2], sizes = [1], strides = [1]} : vector<16xf32> to vector<1xf32>
      %squeeze3A_230 = vector.extract %slice3A_229[0] : f32 from vector<1xf32>
      %get3A_231 = arith.index_cast %add3A_228 : i32 to index
      %get3A_232 = arith.constant 0 : index
      %get3A_233 = tpu.vector_load %arg14[%get3A_231, %get3A_232] {strides = array<i32>} : memref<640x32xf32, #tpu.memory_space<vmem>>, vector<1x16xf32>,
      %get3A_234 = vector.shape_cast %get3A_233 : vector<1x16xf32> to vector<16xf32>
      %mul3A_235 = vector.broadcast %squeeze3A_230 : f32 to vector<16xf32>
      %mul3A_236 = arith.mulf %get3A_234, %mul3A_235 : vector<16xf32>
      %swap3A_237 = arith.index_cast %add3A_228 : i32 to index
      %swap3A_238 = arith.constant 0 : index
      %swap3A_239 = tpu.vector_load %arg14[%swap3A_237, %swap3A_238] {strides = array<i32>} : memref<640x32xf32, #tpu.memory_space<vmem>>, vector<1x16xf32>,
      %swap3A_240 = vector.shape_cast %swap3A_239 : vector<1x16xf32> to vector<16xf32>
      %swap3A_241 = vector.shape_cast %mul3A_236 : vector<16xf32> to vector<1x16xf32>
      tpu.vector_store %arg14[%swap3A_237, %swap3A_238], %swap3A_241 {strides = array<i32>} : memref<640x32xf32, #tpu.memory_space<vmem>>, vector<1x16xf32>,
      %get3A_242 = arith.index_cast %add3A_228 : i32 to index
      %get3A_243 = arith.constant 16 : index
      %get3A_244 = tpu.vector_load %arg14[%get3A_242, %get3A_243] {strides = array<i32>} : memref<640x32xf32, #tpu.memory_space<vmem>>, vector<1x16xf32>,
      %get3A_245 = vector.shape_cast %get3A_244 : vector<1x16xf32> to vector<16xf32>
      %mul3A_246 = vector.broadcast %squeeze3A_230 : f32 to vector<16xf32>
      %mul3A_247 = arith.mulf %get3A_245, %mul3A_246 : vector<16xf32>
      %swap3A_248 = arith.index_cast %add3A_228 : i32 to index
      %swap3A_249 = arith.constant 16 : index
      %swap3A_250 = tpu.vector_load %arg14[%swap3A_248, %swap3A_249] {strides = array<i32>} : memref<640x32xf32, #tpu.memory_space<vmem>>, vector<1x16xf32>,
      %swap3A_251 = vector.shape_cast %swap3A_250 : vector<1x16xf32> to vector<16xf32>
      %swap3A_252 = vector.shape_cast %mul3A_247 : vector<16xf32> to vector<1x16xf32>
      tpu.vector_store %arg14[%swap3A_248, %swap3A_249], %swap3A_252 {strides = array<i32>} : memref<640x32xf32, #tpu.memory_space<vmem>>, vector<1x16xf32>,
      %mul3A_253 = arith.constant 16 : i32
      %mul3A_254 = arith.muli %scan3A_166, %mul3A_253 : i32
      %add3A_255 = arith.constant 3 : i32
      %add3A_256 = arith.addi %mul3A_254, %add3A_255 : i32
      %slice3A_257 = vector.extract_strided_slice %get3A_171 {offsets = [3], sizes = [1], strides = [1]} : vector<16xf32> to vector<1xf32>
      %squeeze3A_258 = vector.extract %slice3A_257[0] : f32 from vector<1xf32>
      %get3A_259 = arith.index_cast %add3A_256 : i32 to index
      %get3A_260 = arith.constant 0 : index
      %get3A_261 = tpu.vector_load %arg14[%get3A_259, %get3A_260] {strides = array<i32>} : memref<640x32xf32, #tpu.memory_space<vmem>>, vector<1x16xf32>,
      %get3A_262 = vector.shape_cast %get3A_261 : vector<1x16xf32> to vector<16xf32>
      %mul3A_263 = vector.broadcast %squeeze3A_258 : f32 to vector<16xf32>
      %mul3A_264 = arith.mulf %get3A_262, %mul3A_263 : vector<16xf32>
      %swap3A_265 = arith.index_cast %add3A_256 : i32 to index
      %swap3A_266 = arith.constant 0 : index
      %swap3A_267 = tpu.vector_load %arg14[%swap3A_265, %swap3A_266] {strides = array<i32>} : memref<640x32xf32, #tpu.memory_space<vmem>>, vector<1x16xf32>,
      %swap3A_268 = vector.shape_cast %swap3A_267 : vector<1x16xf32> to vector<16xf32>
      %swap3A_269 = vector.shape_cast %mul3A_264 : vector<16xf32> to vector<1x16xf32>
      tpu.vector_store %arg14[%swap3A_265, %swap3A_266], %swap3A_269 {strides = array<i32>} : memref<640x32xf32, #tpu.memory_space<vmem>>, vector<1x16xf32>,
      %get3A_270 = arith.index_cast %add3A_256 : i32 to index
      %get3A_271 = arith.constant 16 : index
      %get3A_272 = tpu.vector_load %arg14[%get3A_270, %get3A_271] {strides = array<i32>} : memref<640x32xf32, #tpu.memory_space<vmem>>, vector<1x16xf32>,
      %get3A_273 = vector.shape_cast %get3A_272 : vector<1x16xf32> to vector<16xf32>
      %mul3A_274 = vector.broadcast %squeeze3A_258 : f32 to vector<16xf32>
      %mul3A_275 = arith.mulf %get3A_273, %mul3A_274 : vector<16xf32>
      %swap3A_276 = arith.index_cast %add3A_256 : i32 to index
      %swap3A_277 = arith.constant 16 : index
      %swap3A_278 = tpu.vector_load %arg14[%swap3A_276, %swap3A_277] {strides = array<i32>} : memref<640x32xf32, #tpu.memory_space<vmem>>, vector<1x16xf32>,
      %swap3A_279 = vector.shape_cast %swap3A_278 : vector<1x16xf32> to vector<16xf32>
      %swap3A_280 = vector.shape_cast %mul3A_275 : vector<16xf32> to vector<1x16xf32>
      tpu.vector_store %arg14[%swap3A_276, %swap3A_277], %swap3A_280 {strides = array<i32>} : memref<640x32xf32, #tpu.memory_space<vmem>>, vector<1x16xf32>,
      %mul3A_281 = arith.constant 16 : i32
      %mul3A_282 = arith.muli %scan3A_166, %mul3A_281 : i32
      %add3A_283 = arith.constant 4 : i32
      %add3A_284 = arith.addi %mul3A_282, %add3A_283 : i32
      %slice3A_285 = vector.extract_strided_slice %get3A_171 {offsets = [4], sizes = [1], strides = [1]} : vector<16xf32> to vector<1xf32>
      %squeeze3A_286 = vector.extract %slice3A_285[0] : f32 from vector<1xf32>
      %get3A_287 = arith.index_cast %add3A_284 : i32 to index
      %get3A_288 = arith.constant 0 : index
      %get3A_289 = tpu.vector_load %arg14[%get3A_287, %get3A_288] {strides = array<i32>} : memref<640x32xf32, #tpu.memory_space<vmem>>, vector<1x16xf32>,
      %get3A_290 = vector.shape_cast %get3A_289 : vector<1x16xf32> to vector<16xf32>
      %mul3A_291 = vector.broadcast %squeeze3A_286 : f32 to vector<16xf32>
      %mul3A_292 = arith.mulf %get3A_290, %mul3A_291 : vector<16xf32>
      %swap3A_293 = arith.index_cast %add3A_284 : i32 to index
      %swap3A_294 = arith.constant 0 : index
      %swap3A_295 = tpu.vector_load %arg14[%swap3A_293, %swap3A_294] {strides = array<i32>} : memref<640x32xf32, #tpu.memory_space<vmem>>, vector<1x16xf32>,
      %swap3A_296 = vector.shape_cast %swap3A_295 : vector<1x16xf32> to vector<16xf32>
      %swap3A_297 = vector.shape_cast %mul3A_292 : vector<16xf32> to vector<1x16xf32>
      tpu.vector_store %arg14[%swap3A_293, %swap3A_294], %swap3A_297 {strides = array<i32>} : memref<640x32xf32, #tpu.memory_space<vmem>>, vector<1x16xf32>,
      %get3A_298 = arith.index_cast %add3A_284 : i32 to index
      %get3A_299 = arith.constant 16 : index
      %get3A_300 = tpu.vector_load %arg14[%get3A_298, %get3A_299] {strides = array<i32>} : memref<640x32xf32, #tpu.memory_space<vmem>>, vector<1x16xf32>,
      %get3A_301 = vector.shape_cast %get3A_300 : vector<1x16xf32> to vector<16xf32>
      %mul3A_302 = vector.broadcast %squeeze3A_286 : f32 to vector<16xf32>
      %mul3A_303 = arith.mulf %get3A_301, %mul3A_302 : vector<16xf32>
      %swap3A_304 = arith.index_cast %add3A_284 : i32 to index
      %swap3A_305 = arith.constant 16 : index
      %swap3A_306 = tpu.vector_load %arg14[%swap3A_304, %swap3A_305] {strides = array<i32>} : memref<640x32xf32, #tpu.memory_space<vmem>>, vector<1x16xf32>,
      %swap3A_307 = vector.shape_cast %swap3A_306 : vector<1x16xf32> to vector<16xf32>
      %swap3A_308 = vector.shape_cast %mul3A_303 : vector<16xf32> to vector<1x16xf32>
      tpu.vector_store %arg14[%swap3A_304, %swap3A_305], %swap3A_308 {strides = array<i32>} : memref<640x32xf32, #tpu.memory_space<vmem>>, vector<1x16xf32>,
      %mul3A_309 = arith.constant 16 : i32
      %mul3A_310 = arith.muli %scan3A_166, %mul3A_309 : i32
      %add3A_311 = arith.constant 5 : i32
      %add3A_312 = arith.addi %mul3A_310, %add3A_311 : i32
      %slice3A_313 = vector.extract_strided_slice %get3A_171 {offsets = [5], sizes = [1], strides = [1]} : vector<16xf32> to vector<1xf32>
      %squeeze3A_314 = vector.extract %slice3A_313[0] : f32 from vector<1xf32>
      %get3A_315 = arith.index_cast %add3A_312 : i32 to index
      %get3A_316 = arith.constant 0 : index
      %get3A_317 = tpu.vector_load %arg14[%get3A_315, %get3A_316] {strides = array<i32>} : memref<640x32xf32, #tpu.memory_space<vmem>>, vector<1x16xf32>,
      %get3A_318 = vector.shape_cast %get3A_317 : vector<1x16xf32> to vector<16xf32>
      %mul3A_319 = vector.broadcast %squeeze3A_314 : f32 to vector<16xf32>
      %mul3A_320 = arith.mulf %get3A_318, %mul3A_319 : vector<16xf32>
      %swap3A_321 = arith.index_cast %add3A_312 : i32 to index
      %swap3A_322 = arith.constant 0 : index
      %swap3A_323 = tpu.vector_load %arg14[%swap3A_321, %swap3A_322] {strides = array<i32>} : memref<640x32xf32, #tpu.memory_space<vmem>>, vector<1x16xf32>,
      %swap3A_324 = vector.shape_cast %swap3A_323 : vector<1x16xf32> to vector<16xf32>
      %swap3A_325 = vector.shape_cast %mul3A_320 : vector<16xf32> to vector<1x16xf32>
      tpu.vector_store %arg14[%swap3A_321, %swap3A_322], %swap3A_325 {strides = array<i32>} : memref<640x32xf32, #tpu.memory_space<vmem>>, vector<1x16xf32>,
      %get3A_326 = arith.index_cast %add3A_312 : i32 to index
      %get3A_327 = arith.constant 16 : index
      %get3A_328 = tpu.vector_load %arg14[%get3A_326, %get3A_327] {strides = array<i32>} : memref<640x32xf32, #tpu.memory_space<vmem>>, vector<1x16xf32>,
      %get3A_329 = vector.shape_cast %get3A_328 : vector<1x16xf32> to vector<16xf32>
      %mul3A_330 = vector.broadcast %squeeze3A_314 : f32 to vector<16xf32>
      %mul3A_331 = arith.mulf %get3A_329, %mul3A_330 : vector<16xf32>
      %swap3A_332 = arith.index_cast %add3A_312 : i32 to index
      %swap3A_333 = arith.constant 16 : index
      %swap3A_334 = tpu.vector_load %arg14[%swap3A_332, %swap3A_333] {strides = array<i32>} : memref<640x32xf32, #tpu.memory_space<vmem>>, vector<1x16xf32>,
      %swap3A_335 = vector.shape_cast %swap3A_334 : vector<1x16xf32> to vector<16xf32>
      %swap3A_336 = vector.shape_cast %mul3A_331 : vector<16xf32> to vector<1x16xf32>
      tpu.vector_store %arg14[%swap3A_332, %swap3A_333], %swap3A_336 {strides = array<i32>} : memref<640x32xf32, #tpu.memory_space<vmem>>, vector<1x16xf32>,
      %mul3A_337 = arith.constant 16 : i32
      %mul3A_338 = arith.muli %scan3A_166, %mul3A_337 : i32
      %add3A_339 = arith.constant 6 : i32
      %add3A_340 = arith.addi %mul3A_338, %add3A_339 : i32
      %slice3A_341 = vector.extract_strided_slice %get3A_171 {offsets = [6], sizes = [1], strides = [1]} : vector<16xf32> to vector<1xf32>
      %squeeze3A_342 = vector.extract %slice3A_341[0] : f32 from vector<1xf32>
      %get3A_343 = arith.index_cast %add3A_340 : i32 to index
      %get3A_344 = arith.constant 0 : index
      %get3A_345 = tpu.vector_load %arg14[%get3A_343, %get3A_344] {strides = array<i32>} : memref<640x32xf32, #tpu.memory_space<vmem>>, vector<1x16xf32>,
      %get3A_346 = vector.shape_cast %get3A_345 : vector<1x16xf32> to vector<16xf32>
      %mul3A_347 = vector.broadcast %squeeze3A_342 : f32 to vector<16xf32>
      %mul3A_348 = arith.mulf %get3A_346, %mul3A_347 : vector<16xf32>
      %swap3A_349 = arith.index_cast %add3A_340 : i32 to index
      %swap3A_350 = arith.constant 0 : index
      %swap3A_351 = tpu.vector_load %arg14[%swap3A_349, %swap3A_350] {strides = array<i32>} : memref<640x32xf32, #tpu.memory_space<vmem>>, vector<1x16xf32>,
      %swap3A_352 = vector.shape_cast %swap3A_351 : vector<1x16xf32> to vector<16xf32>
      %swap3A_353 = vector.shape_cast %mul3A_348 : vector<16xf32> to vector<1x16xf32>
      tpu.vector_store %arg14[%swap3A_349, %swap3A_350], %swap3A_353 {strides = array<i32>} : memref<640x32xf32, #tpu.memory_space<vmem>>, vector<1x16xf32>,
      %get3A_354 = arith.index_cast %add3A_340 : i32 to index
      %get3A_355 = arith.constant 16 : index
      %get3A_356 = tpu.vector_load %arg14[%get3A_354, %get3A_355] {strides = array<i32>} : memref<640x32xf32, #tpu.memory_space<vmem>>, vector<1x16xf32>,
      %get3A_357 = vector.shape_cast %get3A_356 : vector<1x16xf32> to vector<16xf32>
      %mul3A_358 = vector.broadcast %squeeze3A_342 : f32 to vector<16xf32>
      %mul3A_359 = arith.mulf %get3A_357, %mul3A_358 : vector<16xf32>
      %swap3A_360 = arith.index_cast %add3A_340 : i32 to index
      %swap3A_361 = arith.constant 16 : index
      %swap3A_362 = tpu.vector_load %arg14[%swap3A_360, %swap3A_361] {strides = array<i32>} : memref<640x32xf32, #tpu.memory_space<vmem>>, vector<1x16xf32>,
      %swap3A_363 = vector.shape_cast %swap3A_362 : vector<1x16xf32> to vector<16xf32>
      %swap3A_364 = vector.shape_cast %mul3A_359 : vector<16xf32> to vector<1x16xf32>
      tpu.vector_store %arg14[%swap3A_360, %swap3A_361], %swap3A_364 {strides = array<i32>} : memref<640x32xf32, #tpu.memory_space<vmem>>, vector<1x16xf32>,
      %mul3A_365 = arith.constant 16 : i32
      %mul3A_366 = arith.muli %scan3A_166, %mul3A_365 : i32
      %add3A_367 = arith.constant 7 : i32
      %add3A_368 = arith.addi %mul3A_366, %add3A_367 : i32
      %slice3A_369 = vector.extract_strided_slice %get3A_171 {offsets = [7], sizes = [1], strides = [1]} : vector<16xf32> to vector<1xf32>
      %squeeze3A_370 = vector.extract %slice3A_369[0] : f32 from vector<1xf32>
      %get3A_371 = arith.index_cast %add3A_368 : i32 to index
      %get3A_372 = arith.constant 0 : index
      %get3A_373 = tpu.vector_load %arg14[%get3A_371, %get3A_372] {strides = array<i32>} : memref<640x32xf32, #tpu.memory_space<vmem>>, vector<1x16xf32>,
      %get3A_374 = vector.shape_cast %get3A_373 : vector<1x16xf32> to vector<16xf32>
      %mul3A_375 = vector.broadcast %squeeze3A_370 : f32 to vector<16xf32>
      %mul3A_376 = arith.mulf %get3A_374, %mul3A_375 : vector<16xf32>
      %swap3A_377 = arith.index_cast %add3A_368 : i32 to index
      %swap3A_378 = arith.constant 0 : index
      %swap3A_379 = tpu.vector_load %arg14[%swap3A_377, %swap3A_378] {strides = array<i32>} : memref<640x32xf32, #tpu.memory_space<vmem>>, vector<1x16xf32>,
      %swap3A_380 = vector.shape_cast %swap3A_379 : vector<1x16xf32> to vector<16xf32>
      %swap3A_381 = vector.shape_cast %mul3A_376 : vector<16xf32> to vector<1x16xf32>
      tpu.vector_store %arg14[%swap3A_377, %swap3A_378], %swap3A_381 {strides = array<i32>} : memref<640x32xf32, #tpu.memory_space<vmem>>, vector<1x16xf32>,
      %get3A_382 = arith.index_cast %add3A_368 : i32 to index
      %get3A_383 = arith.constant 16 : index
      %get3A_384 = tpu.vector_load %arg14[%get3A_382, %get3A_383] {strides = array<i32>} : memref<640x32xf32, #tpu.memory_space<vmem>>, vector<1x16xf32>,
      %get3A_385 = vector.shape_cast %get3A_384 : vector<1x16xf32> to vector<16xf32>
      %mul3A_386 = vector.broadcast %squeeze3A_370 : f32 to vector<16xf32>
      %mul3A_387 = arith.mulf %get3A_385, %mul3A_386 : vector<16xf32>
      %swap3A_388 = arith.index_cast %add3A_368 : i32 to index
      %swap3A_389 = arith.constant 16 : index
      %swap3A_390 = tpu.vector_load %arg14[%swap3A_388, %swap3A_389] {strides = array<i32>} : memref<640x32xf32, #tpu.memory_space<vmem>>, vector<1x16xf32>,
      %swap3A_391 = vector.shape_cast %swap3A_390 : vector<1x16xf32> to vector<16xf32>
      %swap3A_392 = vector.shape_cast %mul3A_387 : vector<16xf32> to vector<1x16xf32>
      tpu.vector_store %arg14[%swap3A_388, %swap3A_389], %swap3A_392 {strides = array<i32>} : memref<640x32xf32, #tpu.memory_space<vmem>>, vector<1x16xf32>,
      %mul3A_393 = arith.constant 16 : i32
      %mul3A_394 = arith.muli %scan3A_166, %mul3A_393 : i32
      %add3A_395 = arith.constant 8 : i32
      %add3A_396 = arith.addi %mul3A_394, %add3A_395 : i32
      %slice3A_397 = vector.extract_strided_slice %get3A_171 {offsets = [8], sizes = [1], strides = [1]} : vector<16xf32> to vector<1xf32>
      %squeeze3A_398 = vector.extract %slice3A_397[0] : f32 from vector<1xf32>
      %get3A_399 = arith.index_cast %add3A_396 : i32 to index
      %get3A_400 = arith.constant 0 : index
      %get3A_401 = tpu.vector_load %arg14[%get3A_399, %get3A_400] {strides = array<i32>} : memref<640x32xf32, #tpu.memory_space<vmem>>, vector<1x16xf32>,
      %get3A_402 = vector.shape_cast %get3A_401 : vector<1x16xf32> to vector<16xf32>
      %mul3A_403 = vector.broadcast %squeeze3A_398 : f32 to vector<16xf32>
      %mul3A_404 = arith.mulf %get3A_402, %mul3A_403 : vector<16xf32>
      %swap3A_405 = arith.index_cast %add3A_396 : i32 to index
      %swap3A_406 = arith.constant 0 : index
      %swap3A_407 = tpu.vector_load %arg14[%swap3A_405, %swap3A_406] {strides = array<i32>} : memref<640x32xf32, #tpu.memory_space<vmem>>, vector<1x16xf32>,
      %swap3A_408 = vector.shape_cast %swap3A_407 : vector<1x16xf32> to vector<16xf32>
      %swap3A_409 = vector.shape_cast %mul3A_404 : vector<16xf32> to vector<1x16xf32>
      tpu.vector_store %arg14[%swap3A_405, %swap3A_406], %swap3A_409 {strides = array<i32>} : memref<640x32xf32, #tpu.memory_space<vmem>>, vector<1x16xf32>,
      %get3A_410 = arith.index_cast %add3A_396 : i32 to index
      %get3A_411 = arith.constant 16 : index
      %get3A_412 = tpu.vector_load %arg14[%get3A_410, %get3A_411] {strides = array<i32>} : memref<640x32xf32, #tpu.memory_space<vmem>>, vector<1x16xf32>,
      %get3A_413 = vector.shape_cast %get3A_412 : vector<1x16xf32> to vector<16xf32>
      %mul3A_414 = vector.broadcast %squeeze3A_398 : f32 to vector<16xf32>
      %mul3A_415 = arith.mulf %get3A_413, %mul3A_414 : vector<16xf32>
      %swap3A_416 = arith.index_cast %add3A_396 : i32 to index
      %swap3A_417 = arith.constant 16 : index
      %swap3A_418 = tpu.vector_load %arg14[%swap3A_416, %swap3A_417] {strides = array<i32>} : memref<640x32xf32, #tpu.memory_space<vmem>>, vector<1x16xf32>,
      %swap3A_419 = vector.shape_cast %swap3A_418 : vector<1x16xf32> to vector<16xf32>
      %swap3A_420 = vector.shape_cast %mul3A_415 : vector<16xf32> to vector<1x16xf32>
      tpu.vector_store %arg14[%swap3A_416, %swap3A_417], %swap3A_420 {strides = array<i32>} : memref<640x32xf32, #tpu.memory_space<vmem>>, vector<1x16xf32>,
      %mul3A_421 = arith.constant 16 : i32
      %mul3A_422 = arith.muli %scan3A_166, %mul3A_421 : i32
      %add3A_423 = arith.constant 9 : i32
      %add3A_424 = arith.addi %mul3A_422, %add3A_423 : i32
      %slice3A_425 = vector.extract_strided_slice %get3A_171 {offsets = [9], sizes = [1], strides = [1]} : vector<16xf32> to vector<1xf32>
      %squeeze3A_426 = vector.extract %slice3A_425[0] : f32 from vector<1xf32>
      %get3A_427 = arith.index_cast %add3A_424 : i32 to index
      %get3A_428 = arith.constant 0 : index
      %get3A_429 = tpu.vector_load %arg14[%get3A_427, %get3A_428] {strides = array<i32>} : memref<640x32xf32, #tpu.memory_space<vmem>>, vector<1x16xf32>,
      %get3A_430 = vector.shape_cast %get3A_429 : vector<1x16xf32> to vector<16xf32>
      %mul3A_431 = vector.broadcast %squeeze3A_426 : f32 to vector<16xf32>
      %mul3A_432 = arith.mulf %get3A_430, %mul3A_431 : vector<16xf32>
      %swap3A_433 = arith.index_cast %add3A_424 : i32 to index
      %swap3A_434 = arith.constant 0 : index
      %swap3A_435 = tpu.vector_load %arg14[%swap3A_433, %swap3A_434] {strides = array<i32>} : memref<640x32xf32, #tpu.memory_space<vmem>>, vector<1x16xf32>,
      %swap3A_436 = vector.shape_cast %swap3A_435 : vector<1x16xf32> to vector<16xf32>
      %swap3A_437 = vector.shape_cast %mul3A_432 : vector<16xf32> to vector<1x16xf32>
      tpu.vector_store %arg14[%swap3A_433, %swap3A_434], %swap3A_437 {strides = array<i32>} : memref<640x32xf32, #tpu.memory_space<vmem>>, vector<1x16xf32>,
      %get3A_438 = arith.index_cast %add3A_424 : i32 to index
      %get3A_439 = arith.constant 16 : index
      %get3A_440 = tpu.vector_load %arg14[%get3A_438, %get3A_439] {strides = array<i32>} : memref<640x32xf32, #tpu.memory_space<vmem>>, vector<1x16xf32>,
      %get3A_441 = vector.shape_cast %get3A_440 : vector<1x16xf32> to vector<16xf32>
      %mul3A_442 = vector.broadcast %squeeze3A_426 : f32 to vector<16xf32>
      %mul3A_443 = arith.mulf %get3A_441, %mul3A_442 : vector<16xf32>
      %swap3A_444 = arith.index_cast %add3A_424 : i32 to index
      %swap3A_445 = arith.constant 16 : index
      %swap3A_446 = tpu.vector_load %arg14[%swap3A_444, %swap3A_445] {strides = array<i32>} : memref<640x32xf32, #tpu.memory_space<vmem>>, vector<1x16xf32>,
      %swap3A_447 = vector.shape_cast %swap3A_446 : vector<1x16xf32> to vector<16xf32>
      %swap3A_448 = vector.shape_cast %mul3A_443 : vector<16xf32> to vector<1x16xf32>
      tpu.vector_store %arg14[%swap3A_444, %swap3A_445], %swap3A_448 {strides = array<i32>} : memref<640x32xf32, #tpu.memory_space<vmem>>, vector<1x16xf32>,
      %mul3A_449 = arith.constant 16 : i32
      %mul3A_450 = arith.muli %scan3A_166, %mul3A_449 : i32
      %add3A_451 = arith.constant 10 : i32
      %add3A_452 = arith.addi %mul3A_450, %add3A_451 : i32
      %slice3A_453 = vector.extract_strided_slice %get3A_171 {offsets = [10], sizes = [1], strides = [1]} : vector<16xf32> to vector<1xf32>
      %squeeze3A_454 = vector.extract %slice3A_453[0] : f32 from vector<1xf32>
      %get3A_455 = arith.index_cast %add3A_452 : i32 to index
      %get3A_456 = arith.constant 0 : index
      %get3A_457 = tpu.vector_load %arg14[%get3A_455, %get3A_456] {strides = array<i32>} : memref<640x32xf32, #tpu.memory_space<vmem>>, vector<1x16xf32>,
      %get3A_458 = vector.shape_cast %get3A_457 : vector<1x16xf32> to vector<16xf32>
      %mul3A_459 = vector.broadcast %squeeze3A_454 : f32 to vector<16xf32>
      %mul3A_460 = arith.mulf %get3A_458, %mul3A_459 : vector<16xf32>
      %swap3A_461 = arith.index_cast %add3A_452 : i32 to index
      %swap3A_462 = arith.constant 0 : index
      %swap3A_463 = tpu.vector_load %arg14[%swap3A_461, %swap3A_462] {strides = array<i32>} : memref<640x32xf32, #tpu.memory_space<vmem>>, vector<1x16xf32>,
      %swap3A_464 = vector.shape_cast %swap3A_463 : vector<1x16xf32> to vector<16xf32>
      %swap3A_465 = vector.shape_cast %mul3A_460 : vector<16xf32> to vector<1x16xf32>
      tpu.vector_store %arg14[%swap3A_461, %swap3A_462], %swap3A_465 {strides = array<i32>} : memref<640x32xf32, #tpu.memory_space<vmem>>, vector<1x16xf32>,
      %get3A_466 = arith.index_cast %add3A_452 : i32 to index
      %get3A_467 = arith.constant 16 : index
      %get3A_468 = tpu.vector_load %arg14[%get3A_466, %get3A_467] {strides = array<i32>} : memref<640x32xf32, #tpu.memory_space<vmem>>, vector<1x16xf32>,
      %get3A_469 = vector.shape_cast %get3A_468 : vector<1x16xf32> to vector<16xf32>
      %mul3A_470 = vector.broadcast %squeeze3A_454 : f32 to vector<16xf32>
      %mul3A_471 = arith.mulf %get3A_469, %mul3A_470 : vector<16xf32>
      %swap3A_472 = arith.index_cast %add3A_452 : i32 to index
      %swap3A_473 = arith.constant 16 : index
      %swap3A_474 = tpu.vector_load %arg14[%swap3A_472, %swap3A_473] {strides = array<i32>} : memref<640x32xf32, #tpu.memory_space<vmem>>, vector<1x16xf32>,
      %swap3A_475 = vector.shape_cast %swap3A_474 : vector<1x16xf32> to vector<16xf32>
      %swap3A_476 = vector.shape_cast %mul3A_471 : vector<16xf32> to vector<1x16xf32>
      tpu.vector_store %arg14[%swap3A_472, %swap3A_473], %swap3A_476 {strides = array<i32>} : memref<640x32xf32, #tpu.memory_space<vmem>>, vector<1x16xf32>,
      %mul3A_477 = arith.constant 16 : i32
      %mul3A_478 = arith.muli %scan3A_166, %mul3A_477 : i32
      %add3A_479 = arith.constant 11 : i32
      %add3A_480 = arith.addi %mul3A_478, %add3A_479 : i32
      %slice3A_481 = vector.extract_strided_slice %get3A_171 {offsets = [11], sizes = [1], strides = [1]} : vector<16xf32> to vector<1xf32>
      %squeeze3A_482 = vector.extract %slice3A_481[0] : f32 from vector<1xf32>
      %get3A_483 = arith.index_cast %add3A_480 : i32 to index
      %get3A_484 = arith.constant 0 : index
      %get3A_485 = tpu.vector_load %arg14[%get3A_483, %get3A_484] {strides = array<i32>} : memref<640x32xf32, #tpu.memory_space<vmem>>, vector<1x16xf32>,
      %get3A_486 = vector.shape_cast %get3A_485 : vector<1x16xf32> to vector<16xf32>
      %mul3A_487 = vector.broadcast %squeeze3A_482 : f32 to vector<16xf32>
      %mul3A_488 = arith.mulf %get3A_486, %mul3A_487 : vector<16xf32>
      %swap3A_489 = arith.index_cast %add3A_480 : i32 to index
      %swap3A_490 = arith.constant 0 : index
      %swap3A_491 = tpu.vector_load %arg14[%swap3A_489, %swap3A_490] {strides = array<i32>} : memref<640x32xf32, #tpu.memory_space<vmem>>, vector<1x16xf32>,
      %swap3A_492 = vector.shape_cast %swap3A_491 : vector<1x16xf32> to vector<16xf32>
      %swap3A_493 = vector.shape_cast %mul3A_488 : vector<16xf32> to vector<1x16xf32>
      tpu.vector_store %arg14[%swap3A_489, %swap3A_490], %swap3A_493 {strides = array<i32>} : memref<640x32xf32, #tpu.memory_space<vmem>>, vector<1x16xf32>,
      %get3A_494 = arith.index_cast %add3A_480 : i32 to index
      %get3A_495 = arith.constant 16 : index
      %get3A_496 = tpu.vector_load %arg14[%get3A_494, %get3A_495] {strides = array<i32>} : memref<640x32xf32, #tpu.memory_space<vmem>>, vector<1x16xf32>,
      %get3A_497 = vector.shape_cast %get3A_496 : vector<1x16xf32> to vector<16xf32>
      %mul3A_498 = vector.broadcast %squeeze3A_482 : f32 to vector<16xf32>
      %mul3A_499 = arith.mulf %get3A_497, %mul3A_498 : vector<16xf32>
      %swap3A_500 = arith.index_cast %add3A_480 : i32 to index
      %swap3A_501 = arith.constant 16 : index
      %swap3A_502 = tpu.vector_load %arg14[%swap3A_500, %swap3A_501] {strides = array<i32>} : memref<640x32xf32, #tpu.memory_space<vmem>>, vector<1x16xf32>,
      %swap3A_503 = vector.shape_cast %swap3A_502 : vector<1x16xf32> to vector<16xf32>
      %swap3A_504 = vector.shape_cast %mul3A_499 : vector<16xf32> to vector<1x16xf32>
      tpu.vector_store %arg14[%swap3A_500, %swap3A_501], %swap3A_504 {strides = array<i32>} : memref<640x32xf32, #tpu.memory_space<vmem>>, vector<1x16xf32>,
      %mul3A_505 = arith.constant 16 : i32
      %mul3A_506 = arith.muli %scan3A_166, %mul3A_505 : i32
      %add3A_507 = arith.constant 12 : i32
      %add3A_508 = arith.addi %mul3A_506, %add3A_507 : i32
      %slice3A_509 = vector.extract_strided_slice %get3A_171 {offsets = [12], sizes = [1], strides = [1]} : vector<16xf32> to vector<1xf32>
      %squeeze3A_510 = vector.extract %slice3A_509[0] : f32 from vector<1xf32>
      %get3A_511 = arith.index_cast %add3A_508 : i32 to index
      %get3A_512 = arith.constant 0 : index
      %get3A_513 = tpu.vector_load %arg14[%get3A_511, %get3A_512] {strides = array<i32>} : memref<640x32xf32, #tpu.memory_space<vmem>>, vector<1x16xf32>,
      %get3A_514 = vector.shape_cast %get3A_513 : vector<1x16xf32> to vector<16xf32>
      %mul3A_515 = vector.broadcast %squeeze3A_510 : f32 to vector<16xf32>
      %mul3A_516 = arith.mulf %get3A_514, %mul3A_515 : vector<16xf32>
      %swap3A_517 = arith.index_cast %add3A_508 : i32 to index
      %swap3A_518 = arith.constant 0 : index
      %swap3A_519 = tpu.vector_load %arg14[%swap3A_517, %swap3A_518] {strides = array<i32>} : memref<640x32xf32, #tpu.memory_space<vmem>>, vector<1x16xf32>,
      %swap3A_520 = vector.shape_cast %swap3A_519 : vector<1x16xf32> to vector<16xf32>
      %swap3A_521 = vector.shape_cast %mul3A_516 : vector<16xf32> to vector<1x16xf32>
      tpu.vector_store %arg14[%swap3A_517, %swap3A_518], %swap3A_521 {strides = array<i32>} : memref<640x32xf32, #tpu.memory_space<vmem>>, vector<1x16xf32>,
      %get3A_522 = arith.index_cast %add3A_508 : i32 to index
      %get3A_523 = arith.constant 16 : index
      %get3A_524 = tpu.vector_load %arg14[%get3A_522, %get3A_523] {strides = array<i32>} : memref<640x32xf32, #tpu.memory_space<vmem>>, vector<1x16xf32>,
      %get3A_525 = vector.shape_cast %get3A_524 : vector<1x16xf32> to vector<16xf32>
      %mul3A_526 = vector.broadcast %squeeze3A_510 : f32 to vector<16xf32>
      %mul3A_527 = arith.mulf %get3A_525, %mul3A_526 : vector<16xf32>
      %swap3A_528 = arith.index_cast %add3A_508 : i32 to index
      %swap3A_529 = arith.constant 16 : index
      %swap3A_530 = tpu.vector_load %arg14[%swap3A_528, %swap3A_529] {strides = array<i32>} : memref<640x32xf32, #tpu.memory_space<vmem>>, vector<1x16xf32>,
      %swap3A_531 = vector.shape_cast %swap3A_530 : vector<1x16xf32> to vector<16xf32>
      %swap3A_532 = vector.shape_cast %mul3A_527 : vector<16xf32> to vector<1x16xf32>
      tpu.vector_store %arg14[%swap3A_528, %swap3A_529], %swap3A_532 {strides = array<i32>} : memref<640x32xf32, #tpu.memory_space<vmem>>, vector<1x16xf32>,
      %mul3A_533 = arith.constant 16 : i32
      %mul3A_534 = arith.muli %scan3A_166, %mul3A_533 : i32
      %add3A_535 = arith.constant 13 : i32
      %add3A_536 = arith.addi %mul3A_534, %add3A_535 : i32
      %slice3A_537 = vector.extract_strided_slice %get3A_171 {offsets = [13], sizes = [1], strides = [1]} : vector<16xf32> to vector<1xf32>
      %squeeze3A_538 = vector.extract %slice3A_537[0] : f32 from vector<1xf32>
      %get3A_539 = arith.index_cast %add3A_536 : i32 to index
      %get3A_540 = arith.constant 0 : index
      %get3A_541 = tpu.vector_load %arg14[%get3A_539, %get3A_540] {strides = array<i32>} : memref<640x32xf32, #tpu.memory_space<vmem>>, vector<1x16xf32>,
      %get3A_542 = vector.shape_cast %get3A_541 : vector<1x16xf32> to vector<16xf32>
      %mul3A_543 = vector.broadcast %squeeze3A_538 : f32 to vector<16xf32>
      %mul3A_544 = arith.mulf %get3A_542, %mul3A_543 : vector<16xf32>
      %swap3A_545 = arith.index_cast %add3A_536 : i32 to index
      %swap3A_546 = arith.constant 0 : index
      %swap3A_547 = tpu.vector_load %arg14[%swap3A_545, %swap3A_546] {strides = array<i32>} : memref<640x32xf32, #tpu.memory_space<vmem>>, vector<1x16xf32>,
      %swap3A_548 = vector.shape_cast %swap3A_547 : vector<1x16xf32> to vector<16xf32>
      %swap3A_549 = vector.shape_cast %mul3A_544 : vector<16xf32> to vector<1x16xf32>
      tpu.vector_store %arg14[%swap3A_545, %swap3A_546], %swap3A_549 {strides = array<i32>} : memref<640x32xf32, #tpu.memory_space<vmem>>, vector<1x16xf32>,
      %get3A_550 = arith.index_cast %add3A_536 : i32 to index
      %get3A_551 = arith.constant 16 : index
      %get3A_552 = tpu.vector_load %arg14[%get3A_550, %get3A_551] {strides = array<i32>} : memref<640x32xf32, #tpu.memory_space<vmem>>, vector<1x16xf32>,
      %get3A_553 = vector.shape_cast %get3A_552 : vector<1x16xf32> to vector<16xf32>
      %mul3A_554 = vector.broadcast %squeeze3A_538 : f32 to vector<16xf32>
      %mul3A_555 = arith.mulf %get3A_553, %mul3A_554 : vector<16xf32>
      %swap3A_556 = arith.index_cast %add3A_536 : i32 to index
      %swap3A_557 = arith.constant 16 : index
      %swap3A_558 = tpu.vector_load %arg14[%swap3A_556, %swap3A_557] {strides = array<i32>} : memref<640x32xf32, #tpu.memory_space<vmem>>, vector<1x16xf32>,
      %swap3A_559 = vector.shape_cast %swap3A_558 : vector<1x16xf32> to vector<16xf32>
      %swap3A_560 = vector.shape_cast %mul3A_555 : vector<16xf32> to vector<1x16xf32>
      tpu.vector_store %arg14[%swap3A_556, %swap3A_557], %swap3A_560 {strides = array<i32>} : memref<640x32xf32, #tpu.memory_space<vmem>>, vector<1x16xf32>,
      %mul3A_561 = arith.constant 16 : i32
      %mul3A_562 = arith.muli %scan3A_166, %mul3A_561 : i32
      %add3A_563 = arith.constant 14 : i32
      %add3A_564 = arith.addi %mul3A_562, %add3A_563 : i32
      %slice3A_565 = vector.extract_strided_slice %get3A_171 {offsets = [14], sizes = [1], strides = [1]} : vector<16xf32> to vector<1xf32>
      %squeeze3A_566 = vector.extract %slice3A_565[0] : f32 from vector<1xf32>
      %get3A_567 = arith.index_cast %add3A_564 : i32 to index
      %get3A_568 = arith.constant 0 : index
      %get3A_569 = tpu.vector_load %arg14[%get3A_567, %get3A_568] {strides = array<i32>} : memref<640x32xf32, #tpu.memory_space<vmem>>, vector<1x16xf32>,
      %get3A_570 = vector.shape_cast %get3A_569 : vector<1x16xf32> to vector<16xf32>
      %mul3A_571 = vector.broadcast %squeeze3A_566 : f32 to vector<16xf32>
      %mul3A_572 = arith.mulf %get3A_570, %mul3A_571 : vector<16xf32>
      %swap3A_573 = arith.index_cast %add3A_564 : i32 to index
      %swap3A_574 = arith.constant 0 : index
      %swap3A_575 = tpu.vector_load %arg14[%swap3A_573, %swap3A_574] {strides = array<i32>} : memref<640x32xf32, #tpu.memory_space<vmem>>, vector<1x16xf32>,
      %swap3A_576 = vector.shape_cast %swap3A_575 : vector<1x16xf32> to vector<16xf32>
      %swap3A_577 = vector.shape_cast %mul3A_572 : vector<16xf32> to vector<1x16xf32>
      tpu.vector_store %arg14[%swap3A_573, %swap3A_574], %swap3A_577 {strides = array<i32>} : memref<640x32xf32, #tpu.memory_space<vmem>>, vector<1x16xf32>,
      %get3A_578 = arith.index_cast %add3A_564 : i32 to index
      %get3A_579 = arith.constant 16 : index
      %get3A_580 = tpu.vector_load %arg14[%get3A_578, %get3A_579] {strides = array<i32>} : memref<640x32xf32, #tpu.memory_space<vmem>>, vector<1x16xf32>,
      %get3A_581 = vector.shape_cast %get3A_580 : vector<1x16xf32> to vector<16xf32>
      %mul3A_582 = vector.broadcast %squeeze3A_566 : f32 to vector<16xf32>
      %mul3A_583 = arith.mulf %get3A_581, %mul3A_582 : vector<16xf32>
      %swap3A_584 = arith.index_cast %add3A_564 : i32 to index
      %swap3A_585 = arith.constant 16 : index
      %swap3A_586 = tpu.vector_load %arg14[%swap3A_584, %swap3A_585] {strides = array<i32>} : memref<640x32xf32, #tpu.memory_space<vmem>>, vector<1x16xf32>,
      %swap3A_587 = vector.shape_cast %swap3A_586 : vector<1x16xf32> to vector<16xf32>
      %swap3A_588 = vector.shape_cast %mul3A_583 : vector<16xf32> to vector<1x16xf32>
      tpu.vector_store %arg14[%swap3A_584, %swap3A_585], %swap3A_588 {strides = array<i32>} : memref<640x32xf32, #tpu.memory_space<vmem>>, vector<1x16xf32>,
      %mul3A_589 = arith.constant 16 : i32
      %mul3A_590 = arith.muli %scan3A_166, %mul3A_589 : i32
      %add3A_591 = arith.constant 15 : i32
      %add3A_592 = arith.addi %mul3A_590, %add3A_591 : i32
      %slice3A_593 = vector.extract_strided_slice %get3A_171 {offsets = [15], sizes = [1], strides = [1]} : vector<16xf32> to vector<1xf32>
      %squeeze3A_594 = vector.extract %slice3A_593[0] : f32 from vector<1xf32>
      %get3A_595 = arith.index_cast %add3A_592 : i32 to index
      %get3A_596 = arith.constant 0 : index
      %get3A_597 = tpu.vector_load %arg14[%get3A_595, %get3A_596] {strides = array<i32>} : memref<640x32xf32, #tpu.memory_space<vmem>>, vector<1x16xf32>,
      %get3A_598 = vector.shape_cast %get3A_597 : vector<1x16xf32> to vector<16xf32>
      %mul3A_599 = vector.broadcast %squeeze3A_594 : f32 to vector<16xf32>
      %mul3A_600 = arith.mulf %get3A_598, %mul3A_599 : vector<16xf32>
      %swap3A_601 = arith.index_cast %add3A_592 : i32 to index
      %swap3A_602 = arith.constant 0 : index
      %swap3A_603 = tpu.vector_load %arg14[%swap3A_601, %swap3A_602] {strides = array<i32>} : memref<640x32xf32, #tpu.memory_space<vmem>>, vector<1x16xf32>,
      %swap3A_604 = vector.shape_cast %swap3A_603 : vector<1x16xf32> to vector<16xf32>
      %swap3A_605 = vector.shape_cast %mul3A_600 : vector<16xf32> to vector<1x16xf32>
      tpu.vector_store %arg14[%swap3A_601, %swap3A_602], %swap3A_605 {strides = array<i32>} : memref<640x32xf32, #tpu.memory_space<vmem>>, vector<1x16xf32>,
      %get3A_606 = arith.index_cast %add3A_592 : i32 to index
      %get3A_607 = arith.constant 16 : index
      %get3A_608 = tpu.vector_load %arg14[%get3A_606, %get3A_607] {strides = array<i32>} : memref<640x32xf32, #tpu.memory_space<vmem>>, vector<1x16xf32>,
      %get3A_609 = vector.shape_cast %get3A_608 : vector<1x16xf32> to vector<16xf32>
      %mul3A_610 = vector.broadcast %squeeze3A_594 : f32 to vector<16xf32>
      %mul3A_611 = arith.mulf %get3A_609, %mul3A_610 : vector<16xf32>
      %swap3A_612 = arith.index_cast %add3A_592 : i32 to index
      %swap3A_613 = arith.constant 16 : index
      %swap3A_614 = tpu.vector_load %arg14[%swap3A_612, %swap3A_613] {strides = array<i32>} : memref<640x32xf32, #tpu.memory_space<vmem>>, vector<1x16xf32>,
      %swap3A_615 = vector.shape_cast %swap3A_614 : vector<1x16xf32> to vector<16xf32>
      %swap3A_616 = vector.shape_cast %mul3A_611 : vector<16xf32> to vector<1x16xf32>
      tpu.vector_store %arg14[%swap3A_612, %swap3A_613], %swap3A_616 {strides = array<i32>} : memref<640x32xf32, #tpu.memory_space<vmem>>, vector<1x16xf32>,
      %scan3A_617 = arith.constant 0 : i32
      scf.yield %scan3A_617 : i32
    }
    %scan3A_87 = arith.constant 40 : i32
    "tpu.region"() ({
      %run_scoped3A = tpu.sem_alloc : memref<!tpu.dma_semaphore, #tpu.memory_space<semaphore_mem>>
      %dma_start3A_166 = arith.constant 0 : i32
      %dma_start3A_167 = tpu.memref_slice %arg17[%mul3A_0, %dma_start3A_166] : memref<10240x32xf32, #tpu.memory_space<vmem_shared>> -> memref<640x32xf32, #tpu.memory_space<vmem_shared>>
      %dma_start3A_168 = arith.constant 0 : i32
      %dma_start3A_169 = tpu.memref_slice %arg17[%mul3A_0, %dma_start3A_168] : memref<10240x32xf32, #tpu.memory_space<vmem_shared>> -> memref<640x32xf32, #tpu.memory_space<vmem_shared>>
      tpu.enqueue_dma source(%arg14 : memref<640x32xf32, #tpu.memory_space<vmem>>) target(%dma_start3A_169 : memref<640x32xf32, #tpu.memory_space<vmem_shared>>) target_semaphore(%run_scoped3A : memref<!tpu.dma_semaphore, #tpu.memory_space<semaphore_mem>>)
      %dma_wait3A_170 = arith.constant 0 : i32
      %dma_wait3A_171 = tpu.memref_slice %arg17[%mul3A_0, %dma_wait3A_170] : memref<10240x32xf32, #tpu.memory_space<vmem_shared>> -> memref<640x32xf32, #tpu.memory_space<vmem_shared>>
      %dma_wait3A_172 = arith.constant 0 : i32
      %dma_wait3A_173 = tpu.memref_slice %arg17[%mul3A_0, %dma_wait3A_172] : memref<10240x32xf32, #tpu.memory_space<vmem_shared>> -> memref<640x32xf32, #tpu.memory_space<vmem_shared>>
      tpu.wait_dma2 semaphore(%run_scoped3A : memref<!tpu.dma_semaphore, #tpu.memory_space<semaphore_mem>>) src(%arg14 : memref<640x32xf32, #tpu.memory_space<vmem>>) dst(%dma_wait3A_173 : memref<640x32xf32, #tpu.memory_space<vmem_shared>>)
      tpu.yield
    }) : () -> ()
    %scan3A_88 = arith.constant 0 : i32
    %scan3A_89 = arith.constant 0 : i32
    %scan3A_90 = arith.constant 128 : i32
    %scan3A_91 = arith.addi %scan3A_89, %scan3A_90 : i32
    %scan3A_92 = arith.constant 1 : i32
    %scan3A_93 = scf.for %scan3A_166 = %scan3A_89 to %scan3A_91 step %scan3A_92 iter_args(%scan3A_167 = %scan3A_88) -> (i32)  : i32 {
      %broadcast_in_dim3A = arith.constant 0.000000e+00 : f32
      %broadcast_in_dim3A_168 = vector.broadcast %broadcast_in_dim3A : f32 to vector<16xf32>
      %swap3A = arith.index_cast %scan3A_166 : i32 to index
      %swap3A_169 = arith.constant 0 : index
      %swap3A_170 = tpu.vector_load %arg10[%swap3A, %swap3A_169] {strides = array<i32>} : memref<128x32xf32, #tpu.memory_space<vmem>>, vector<1x16xf32>,
      %swap3A_171 = vector.shape_cast %swap3A_170 : vector<1x16xf32> to vector<16xf32>
      %swap3A_172 = vector.shape_cast %broadcast_in_dim3A_168 : vector<16xf32> to vector<1x16xf32>
      tpu.vector_store %arg10[%swap3A, %swap3A_169], %swap3A_172 {strides = array<i32>} : memref<128x32xf32, #tpu.memory_space<vmem>>, vector<1x16xf32>,
      %broadcast_in_dim3A_173 = arith.constant 0.000000e+00 : f32
      %broadcast_in_dim3A_174 = vector.broadcast %broadcast_in_dim3A_173 : f32 to vector<16xf32>
      %swap3A_175 = arith.index_cast %scan3A_166 : i32 to index
      %swap3A_176 = arith.constant 16 : index
      %swap3A_177 = tpu.vector_load %arg10[%swap3A_175, %swap3A_176] {strides = array<i32>} : memref<128x32xf32, #tpu.memory_space<vmem>>, vector<1x16xf32>,
      %swap3A_178 = vector.shape_cast %swap3A_177 : vector<1x16xf32> to vector<16xf32>
      %swap3A_179 = vector.shape_cast %broadcast_in_dim3A_174 : vector<16xf32> to vector<1x16xf32>
      tpu.vector_store %arg10[%swap3A_175, %swap3A_176], %swap3A_179 {strides = array<i32>} : memref<128x32xf32, #tpu.memory_space<vmem>>, vector<1x16xf32>,
      %scan3A_180 = arith.constant 0 : i32
      scf.yield %scan3A_180 : i32
    }
    %scan3A_94 = arith.constant 128 : i32
    %add3A_95 = arith.constant 0 : i32
    %add3A_96 = arith.addi %mul3A_0, %add3A_95 : i32
    "tpu.region"() ({
      %run_scoped3A = tpu.sem_alloc : memref<!tpu.dma_semaphore, #tpu.memory_space<semaphore_mem>>
      %dma_start3A_166 = arith.constant 0 : i32
      %dma_start3A_167 = tpu.memref_slice %arg16[%add3A_96, %dma_start3A_166] : memref<10240x32xf32, #tpu.memory_space<vmem_shared>> -> memref<128x32xf32, #tpu.memory_space<vmem_shared>>
      %dma_start3A_168 = arith.constant 0 : i32
      %dma_start3A_169 = tpu.memref_slice %arg16[%add3A_96, %dma_start3A_168] : memref<10240x32xf32, #tpu.memory_space<vmem_shared>> -> memref<128x32xf32, #tpu.memory_space<vmem_shared>>
      tpu.enqueue_dma source(%arg10 : memref<128x32xf32, #tpu.memory_space<vmem>>) target(%dma_start3A_169 : memref<128x32xf32, #tpu.memory_space<vmem_shared>>) target_semaphore(%run_scoped3A : memref<!tpu.dma_semaphore, #tpu.memory_space<semaphore_mem>>)
      %dma_wait3A_170 = arith.constant 0 : i32
      %dma_wait3A_171 = tpu.memref_slice %arg16[%add3A_96, %dma_wait3A_170] : memref<10240x32xf32, #tpu.memory_space<vmem_shared>> -> memref<128x32xf32, #tpu.memory_space<vmem_shared>>
      %dma_wait3A_172 = arith.constant 0 : i32
      %dma_wait3A_173 = tpu.memref_slice %arg16[%add3A_96, %dma_wait3A_172] : memref<10240x32xf32, #tpu.memory_space<vmem_shared>> -> memref<128x32xf32, #tpu.memory_space<vmem_shared>>
      tpu.wait_dma2 semaphore(%run_scoped3A : memref<!tpu.dma_semaphore, #tpu.memory_space<semaphore_mem>>) src(%arg10 : memref<128x32xf32, #tpu.memory_space<vmem>>) dst(%dma_wait3A_173 : memref<128x32xf32, #tpu.memory_space<vmem_shared>>)
      tpu.yield
    }) : () -> ()
    %add3A_97 = arith.constant 128 : i32
    %add3A_98 = arith.addi %mul3A_0, %add3A_97 : i32
    "tpu.region"() ({
      %run_scoped3A = tpu.sem_alloc : memref<!tpu.dma_semaphore, #tpu.memory_space<semaphore_mem>>
      %dma_start3A_166 = arith.constant 0 : i32
      %dma_start3A_167 = tpu.memref_slice %arg16[%add3A_98, %dma_start3A_166] : memref<10240x32xf32, #tpu.memory_space<vmem_shared>> -> memref<128x32xf32, #tpu.memory_space<vmem_shared>>
      %dma_start3A_168 = arith.constant 0 : i32
      %dma_start3A_169 = tpu.memref_slice %arg16[%add3A_98, %dma_start3A_168] : memref<10240x32xf32, #tpu.memory_space<vmem_shared>> -> memref<128x32xf32, #tpu.memory_space<vmem_shared>>
      tpu.enqueue_dma source(%arg10 : memref<128x32xf32, #tpu.memory_space<vmem>>) target(%dma_start3A_169 : memref<128x32xf32, #tpu.memory_space<vmem_shared>>) target_semaphore(%run_scoped3A : memref<!tpu.dma_semaphore, #tpu.memory_space<semaphore_mem>>)
      %dma_wait3A_170 = arith.constant 0 : i32
      %dma_wait3A_171 = tpu.memref_slice %arg16[%add3A_98, %dma_wait3A_170] : memref<10240x32xf32, #tpu.memory_space<vmem_shared>> -> memref<128x32xf32, #tpu.memory_space<vmem_shared>>
      %dma_wait3A_172 = arith.constant 0 : i32
      %dma_wait3A_173 = tpu.memref_slice %arg16[%add3A_98, %dma_wait3A_172] : memref<10240x32xf32, #tpu.memory_space<vmem_shared>> -> memref<128x32xf32, #tpu.memory_space<vmem_shared>>
      tpu.wait_dma2 semaphore(%run_scoped3A : memref<!tpu.dma_semaphore, #tpu.memory_space<semaphore_mem>>) src(%arg10 : memref<128x32xf32, #tpu.memory_space<vmem>>) dst(%dma_wait3A_173 : memref<128x32xf32, #tpu.memory_space<vmem_shared>>)
      tpu.yield
    }) : () -> ()
    %add3A_99 = arith.constant 256 : i32
    %add3A_100 = arith.addi %mul3A_0, %add3A_99 : i32
    "tpu.region"() ({
      %run_scoped3A = tpu.sem_alloc : memref<!tpu.dma_semaphore, #tpu.memory_space<semaphore_mem>>
      %dma_start3A_166 = arith.constant 0 : i32
      %dma_start3A_167 = tpu.memref_slice %arg16[%add3A_100, %dma_start3A_166] : memref<10240x32xf32, #tpu.memory_space<vmem_shared>> -> memref<128x32xf32, #tpu.memory_space<vmem_shared>>
      %dma_start3A_168 = arith.constant 0 : i32
      %dma_start3A_169 = tpu.memref_slice %arg16[%add3A_100, %dma_start3A_168] : memref<10240x32xf32, #tpu.memory_space<vmem_shared>> -> memref<128x32xf32, #tpu.memory_space<vmem_shared>>
      tpu.enqueue_dma source(%arg10 : memref<128x32xf32, #tpu.memory_space<vmem>>) target(%dma_start3A_169 : memref<128x32xf32, #tpu.memory_space<vmem_shared>>) target_semaphore(%run_scoped3A : memref<!tpu.dma_semaphore, #tpu.memory_space<semaphore_mem>>)
      %dma_wait3A_170 = arith.constant 0 : i32
      %dma_wait3A_171 = tpu.memref_slice %arg16[%add3A_100, %dma_wait3A_170] : memref<10240x32xf32, #tpu.memory_space<vmem_shared>> -> memref<128x32xf32, #tpu.memory_space<vmem_shared>>
      %dma_wait3A_172 = arith.constant 0 : i32
      %dma_wait3A_173 = tpu.memref_slice %arg16[%add3A_100, %dma_wait3A_172] : memref<10240x32xf32, #tpu.memory_space<vmem_shared>> -> memref<128x32xf32, #tpu.memory_space<vmem_shared>>
      tpu.wait_dma2 semaphore(%run_scoped3A : memref<!tpu.dma_semaphore, #tpu.memory_space<semaphore_mem>>) src(%arg10 : memref<128x32xf32, #tpu.memory_space<vmem>>) dst(%dma_wait3A_173 : memref<128x32xf32, #tpu.memory_space<vmem_shared>>)
      tpu.yield
    }) : () -> ()
    %add3A_101 = arith.constant 384 : i32
    %add3A_102 = arith.addi %mul3A_0, %add3A_101 : i32
    "tpu.region"() ({
      %run_scoped3A = tpu.sem_alloc : memref<!tpu.dma_semaphore, #tpu.memory_space<semaphore_mem>>
      %dma_start3A_166 = arith.constant 0 : i32
      %dma_start3A_167 = tpu.memref_slice %arg16[%add3A_102, %dma_start3A_166] : memref<10240x32xf32, #tpu.memory_space<vmem_shared>> -> memref<128x32xf32, #tpu.memory_space<vmem_shared>>
      %dma_start3A_168 = arith.constant 0 : i32
      %dma_start3A_169 = tpu.memref_slice %arg16[%add3A_102, %dma_start3A_168] : memref<10240x32xf32, #tpu.memory_space<vmem_shared>> -> memref<128x32xf32, #tpu.memory_space<vmem_shared>>
      tpu.enqueue_dma source(%arg10 : memref<128x32xf32, #tpu.memory_space<vmem>>) target(%dma_start3A_169 : memref<128x32xf32, #tpu.memory_space<vmem_shared>>) target_semaphore(%run_scoped3A : memref<!tpu.dma_semaphore, #tpu.memory_space<semaphore_mem>>)
      %dma_wait3A_170 = arith.constant 0 : i32
      %dma_wait3A_171 = tpu.memref_slice %arg16[%add3A_102, %dma_wait3A_170] : memref<10240x32xf32, #tpu.memory_space<vmem_shared>> -> memref<128x32xf32, #tpu.memory_space<vmem_shared>>
      %dma_wait3A_172 = arith.constant 0 : i32
      %dma_wait3A_173 = tpu.memref_slice %arg16[%add3A_102, %dma_wait3A_172] : memref<10240x32xf32, #tpu.memory_space<vmem_shared>> -> memref<128x32xf32, #tpu.memory_space<vmem_shared>>
      tpu.wait_dma2 semaphore(%run_scoped3A : memref<!tpu.dma_semaphore, #tpu.memory_space<semaphore_mem>>) src(%arg10 : memref<128x32xf32, #tpu.memory_space<vmem>>) dst(%dma_wait3A_173 : memref<128x32xf32, #tpu.memory_space<vmem_shared>>)
      tpu.yield
    }) : () -> ()
    %add3A_103 = arith.constant 512 : i32
    %add3A_104 = arith.addi %mul3A_0, %add3A_103 : i32
    "tpu.region"() ({
      %run_scoped3A = tpu.sem_alloc : memref<!tpu.dma_semaphore, #tpu.memory_space<semaphore_mem>>
      %dma_start3A_166 = arith.constant 0 : i32
      %dma_start3A_167 = tpu.memref_slice %arg16[%add3A_104, %dma_start3A_166] : memref<10240x32xf32, #tpu.memory_space<vmem_shared>> -> memref<128x32xf32, #tpu.memory_space<vmem_shared>>
      %dma_start3A_168 = arith.constant 0 : i32
      %dma_start3A_169 = tpu.memref_slice %arg16[%add3A_104, %dma_start3A_168] : memref<10240x32xf32, #tpu.memory_space<vmem_shared>> -> memref<128x32xf32, #tpu.memory_space<vmem_shared>>
      tpu.enqueue_dma source(%arg10 : memref<128x32xf32, #tpu.memory_space<vmem>>) target(%dma_start3A_169 : memref<128x32xf32, #tpu.memory_space<vmem_shared>>) target_semaphore(%run_scoped3A : memref<!tpu.dma_semaphore, #tpu.memory_space<semaphore_mem>>)
      %dma_wait3A_170 = arith.constant 0 : i32
      %dma_wait3A_171 = tpu.memref_slice %arg16[%add3A_104, %dma_wait3A_170] : memref<10240x32xf32, #tpu.memory_space<vmem_shared>> -> memref<128x32xf32, #tpu.memory_space<vmem_shared>>
      %dma_wait3A_172 = arith.constant 0 : i32
      %dma_wait3A_173 = tpu.memref_slice %arg16[%add3A_104, %dma_wait3A_172] : memref<10240x32xf32, #tpu.memory_space<vmem_shared>> -> memref<128x32xf32, #tpu.memory_space<vmem_shared>>
      tpu.wait_dma2 semaphore(%run_scoped3A : memref<!tpu.dma_semaphore, #tpu.memory_space<semaphore_mem>>) src(%arg10 : memref<128x32xf32, #tpu.memory_space<vmem>>) dst(%dma_wait3A_173 : memref<128x32xf32, #tpu.memory_space<vmem_shared>>)
      tpu.yield
    }) : () -> ()
    %barrier3A_105 = arith.constant 0 : index
    tpu.barrier barrier_id(%barrier3A_105)
    %dma_start3A_106 = arith.constant 0 : i32
    %dma_start3A_107 = arith.constant 0 : i32
    %dma_start3A_108 = tpu.memref_slice %arg9[%dma_start3A_106, %dma_start3A_107] : memref<160x128xi32, #tpu.memory_space<vmem>> -> memref<1x128xi32, #tpu.memory_space<vmem>>
    %dma_start3A_109 = tpu.memref_squeeze %dma_start3A_108 : memref<1x128xi32, #tpu.memory_space<vmem>> -> memref<128xi32, #tpu.memory_space<vmem>>
    %dma_start3A_110 = arith.constant 0 : i32
    %dma_start3A_111 = arith.constant 0 : i32
    %dma_start3A_112 = tpu.memref_slice %arg17[%dma_start3A_110, %dma_start3A_111] : memref<10240x32xf32, #tpu.memory_space<vmem_shared>> -> memref<10240x32xf32, #tpu.memory_space<vmem_shared>>
    tpu.enqueue_indirect_dma source(%dma_start3A_112 : memref<10240x32xf32, #tpu.memory_space<vmem_shared>>) target(%arg10 : memref<128x32xf32, #tpu.memory_space<vmem>>) offsets(%dma_start3A_109 : memref<128xi32, #tpu.memory_space<vmem>>) semaphore(%arg18 : memref<!tpu.dma_semaphore, #tpu.memory_space<semaphore_mem>>)
    %dma_start3A_113 = arith.constant 1 : i32
    %dma_start3A_114 = arith.constant 0 : i32
    %dma_start3A_115 = tpu.memref_slice %arg9[%dma_start3A_113, %dma_start3A_114] : memref<160x128xi32, #tpu.memory_space<vmem>> -> memref<1x128xi32, #tpu.memory_space<vmem>>
    %dma_start3A_116 = tpu.memref_squeeze %dma_start3A_115 : memref<1x128xi32, #tpu.memory_space<vmem>> -> memref<128xi32, #tpu.memory_space<vmem>>
    %dma_start3A_117 = arith.constant 0 : i32
    %dma_start3A_118 = arith.constant 0 : i32
    %dma_start3A_119 = tpu.memref_slice %arg17[%dma_start3A_117, %dma_start3A_118] : memref<10240x32xf32, #tpu.memory_space<vmem_shared>> -> memref<10240x32xf32, #tpu.memory_space<vmem_shared>>
    tpu.enqueue_indirect_dma source(%dma_start3A_119 : memref<10240x32xf32, #tpu.memory_space<vmem_shared>>) target(%arg11 : memref<128x32xf32, #tpu.memory_space<vmem>>) offsets(%dma_start3A_116 : memref<128xi32, #tpu.memory_space<vmem>>) semaphore(%arg19 : memref<!tpu.dma_semaphore, #tpu.memory_space<semaphore_mem>>)
    %scan3A_120 = arith.constant 0 : i32
    %scan3A_121 = arith.constant 0 : i32
    %scan3A_122 = arith.constant 79 : i32
    %scan3A_123 = arith.addi %scan3A_121, %scan3A_122 : i32
    %scan3A_124 = arith.constant 1 : i32
    %scan3A_125 = scf.for %scan3A_166 = %scan3A_121 to %scan3A_123 step %scan3A_124 iter_args(%scan3A_167 = %scan3A_120) -> (i32)  : i32 {
      %mul3A_168 = arith.constant 2 : i32
      %mul3A_169 = arith.muli %mul3A_168, %scan3A_166 : i32
      %dma_wait3A_170 = arith.constant 0 : i32
      %dma_wait3A_171 = arith.constant 0 : i32
      %dma_wait3A_172 = tpu.memref_slice %arg2[%dma_wait3A_170, %dma_wait3A_171] : memref<10240x32xf32, #tpu.memory_space<hbm>> -> memref<128x32xf32, #tpu.memory_space<hbm>>
      %dma_wait3A_173 = arith.constant 0 : i32
      %dma_wait3A_174 = arith.constant 0 : i32
      %dma_wait3A_175 = tpu.memref_slice %arg2[%dma_wait3A_173, %dma_wait3A_174] : memref<10240x32xf32, #tpu.memory_space<hbm>> -> memref<128x32xf32, #tpu.memory_space<hbm>>
      tpu.wait_dma2 semaphore(%arg18 : memref<!tpu.dma_semaphore, #tpu.memory_space<semaphore_mem>>) src(%dma_wait3A_175 : memref<128x32xf32, #tpu.memory_space<hbm>>) dst(%arg10 : memref<128x32xf32, #tpu.memory_space<vmem>>)
      %add3A_176 = arith.constant 0 : i32
      %add3A_177 = arith.addi %mul3A_169, %add3A_176 : i32
      %dma_start3A_178 = arith.constant 0 : i32
      %dma_start3A_179 = tpu.memref_slice %arg8[%add3A_177, %dma_start3A_178] : memref<160x128xi32, #tpu.memory_space<vmem>> -> memref<1x128xi32, #tpu.memory_space<vmem>>
      %dma_start3A_180 = tpu.memref_squeeze %dma_start3A_179 : memref<1x128xi32, #tpu.memory_space<vmem>> -> memref<128xi32, #tpu.memory_space<vmem>>
      %dma_start3A_181 = arith.constant 0 : i32
      %dma_start3A_182 = arith.constant 0 : i32
      %dma_start3A_183 = tpu.memref_slice %arg16[%dma_start3A_181, %dma_start3A_182] : memref<10240x32xf32, #tpu.memory_space<vmem_shared>> -> memref<10240x32xf32, #tpu.memory_space<vmem_shared>>
      tpu.enqueue_indirect_dma source(%arg10 : memref<128x32xf32, #tpu.memory_space<vmem>>) target(%dma_start3A_183 : memref<10240x32xf32, #tpu.memory_space<vmem_shared>>) offsets(%dma_start3A_180 : memref<128xi32, #tpu.memory_space<vmem>>) semaphore(%arg22 : memref<!tpu.dma_semaphore, #tpu.memory_space<semaphore_mem>>) {add = true}
      %dma_wait3A_184 = arith.constant 0 : i32
      %dma_wait3A_185 = arith.constant 0 : i32
      %dma_wait3A_186 = tpu.memref_slice %arg2[%dma_wait3A_184, %dma_wait3A_185] : memref<10240x32xf32, #tpu.memory_space<hbm>> -> memref<128x32xf32, #tpu.memory_space<hbm>>
      %dma_wait3A_187 = arith.constant 0 : i32
      %dma_wait3A_188 = arith.constant 0 : i32
      %dma_wait3A_189 = tpu.memref_slice %arg2[%dma_wait3A_187, %dma_wait3A_188] : memref<10240x32xf32, #tpu.memory_space<hbm>> -> memref<128x32xf32, #tpu.memory_space<hbm>>
      tpu.wait_dma2 semaphore(%arg19 : memref<!tpu.dma_semaphore, #tpu.memory_space<semaphore_mem>>) src(%dma_wait3A_189 : memref<128x32xf32, #tpu.memory_space<hbm>>) dst(%arg11 : memref<128x32xf32, #tpu.memory_space<vmem>>)
      %add3A_190 = arith.constant 1 : i32
      %add3A_191 = arith.addi %mul3A_169, %add3A_190 : i32
      %dma_start3A_192 = arith.constant 0 : i32
      %dma_start3A_193 = tpu.memref_slice %arg8[%add3A_191, %dma_start3A_192] : memref<160x128xi32, #tpu.memory_space<vmem>> -> memref<1x128xi32, #tpu.memory_space<vmem>>
      %dma_start3A_194 = tpu.memref_squeeze %dma_start3A_193 : memref<1x128xi32, #tpu.memory_space<vmem>> -> memref<128xi32, #tpu.memory_space<vmem>>
      %dma_start3A_195 = arith.constant 0 : i32
      %dma_start3A_196 = arith.constant 0 : i32
      %dma_start3A_197 = tpu.memref_slice %arg16[%dma_start3A_195, %dma_start3A_196] : memref<10240x32xf32, #tpu.memory_space<vmem_shared>> -> memref<10240x32xf32, #tpu.memory_space<vmem_shared>>
      tpu.enqueue_indirect_dma source(%arg11 : memref<128x32xf32, #tpu.memory_space<vmem>>) target(%dma_start3A_197 : memref<10240x32xf32, #tpu.memory_space<vmem_shared>>) offsets(%dma_start3A_194 : memref<128xi32, #tpu.memory_space<vmem>>) semaphore(%arg23 : memref<!tpu.dma_semaphore, #tpu.memory_space<semaphore_mem>>) {add = true}
      %dma_wait3A_198 = arith.constant 0 : i32
      %dma_wait3A_199 = arith.constant 0 : i32
      %dma_wait3A_200 = tpu.memref_slice %arg2[%dma_wait3A_198, %dma_wait3A_199] : memref<10240x32xf32, #tpu.memory_space<hbm>> -> memref<128x32xf32, #tpu.memory_space<hbm>>
      %dma_wait3A_201 = arith.constant 0 : i32
      %dma_wait3A_202 = arith.constant 0 : i32
      %dma_wait3A_203 = tpu.memref_slice %arg2[%dma_wait3A_201, %dma_wait3A_202] : memref<10240x32xf32, #tpu.memory_space<hbm>> -> memref<128x32xf32, #tpu.memory_space<hbm>>
      tpu.wait_dma2 semaphore(%arg22 : memref<!tpu.dma_semaphore, #tpu.memory_space<semaphore_mem>>) src(%dma_wait3A_203 : memref<128x32xf32, #tpu.memory_space<hbm>>) dst(%arg10 : memref<128x32xf32, #tpu.memory_space<vmem>>)
      %add3A_204 = arith.constant 2 : i32
      %add3A_205 = arith.addi %mul3A_169, %add3A_204 : i32
      %add3A_206 = arith.constant 0 : i32
      %add3A_207 = arith.addi %add3A_205, %add3A_206 : i32
      %dma_start3A_208 = arith.constant 0 : i32
      %dma_start3A_209 = tpu.memref_slice %arg9[%add3A_207, %dma_start3A_208] : memref<160x128xi32, #tpu.memory_space<vmem>> -> memref<1x128xi32, #tpu.memory_space<vmem>>
      %dma_start3A_210 = tpu.memref_squeeze %dma_start3A_209 : memref<1x128xi32, #tpu.memory_space<vmem>> -> memref<128xi32, #tpu.memory_space<vmem>>
      %dma_start3A_211 = arith.constant 0 : i32
      %dma_start3A_212 = arith.constant 0 : i32
      %dma_start3A_213 = tpu.memref_slice %arg17[%dma_start3A_211, %dma_start3A_212] : memref<10240x32xf32, #tpu.memory_space<vmem_shared>> -> memref<10240x32xf32, #tpu.memory_space<vmem_shared>>
      tpu.enqueue_indirect_dma source(%dma_start3A_213 : memref<10240x32xf32, #tpu.memory_space<vmem_shared>>) target(%arg10 : memref<128x32xf32, #tpu.memory_space<vmem>>) offsets(%dma_start3A_210 : memref<128xi32, #tpu.memory_space<vmem>>) semaphore(%arg18 : memref<!tpu.dma_semaphore, #tpu.memory_space<semaphore_mem>>)
      %dma_wait3A_214 = arith.constant 0 : i32
      %dma_wait3A_215 = arith.constant 0 : i32
      %dma_wait3A_216 = tpu.memref_slice %arg2[%dma_wait3A_214, %dma_wait3A_215] : memref<10240x32xf32, #tpu.memory_space<hbm>> -> memref<128x32xf32, #tpu.memory_space<hbm>>
      %dma_wait3A_217 = arith.constant 0 : i32
      %dma_wait3A_218 = arith.constant 0 : i32
      %dma_wait3A_219 = tpu.memref_slice %arg2[%dma_wait3A_217, %dma_wait3A_218] : memref<10240x32xf32, #tpu.memory_space<hbm>> -> memref<128x32xf32, #tpu.memory_space<hbm>>
      tpu.wait_dma2 semaphore(%arg23 : memref<!tpu.dma_semaphore, #tpu.memory_space<semaphore_mem>>) src(%dma_wait3A_219 : memref<128x32xf32, #tpu.memory_space<hbm>>) dst(%arg11 : memref<128x32xf32, #tpu.memory_space<vmem>>)
      %add3A_220 = arith.constant 2 : i32
      %add3A_221 = arith.addi %mul3A_169, %add3A_220 : i32
      %add3A_222 = arith.constant 1 : i32
      %add3A_223 = arith.addi %add3A_221, %add3A_222 : i32
      %dma_start3A_224 = arith.constant 0 : i32
      %dma_start3A_225 = tpu.memref_slice %arg9[%add3A_223, %dma_start3A_224] : memref<160x128xi32, #tpu.memory_space<vmem>> -> memref<1x128xi32, #tpu.memory_space<vmem>>
      %dma_start3A_226 = tpu.memref_squeeze %dma_start3A_225 : memref<1x128xi32, #tpu.memory_space<vmem>> -> memref<128xi32, #tpu.memory_space<vmem>>
      %dma_start3A_227 = arith.constant 0 : i32
      %dma_start3A_228 = arith.constant 0 : i32
      %dma_start3A_229 = tpu.memref_slice %arg17[%dma_start3A_227, %dma_start3A_228] : memref<10240x32xf32, #tpu.memory_space<vmem_shared>> -> memref<10240x32xf32, #tpu.memory_space<vmem_shared>>
      tpu.enqueue_indirect_dma source(%dma_start3A_229 : memref<10240x32xf32, #tpu.memory_space<vmem_shared>>) target(%arg11 : memref<128x32xf32, #tpu.memory_space<vmem>>) offsets(%dma_start3A_226 : memref<128xi32, #tpu.memory_space<vmem>>) semaphore(%arg19 : memref<!tpu.dma_semaphore, #tpu.memory_space<semaphore_mem>>)
      %scan3A_230 = arith.constant 0 : i32
      scf.yield %scan3A_230 : i32
    }
    %scan3A_126 = arith.constant 79 : i32
    %dma_wait3A_127 = arith.constant 0 : i32
    %dma_wait3A_128 = arith.constant 0 : i32
    %dma_wait3A_129 = tpu.memref_slice %arg2[%dma_wait3A_127, %dma_wait3A_128] : memref<10240x32xf32, #tpu.memory_space<hbm>> -> memref<128x32xf32, #tpu.memory_space<hbm>>
    %dma_wait3A_130 = arith.constant 0 : i32
    %dma_wait3A_131 = arith.constant 0 : i32
    %dma_wait3A_132 = tpu.memref_slice %arg2[%dma_wait3A_130, %dma_wait3A_131] : memref<10240x32xf32, #tpu.memory_space<hbm>> -> memref<128x32xf32, #tpu.memory_space<hbm>>
    tpu.wait_dma2 semaphore(%arg18 : memref<!tpu.dma_semaphore, #tpu.memory_space<semaphore_mem>>) src(%dma_wait3A_132 : memref<128x32xf32, #tpu.memory_space<hbm>>) dst(%arg10 : memref<128x32xf32, #tpu.memory_space<vmem>>)
    %dma_start3A_133 = arith.constant 158 : i32
    %dma_start3A_134 = arith.constant 0 : i32
    %dma_start3A_135 = tpu.memref_slice %arg8[%dma_start3A_133, %dma_start3A_134] : memref<160x128xi32, #tpu.memory_space<vmem>> -> memref<1x128xi32, #tpu.memory_space<vmem>>
    %dma_start3A_136 = tpu.memref_squeeze %dma_start3A_135 : memref<1x128xi32, #tpu.memory_space<vmem>> -> memref<128xi32, #tpu.memory_space<vmem>>
    %dma_start3A_137 = arith.constant 0 : i32
    %dma_start3A_138 = arith.constant 0 : i32
    %dma_start3A_139 = tpu.memref_slice %arg16[%dma_start3A_137, %dma_start3A_138] : memref<10240x32xf32, #tpu.memory_space<vmem_shared>> -> memref<10240x32xf32, #tpu.memory_space<vmem_shared>>
    tpu.enqueue_indirect_dma source(%arg10 : memref<128x32xf32, #tpu.memory_space<vmem>>) target(%dma_start3A_139 : memref<10240x32xf32, #tpu.memory_space<vmem_shared>>) offsets(%dma_start3A_136 : memref<128xi32, #tpu.memory_space<vmem>>) semaphore(%arg22 : memref<!tpu.dma_semaphore, #tpu.memory_space<semaphore_mem>>) {add = true}
    %dma_wait3A_140 = arith.constant 0 : i32
    %dma_wait3A_141 = arith.constant 0 : i32
    %dma_wait3A_142 = tpu.memref_slice %arg2[%dma_wait3A_140, %dma_wait3A_141] : memref<10240x32xf32, #tpu.memory_space<hbm>> -> memref<128x32xf32, #tpu.memory_space<hbm>>
    %dma_wait3A_143 = arith.constant 0 : i32
    %dma_wait3A_144 = arith.constant 0 : i32
    %dma_wait3A_145 = tpu.memref_slice %arg2[%dma_wait3A_143, %dma_wait3A_144] : memref<10240x32xf32, #tpu.memory_space<hbm>> -> memref<128x32xf32, #tpu.memory_space<hbm>>
    tpu.wait_dma2 semaphore(%arg19 : memref<!tpu.dma_semaphore, #tpu.memory_space<semaphore_mem>>) src(%dma_wait3A_145 : memref<128x32xf32, #tpu.memory_space<hbm>>) dst(%arg11 : memref<128x32xf32, #tpu.memory_space<vmem>>)
    %dma_start3A_146 = arith.constant 159 : i32
    %dma_start3A_147 = arith.constant 0 : i32
    %dma_start3A_148 = tpu.memref_slice %arg8[%dma_start3A_146, %dma_start3A_147] : memref<160x128xi32, #tpu.memory_space<vmem>> -> memref<1x128xi32, #tpu.memory_space<vmem>>
    %dma_start3A_149 = tpu.memref_squeeze %dma_start3A_148 : memref<1x128xi32, #tpu.memory_space<vmem>> -> memref<128xi32, #tpu.memory_space<vmem>>
    %dma_start3A_150 = arith.constant 0 : i32
    %dma_start3A_151 = arith.constant 0 : i32
    %dma_start3A_152 = tpu.memref_slice %arg16[%dma_start3A_150, %dma_start3A_151] : memref<10240x32xf32, #tpu.memory_space<vmem_shared>> -> memref<10240x32xf32, #tpu.memory_space<vmem_shared>>
    tpu.enqueue_indirect_dma source(%arg11 : memref<128x32xf32, #tpu.memory_space<vmem>>) target(%dma_start3A_152 : memref<10240x32xf32, #tpu.memory_space<vmem_shared>>) offsets(%dma_start3A_149 : memref<128xi32, #tpu.memory_space<vmem>>) semaphore(%arg23 : memref<!tpu.dma_semaphore, #tpu.memory_space<semaphore_mem>>) {add = true}
    %dma_wait3A_153 = arith.constant 0 : i32
    %dma_wait3A_154 = arith.constant 0 : i32
    %dma_wait3A_155 = tpu.memref_slice %arg2[%dma_wait3A_153, %dma_wait3A_154] : memref<10240x32xf32, #tpu.memory_space<hbm>> -> memref<128x32xf32, #tpu.memory_space<hbm>>
    %dma_wait3A_156 = arith.constant 0 : i32
    %dma_wait3A_157 = arith.constant 0 : i32
    %dma_wait3A_158 = tpu.memref_slice %arg2[%dma_wait3A_156, %dma_wait3A_157] : memref<10240x32xf32, #tpu.memory_space<hbm>> -> memref<128x32xf32, #tpu.memory_space<hbm>>
    tpu.wait_dma2 semaphore(%arg22 : memref<!tpu.dma_semaphore, #tpu.memory_space<semaphore_mem>>) src(%dma_wait3A_158 : memref<128x32xf32, #tpu.memory_space<hbm>>) dst(%arg10 : memref<128x32xf32, #tpu.memory_space<vmem>>)
    %dma_wait3A_159 = arith.constant 0 : i32
    %dma_wait3A_160 = arith.constant 0 : i32
    %dma_wait3A_161 = tpu.memref_slice %arg2[%dma_wait3A_159, %dma_wait3A_160] : memref<10240x32xf32, #tpu.memory_space<hbm>> -> memref<128x32xf32, #tpu.memory_space<hbm>>
    %dma_wait3A_162 = arith.constant 0 : i32
    %dma_wait3A_163 = arith.constant 0 : i32
    %dma_wait3A_164 = tpu.memref_slice %arg2[%dma_wait3A_162, %dma_wait3A_163] : memref<10240x32xf32, #tpu.memory_space<hbm>> -> memref<128x32xf32, #tpu.memory_space<hbm>>
    tpu.wait_dma2 semaphore(%arg23 : memref<!tpu.dma_semaphore, #tpu.memory_space<semaphore_mem>>) src(%dma_wait3A_164 : memref<128x32xf32, #tpu.memory_space<hbm>>) dst(%arg11 : memref<128x32xf32, #tpu.memory_space<vmem>>)
    %barrier3A_165 = arith.constant 0 : index
    tpu.barrier barrier_id(%barrier3A_165)
    "tpu.region"() ({
      %run_scoped3A = tpu.sem_alloc : memref<!tpu.dma_semaphore, #tpu.memory_space<semaphore_mem>>
      %dma_start3A_166 = arith.constant 0 : i32
      %dma_start3A_167 = tpu.memref_slice %arg7[%arg0, %mul3A_0, %dma_start3A_166] : memref<2x10240x32xf32, #tpu.memory_space<hbm>> -> memref<1x640x32xf32, #tpu.memory_space<hbm>>
      %dma_start3A_168 = tpu.memref_squeeze %dma_start3A_167 : memref<1x640x32xf32, #tpu.memory_space<hbm>> -> memref<640x32xf32, #tpu.memory_space<hbm>>
      %dma_start3A_169 = arith.constant 0 : i32
      %dma_start3A_170 = tpu.memref_slice %arg16[%mul3A_0, %dma_start3A_169] : memref<10240x32xf32, #tpu.memory_space<vmem_shared>> -> memref<640x32xf32, #tpu.memory_space<vmem_shared>>
      tpu.enqueue_dma source(%dma_start3A_170 : memref<640x32xf32, #tpu.memory_space<vmem_shared>>) target(%dma_start3A_168 : memref<640x32xf32, #tpu.memory_space<hbm>>) target_semaphore(%run_scoped3A : memref<!tpu.dma_semaphore, #tpu.memory_space<semaphore_mem>>)
      %dma_wait3A_171 = arith.constant 0 : i32
      %dma_wait3A_172 = tpu.memref_slice %arg7[%arg0, %mul3A_0, %dma_wait3A_171] : memref<2x10240x32xf32, #tpu.memory_space<hbm>> -> memref<1x640x32xf32, #tpu.memory_space<hbm>>
      %dma_wait3A_173 = tpu.memref_squeeze %dma_wait3A_172 : memref<1x640x32xf32, #tpu.memory_space<hbm>> -> memref<640x32xf32, #tpu.memory_space<hbm>>
      %dma_wait3A_174 = arith.constant 0 : i32
      %dma_wait3A_175 = tpu.memref_slice %arg16[%mul3A_0, %dma_wait3A_174] : memref<10240x32xf32, #tpu.memory_space<vmem_shared>> -> memref<640x32xf32, #tpu.memory_space<vmem_shared>>
      tpu.wait_dma2 semaphore(%run_scoped3A : memref<!tpu.dma_semaphore, #tpu.memory_space<semaphore_mem>>) src(%dma_wait3A_175 : memref<640x32xf32, #tpu.memory_space<vmem_shared>>) dst(%dma_wait3A_173 : memref<640x32xf32, #tpu.memory_space<hbm>>)
      tpu.yield
    }) : () -> ()
    return
  }
}

module attributes {stable_mosaic.version = 14 : i64} {
  func.func @_t1m_body(%arg0: memref<10000x128xf32, #tpu.memory_space<vmem>>, %arg1: memref<64x128xf32, #tpu.memory_space<vmem>>, %arg2: memref<2x10240x32xf32, #tpu.memory_space<vmem>>) attributes {dimension_semantics = [], scalar_prefetch = 0 : i64, scratch_operands = 0 : i64, tpu.core_type = #tpu.core_type<tc>} {
    %get3A = arith.constant 0 : index
    %get3A_0 = arith.constant 0 : index
    %get3A_1 = vector.load %arg0[%get3A, %get3A_0] : memref<10000x128xf32, #tpu.memory_space<vmem>>, vector<10000x128xf32>
    %get3A_2 = arith.constant 0 : index
    %get3A_3 = arith.constant 0 : index
    %get3A_4 = vector.load %arg1[%get3A_2, %get3A_3] : memref<64x128xf32, #tpu.memory_space<vmem>>, vector<64x128xf32>
    %dot_general3A = arith.constant dense<0.000000e+00> : vector<10000x64xf32>
    %dot_general3A_5 = tpu.matmul %get3A_1, %get3A_4, %dot_general3A {dimension_numbers = #tpu.dot_dimension_numbers<[1], [1], [0], [0], [0, 0, 1, 0], [], []>, transpose_lhs_hint = false} : vector<10000x128xf32>, vector<64x128xf32>, vector<10000x64xf32> -> vector<10000x64xf32>
    %broadcast_in_dim3A = arith.constant 0.000000e+00 : f32
    %broadcast_in_dim3A_6 = vector.broadcast %broadcast_in_dim3A : f32 to vector<240x32xf32>
    %slice3A = vector.extract_strided_slice %dot_general3A_5 {offsets = [0, 0], sizes = [10000, 32], strides = [1, 1]} : vector<10000x64xf32> to vector<10000x32xf32>
    %concatenate3A = tpu.concatenate %slice3A, %broadcast_in_dim3A_6 in 0 : vector<10000x32xf32>, vector<240x32xf32> -> vector<10240x32xf32>
    %swap3A = arith.constant 0 : index
    %swap3A_7 = arith.constant 0 : index
    %swap3A_8 = arith.constant 0 : index
    %swap3A_9 = vector.load %arg2[%swap3A, %swap3A_7, %swap3A_8] : memref<2x10240x32xf32, #tpu.memory_space<vmem>>, vector<1x10240x32xf32>
    %swap3A_10 = vector.shape_cast %swap3A_9 : vector<1x10240x32xf32> to vector<10240x32xf32>
    %swap3A_11 = vector.shape_cast %concatenate3A : vector<10240x32xf32> to vector<1x10240x32xf32>
    tpu.vector_store %arg2[%swap3A, %swap3A_7, %swap3A_8], %swap3A_11 {strides = array<i32>} : memref<2x10240x32xf32, #tpu.memory_space<vmem>>, vector<1x10240x32xf32>,
    %slice3A_12 = vector.extract_strided_slice %dot_general3A_5 {offsets = [0, 32], sizes = [10000, 32], strides = [1, 1]} : vector<10000x64xf32> to vector<10000x32xf32>
    %concatenate3A_13 = tpu.concatenate %slice3A_12, %broadcast_in_dim3A_6 in 0 : vector<10000x32xf32>, vector<240x32xf32> -> vector<10240x32xf32>
    %swap3A_14 = arith.constant 1 : index
    %swap3A_15 = arith.constant 0 : index
    %swap3A_16 = arith.constant 0 : index
    %swap3A_17 = vector.load %arg2[%swap3A_14, %swap3A_15, %swap3A_16] : memref<2x10240x32xf32, #tpu.memory_space<vmem>>, vector<1x10240x32xf32>
    %swap3A_18 = vector.shape_cast %swap3A_17 : vector<1x10240x32xf32> to vector<10240x32xf32>
    %swap3A_19 = vector.shape_cast %concatenate3A_13 : vector<10240x32xf32> to vector<1x10240x32xf32>
    tpu.vector_store %arg2[%swap3A_14, %swap3A_15, %swap3A_16], %swap3A_19 {strides = array<i32>} : memref<2x10240x32xf32, #tpu.memory_space<vmem>>, vector<1x10240x32xf32>,
    return
  }
}

module attributes {stable_mosaic.version = 14 : i64} {
  func.func @_t1d_body(%arg0: memref<2x10240x16xf32, #tpu.memory_space<vmem>>, %arg1: memref<10240x1xf32, #tpu.memory_space<vmem>>, %arg2: memref<10240xf32, #tpu.memory_space<vmem>>) attributes {dimension_semantics = [], scalar_prefetch = 0 : i64, scratch_operands = 0 : i64, tpu.core_type = #tpu.core_type<tc>} {
    %get3A = arith.constant 0 : index
    %get3A_0 = arith.constant 0 : index
    %get3A_1 = arith.constant 0 : index
    %get3A_2 = vector.load %arg0[%get3A, %get3A_0, %get3A_1] : memref<2x10240x16xf32, #tpu.memory_space<vmem>>, vector<1x10240x1xf32>
    %get3A_3 = vector.shape_cast %get3A_2 : vector<1x10240x1xf32> to vector<10240x1xf32>
    %get3A_4 = arith.constant 1 : index
    %get3A_5 = arith.constant 0 : index
    %get3A_6 = arith.constant 0 : index
    %get3A_7 = vector.load %arg0[%get3A_4, %get3A_5, %get3A_6] : memref<2x10240x16xf32, #tpu.memory_space<vmem>>, vector<1x10240x1xf32>
    %get3A_8 = vector.shape_cast %get3A_7 : vector<1x10240x1xf32> to vector<10240xf32>
    %gt3A = arith.constant 0.000000e+00 : f32
    %gt3A_9 = vector.broadcast %gt3A : f32 to vector<10240x1xf32>
    %gt3A_10 = arith.cmpf ogt, %get3A_3, %gt3A_9 : vector<10240x1xf32>
    %div3A = arith.constant 1.000000e+00 : f32
    %div3A_11 = vector.broadcast %div3A : f32 to vector<10240x1xf32>
    %div3A_12 = arith.divf %div3A_11, %get3A_3 : vector<10240x1xf32>
    %jit3A = arith.constant 0.000000e+00 : f32
    %broadcast_in_dim3A = vector.broadcast %jit3A : f32 to vector<10240x1xf32>
    %select_n3A = arith.select %gt3A_10, %div3A_12, %broadcast_in_dim3A : vector<10240x1xi1>, vector<10240x1xf32>
    %swap3A = arith.constant 0 : index
    %swap3A_13 = arith.constant 0 : index
    %swap3A_14 = vector.load %arg1[%swap3A, %swap3A_13] : memref<10240x1xf32, #tpu.memory_space<vmem>>, vector<10240x1xf32>
    tpu.vector_store %arg1[%swap3A, %swap3A_13], %select_n3A {strides = array<i32>} : memref<10240x1xf32, #tpu.memory_space<vmem>>, vector<10240x1xf32>,
    %gt3A_15 = arith.constant 0.000000e+00 : f32
    %gt3A_16 = vector.broadcast %gt3A_15 : f32 to vector<10240xf32>
    %gt3A_17 = arith.cmpf ogt, %get3A_8, %gt3A_16 : vector<10240xf32>
    %div3A_18 = arith.constant 1.000000e+00 : f32
    %div3A_19 = vector.broadcast %div3A_18 : f32 to vector<10240xf32>
    %div3A_20 = arith.divf %div3A_19, %get3A_8 : vector<10240xf32>
    %jit3A_21 = arith.constant 0.000000e+00 : f32
    %broadcast_in_dim3A_22 = vector.broadcast %jit3A_21 : f32 to vector<10240xf32>
    %select_n3A_23 = arith.select %gt3A_17, %div3A_20, %broadcast_in_dim3A_22 : vector<10240xi1>, vector<10240xf32>
    %swap3A_24 = arith.constant 0 : index
    %swap3A_25 = vector.load %arg2[%swap3A_24] : memref<10240xf32, #tpu.memory_space<vmem>>, vector<10240xf32>
    tpu.vector_store %arg2[%swap3A_24], %select_n3A_23 {strides = array<i32>} : memref<10240xf32, #tpu.memory_space<vmem>>, vector<10240xf32>,
    return
  }
}

module attributes {stable_mosaic.version = 14 : i64} {
  func.func @_t2_body(%arg0: memref<2x10240x32xf32, #tpu.memory_space<vmem>>, %arg1: memref<10240x1xf32, #tpu.memory_space<vmem>>, %arg2: memref<1x64xf32, #tpu.memory_space<vmem>>, %arg3: memref<1x64xf32, #tpu.memory_space<vmem>>, %arg4: memref<1x64xf32, #tpu.memory_space<vmem>>, %arg5: memref<64x64xf32, #tpu.memory_space<vmem>>, %arg6: memref<2x10240x32xf32, #tpu.memory_space<vmem>>) attributes {dimension_semantics = [], scalar_prefetch = 0 : i64, scratch_operands = 0 : i64, tpu.core_type = #tpu.core_type<tc>} {
    %get3A = arith.constant 0 : index
    %get3A_0 = arith.constant 0 : index
    %get3A_1 = arith.constant 0 : index
    %get3A_2 = vector.load %arg0[%get3A, %get3A_0, %get3A_1] : memref<2x10240x32xf32, #tpu.memory_space<vmem>>, vector<1x10000x32xf32>
    %get3A_3 = vector.shape_cast %get3A_2 : vector<1x10000x32xf32> to vector<10000x32xf32>
    %get3A_4 = arith.constant 1 : index
    %get3A_5 = arith.constant 0 : index
    %get3A_6 = arith.constant 0 : index
    %get3A_7 = vector.load %arg0[%get3A_4, %get3A_5, %get3A_6] : memref<2x10240x32xf32, #tpu.memory_space<vmem>>, vector<1x10000x32xf32>
    %get3A_8 = vector.shape_cast %get3A_7 : vector<1x10000x32xf32> to vector<10000x32xf32>
    %concatenate3A = tpu.concatenate %get3A_3, %get3A_8 in 1 : vector<10000x32xf32>, vector<10000x32xf32> -> vector<10000x64xf32>
    %get3A_9 = arith.constant 0 : index
    %get3A_10 = arith.constant 0 : index
    %get3A_11 = vector.load %arg1[%get3A_9, %get3A_10] : memref<10240x1xf32, #tpu.memory_space<vmem>>, vector<10000x1xf32>
    %mul3A = vector.broadcast %get3A_11 : vector<10000x1xf32> to vector<10000x64xf32>
    %mul3A_12 = arith.mulf %concatenate3A, %mul3A : vector<10000x64xf32>
    %get3A_13 = arith.constant 0 : index
    %get3A_14 = arith.constant 0 : index
    %get3A_15 = vector.load %arg2[%get3A_13, %get3A_14] : memref<1x64xf32, #tpu.memory_space<vmem>>, vector<1x64xf32>
    %add3A = vector.broadcast %get3A_15 : vector<1x64xf32> to vector<10000x64xf32>
    %add3A_16 = arith.addf %mul3A_12, %add3A : vector<10000x64xf32>
    %reduce_sum3A = arith.constant dense<0.000000e+00> : vector<10000xf32>
    %reduce_sum3A_17 = vector.multi_reduction <add>, %add3A_16, %reduce_sum3A [1] : vector<10000x64xf32> to vector<10000xf32>
    %broadcast_in_dim3A = vector.shape_cast %reduce_sum3A_17 : vector<10000xf32> to vector<10000x1xf32>
    %div3A = arith.constant 6.400000e+01 : f32
    %div3A_18 = vector.broadcast %div3A : f32 to vector<10000x1xf32>
    %div3A_19 = arith.divf %broadcast_in_dim3A, %div3A_18 : vector<10000x1xf32>
    %sub3A = vector.broadcast %div3A_19 : vector<10000x1xf32> to vector<10000x64xf32>
    %sub3A_20 = arith.subf %add3A_16, %sub3A : vector<10000x64xf32>
    %sub3A_21 = vector.broadcast %div3A_19 : vector<10000x1xf32> to vector<10000x64xf32>
    %sub3A_22 = arith.subf %add3A_16, %sub3A_21 : vector<10000x64xf32>
    %mul3A_23 = arith.mulf %sub3A_20, %sub3A_22 : vector<10000x64xf32>
    %reduce_sum3A_24 = arith.constant dense<0.000000e+00> : vector<10000xf32>
    %reduce_sum3A_25 = vector.multi_reduction <add>, %mul3A_23, %reduce_sum3A_24 [1] : vector<10000x64xf32> to vector<10000xf32>
    %broadcast_in_dim3A_26 = vector.shape_cast %reduce_sum3A_25 : vector<10000xf32> to vector<10000x1xf32>
    %div3A_27 = arith.constant 6.400000e+01 : f32
    %div3A_28 = vector.broadcast %div3A_27 : f32 to vector<10000x1xf32>
    %div3A_29 = arith.divf %broadcast_in_dim3A_26, %div3A_28 : vector<10000x1xf32>
    %sub3A_30 = vector.broadcast %div3A_19 : vector<10000x1xf32> to vector<10000x64xf32>
    %sub3A_31 = arith.subf %add3A_16, %sub3A_30 : vector<10000x64xf32>
    %add3A_32 = arith.constant 9.99999974E-6 : f32
    %add3A_33 = vector.broadcast %add3A_32 : f32 to vector<10000x1xf32>
    %add3A_34 = arith.addf %div3A_29, %add3A_33 : vector<10000x1xf32>
    %rsqrt3A = math.rsqrt %add3A_34 : vector<10000x1xf32>
    %mul3A_35 = vector.broadcast %rsqrt3A : vector<10000x1xf32> to vector<10000x64xf32>
    %mul3A_36 = arith.mulf %sub3A_31, %mul3A_35 : vector<10000x64xf32>
    %get3A_37 = arith.constant 0 : index
    %get3A_38 = arith.constant 0 : index
    %get3A_39 = vector.load %arg3[%get3A_37, %get3A_38] : memref<1x64xf32, #tpu.memory_space<vmem>>, vector<1x64xf32>
    %mul3A_40 = vector.broadcast %get3A_39 : vector<1x64xf32> to vector<10000x64xf32>
    %mul3A_41 = arith.mulf %mul3A_36, %mul3A_40 : vector<10000x64xf32>
    %get3A_42 = arith.constant 0 : index
    %get3A_43 = arith.constant 0 : index
    %get3A_44 = vector.load %arg4[%get3A_42, %get3A_43] : memref<1x64xf32, #tpu.memory_space<vmem>>, vector<1x64xf32>
    %add3A_45 = vector.broadcast %get3A_44 : vector<1x64xf32> to vector<10000x64xf32>
    %add3A_46 = arith.addf %mul3A_41, %add3A_45 : vector<10000x64xf32>
    %mul3A_47 = arith.constant 0.00999999977 : f32
    %mul3A_48 = vector.broadcast %mul3A_47 : f32 to vector<10000x64xf32>
    %mul3A_49 = arith.mulf %mul3A_48, %add3A_46 : vector<10000x64xf32>
    %max3A = arith.maximumf %add3A_46, %mul3A_49 : vector<10000x64xf32>
    %get3A_50 = arith.constant 0 : index
    %get3A_51 = arith.constant 0 : index
    %get3A_52 = vector.load %arg5[%get3A_50, %get3A_51] : memref<64x64xf32, #tpu.memory_space<vmem>>, vector<64x64xf32>
    %dot_general3A = arith.constant dense<0.000000e+00> : vector<10000x64xf32>
    %dot_general3A_53 = tpu.matmul %max3A, %get3A_52, %dot_general3A {dimension_numbers = #tpu.dot_dimension_numbers<[1], [1], [0], [0], [0, 0, 1, 0], [], []>, transpose_lhs_hint = false} : vector<10000x64xf32>, vector<64x64xf32>, vector<10000x64xf32> -> vector<10000x64xf32>
    %broadcast_in_dim3A_54 = arith.constant 0.000000e+00 : f32
    %broadcast_in_dim3A_55 = vector.broadcast %broadcast_in_dim3A_54 : f32 to vector<240x32xf32>
    %slice3A = vector.extract_strided_slice %dot_general3A_53 {offsets = [0, 0], sizes = [10000, 32], strides = [1, 1]} : vector<10000x64xf32> to vector<10000x32xf32>
    %concatenate3A_56 = tpu.concatenate %slice3A, %broadcast_in_dim3A_55 in 0 : vector<10000x32xf32>, vector<240x32xf32> -> vector<10240x32xf32>
    %swap3A = arith.constant 0 : index
    %swap3A_57 = arith.constant 0 : index
    %swap3A_58 = arith.constant 0 : index
    %swap3A_59 = vector.load %arg6[%swap3A, %swap3A_57, %swap3A_58] : memref<2x10240x32xf32, #tpu.memory_space<vmem>>, vector<1x10240x32xf32>
    %swap3A_60 = vector.shape_cast %swap3A_59 : vector<1x10240x32xf32> to vector<10240x32xf32>
    %swap3A_61 = vector.shape_cast %concatenate3A_56 : vector<10240x32xf32> to vector<1x10240x32xf32>
    tpu.vector_store %arg6[%swap3A, %swap3A_57, %swap3A_58], %swap3A_61 {strides = array<i32>} : memref<2x10240x32xf32, #tpu.memory_space<vmem>>, vector<1x10240x32xf32>,
    %slice3A_62 = vector.extract_strided_slice %dot_general3A_53 {offsets = [0, 32], sizes = [10000, 32], strides = [1, 1]} : vector<10000x64xf32> to vector<10000x32xf32>
    %concatenate3A_63 = tpu.concatenate %slice3A_62, %broadcast_in_dim3A_55 in 0 : vector<10000x32xf32>, vector<240x32xf32> -> vector<10240x32xf32>
    %swap3A_64 = arith.constant 1 : index
    %swap3A_65 = arith.constant 0 : index
    %swap3A_66 = arith.constant 0 : index
    %swap3A_67 = vector.load %arg6[%swap3A_64, %swap3A_65, %swap3A_66] : memref<2x10240x32xf32, #tpu.memory_space<vmem>>, vector<1x10240x32xf32>
    %swap3A_68 = vector.shape_cast %swap3A_67 : vector<1x10240x32xf32> to vector<10240x32xf32>
    %swap3A_69 = vector.shape_cast %concatenate3A_63 : vector<10240x32xf32> to vector<1x10240x32xf32>
    tpu.vector_store %arg6[%swap3A_64, %swap3A_65, %swap3A_66], %swap3A_69 {strides = array<i32>} : memref<2x10240x32xf32, #tpu.memory_space<vmem>>, vector<1x10240x32xf32>,
    return
  }
}

module attributes {stable_mosaic.version = 14 : i64} {
  func.func @_t3_body(%arg0: memref<2x10240x32xf32, #tpu.memory_space<vmem>>, %arg1: memref<10240x1xf32, #tpu.memory_space<vmem>>, %arg2: memref<1x64xf32, #tpu.memory_space<vmem>>, %arg3: memref<2x10240x32xf32, #tpu.memory_space<vmem>>) attributes {dimension_semantics = [], scalar_prefetch = 0 : i64, scratch_operands = 0 : i64, tpu.core_type = #tpu.core_type<tc>} {
    %get3A = arith.constant 0 : index
    %get3A_0 = arith.constant 0 : index
    %get3A_1 = arith.constant 0 : index
    %get3A_2 = vector.load %arg0[%get3A, %get3A_0, %get3A_1] : memref<2x10240x32xf32, #tpu.memory_space<vmem>>, vector<1x10000x32xf32>
    %get3A_3 = vector.shape_cast %get3A_2 : vector<1x10000x32xf32> to vector<10000x32xf32>
    %get3A_4 = arith.constant 1 : index
    %get3A_5 = arith.constant 0 : index
    %get3A_6 = arith.constant 0 : index
    %get3A_7 = vector.load %arg0[%get3A_4, %get3A_5, %get3A_6] : memref<2x10240x32xf32, #tpu.memory_space<vmem>>, vector<1x10000x32xf32>
    %get3A_8 = vector.shape_cast %get3A_7 : vector<1x10000x32xf32> to vector<10000x32xf32>
    %concatenate3A = tpu.concatenate %get3A_3, %get3A_8 in 1 : vector<10000x32xf32>, vector<10000x32xf32> -> vector<10000x64xf32>
    %get3A_9 = arith.constant 0 : index
    %get3A_10 = arith.constant 0 : index
    %get3A_11 = vector.load %arg1[%get3A_9, %get3A_10] : memref<10240x1xf32, #tpu.memory_space<vmem>>, vector<10000x1xf32>
    %mul3A = vector.broadcast %get3A_11 : vector<10000x1xf32> to vector<10000x64xf32>
    %mul3A_12 = arith.mulf %concatenate3A, %mul3A : vector<10000x64xf32>
    %get3A_13 = arith.constant 0 : index
    %get3A_14 = arith.constant 0 : index
    %get3A_15 = vector.load %arg2[%get3A_13, %get3A_14] : memref<1x64xf32, #tpu.memory_space<vmem>>, vector<1x64xf32>
    %add3A = vector.broadcast %get3A_15 : vector<1x64xf32> to vector<10000x64xf32>
    %add3A_16 = arith.addf %mul3A_12, %add3A : vector<10000x64xf32>
    %mul3A_17 = arith.constant 0.00999999977 : f32
    %mul3A_18 = vector.broadcast %mul3A_17 : f32 to vector<10000x64xf32>
    %mul3A_19 = arith.mulf %mul3A_18, %add3A_16 : vector<10000x64xf32>
    %max3A = arith.maximumf %add3A_16, %mul3A_19 : vector<10000x64xf32>
    %broadcast_in_dim3A = arith.constant 0.000000e+00 : f32
    %broadcast_in_dim3A_20 = vector.broadcast %broadcast_in_dim3A : f32 to vector<240x32xf32>
    %slice3A = vector.extract_strided_slice %max3A {offsets = [0, 0], sizes = [10000, 32], strides = [1, 1]} : vector<10000x64xf32> to vector<10000x32xf32>
    %concatenate3A_21 = tpu.concatenate %slice3A, %broadcast_in_dim3A_20 in 0 : vector<10000x32xf32>, vector<240x32xf32> -> vector<10240x32xf32>
    %swap3A = arith.constant 0 : index
    %swap3A_22 = arith.constant 0 : index
    %swap3A_23 = arith.constant 0 : index
    %swap3A_24 = vector.load %arg3[%swap3A, %swap3A_22, %swap3A_23] : memref<2x10240x32xf32, #tpu.memory_space<vmem>>, vector<1x10240x32xf32>
    %swap3A_25 = vector.shape_cast %swap3A_24 : vector<1x10240x32xf32> to vector<10240x32xf32>
    %swap3A_26 = vector.shape_cast %concatenate3A_21 : vector<10240x32xf32> to vector<1x10240x32xf32>
    tpu.vector_store %arg3[%swap3A, %swap3A_22, %swap3A_23], %swap3A_26 {strides = array<i32>} : memref<2x10240x32xf32, #tpu.memory_space<vmem>>, vector<1x10240x32xf32>,
    %slice3A_27 = vector.extract_strided_slice %max3A {offsets = [0, 32], sizes = [10000, 32], strides = [1, 1]} : vector<10000x64xf32> to vector<10000x32xf32>
    %concatenate3A_28 = tpu.concatenate %slice3A_27, %broadcast_in_dim3A_20 in 0 : vector<10000x32xf32>, vector<240x32xf32> -> vector<10240x32xf32>
    %swap3A_29 = arith.constant 1 : index
    %swap3A_30 = arith.constant 0 : index
    %swap3A_31 = arith.constant 0 : index
    %swap3A_32 = vector.load %arg3[%swap3A_29, %swap3A_30, %swap3A_31] : memref<2x10240x32xf32, #tpu.memory_space<vmem>>, vector<1x10240x32xf32>
    %swap3A_33 = vector.shape_cast %swap3A_32 : vector<1x10240x32xf32> to vector<10240x32xf32>
    %swap3A_34 = vector.shape_cast %concatenate3A_28 : vector<10240x32xf32> to vector<1x10240x32xf32>
    tpu.vector_store %arg3[%swap3A_29, %swap3A_30, %swap3A_31], %swap3A_34 {strides = array<i32>} : memref<2x10240x32xf32, #tpu.memory_space<vmem>>, vector<1x10240x32xf32>,
    return
  }
}

module attributes {stable_mosaic.version = 14 : i64} {
  func.func @_t4_body(%arg0: memref<2x10240x32xf32, #tpu.memory_space<vmem>>, %arg1: memref<10240x1xf32, #tpu.memory_space<vmem>>, %arg2: memref<64x64xf32, #tpu.memory_space<vmem>>, %arg3: memref<1x64xf32, #tpu.memory_space<vmem>>, %arg4: memref<64x64xf32, #tpu.memory_space<vmem>>, %arg5: memref<1x64xf32, #tpu.memory_space<vmem>>, %arg6: memref<32x64xf32, #tpu.memory_space<vmem>>, %arg7: memref<1x32xf32, #tpu.memory_space<vmem>>, %arg8: memref<8x32xf32, #tpu.memory_space<vmem>>, %arg9: memref<1x8xf32, #tpu.memory_space<vmem>>, %arg10: memref<1x8xf32, #tpu.memory_space<vmem>>, %arg11: memref<1x1xf32, #tpu.memory_space<vmem>>, %arg12: memref<10000x1xf32, #tpu.memory_space<vmem>>, %arg13: memref<10000x64xf32, #tpu.memory_space<vmem>>) attributes {dimension_semantics = [], scalar_prefetch = 0 : i64, scratch_operands = 0 : i64, tpu.core_type = #tpu.core_type<tc>} {
    %get3A = arith.constant 0 : index
    %get3A_0 = arith.constant 0 : index
    %get3A_1 = arith.constant 0 : index
    %get3A_2 = vector.load %arg0[%get3A, %get3A_0, %get3A_1] : memref<2x10240x32xf32, #tpu.memory_space<vmem>>, vector<1x10000x32xf32>
    %get3A_3 = vector.shape_cast %get3A_2 : vector<1x10000x32xf32> to vector<10000x32xf32>
    %get3A_4 = arith.constant 1 : index
    %get3A_5 = arith.constant 0 : index
    %get3A_6 = arith.constant 0 : index
    %get3A_7 = vector.load %arg0[%get3A_4, %get3A_5, %get3A_6] : memref<2x10240x32xf32, #tpu.memory_space<vmem>>, vector<1x10000x32xf32>
    %get3A_8 = vector.shape_cast %get3A_7 : vector<1x10000x32xf32> to vector<10000x32xf32>
    %concatenate3A = tpu.concatenate %get3A_3, %get3A_8 in 1 : vector<10000x32xf32>, vector<10000x32xf32> -> vector<10000x64xf32>
    %get3A_9 = arith.constant 0 : index
    %get3A_10 = arith.constant 0 : index
    %get3A_11 = vector.load %arg1[%get3A_9, %get3A_10] : memref<10240x1xf32, #tpu.memory_space<vmem>>, vector<10000x1xf32>
    %mul3A = vector.broadcast %get3A_11 : vector<10000x1xf32> to vector<10000x64xf32>
    %mul3A_12 = arith.mulf %concatenate3A, %mul3A : vector<10000x64xf32>
    %get3A_13 = arith.constant 0 : index
    %get3A_14 = arith.constant 0 : index
    %get3A_15 = vector.load %arg2[%get3A_13, %get3A_14] : memref<64x64xf32, #tpu.memory_space<vmem>>, vector<64x64xf32>
    %dot_general3A = arith.constant dense<0.000000e+00> : vector<10000x64xf32>
    %dot_general3A_16 = tpu.matmul %mul3A_12, %get3A_15, %dot_general3A {dimension_numbers = #tpu.dot_dimension_numbers<[1], [1], [0], [0], [0, 0, 1, 0], [], []>, transpose_lhs_hint = false} : vector<10000x64xf32>, vector<64x64xf32>, vector<10000x64xf32> -> vector<10000x64xf32>
    %get3A_17 = arith.constant 0 : index
    %get3A_18 = arith.constant 0 : index
    %get3A_19 = vector.load %arg3[%get3A_17, %get3A_18] : memref<1x64xf32, #tpu.memory_space<vmem>>, vector<1x64xf32>
    %add3A = vector.broadcast %get3A_19 : vector<1x64xf32> to vector<10000x64xf32>
    %add3A_20 = arith.addf %dot_general3A_16, %add3A : vector<10000x64xf32>
    %get3A_21 = arith.constant 0 : index
    %get3A_22 = arith.constant 0 : index
    %get3A_23 = vector.load %arg4[%get3A_21, %get3A_22] : memref<64x64xf32, #tpu.memory_space<vmem>>, vector<64x64xf32>
    %dot_general3A_24 = arith.constant dense<0.000000e+00> : vector<10000x64xf32>
    %dot_general3A_25 = tpu.matmul %mul3A_12, %get3A_23, %dot_general3A_24 {dimension_numbers = #tpu.dot_dimension_numbers<[1], [1], [0], [0], [0, 0, 1, 0], [], []>, transpose_lhs_hint = false} : vector<10000x64xf32>, vector<64x64xf32>, vector<10000x64xf32> -> vector<10000x64xf32>
    %get3A_26 = arith.constant 0 : index
    %get3A_27 = arith.constant 0 : index
    %get3A_28 = vector.load %arg5[%get3A_26, %get3A_27] : memref<1x64xf32, #tpu.memory_space<vmem>>, vector<1x64xf32>
    %add3A_29 = vector.broadcast %get3A_28 : vector<1x64xf32> to vector<10000x64xf32>
    %add3A_30 = arith.addf %dot_general3A_25, %add3A_29 : vector<10000x64xf32>
    %swap3A = arith.constant 0 : index
    %swap3A_31 = arith.constant 0 : index
    %swap3A_32 = vector.load %arg13[%swap3A, %swap3A_31] : memref<10000x64xf32, #tpu.memory_space<vmem>>, vector<10000x64xf32>
    tpu.vector_store %arg13[%swap3A, %swap3A_31], %add3A_30 {strides = array<i32>} : memref<10000x64xf32, #tpu.memory_space<vmem>>, vector<10000x64xf32>,
    %get3A_33 = arith.constant 0 : index
    %get3A_34 = arith.constant 0 : index
    %get3A_35 = vector.load %arg6[%get3A_33, %get3A_34] : memref<32x64xf32, #tpu.memory_space<vmem>>, vector<32x64xf32>
    %dot_general3A_36 = arith.constant dense<0.000000e+00> : vector<10000x32xf32>
    %dot_general3A_37 = tpu.matmul %add3A_20, %get3A_35, %dot_general3A_36 {dimension_numbers = #tpu.dot_dimension_numbers<[1], [1], [0], [0], [0, 0, 1, 0], [], []>, transpose_lhs_hint = false} : vector<10000x64xf32>, vector<32x64xf32>, vector<10000x32xf32> -> vector<10000x32xf32>
    %get3A_38 = arith.constant 0 : index
    %get3A_39 = arith.constant 0 : index
    %get3A_40 = vector.load %arg7[%get3A_38, %get3A_39] : memref<1x32xf32, #tpu.memory_space<vmem>>, vector<1x32xf32>
    %add3A_41 = vector.broadcast %get3A_40 : vector<1x32xf32> to vector<10000x32xf32>
    %add3A_42 = arith.addf %dot_general3A_37, %add3A_41 : vector<10000x32xf32>
    %mul3A_43 = arith.constant 0.00999999977 : f32
    %mul3A_44 = vector.broadcast %mul3A_43 : f32 to vector<10000x32xf32>
    %mul3A_45 = arith.mulf %mul3A_44, %add3A_42 : vector<10000x32xf32>
    %max3A = arith.maximumf %add3A_42, %mul3A_45 : vector<10000x32xf32>
    %get3A_46 = arith.constant 0 : index
    %get3A_47 = arith.constant 0 : index
    %get3A_48 = vector.load %arg8[%get3A_46, %get3A_47] : memref<8x32xf32, #tpu.memory_space<vmem>>, vector<8x32xf32>
    %dot_general3A_49 = arith.constant dense<0.000000e+00> : vector<10000x8xf32>
    %dot_general3A_50 = tpu.matmul %max3A, %get3A_48, %dot_general3A_49 {dimension_numbers = #tpu.dot_dimension_numbers<[1], [1], [0], [0], [0, 0, 1, 0], [], []>, transpose_lhs_hint = false} : vector<10000x32xf32>, vector<8x32xf32>, vector<10000x8xf32> -> vector<10000x8xf32>
    %get3A_51 = arith.constant 0 : index
    %get3A_52 = arith.constant 0 : index
    %get3A_53 = vector.load %arg9[%get3A_51, %get3A_52] : memref<1x8xf32, #tpu.memory_space<vmem>>, vector<1x8xf32>
    %add3A_54 = vector.broadcast %get3A_53 : vector<1x8xf32> to vector<10000x8xf32>
    %add3A_55 = arith.addf %dot_general3A_50, %add3A_54 : vector<10000x8xf32>
    %mul3A_56 = arith.constant 0.00999999977 : f32
    %mul3A_57 = vector.broadcast %mul3A_56 : f32 to vector<10000x8xf32>
    %mul3A_58 = arith.mulf %mul3A_57, %add3A_55 : vector<10000x8xf32>
    %max3A_59 = arith.maximumf %add3A_55, %mul3A_58 : vector<10000x8xf32>
    %get3A_60 = arith.constant 0 : index
    %get3A_61 = arith.constant 0 : index
    %get3A_62 = vector.load %arg10[%get3A_60, %get3A_61] : memref<1x8xf32, #tpu.memory_space<vmem>>, vector<1x8xf32>
    %mul3A_63 = vector.broadcast %get3A_62 : vector<1x8xf32> to vector<10000x8xf32>
    %mul3A_64 = arith.mulf %max3A_59, %mul3A_63 : vector<10000x8xf32>
    %reduce_sum3A = arith.constant dense<0.000000e+00> : vector<10000xf32>
    %reduce_sum3A_65 = vector.multi_reduction <add>, %mul3A_64, %reduce_sum3A [1] : vector<10000x8xf32> to vector<10000xf32>
    %broadcast_in_dim3A = vector.shape_cast %reduce_sum3A_65 : vector<10000xf32> to vector<10000x1xf32>
    %get3A_66 = arith.constant 0 : index
    %get3A_67 = arith.constant 0 : index
    %get3A_68 = vector.load %arg11[%get3A_66, %get3A_67] : memref<1x1xf32, #tpu.memory_space<vmem>>, vector<1x1xf32>
    %get3A_69 = vector.extract %get3A_68[0, 0] : f32 from vector<1x1xf32>
    %add3A_70 = vector.broadcast %get3A_69 : f32 to vector<10000x1xf32>
    %add3A_71 = arith.addf %broadcast_in_dim3A, %add3A_70 : vector<10000x1xf32>
    %mul3A_72 = arith.mulf %add3A_71, %add3A_71 : vector<10000x1xf32>
    %reduce_sum3A_73 = vector.shape_cast %mul3A_72 : vector<10000x1xf32> to vector<1x10000x1xf32>
    %reduce_sum3A_74 = arith.constant dense<0.000000e+00> : vector<1xf32>
    %reduce_sum3A_75 = vector.multi_reduction <add>, %reduce_sum3A_73, %reduce_sum3A_74 [1, 2] : vector<1x10000x1xf32> to vector<1xf32>
    %reduce_sum3A_76 = vector.shape_cast %reduce_sum3A_75 : vector<1xf32> to vector<1x1x1xf32>
    %reduce_sum3A_77 = vector.extract %reduce_sum3A_76[0, 0, 0] : f32 from vector<1x1x1xf32>
    %sqrt3A = math.sqrt %reduce_sum3A_77 : f32
    %max3A_78 = arith.constant 9.99999993E-9 : f32
    %max3A_79 = arith.maximumf %sqrt3A, %max3A_78 : f32
    %div3A = vector.broadcast %max3A_79 : f32 to vector<10000x1xf32>
    %div3A_80 = arith.divf %add3A_71, %div3A : vector<10000x1xf32>
    %swap3A_81 = arith.constant 0 : index
    %swap3A_82 = arith.constant 0 : index
    %swap3A_83 = vector.load %arg12[%swap3A_81, %swap3A_82] : memref<10000x1xf32, #tpu.memory_space<vmem>>, vector<10000x1xf32>
    tpu.vector_store %arg12[%swap3A_81, %swap3A_82], %div3A_80 {strides = array<i32>} : memref<10000x1xf32, #tpu.memory_space<vmem>>, vector<10000x1xf32>,
    return
  }
}

</mosaic_0001>

<sc_bundles>
// kernel: kernel.11.cloned.1.call-start
scs
__scs_entry_jumppad:
0x0: {  	(pc) =	sbr.rel $0x88, $3  }
0x1: {  	(tag) =	ssettag $0x0;
	lr =	simm.s32 $0x1  }
0x2: {  	[smem:$0x3F8F] =	sst lr;
	_ =	strace $0xD0000000  }
0x3: {  	_ = 	snop  }
0x4: {  	_ = 	snop  }
0x5: {  	_ = 	snop  }
0x6: {  	_ = 	snop  }
0x7: {  	_ = 	snop  }
__scs_overlays_trampoline_lowered:
0x8: {  	[smem:$0x3F9E] =	sst s0  }
0x9: {  	[smem:$0x3F9F] =	sst s1  }
0xa: {  	[smem:$0x3FA0] =	sst s2  }
0xb: {  	[smem:$0x3FA1] =	sst s3  }
0xc: {  	[smem:$0x3FA2] =	sst s4  }
0xd: {  	[smem:$0x3FA3] =	sst s5  }
0xe: {  	[smem:$0x3FA4] =	sst s6  }
0xf: {  	[smem:$0x3FA5] =	sst s7  }
0x10: {  	[smem:$0x3FA6] =	sst s8  }
0x11: {  	[smem:$0x3FA7] =	sst s9;
	s0 =	simm.s32 @!p0 $0x0  }
0x12: {  	s1 =	sld [smem:$0x3F8D];
	s0 =	simm.s32 @p0 $0x1  }
0x13: {  	[smem:$0x3FA8] =	sst s0;
	s0 =	simm.s32 @!p1 $0x0  }
0x14: {  	s2 =	sld [smem:$0x3F8C];
	s0 =	simm.s32 @p1 $0x1  }
0x15: {  	[smem:$0x3FA9] =	sst s0;
	s0 =	simm.s32 @!p2 $0x0  }
0x16: {  	s3 =	sld [smem:$0x3FDB];
	s0 =	simm.s32 @p2 $0x1  }
0x17: {  	s4 =	simm.s32 $0x1BF5;
	[smem:$0x3FAB] =	sst s0  }
0x18: {  	s0 =	sld [smem:$0x3F8E];
	_ =	swait.ge [sflag:s4], $0x0  }
0x19: {  	s7 =	sld [smem:$0x3F8F]  }
0x1a: {  	s8 =	sadd.s32 $0xFFFFE003, lr  }
0x1b: {  	s9 =	sadd.s32 $0xFFFFFEF7, lr;
	s5 =	simm.s32 $0xFFFFFFFF;
	p2 =	slt.u32 s8, $0xFFFFF086  }
0x1c: {  	p1 =	slt.u32 s9, $0xF7A;
	s5 =	simm.s32 @!p2 $0x0  }
0x1d: {  	s5 =	simm.s32 @p1 $0x1;
	p0 =	seq.s32 s7, s2  }
0x1e: {  	s7 =	smul.u32 @!p0 $0xF7A, s2;
	p2 =	seq.s32 @!p0 s5, $0x0  }
0x1f: {  	s9 =	smul.u32 $0xF7A, s1;
	s8 =	simm.s32 @!p0 $0x1BF5;
	p2 =	por !p2, p0  }
0x20: {  	[sflag:s8] =	ssyncset.s32 @!p0 $0xFFFFF086;
	s6 =	sadd.s32 @!p0 s3, s7;
	s7 =	simm.s32 @!p0 $0x108  }
0x21: {  	s3 =	sadd.s32 s3, s9;
	s6 =	sadd.s32 @!p0 $0x88, s6;
	s7 =	simm.s32 @p2 $0x1082  }
0x22: {  	[simem:s7], [sflag:s8] =	dma.local @!p0 [hbm:s6], $0xF7A  }
0x23: {  	s9 =	sor.u32 $0xD0000000, s2;
	s6 =	simm.s32 $0x108;
	_ =	swait.ge @!p0 [sflag:s8], $0x0  }
0x24: {  	s3 =	sadd.s32 $0x88, s3;
	s6 =	simm.s32 @!p1 $0x1082;
	[sflag:s4] =	ssyncset.s32 $0xFFFFF086  }
0x25: {  	[simem:s6], [sflag:s4] =	dma.local [hbm:s3], $0xF7A  }
0x26: {  	[smem:$0x3F8F] =	sst s1;
	(tag) =	ssettag s2;
	_ =	strace s9  }
0x27: {  	s1 =	sld [smem:$0x3F9F]  }
0x28: {  	s2 =	sld [smem:$0x3FA0]  }
0x29: {  	s4 =	sld [smem:$0x3FA2]  }
0x2a: {  	p0 =	seq.s32 s5, $0x0;
	s5 =	sld [smem:$0x3FA3]  }
0x2b: {  	s6 =	sld [smem:$0x3FA4]  }
0x2c: {  	s7 =	sld [smem:$0x3FA5]  }
0x2d: {  	s3 =	simm.s32 $0x108;
	s8 =	sld [smem:$0x3FA6]  }
0x2e: {  	s3 =	simm.s32 @!p0 $0x1082;
	s9 =	sld [smem:$0x3FA7]  }
0x2f: {  	lr =	sadd.s32 s0, s3;
	s0 =	sld [smem:$0x3F9E]  }
0x30: {  	s3 =	sld [smem:$0x3FA1]  }
0x31: {  	[smem:$0x3FAA] =	sst s10  }
0x32: {  	s10 =	sld [smem:$0x3FA8];
	_ =	sdelay $0x3  }
0x33: {  	p0 =	seq.s32 s10, $0x1;
	s10 =	sld [smem:$0x3FAA];
	_ =	sdelay $0x3  }
0x34: {  	[smem:$0x3FAA] =	sst s10  }
0x35: {  	s10 =	sld [smem:$0x3FA9];
	_ =	sdelay $0x3  }
0x36: {  	p1 =	seq.s32 s10, $0x1;
	s10 =	sld [smem:$0x3FAA];
	_ =	sdelay $0x3  }
0x37: {  	[smem:$0x3FAA] =	sst s10  }
0x38: {  	s10 =	sld [smem:$0x3FAB]  }
0x39: {  	_ = 	snop;
	(pc) =	sbr.ind lr, $3  }
0x3a: {  	_ = 	snop  }
0x3b: {  	_ = 	snop  }
0x3c: {  	p2 =	seq.s32 s10, $0x1;
	s10 =	sld [smem:$0x3FAA]  }
0x3d: {  	_ =	shalt  }
0x3e: {  	_ =	shalt  }
0x3f: {  	_ =	shalt  }
0x40: {  	_ =	shalt  }
0x41: {  	_ =	shalt  }
0x42: {  	_ =	shalt  }
0x43: {  	_ =	shalt  }
0x44: {  	_ =	shalt  }
0x45: {  	_ =	shalt  }
0x46: {  	_ =	shalt  }
0x47: {  	_ =	shalt  }
0x48: {  	_ =	shalt  }
0x49: {  	_ =	shalt  }
0x4a: {  	_ =	shalt  }
0x4b: {  	_ =	shalt  }
0x4c: {  	_ =	shalt  }
0x4d: {  	_ =	shalt  }
0x4e: {  	_ =	shalt  }
0x4f: {  	_ =	shalt  }
0x50: {  	_ =	shalt  }
0x51: {  	_ =	shalt  }
0x52: {  	_ =	shalt  }
0x53: {  	_ =	shalt  }
0x54: {  	_ =	shalt  }
0x55: {  	_ =	shalt  }
0x56: {  	_ =	shalt  }
0x57: {  	_ =	shalt  }
0x58: {  	_ =	shalt  }
0x59: {  	_ =	shalt  }
0x5a: {  	_ =	shalt  }
0x5b: {  	_ =	shalt  }
0x5c: {  	_ =	shalt  }
0x5d: {  	_ =	shalt  }
0x5e: {  	_ =	shalt  }
0x5f: {  	_ =	shalt  }
0x60: {  	_ =	shalt  }
0x61: {  	_ =	shalt  }
0x62: {  	_ =	shalt  }
0x63: {  	_ =	shalt  }
0x64: {  	_ =	shalt  }
0x65: {  	_ =	shalt  }
0x66: {  	_ =	shalt  }
0x67: {  	_ =	shalt  }
0x68: {  	_ =	shalt  }
0x69: {  	_ =	shalt  }
0x6a: {  	_ =	shalt  }
0x6b: {  	_ =	shalt  }
0x6c: {  	_ =	shalt  }
0x6d: {  	_ =	shalt  }
0x6e: {  	_ =	shalt  }
0x6f: {  	_ =	shalt  }
0x70: {  	_ =	shalt  }
0x71: {  	_ =	shalt  }
0x72: {  	_ =	shalt  }
0x73: {  	_ =	shalt  }
0x74: {  	_ =	shalt  }
0x75: {  	_ =	shalt  }
0x76: {  	_ =	shalt  }
0x77: {  	_ =	shalt  }
0x78: {  	_ =	shalt  }
0x79: {  	_ =	shalt  }
0x7a: {  	_ =	shalt  }
0x7b: {  	_ =	shalt  }
0x7c: {  	_ =	shalt  }
0x7d: {  	_ =	shalt  }
0x7e: {  	_ =	shalt  }
0x7f: {  	_ =	shalt  }
0x80: {  	_ =	shalt  }
0x81: {  	_ =	shalt  }
0x82: {  	_ =	shalt  }
0x83: {  	_ =	shalt  }
0x84: {  	_ =	shalt  }
0x85: {  	_ =	shalt  }
0x86: {  	_ =	shalt  }
0x87: {  	_ =	shalt  }
.Lfunc_end0:
.L_simem_size_0:
called_computation_lowered:
.L_overlay_start_0:
0x88: {  	s2 =	sld [smem:$0x3FD9]  }
0x89: {  	s3 =	sld [smem:$0x3FFE];
	_ =	sdelay $0x1  }
0x8a: {  	s1 =	srdreg.scid  }
0x8b: {  	s0 =	sand.u32 $0x1, s1  }
0x8c: {  	s16 =	sshll.u32 s0, $0xA;
	s2 =	sadd.s32 s3, s2  }
0x8d: {  	s2 =	sadd.s32 s2, s16  }
0x8e: {  	[smem:$0x3FB6] =	sst s2  }
0x8f: {  	_ = 	snop  }
0x90: {  	(tm) =	ssettm $0x1  }
0x91: {  	s17 =	sld [smem:$0x3FFB];
	_ =	sdelay $0x3  }
0x92: {  	_ =	strace s17  }
0x93: {  	s2 =	sld [smem:$0x3FFC];
	_ =	sdelay $0x3  }
0x94: {  	_ =	strace s2  }
0x95: {  	s2 =	sld [smem:$0x3FFD];
	_ =	sdelay $0x3  }
0x96: {  	_ =	strace s2  }
0x97: {  	_ =	strace $0x8FFFFFFF  }
0x98: {  	s18 =	sld [smem:$0x3FDB];
	_ =	sdelay $0x1  }
0x99: {  	s19 =	simm.s32 $_scs_section_size  }
0x9a: {  	s4 =	simm.s32 $_size__tile_overlayer_lowered;
	s5 =	simm.s32 $_tile_overlayer_lowered  }
0x9b: {  	s22 =	simm.s32 $0x1BFF;
	s21 =	sshll.u32 s5, $0x1;
	s2 =	sadd.s32 s19, s18  }
0x9c: {  	s6 =	simm.s32 $0x0;
	s20 =	sshll.u32 s4, $0x1;
	s4 =	sadd.s32 s21, s2  }
0x9d: {  	[timem:s6], [sflag:s22] =	dma.local [hbm:s4], s20  }
0x9e: {  	_ =	swait.ge [sflag:s22], s20  }
0x9f: {  	s3 =	ssub.s32 $0x0, s20;
	[sflag:s22] =	ssyncset.done $0x0  }
0xa0: {  	[sflag:s22] =	ssyncadd.s32 s3;
	_ =	sdelay $0x1  }
0xa1: {  	s23 =	simm.s32 $0x1B8B  }
0xa2: {  	_ =	swait.ge [sflag:s23], $0x1  }
0xa3: {  	[sflag:s23] =	ssyncset.done $0x0  }
0xa4: {  	s25 =	simm.s32 $0x1B8E;
	s24 =	sld [smem:$0x3FFE];
	[sflag:s23] =	ssyncadd.s32 $0xFFFFFFFF  }
0xa5: {  	s26 =	simm.s32 $execute0_lowered;
	[smem:$0x3FD2] =	sst s25  }
0xa6: {  	s4 =	sshll.u32 s26, $0x1;
	_ =	strace $0x80000046;
	[dreg:$0x1] =	wrdreg $0xFFFFFFFF  }
0xa7: {  	s28 =	simm.s32 $_size_execute0_lowered;
	s2 =	sadd.s32 s2, s4;
	[dreg:$0x0] =	wrdreg $0x0  }
0xa8: {  	s4 =	sshll.u32 s28, $0x1;
	[dreg:$0x2] =	wrdreg s2  }
0xa9: {  	[dreg:$0x3] =	wrdreg s4  }
0xaa: {  	[dreg:$0x4] =	wrdreg $0xC0  }
0xab: {  	_ =	task [dreg:s6], $0x5FFFF  }
0xac: {  	[dreg:$0x1] =	wrdreg $0xFFFFFFFF  }
0xad: {  	[dreg:$0x0] =	wrdreg $0x60  }
0xae: {  	[dreg:$0x2] =	wrdreg s24  }
0xaf: {  	[dreg:$0x3] =	wrdreg $0x58000  }
0xb0: {  	[dreg:$0x4] =	wrdreg $0x9  }
0xb1: {  	_ =	task.clear_ibuf [dreg:s6], $0x5FFFF;
	_ =	strace $0x90000046  }
0xb2: {  	s29 =	simm.s32 $0x9;
	_ =	strace $0x80000048  }
0xb3: {  	_ =	swait.ge [sflag:s29], $0x1  }
0xb4: {  	[sflag:s29] =	ssyncadd.s32 $0xFFFFFFFF  }
0xb5: {  	_ =	strace $0x90000048  }
0xb6: {  	_ =	sfence  }
0xb7: {  	s30 =	sld [smem:$0x0];
	_ =	sdelay $0x2  }
0xb8: {  	s31 =	sshll.u32 s1, $0xD;
	s1 =	sshrl.u32 s1, $0x2  }
0xb9: {  	s3 =	sand.u32 $0x4000, s31;
	s1 =	sadd.s32 s1, s30  }
0xba: {  	s0 =	sor.u32 s3, s0;
	s1 =	sshll.u32 s1, $0x11  }
0xbb: {  	s0 =	sor.u32 s1, s0  }
0xbc: {  	s0 =	sadd.s32 $0x8F2B, s0  }
0xbd: {  	[sflag:s0] =	ssyncadd.remote.s32 $0x1  }
0xbe: {  	_ =	sfence.sel $0xFFFF  }
0xbf: {  	[dreg:$0x0] =	wrdreg $0xFFFFFFFF;
	(pc) =	sbr.abs _section_cstart, $3  }
0xc0: {  	[dreg:$0x1] =	wrdreg $0xFFFFFFFF  }
0xc1: {  	_ =	task.clear_ibuf [dreg:s6], $0x2FFFF;
	_ =	strace $0x9FFFFFFF  }
0xc2: {  	(tm) =	ssettm $0x7FFFFFFF  }
0xc3: {  	_ =	shalt  }
tec
execute0_lowered:
.L_overlay_start_1:
0x0: {  	(tag) =	ssettag $0x1  }
0x1: {  	s4 =	rddreg [dreg:$0x0]  }
0x2: {  	s0 =	srdreg.scid;
	s2 =	rddreg [dreg:$0x1]  }
0x3: {  	s1 =	rddreg [dreg:$0x2];
	s5 =	sand.u32 $0x1, s0  }
0x4: {  	s0 =	stileid.u32;
	s6 =	smul.u32 $0x50000, s5  }
0x5: {  	s3 =	simm.s32 $0x0;
	s13 =	simm.s32 $0x5000;
	s7 =	smul.u32 $0x5000, s0  }
0x6: {  	s14 =	simm.s32 $0x80;
	[smem:$0x7FF] =	sst s3;
	s8 =	smul.u32 $0x2800, s0  }
0x7: {  	s17 =	simm.s32 $0x0;
	s31 =	smul.u32 $0x28000, s5;
	_ =	strace $0x80000047  }
0x8: {  	s9 =	smul.u32 $0xA000, s0;
	s5 =	ssub.s32 $0x2, s5;
	s15 =	sshll.u32 s0, $0x6  }
0x9: {  	s10 =	sshrl.u32 s5, $0x1;
	s15 =	sor.u32 $0x1C01, s15;
	s6 =	sadd.s32 s7, s6  }
0xa: {  	s7 =	sadd.s32 s8, s31;
	s9 =	sshrl.u32 s9, $0x2;
	s12 =	ssub.s32 s5, s10  }
0xb: {  	s5 =	sadd.s32 s8, s2;
	s6 =	sshrl.u32 s6, $0x3;
	s7 =	sshrl.u32 s7, $0x3  }
0xc: {  	s9 =	sadd.s32 s9, s2;
	s16 =	sshrl.u32 s5, $0x3;
	s6 =	sadd.s32 s6, s4  }
0xd: {  	s11 =	sadd.s32 s7, s4;
	s7 =	sadd.s32 $0x1000, s9;
	s8 =	sadd.s32 $0x1800, s9  }
0xe: {  	s4 =	sadd.s32 $0x18000, s6;
	s6 =	sadd.s32 $0x800, s9;
	s9 =	sadd.s32 $0x2000, s9  }
0xf: {  	v0 =	vimm.f32 $0.0e+00;
	v1 =	vimm.f32 $1.000000000e+00;
	s10 =	sadd.s32 $0x2C000, s11;
	s11 =	smax.u32 s12, $0x1;
	s12 =	simm.s32 $0x1  }
.LBB2_1:
0x10: {  	[tilespmem:s3], [sflag:$0x1] =	stream.linear.gather [hbm4b:s4+s3], $0x5000, $0x38;
	[tilespmem:$0x8000] =	vst v63  }
0x11: {  	_ =	swait.ge [sflag:s12], $0x5000  }
0x12: {  	[sflag:s12] =	ssyncset.done $0x0  }
0x13: {  	s18 =	simm.s32 $0x40;
	s19 =	simm.s32 $0x0;
	[sflag:s12] =	ssyncadd.s32 $0xFFFFB000  }
.LBB2_2:
0x14: {  	p0 =	sne.s32 s18, $0x1FC0;
	[tilespmem:s19+$0x5000] =	vst v0;
	s19 =	smov.u32 s18;
	s18 =	sadd.s32 $0x40, s18  }
.Ltmp0:
0x15: {  	(pc) =	sbr.rel @p0 .LBB2_2-.Ltmp0, $2  }
0x16: {  	_ =	sdelay $0x2  }
0x17: {  	s19 =	sshra.s32 s19, $0x2  }
0x18: {  	[tilespmem:s19+$0x5000] =	vst v0  }
0x19: {  	[spmem:s5] =	stream.linear.scatter [tilespmem:s13], [sflag:$0x1], $0x800, $0x38;
	[tilespmem:$0x8000] =	vst v63  }
0x1a: {  	_ =	swait.ge [sflag:s12], $0x800  }
0x1b: {  	[sflag:s12] =	ssyncset.done $0x0  }
0x1c: {  	[sflag:s12] =	ssyncadd.s32 $0xFFFFF800  }
0x1d: {  	[spmem:s6] =	stream.linear.scatter [tilespmem:s13], [sflag:$0x1], $0x800, $0x38;
	[tilespmem:$0x8000] =	vst v63  }
0x1e: {  	_ =	swait.ge [sflag:s12], $0x800  }
0x1f: {  	[sflag:s12] =	ssyncset.done $0x0  }
0x20: {  	[sflag:s12] =	ssyncadd.s32 $0xFFFFF800  }
0x21: {  	[spmem:s7] =	stream.linear.scatter [tilespmem:s13], [sflag:$0x1], $0x800, $0x38;
	[tilespmem:$0x8000] =	vst v63  }
0x22: {  	_ =	swait.ge [sflag:s12], $0x800  }
0x23: {  	[sflag:s12] =	ssyncset.done $0x0  }
0x24: {  	[sflag:s12] =	ssyncadd.s32 $0xFFFFF800  }
0x25: {  	[spmem:s8] =	stream.linear.scatter [tilespmem:s13], [sflag:$0x1], $0x800, $0x38;
	[tilespmem:$0x8000] =	vst v63  }
0x26: {  	_ =	swait.ge [sflag:s12], $0x800  }
0x27: {  	[sflag:s12] =	ssyncset.done $0x0  }
0x28: {  	[sflag:s12] =	ssyncadd.s32 $0xFFFFF800  }
0x29: {  	[spmem:s9] =	stream.linear.scatter [tilespmem:s13], [sflag:$0x1], $0x800, $0x38;
	[tilespmem:$0x8000] =	vst v63  }
0x2a: {  	_ =	swait.ge [sflag:s12], $0x800  }
0x2b: {  	[sflag:s12] =	ssyncset.done $0x0  }
0x2c: {  	s18 =	simm.s32 $0x40;
	s19 =	simm.s32 $0x0;
	[sflag:s12] =	ssyncadd.s32 $0xFFFFF800  }
.LBB2_4:
0x2d: {  	p0 =	sne.s32 s18, $0x1FC0;
	[tilespmem:s19+$0x5000] =	vst v1;
	s19 =	smov.u32 s18;
	s18 =	sadd.s32 $0x40, s18  }
.Ltmp1:
0x2e: {  	(pc) =	sbr.rel @p0 .LBB2_4-.Ltmp1, $2  }
0x2f: {  	_ =	sdelay $0x2  }
0x30: {  	s19 =	sshra.s32 s19, $0x2  }
0x31: {  	[tilespmem:s19+$0x5000] =	vst v1  }
0x32: {  	s18 =	simm.s32 $0x0;
	[bflag:$0x0] =	sbarrier.arrive $0xFFFF  }
0x33: {  	[spmem:s2] =	stream.indirect.scatter.add.f32 [tilespmem:s13], [sflag:$0x1], $0x10, s18, s14, $0xb8;
	[tilespmem:$0x8000] =	vst v63  }
0x34: {  	_ =	swait.ge [sflag:s12], $0x800  }
0x35: {  	s18 =	simm.s32 $0x200;
	[sflag:s12] =	ssyncset.done $0x0  }
.LBB2_6:
0x36: {  	s19 =	sshra.s32 s18, $0x2;
	[sflag:s12] =	ssyncadd.s32 $0xFFFFF800;
	p0 =	sne.s32 s18, $0x13E00  }
0x37: {  	[spmem:s2] =	stream.indirect.scatter.add.f32 [tilespmem:s13], [sflag:$0x1], $0x10, s19, s14, $0xb8;
	[tilespmem:$0x8000] =	vst v63  }
.Ltmp2:
0x38: {  	_ = 	snop;
	(pc) =	sbr.rel @p0 .LBB2_6-.Ltmp2, $4  }
0x39: {  	_ = 	snop  }
0x3a: {  	s18 =	sadd.s32 $0x200, s18  }
0x3b: {  	_ =	swait.ge [sflag:s12], $0x800  }
0x3c: {  	[sflag:s12] =	ssyncset.done $0x0  }
0x3d: {  	s17 =	sadd.s32 $0x1, s17  }
0x3e: {  	[sflag:s12] =	ssyncadd.s32 $0xFFFFF800;
	p0 =	sne.s32 s17, s11  }
.Ltmp3:
0x3f: {  	[bflag:$0x0] =	sbarrier.arrive $0xFFFF;
	(pc) =	sbr.rel @p0 .LBB2_1-.Ltmp3, $4  }
0x40: {  	[hbm:s10], [sflag:s15] =	dma.local [spmem:s16], $0x500  }
0x41: {  	_ =	swait.ge [sflag:s12], $0x500  }
0x42: {  	[sflag:s12] =	ssyncset.done $0x0  }
0x43: {  	[sflag:s12] =	ssyncadd.s32 $0xFFFFFB00  }
0x44: {  	_ =	sfence.sel $0x180000  }
0x45: {  	[bflag:$0x0] =	sbarrier.arrive $0xFFFF  }
0x46: {  	p0 =	sne.s32 s0, $0x0;
	_ =	strace $0x90000047  }
0x47: {  	s0 =	sadd.s32 @!p0 $0x100000, s1;
	[bflag:$0x2] =	sbarrier.arrive $0xFFFF  }
0x48: {  	[sflag:s0] =	ssyncadd.tile.s32 @!p0 $0x1;
	_ =	shalt  }
.Lfunc_end2:
_tile_overlayer_lowered:
.L_overlay_start_2:
0x49: {  	(tag) =	ssettag $0x2  }
0x4a: {  	s0 =	rddreg [dreg:$0x0];
	s2 =	stileid.u32  }
0x4b: {  	s1 =	rddreg [dreg:$0x1];
	p0 =	sne.s32 s2, $0x0  }
0x4c: {  	s3 =	rddreg [dreg:$0x2];
	[bflag:$0x3] =	sbarrier.arrive $0xFFFF;
	s2 =	simm.s32 @!p0 $0x1C01  }
0x4d: {  	[timem:s3], [sflag:s2] =	dma.local @!p0 [hbm:s0], s1  }
0x4e: {  	s0 =	simm.s32 @!p0 $0x1  }
0x4f: {  	_ =	swait.ge @!p0 [sflag:s0], s1  }
0x50: {  	s1 =	ssub.s32 @!p0 $0x0, s1;
	[sflag:s0] =	ssyncset.done @!p0 $0x0  }
0x51: {  	[sflag:s0] =	ssyncadd.s32 @!p0 s1  }
0x52: {  	[bflag:$0x3] =	sbarrier.arrive $0xFFFF  }
0x53: {  	_ =	shalt  }

// kernel: kernel.14.cloned.1.call-start
scs
__scs_entry_jumppad:
0x0: {  	(pc) =	sbr.rel $0x88, $3  }
0x1: {  	(tag) =	ssettag $0x0;
	lr =	simm.s32 $0x1  }
0x2: {  	[smem:$0x3F8F] =	sst lr;
	_ =	strace $0xD0000000  }
0x3: {  	_ = 	snop  }
0x4: {  	_ = 	snop  }
0x5: {  	_ = 	snop  }
0x6: {  	_ = 	snop  }
0x7: {  	_ = 	snop  }
__scs_overlays_trampoline_lowered:
0x8: {  	[smem:$0x3F9E] =	sst s0  }
0x9: {  	[smem:$0x3F9F] =	sst s1  }
0xa: {  	[smem:$0x3FA0] =	sst s2  }
0xb: {  	[smem:$0x3FA1] =	sst s3  }
0xc: {  	[smem:$0x3FA2] =	sst s4  }
0xd: {  	[smem:$0x3FA3] =	sst s5  }
0xe: {  	[smem:$0x3FA4] =	sst s6  }
0xf: {  	[smem:$0x3FA5] =	sst s7  }
0x10: {  	[smem:$0x3FA6] =	sst s8  }
0x11: {  	[smem:$0x3FA7] =	sst s9;
	s0 =	simm.s32 @!p0 $0x0  }
0x12: {  	s1 =	sld [smem:$0x3F8D];
	s0 =	simm.s32 @p0 $0x1  }
0x13: {  	[smem:$0x3FA8] =	sst s0;
	s0 =	simm.s32 @!p1 $0x0  }
0x14: {  	s2 =	sld [smem:$0x3F8C];
	s0 =	simm.s32 @p1 $0x1  }
0x15: {  	[smem:$0x3FA9] =	sst s0;
	s0 =	simm.s32 @!p2 $0x0  }
0x16: {  	s3 =	sld [smem:$0x3FDB];
	s0 =	simm.s32 @p2 $0x1  }
0x17: {  	s4 =	simm.s32 $0x1BF5;
	[smem:$0x3FAB] =	sst s0  }
0x18: {  	s0 =	sld [smem:$0x3F8E];
	_ =	swait.ge [sflag:s4], $0x0  }
0x19: {  	s7 =	sld [smem:$0x3F8F]  }
0x1a: {  	s8 =	sadd.s32 $0xFFFFE003, lr  }
0x1b: {  	s9 =	sadd.s32 $0xFFFFFEF7, lr;
	s5 =	simm.s32 $0xFFFFFFFF;
	p2 =	slt.u32 s8, $0xFFFFF086  }
0x1c: {  	p1 =	slt.u32 s9, $0xF7A;
	s5 =	simm.s32 @!p2 $0x0  }
0x1d: {  	s5 =	simm.s32 @p1 $0x1;
	p0 =	seq.s32 s7, s2  }
0x1e: {  	s7 =	smul.u32 @!p0 $0xF7A, s2;
	p2 =	seq.s32 @!p0 s5, $0x0  }
0x1f: {  	s9 =	smul.u32 $0xF7A, s1;
	s8 =	simm.s32 @!p0 $0x1BF5;
	p2 =	por !p2, p0  }
0x20: {  	[sflag:s8] =	ssyncset.s32 @!p0 $0xFFFFF086;
	s6 =	sadd.s32 @!p0 s3, s7;
	s7 =	simm.s32 @!p0 $0x108  }
0x21: {  	s3 =	sadd.s32 s3, s9;
	s6 =	sadd.s32 @!p0 $0x88, s6;
	s7 =	simm.s32 @p2 $0x1082  }
0x22: {  	[simem:s7], [sflag:s8] =	dma.local @!p0 [hbm:s6], $0xF7A  }
0x23: {  	s9 =	sor.u32 $0xD0000000, s2;
	s6 =	simm.s32 $0x108;
	_ =	swait.ge @!p0 [sflag:s8], $0x0  }
0x24: {  	s3 =	sadd.s32 $0x88, s3;
	s6 =	simm.s32 @!p1 $0x1082;
	[sflag:s4] =	ssyncset.s32 $0xFFFFF086  }
0x25: {  	[simem:s6], [sflag:s4] =	dma.local [hbm:s3], $0xF7A  }
0x26: {  	[smem:$0x3F8F] =	sst s1;
	(tag) =	ssettag s2;
	_ =	strace s9  }
0x27: {  	s1 =	sld [smem:$0x3F9F]  }
0x28: {  	s2 =	sld [smem:$0x3FA0]  }
0x29: {  	s4 =	sld [smem:$0x3FA2]  }
0x2a: {  	p0 =	seq.s32 s5, $0x0;
	s5 =	sld [smem:$0x3FA3]  }
0x2b: {  	s6 =	sld [smem:$0x3FA4]  }
0x2c: {  	s7 =	sld [smem:$0x3FA5]  }
0x2d: {  	s3 =	simm.s32 $0x108;
	s8 =	sld [smem:$0x3FA6]  }
0x2e: {  	s3 =	simm.s32 @!p0 $0x1082;
	s9 =	sld [smem:$0x3FA7]  }
0x2f: {  	lr =	sadd.s32 s0, s3;
	s0 =	sld [smem:$0x3F9E]  }
0x30: {  	s3 =	sld [smem:$0x3FA1]  }
0x31: {  	[smem:$0x3FAA] =	sst s10  }
0x32: {  	s10 =	sld [smem:$0x3FA8];
	_ =	sdelay $0x3  }
0x33: {  	p0 =	seq.s32 s10, $0x1;
	s10 =	sld [smem:$0x3FAA];
	_ =	sdelay $0x3  }
0x34: {  	[smem:$0x3FAA] =	sst s10  }
0x35: {  	s10 =	sld [smem:$0x3FA9];
	_ =	sdelay $0x3  }
0x36: {  	p1 =	seq.s32 s10, $0x1;
	s10 =	sld [smem:$0x3FAA];
	_ =	sdelay $0x3  }
0x37: {  	[smem:$0x3FAA] =	sst s10  }
0x38: {  	s10 =	sld [smem:$0x3FAB]  }
0x39: {  	_ = 	snop;
	(pc) =	sbr.ind lr, $3  }
0x3a: {  	_ = 	snop  }
0x3b: {  	_ = 	snop  }
0x3c: {  	p2 =	seq.s32 s10, $0x1;
	s10 =	sld [smem:$0x3FAA]  }
0x3d: {  	_ =	shalt  }
0x3e: {  	_ =	shalt  }
0x3f: {  	_ =	shalt  }
0x40: {  	_ =	shalt  }
0x41: {  	_ =	shalt  }
0x42: {  	_ =	shalt  }
0x43: {  	_ =	shalt  }
0x44: {  	_ =	shalt  }
0x45: {  	_ =	shalt  }
0x46: {  	_ =	shalt  }
0x47: {  	_ =	shalt  }
0x48: {  	_ =	shalt  }
0x49: {  	_ =	shalt  }
0x4a: {  	_ =	shalt  }
0x4b: {  	_ =	shalt  }
0x4c: {  	_ =	shalt  }
0x4d: {  	_ =	shalt  }
0x4e: {  	_ =	shalt  }
0x4f: {  	_ =	shalt  }
0x50: {  	_ =	shalt  }
0x51: {  	_ =	shalt  }
0x52: {  	_ =	shalt  }
0x53: {  	_ =	shalt  }
0x54: {  	_ =	shalt  }
0x55: {  	_ =	shalt  }
0x56: {  	_ =	shalt  }
0x57: {  	_ =	shalt  }
0x58: {  	_ =	shalt  }
0x59: {  	_ =	shalt  }
0x5a: {  	_ =	shalt  }
0x5b: {  	_ =	shalt  }
0x5c: {  	_ =	shalt  }
0x5d: {  	_ =	shalt  }
0x5e: {  	_ =	shalt  }
0x5f: {  	_ =	shalt  }
0x60: {  	_ =	shalt  }
0x61: {  	_ =	shalt  }
0x62: {  	_ =	shalt  }
0x63: {  	_ =	shalt  }
0x64: {  	_ =	shalt  }
0x65: {  	_ =	shalt  }
0x66: {  	_ =	shalt  }
0x67: {  	_ =	shalt  }
0x68: {  	_ =	shalt  }
0x69: {  	_ =	shalt  }
0x6a: {  	_ =	shalt  }
0x6b: {  	_ =	shalt  }
0x6c: {  	_ =	shalt  }
0x6d: {  	_ =	shalt  }
0x6e: {  	_ =	shalt  }
0x6f: {  	_ =	shalt  }
0x70: {  	_ =	shalt  }
0x71: {  	_ =	shalt  }
0x72: {  	_ =	shalt  }
0x73: {  	_ =	shalt  }
0x74: {  	_ =	shalt  }
0x75: {  	_ =	shalt  }
0x76: {  	_ =	shalt  }
0x77: {  	_ =	shalt  }
0x78: {  	_ =	shalt  }
0x79: {  	_ =	shalt  }
0x7a: {  	_ =	shalt  }
0x7b: {  	_ =	shalt  }
0x7c: {  	_ =	shalt  }
0x7d: {  	_ =	shalt  }
0x7e: {  	_ =	shalt  }
0x7f: {  	_ =	shalt  }
0x80: {  	_ =	shalt  }
0x81: {  	_ =	shalt  }
0x82: {  	_ =	shalt  }
0x83: {  	_ =	shalt  }
0x84: {  	_ =	shalt  }
0x85: {  	_ =	shalt  }
0x86: {  	_ =	shalt  }
0x87: {  	_ =	shalt  }
.Lfunc_end0:
.L_simem_size_0:
called_computation.1_lowered:
.L_overlay_start_0:
0x88: {  	s2 =	sld [smem:$0x3FD9]  }
0x89: {  	s3 =	sld [smem:$0x3FFE];
	_ =	sdelay $0x1  }
0x8a: {  	s1 =	srdreg.scid  }
0x8b: {  	s0 =	sand.u32 $0x1, s1  }
0x8c: {  	s14 =	sshll.u32 s0, $0xA;
	s2 =	sadd.s32 s3, s2  }
0x8d: {  	s2 =	sadd.s32 s2, s14  }
0x8e: {  	[smem:$0x3FB6] =	sst s2  }
0x8f: {  	_ = 	snop  }
0x90: {  	s2 =	sld [smem:$0x3FD0];
	_ =	sdelay $0x2  }
0x91: {  	s15 =	simm.s32 $0xA;
	s4 =	simm.s32 $0x10  }
0x92: {  	[smem:s4], [sflag:s15] =	dma.local [hbm:s2], $0x1  }
0x93: {  	_ =	swait.eq [sflag:s15], $0x1  }
0x94: {  	[sflag:s15] =	ssyncset.done $0x0  }
0x95: {  	[sflag:s15] =	ssyncadd.s32 $0xFFFFFFFF  }
0x96: {  	s16 =	sld [smem:$0x12];
	(tm) =	ssettm $0x1  }
0x97: {  	s17 =	sld [smem:$0x3FFB];
	_ =	sdelay $0x3  }
0x98: {  	_ =	strace s17  }
0x99: {  	s3 =	sld [smem:$0x3FFC];
	_ =	sdelay $0x3  }
0x9a: {  	_ =	strace s3  }
0x9b: {  	s3 =	sld [smem:$0x3FFD];
	_ =	sdelay $0x3  }
0x9c: {  	_ =	strace s3  }
0x9d: {  	_ =	strace $0x8FFFFFFF  }
0x9e: {  	s18 =	sld [smem:$0x3FDB];
	_ =	sdelay $0x1  }
0x9f: {  	s19 =	simm.s32 $_scs_section_size  }
0xa0: {  	s5 =	simm.s32 $_size__tile_overlayer_lowered;
	s6 =	simm.s32 $_tile_overlayer_lowered  }
0xa1: {  	s22 =	simm.s32 $0x1BFF;
	s21 =	sshll.u32 s6, $0x1;
	s3 =	sadd.s32 s19, s18  }
0xa2: {  	s7 =	simm.s32 $0x0;
	s20 =	sshll.u32 s5, $0x1;
	s5 =	sadd.s32 s21, s3  }
0xa3: {  	[timem:s7], [sflag:s22] =	dma.local [hbm:s5], s20  }
0xa4: {  	_ =	swait.ge [sflag:s22], s20  }
0xa5: {  	s4 =	ssub.s32 $0x0, s20;
	[sflag:s22] =	ssyncset.done $0x0  }
0xa6: {  	[sflag:s22] =	ssyncadd.s32 s4;
	_ =	sdelay $0x1  }
0xa7: {  	s23 =	simm.s32 $0x1B8B  }
0xa8: {  	_ =	swait.ge [sflag:s23], $0x1  }
0xa9: {  	[sflag:s23] =	ssyncset.done $0x0  }
0xaa: {  	s25 =	simm.s32 $0x1B8E;
	s24 =	sld [smem:$0x3FFE];
	[sflag:s23] =	ssyncadd.s32 $0xFFFFFFFF  }
0xab: {  	s26 =	simm.s32 $execute0_lowered;
	[smem:$0x3FD2] =	sst s25  }
0xac: {  	s5 =	sshll.u32 s26, $0x1;
	_ =	strace $0x80000049;
	[dreg:$0x1] =	wrdreg $0xFFFFFFFF  }
0xad: {  	s28 =	simm.s32 $_size_execute0_lowered;
	s3 =	sadd.s32 s3, s5;
	[dreg:$0x0] =	wrdreg $0x0  }
0xae: {  	s5 =	sshll.u32 s28, $0x1;
	[dreg:$0x2] =	wrdreg s3  }
0xaf: {  	[dreg:$0x3] =	wrdreg s5  }
0xb0: {  	[dreg:$0x4] =	wrdreg $0xC0  }
0xb1: {  	_ =	task [dreg:s7], $0x5FFFF  }
0xb2: {  	[dreg:$0x1] =	wrdreg $0xFFFFFFFF  }
0xb3: {  	[dreg:$0x0] =	wrdreg $0x60  }
0xb4: {  	[dreg:$0x2] =	wrdreg s16  }
0xb5: {  	[dreg:$0x3] =	wrdreg s24  }
0xb6: {  	[dreg:$0x4] =	wrdreg $0x112800  }
0xb7: {  	[dreg:$0x5] =	wrdreg $0x162800  }
0xb8: {  	[dreg:$0x6] =	wrdreg $0x9  }
0xb9: {  	_ =	task.clear_ibuf [dreg:s7], $0x7FFFF;
	_ =	strace $0x90000049  }
0xba: {  	s29 =	simm.s32 $0x9;
	_ =	strace $0x8000004B  }
0xbb: {  	_ =	swait.ge [sflag:s29], $0x1  }
0xbc: {  	[sflag:s29] =	ssyncadd.s32 $0xFFFFFFFF  }
0xbd: {  	_ =	strace $0x9000004B  }
0xbe: {  	_ =	sfence  }
0xbf: {  	s30 =	sld [smem:$0x0];
	_ =	sdelay $0x2  }
0xc0: {  	s31 =	sshll.u32 s1, $0xD;
	s1 =	sshrl.u32 s1, $0x2  }
0xc1: {  	s3 =	sand.u32 $0x4000, s31;
	s1 =	sadd.s32 s1, s30  }
0xc2: {  	s0 =	sor.u32 s3, s0;
	s1 =	sshll.u32 s1, $0x11  }
0xc3: {  	s0 =	sor.u32 s1, s0  }
0xc4: {  	s0 =	sadd.s32 $0x8F2B, s0  }
0xc5: {  	[sflag:s0] =	ssyncadd.remote.s32 $0x1  }
0xc6: {  	_ =	sfence.sel $0xFFFF  }
0xc7: {  	[dreg:$0x0] =	wrdreg $0xFFFFFFFF;
	(pc) =	sbr.abs _section_cstart, $3  }
0xc8: {  	[dreg:$0x1] =	wrdreg $0xFFFFFFFF  }
0xc9: {  	_ =	task.clear_ibuf [dreg:s7], $0x2FFFF;
	_ =	strace $0x9FFFFFFF  }
0xca: {  	(tm) =	ssettm $0x7FFFFFFF  }
0xcb: {  	_ =	shalt  }
tec
execute0_lowered:
.L_overlay_start_1:
0x0: {  	(tag) =	ssettag $0x1  }
0x1: {  	s0 =	rddreg [dreg:$0x0]  }
0x2: {  	s1 =	rddreg [dreg:$0x1]  }
0x3: {  	s2 =	rddreg [dreg:$0x2]  }
0x4: {  	s3 =	rddreg [dreg:$0x3];
	s9 =	stileid.u32  }
0x5: {  	s6 =	srdreg.scid;
	s4 =	simm.s32 $0x0;
	s28 =	simm.s32 $0x1  }
0x6: {  	s29 =	simm.s32 $0x2;
	s30 =	simm.s32 $0x3;
	s5 =	smul.u32 $0xA00, s9  }
0x7: {  	s31 =	simm.s32 $0x4;
	s6 =	sand.u32 $0x1, s6;
	s7 =	smul.u32 $0x5000, s9  }
0x8: {  	[smem:$0x7FF] =	sst s4;
	s10 =	sadd.s32 $0x36000, s1;
	s9 =	smul.u32 $0x50, s9  }
0x9: {  	s8 =	smul.u32 $0x50000, s6;
	_ =	strace $0x8000004A;
	s11 =	ssub.s32 $0x2, s6  }
0xa: {  	p0 =	seq.s32 s6, $0x1;
	s5 =	sadd.s32 s5, s1;
	s9 =	sadd.s32 s9, s1  }
0xb: {  	s12 =	sshrl.u32 s11, $0x1;
	s23 =	sshrl.u32 s7, $0x3;
	s24 =	sadd.s32 $0x1000, s7  }
0xc: {  	s15 =	sadd.s32 $0x2000, s7;
	s16 =	sadd.s32 $0x3000, s7;
	s0 =	smov.u32 @p0 s10  }
0xd: {  	s8 =	sadd.s32 s7, s8;
	s11 =	ssub.s32 s11, s12;
	s21 =	sadd.s32 $0x4000, s5  }
0xe: {  	s5 =	sadd.s32 $0xE000, s5;
	s22 =	sadd.s32 $0x18000, s9;
	s9 =	sadd.s32 s7, s3  }
0xf: {  	s25 =	sadd.s32 s24, s3;
	s26 =	sadd.s32 s15, s3;
	s12 =	sadd.s32 s16, s3  }
0x10: {  	s14 =	sadd.s32 s24, s2;
	s15 =	sadd.s32 s15, s2;
	[dreg:$0x5] =	wrdreg s21  }
0x11: {  	s16 =	sadd.s32 s16, s2;
	s20 =	sadd.s32 s0, s23;
	[dreg:$0x6] =	wrdreg s5  }
0x12: {  	s24 =	simm.s32 $0xA000;
	s0 =	simm.s32 $0xC000;
	[dreg:$0x7] =	wrdreg s22  }
0x13: {  	s23 =	simm.s32 $0x0;
	s8 =	sshrl.u32 s8, $0x3;
	[dreg:$0x8] =	wrdreg s25  }
0x14: {  	[dreg:$0x9] =	wrdreg s26;
	s19 =	smax.u32 s11, $0x1;
	s21 =	simm.s32 $0x5  }
0x15: {  	s22 =	simm.s32 $0x5000;
	s25 =	simm.s32 $0x80;
	s26 =	simm.s32 $0xB000  }
0x16: {  	s1 =	sadd.s32 s8, s1;
	s8 =	sadd.s32 s7, s2;
	s7 =	sadd.s32 $0x4000, s7  }
0x17: {  	v0 =	vimm.f32 $0.0e+00;
	s13 =	sadd.s32 s7, s3;
	s17 =	sadd.s32 s7, s2;
	s18 =	sadd.s32 $0x18600, s1  }
.LBB2_1:
0x18: {  	s1 =	rddreg [dreg:$0x5]  }
0x19: {  	[tilespmem:s4], [sflag:$0x5] =	stream.linear.gather [hbm4b:s1+s4], $0x5000, $0x38;
	[tilespmem:$0x1B280] =	vst v63  }
0x1a: {  	_ =	swait.ge [sflag:s21], $0x5000  }
0x1b: {  	[sflag:s21] =	ssyncset.done $0x0  }
0x1c: {  	s7 =	rddreg [dreg:$0x6];
	[sflag:s21] =	ssyncadd.s32 $0xFFFFB000  }
0x1d: {  	[tilespmem:s22], [sflag:$0x5] =	stream.linear.gather [hbm4b:s7+s4], $0x5000, $0x38;
	[tilespmem:$0x1B280] =	vst v63  }
0x1e: {  	_ =	swait.ge [sflag:s21], $0x5000  }
0x1f: {  	[sflag:s21] =	ssyncset.done $0x0  }
0x20: {  	s5 =	simm.s32 $0x11000;
	s10 =	rddreg [dreg:$0x7];
	[sflag:s21] =	ssyncadd.s32 $0xFFFFB000  }
0x21: {  	[tilespmem:s5], [sflag:$0x5] =	stream.linear.gather [hbm4b:s10+s4], $0x280, $0x38;
	[tilespmem:$0x1B280] =	vst v63  }
0x22: {  	s11 =	stileid.u32;
	_ =	swait.ge [sflag:s21], $0x280  }
0x23: {  	s1 =	sshll.u32 s11, $0x6;
	[sflag:s21] =	ssyncset.done $0x0  }
0x24: {  	s1 =	sor.u32 $0x1C05, s1;
	s5 =	sshrl.u32 s8, $0x3;
	[sflag:s21] =	ssyncadd.s32 $0xFFFFFD80  }
0x25: {  	[spmem:s5], [sflag:s1] =	dma.local [hbm:s20], $0xA00  }
0x26: {  	_ =	swait.ge [sflag:s21], $0xA00  }
0x27: {  	[sflag:s21] =	ssyncset.done $0x0  }
0x28: {  	s6 =	simm.s32 $0x80;
	s7 =	simm.s32 $0x0;
	[sflag:s21] =	ssyncadd.s32 $0xFFFFF600  }
.LBB2_2:
0x29: {  	p0 =	sne.s32 s6, $0x3F80;
	[tilespmem:s7+$0xA000] =	vst v0;
	s10 =	smov.u32 s6;
	s6 =	sadd.s32 $0x80, s6  }
.Ltmp0:
0x2a: {  	[tilespmem:s7+$0xA010] =	vst v0;
	(pc) =	sbr.rel @p0 .LBB2_2-.Ltmp0, $2  }
0x2b: {  	_ =	sdelay $0x2  }
0x2c: {  	s7 =	sshra.s32 s10, $0x2  }
0x2d: {  	[tilespmem:s7+$0xA000] =	vst v0  }
0x2e: {  	[tilespmem:s7+$0xA010] =	vst v0  }
0x2f: {  	[spmem:s9] =	stream.linear.scatter [tilespmem:s24], [sflag:$0x5], $0x1000, $0x38;
	[tilespmem:$0x1B280] =	vst v63  }
0x30: {  	_ =	swait.ge [sflag:s21], $0x1000  }
0x31: {  	[sflag:s21] =	ssyncset.done $0x0  }
0x32: {  	s6 =	rddreg [dreg:$0x8];
	[sflag:s21] =	ssyncadd.s32 $0xFFFFF000  }
0x33: {  	[spmem:s6] =	stream.linear.scatter [tilespmem:s24], [sflag:$0x5], $0x1000, $0x38;
	[tilespmem:$0x1B280] =	vst v63  }
0x34: {  	_ =	swait.ge [sflag:s21], $0x1000  }
0x35: {  	[sflag:s21] =	ssyncset.done $0x0  }
0x36: {  	s10 =	rddreg [dreg:$0x9];
	[sflag:s21] =	ssyncadd.s32 $0xFFFFF000  }
0x37: {  	[spmem:s10] =	stream.linear.scatter [tilespmem:s24], [sflag:$0x5], $0x1000, $0x38;
	[tilespmem:$0x1B280] =	vst v63  }
0x38: {  	_ =	swait.ge [sflag:s21], $0x1000  }
0x39: {  	[sflag:s21] =	ssyncset.done $0x0  }
0x3a: {  	[sflag:s21] =	ssyncadd.s32 $0xFFFFF000  }
0x3b: {  	[spmem:s12] =	stream.linear.scatter [tilespmem:s24], [sflag:$0x5], $0x1000, $0x38;
	[tilespmem:$0x1B280] =	vst v63  }
0x3c: {  	_ =	swait.ge [sflag:s21], $0x1000  }
0x3d: {  	[sflag:s21] =	ssyncset.done $0x0  }
0x3e: {  	[sflag:s21] =	ssyncadd.s32 $0xFFFFF000  }
0x3f: {  	[spmem:s13] =	stream.linear.scatter [tilespmem:s24], [sflag:$0x5], $0x1000, $0x38;
	[tilespmem:$0x1B280] =	vst v63  }
0x40: {  	_ =	swait.ge [sflag:s21], $0x1000  }
0x41: {  	[sflag:s21] =	ssyncset.done $0x0  }
0x42: {  	[sflag:s21] =	ssyncadd.s32 $0xFFFFF000  }
0x43: {  	s11 =	simm.s32 $0x0;
	[bflag:$0x0] =	sbarrier.arrive $0xFFFF  }
0x44: {  	[tilespmem:s24], [sflag:$0x1] =	stream.indirect.gather [spmem:s2], $0x20, s11, s25, $0xb8;
	[tilespmem:$0x1B280] =	vst v63  }
0x45: {  	_ = 	snop  }
0x46: {  	[tilespmem:s26], [sflag:$0x2] =	stream.indirect.gather [spmem:s2], $0x20, s25, s25, $0xb8;
	[tilespmem:$0x1B280] =	vst v63  }
0x47: {  	_ =	swait.ge [sflag:s28], $0x1000  }
0x48: {  	[sflag:s28] =	ssyncset.done $0x0  }
0x49: {  	s7 =	simm.s32 $0x5000;
	[sflag:s28] =	ssyncadd.s32 $0xFFFFF000  }
0x4a: {  	[spmem:s3] =	stream.indirect.scatter.add.f32 [tilespmem:s24], [sflag:$0x3], $0x20, s7, s25, $0xb8;
	[tilespmem:$0x1B280] =	vst v63  }
0x4b: {  	_ =	swait.ge [sflag:s29], $0x1000  }
0x4c: {  	[sflag:s29] =	ssyncset.done $0x0  }
0x4d: {  	s10 =	simm.s32 $0x5080;
	[sflag:s29] =	ssyncadd.s32 $0xFFFFF000  }
0x4e: {  	[spmem:s3] =	stream.indirect.scatter.add.f32 [tilespmem:s26], [sflag:$0x4], $0x20, s10, s25, $0xb8;
	[tilespmem:$0x1B280] =	vst v63  }
0x4f: {  	_ =	swait.ge [sflag:s30], $0x1000  }
0x50: {  	[sflag:s30] =	ssyncset.done $0x0  }
0x51: {  	s11 =	simm.s32 $0x100;
	[sflag:s30] =	ssyncadd.s32 $0xFFFFF000  }
0x52: {  	[tilespmem:s24], [sflag:$0x1] =	stream.indirect.gather [spmem:s2], $0x20, s11, s25, $0xb8;
	[tilespmem:$0x1B280] =	vst v63  }
0x53: {  	_ =	swait.ge [sflag:s31], $0x1000  }
0x54: {  	[sflag:s31] =	ssyncset.done $0x0  }
0x55: {  	s6 =	simm.s32 $0x400;
	s7 =	simm.s32 $0x180;
	[sflag:s31] =	ssyncadd.s32 $0xFFFFF000  }
.LBB2_4:
0x56: {  	[tilespmem:s26], [sflag:$0x2] =	stream.indirect.gather [spmem:s2], $0x20, s7, s25, $0xb8;
	[tilespmem:$0x1B280] =	vst v63  }
0x57: {  	s7 =	smov.u32 s6  }
0x58: {  	p0 =	sne.s32 s6, $0x13800;
	s6 =	sadd.s32 $0x400, s6;
	_ =	swait.ge [sflag:s28], $0x1000  }
0x59: {  	s7 =	sshra.s32 s7, $0x2;
	[sflag:s28] =	ssyncset.done $0x0  }
0x5a: {  	s10 =	sadd.s32 $0x5000, s7;
	[sflag:s28] =	ssyncadd.s32 $0xFFFFF000  }
0x5b: {  	[spmem:s3] =	stream.indirect.scatter.add.f32 [tilespmem:s24], [sflag:$0x3], $0x20, s10, s25, $0xb8;
	[tilespmem:$0x1B280] =	vst v63  }
0x5c: {  	_ =	swait.ge [sflag:s29], $0x1000  }
0x5d: {  	[sflag:s29] =	ssyncset.done $0x0  }
0x5e: {  	s10 =	sadd.s32 $0x5080, s7;
	[sflag:s29] =	ssyncadd.s32 $0xFFFFF000  }
0x5f: {  	[spmem:s3] =	stream.indirect.scatter.add.f32 [tilespmem:s26], [sflag:$0x4], $0x20, s10, s25, $0xb8;
	[tilespmem:$0x1B280] =	vst v63  }
0x60: {  	_ =	swait.ge [sflag:s30], $0x1000  }
0x61: {  	[sflag:s30] =	ssyncset.done $0x0  }
.Ltmp1:
0x62: {  	s10 =	sadd.s32 $0x100, s7;
	[sflag:s30] =	ssyncadd.s32 $0xFFFFF000;
	(pc) =	sbr.rel @p0 .LBB2_4-.Ltmp1, $4  }
0x63: {  	[tilespmem:s24], [sflag:$0x1] =	stream.indirect.gather [spmem:s2], $0x20, s10, s25, $0xb8;
	[tilespmem:$0x1B280] =	vst v63  }
0x64: {  	_ =	swait.ge [sflag:s31], $0x1000  }
0x65: {  	[sflag:s31] =	ssyncset.done $0x0  }
0x66: {  	s7 =	sadd.s32 $0x180, s7;
	[sflag:s31] =	ssyncadd.s32 $0xFFFFF000  }
0x67: {  	[tilespmem:s26], [sflag:$0x2] =	stream.indirect.gather [spmem:s2], $0x20, s7, s25, $0xb8;
	[tilespmem:$0x1B280] =	vst v63  }
0x68: {  	_ =	swait.ge [sflag:s28], $0x1000  }
0x69: {  	[sflag:s28] =	ssyncset.done $0x0  }
0x6a: {  	s6 =	simm.s32 $0x9F00;
	[sflag:s28] =	ssyncadd.s32 $0xFFFFF000  }
0x6b: {  	[spmem:s3] =	stream.indirect.scatter.add.f32 [tilespmem:s24], [sflag:$0x3], $0x20, s6, s25, $0xb8;
	[tilespmem:$0x1B280] =	vst v63  }
0x6c: {  	_ =	swait.ge [sflag:s29], $0x1000  }
0x6d: {  	[sflag:s29] =	ssyncset.done $0x0  }
0x6e: {  	s10 =	simm.s32 $0x9F80;
	[sflag:s29] =	ssyncadd.s32 $0xFFFFF000  }
0x6f: {  	[spmem:s3] =	stream.indirect.scatter.add.f32 [tilespmem:s26], [sflag:$0x4], $0x20, s10, s25, $0xb8;
	[tilespmem:$0x1B280] =	vst v63  }
0x70: {  	_ =	swait.ge [sflag:s30], $0x1000  }
0x71: {  	[sflag:s30] =	ssyncset.done $0x0  }
0x72: {  	[sflag:s30] =	ssyncadd.s32 $0xFFFFF000  }
0x73: {  	_ =	swait.ge [sflag:s31], $0x1000  }
0x74: {  	[sflag:s31] =	ssyncset.done $0x0  }
0x75: {  	[sflag:s31] =	ssyncadd.s32 $0xFFFFF000  }
0x76: {  	[bflag:$0x0] =	sbarrier.arrive $0xFFFF  }
0x77: {  	[tilespmem:s0], [sflag:$0x5] =	stream.linear.gather [spmem:s9], $0x5000, $0x38;
	[tilespmem:$0x1B280] =	vst v63  }
0x78: {  	_ =	swait.ge [sflag:s21], $0x5000  }
0x79: {  	[sflag:s21] =	ssyncset.done $0x0  }
0x7a: {  	s6 =	simm.s32 $0xC100;
	[sflag:s21] =	ssyncadd.s32 $0xFFFFB000  }
0x7b: {  	v6 =	vld [tilespmem:s6+$0xFFFFFFA0]  }
0x7c: {  	v4 =	vld [tilespmem:s6+$0xFFFFFFF0]  }
0x7d: {  	v1 =	vld [tilespmem:s6+$0xFFFFFF60]  }
0x7e: {  	v7 =	vld [tilespmem:s6+$0xFFFFFFD0]  }
0x7f: {  	v8 =	vld [tilespmem:s6+$0x80]  }
0x80: {  	v11 =	vld [tilespmem:s6+$0xFFFFFF10]  }
0x81: {  	v15 =	vld [tilespmem:s6+$0xE0]  }
0x82: {  	v10 =	vld [tilespmem:s6+$0xFFFFFF40]  }
0x83: {  	s11 =	simm.s32 $0x0;
	v2 =	vld [tilespmem:s6+$0xFFFFFF90]  }
0x84: {  	v3 =	vld [tilespmem:s11+$0x11000]  }
0x85: {  	v9 =	vld [tilespmem:s6+$0xFFFFFFC0]  }
0x86: {  	v12 =	vld [tilespmem:s6+$0xFFFFFF00]  }
0x87: {  	v13 =	vld [tilespmem:s6+$0xD0]  }
0x88: {  	v22 =	vld [tilespmem:s6+$0xC0]  }
0x89: {  	v20 =	vld [tilespmem:s6+$0x90];
	v18 =	vbroadcast v3, $0x0;
	v5 =	vbroadcast v3, $0xF  }
0x8a: {  	v21 =	vld [tilespmem:s6+$0xFFFFFF50];
	v19 =	vbroadcast v3, $0x2;
	v17 =	vbroadcast v3, $0xE  }
0x8b: {  	v16 =	vld [tilespmem:s6+$0xB0];
	v14 =	vbroadcast v3, $0xC;
	v24 =	vmul.f32 v18, v12  }
0x8c: {  	s7 =	simm.s32 $0x40;
	s10 =	simm.s32 $0xC100;
	v12 =	vbroadcast v3, $0xD;
	v23 =	vmul.f32 v10, v19;
	v10 =	vld [tilespmem:s6+$0x60]  }
.LBB2_6:
0x8d: {  	p0 =	sne.s32 s7, $0x9C0  }
0x8e: {  	[tilespmem:s6+$0xFFFFFF00] =	vst v24;
	v24 =	vld [tilespmem:s6+$0xFFFFFFB0];
	v22 =	vmul.f32 v22, v17;
	v15 =	vmul.f32 v15, v5;
	s10 =	sadd.s32 $0x200, s10;
	s11 =	smov.u32 s7;
	s7 =	sadd.s32 $0x40, s7  }
0x8f: {  	[tilespmem:s6+$0xFFFFFF40] =	vst v23;
	v23 =	vbroadcast v3, $0xA;
	v20 =	vmul.f32 v20, v14;
	v25 =	vld [tilespmem:s6+$0xA0]  }
0x90: {  	v11 =	vmul.f32 v11, v18;
	v18 =	vmul.f32 v21, v19;
	v19 =	vld [tilespmem:s6+$0x70];
	[tilespmem:s6+$0xE0] =	vst v15  }
0x91: {  	v15 =	vbroadcast v3, $0x5;
	v21 =	vld [tilespmem:s6+$0xFFFFFFE0];
	v16 =	vmul.f32 v16, v12;
	[tilespmem:s6+$0xC0] =	vst v22  }
0x92: {  	v13 =	vmul.f32 v13, v17;
	[tilespmem:s6+$0xFFFFFF10] =	vst v11;
	v11 =	vbroadcast v3, $0x6;
	v22 =	vld [tilespmem:s6+$0x40]  }
0x93: {  	v26 =	vbroadcast v3, $0xB;
	v6 =	vmul.f32 v6, v15;
	v17 =	vld [tilespmem:s6+$0xFFFFFF20];
	[tilespmem:s6+$0x90] =	vst v20  }
0x94: {  	v20 =	vbroadcast v3, $0x9;
	[tilespmem:s6+$0xFFFFFF50] =	vst v18;
	v18 =	vld [tilespmem:s6+$0x20];
	v12 =	vmul.f32 v25, v12  }
0x95: {  	v15 =	vmul.f32 v24, v15;
	v24 =	vld [tilespmem:s6+$0x50];
	v19 =	vmul.f32 v19, v26;
	[tilespmem:s6+$0xD0] =	vst v13  }
0x96: {  	v8 =	vmul.f32 v8, v14;
	v13 =	vbroadcast v3, $0x7;
	v25 =	vld [tilespmem:s6+$0x30];
	[tilespmem:s6+$0xA0] =	vst v12  }
0x97: {  	v9 =	vmul.f32 v9, v11;
	v12 =	vbroadcast v3, $0x3;
	v14 =	vld [tilespmem:s6+$0x0];
	[tilespmem:s6+$0x70] =	vst v19  }
0x98: {  	v10 =	vmul.f32 v10, v26;
	v7 =	vmul.f32 v7, v11;
	v11 =	vld [tilespmem:s6+$0x10];
	[tilespmem:s6+$0x80] =	vst v8  }
0x99: {  	v19 =	vbroadcast v3, $0x8;
	v22 =	vmul.f32 v22, v23;
	v8 =	vld [tilespmem:s6+$0xFFFFFF30];
	[tilespmem:s6+$0xB0] =	vst v16  }
0x9a: {  	v16 =	vbroadcast v3, $0x1;
	v26 =	vld [tilespmem:s6+$0xFFFFFF70];
	[tilespmem:s6+$0xFFFFFFD0] =	vst v7;
	v23 =	vmul.f32 v24, v23  }
0x9b: {  	v4 =	vmul.f32 v4, v13;
	v7 =	vmul.f32 v21, v13;
	[tilespmem:s6+$0xFFFFFFC0] =	vst v9;
	v9 =	vld [tilespmem:s6+$0xF0]  }
0x9c: {  	v21 =	vmul.f32 v25, v20;
	v13 =	vld [tilespmem:s6+$0xFFFFFF80];
	[tilespmem:s6+$0xFFFFFFA0] =	vst v6;
	v14 =	vmul.f32 v14, v19  }
0x9d: {  	v6 =	vld [tilespmem:s10+$0xFFFFFFA0];
	[tilespmem:s6+$0xFFFFFFF0] =	vst v4;
	v19 =	vmul.f32 v11, v19;
	v11 =	vmul.f32 v18, v20  }
0x9e: {  	v4 =	vmul.f32 v17, v16;
	v16 =	vmul.f32 v8, v16;
	[tilespmem:s6+$0x60] =	vst v10  }
0x9f: {  	v1 =	vmul.f32 v1, v12;
	v8 =	vmul.f32 v26, v12;
	[tilespmem:s6+$0xFFFFFFB0] =	vst v15  }
0xa0: {  	v3 =	vbroadcast v3, $0x4;
	[tilespmem:s6+$0xFFFFFF20] =	vst v4;
	v4 =	vmul.f32 v9, v5  }
0xa1: {  	[tilespmem:s6+$0xFFFFFF60] =	vst v1  }
0xa2: {  	v5 =	vmul.f32 v13, v3;
	v1 =	vmul.f32 v2, v3;
	[tilespmem:s6+$0x40] =	vst v22  }
0xa3: {  	[tilespmem:s6+$0xFFFFFFE0] =	vst v7  }
0xa4: {  	[tilespmem:s6+$0xF0] =	vst v4  }
0xa5: {  	[tilespmem:s6+$0xFFFFFF90] =	vst v1  }
0xa6: {  	v4 =	vld [tilespmem:s10+$0xFFFFFFF0];
	[tilespmem:s6+$0xFFFFFF70] =	vst v8  }
0xa7: {  	v1 =	vld [tilespmem:s10+$0xFFFFFF60];
	[tilespmem:s6+$0x20] =	vst v11  }
0xa8: {  	v7 =	vld [tilespmem:s10+$0xFFFFFFD0];
	[tilespmem:s6+$0x30] =	vst v21  }
0xa9: {  	v8 =	vld [tilespmem:s10+$0x80];
	[tilespmem:s6+$0xFFFFFF80] =	vst v5  }
0xaa: {  	v11 =	vld [tilespmem:s10+$0xFFFFFF10];
	[tilespmem:s6+$0x50] =	vst v23  }
0xab: {  	v15 =	vld [tilespmem:s10+$0xE0];
	[tilespmem:s6+$0x0] =	vst v14  }
0xac: {  	v10 =	vld [tilespmem:s10+$0xFFFFFF40];
	[tilespmem:s6+$0xFFFFFF30] =	vst v16  }
0xad: {  	s11 =	sshra.s32 s11, $0x2;
	v2 =	vld [tilespmem:s10+$0xFFFFFF90];
	[tilespmem:s6+$0x10] =	vst v19;
	s6 =	smov.u32 s10  }
0xae: {  	v3 =	vld [tilespmem:s11+$0x11000]  }
0xaf: {  	v9 =	vld [tilespmem:s10+$0xFFFFFFC0]  }
0xb0: {  	v12 =	vld [tilespmem:s10+$0xFFFFFF00]  }
0xb1: {  	v13 =	vld [tilespmem:s10+$0xD0]  }
.Ltmp2:
0xb2: {  	v22 =	vld [tilespmem:s10+$0xC0];
	(pc) =	sbr.rel @p0 .LBB2_6-.Ltmp2, $4  }
0xb3: {  	v18 =	vbroadcast v3, $0x0;
	v20 =	vld [tilespmem:s10+$0x90];
	v5 =	vbroadcast v3, $0xF  }
0xb4: {  	v19 =	vbroadcast v3, $0x2;
	v17 =	vbroadcast v3, $0xE;
	v21 =	vld [tilespmem:s10+$0xFFFFFF50]  }
0xb5: {  	v24 =	vmul.f32 v18, v12;
	v12 =	vbroadcast v3, $0xD;
	v16 =	vld [tilespmem:s10+$0xB0]  }
0xb6: {  	v14 =	vbroadcast v3, $0xC;
	v23 =	vmul.f32 v10, v19;
	v10 =	vld [tilespmem:s10+$0x60]  }
0xb7: {  	[tilespmem:s6+$0xFFFFFF00] =	vst v24;
	v15 =	vmul.f32 v15, v5  }
0xb8: {  	v22 =	vmul.f32 v22, v17;
	[tilespmem:s6+$0xFFFFFF40] =	vst v23  }
0xb9: {  	v11 =	vmul.f32 v11, v18;
	[tilespmem:s6+$0xE0] =	vst v15  }
0xba: {  	v35 =	vmul.f32 v13, v17;
	[tilespmem:s6+$0xC0] =	vst v22  }
0xbb: {  	v33 =	vmul.f32 v20, v14;
	[tilespmem:s6+$0xFFFFFF10] =	vst v11  }
0xbc: {  	v41 =	vbroadcast v3, $0x6;
	v8 =	vmul.f32 v8, v14;
	[tilespmem:s6+$0xD0] =	vst v35  }
0xbd: {  	v19 =	vmul.f32 v21, v19;
	[tilespmem:s6+$0x90] =	vst v33  }
0xbe: {  	v45 =	vbroadcast v3, $0x5;
	v7 =	vmul.f32 v7, v41;
	[tilespmem:s6+$0x80] =	vst v8  }
0xbf: {  	v47 =	vbroadcast v3, $0x7;
	v9 =	vmul.f32 v9, v41;
	[tilespmem:s6+$0xFFFFFF50] =	vst v19  }
0xc0: {  	v54 =	vbroadcast v3, $0x3;
	v6 =	vmul.f32 v6, v45;
	[tilespmem:s6+$0xFFFFFFD0] =	vst v7  }
0xc1: {  	v31 =	vld [tilespmem:s6+$0xA0];
	v59 =	vbroadcast v3, $0x4;
	v4 =	vmul.f32 v4, v47;
	[tilespmem:s6+$0xFFFFFFC0] =	vst v9  }
0xc2: {  	v32 =	vld [tilespmem:s6+$0x70];
	v1 =	vmul.f32 v1, v54;
	[tilespmem:s6+$0xFFFFFFA0] =	vst v6  }
0xc3: {  	v34 =	vld [tilespmem:s6+$0xFFFFFFB0];
	v37 =	vbroadcast v3, $0xB;
	v2 =	vmul.f32 v2, v59;
	[tilespmem:s6+$0xFFFFFFF0] =	vst v4  }
0xc4: {  	v36 =	vld [tilespmem:s6+$0xFFFFFF20];
	v43 =	vmul.f32 v16, v12;
	[tilespmem:s6+$0xFFFFFF60] =	vst v1  }
0xc5: {  	v40 =	vld [tilespmem:s6+$0x40];
	v10 =	vmul.f32 v10, v37;
	[tilespmem:s6+$0xFFFFFF90] =	vst v2  }
0xc6: {  	v38 =	vld [tilespmem:s6+$0xFFFFFFE0];
	v39 =	vmul.f32 v31, v12;
	[tilespmem:s6+$0xB0] =	vst v43  }
0xc7: {  	v52 =	vbroadcast v3, $0x1;
	v55 =	vld [tilespmem:s6+$0xF0];
	v18 =	vmul.f32 v32, v37;
	[tilespmem:s6+$0x60] =	vst v10  }
0xc8: {  	v49 =	vld [tilespmem:s6+$0xFFFFFF70];
	v56 =	vbroadcast v3, $0xA;
	v53 =	vmul.f32 v34, v45;
	[tilespmem:s6+$0xA0] =	vst v39  }
0xc9: {  	v46 =	vld [tilespmem:s6+$0x30];
	v13 =	vmul.f32 v36, v52;
	[tilespmem:s6+$0x70] =	vst v18  }
0xca: {  	v50 =	vld [tilespmem:s6+$0xFFFFFF80];
	v58 =	vmul.f32 v40, v56;
	[tilespmem:s6+$0xFFFFFFB0] =	vst v53  }
0xcb: {  	v44 =	vld [tilespmem:s6+$0x20];
	v8 =	vmul.f32 v38, v47;
	[tilespmem:s6+$0xFFFFFF20] =	vst v13  }
0xcc: {  	v57 =	vld [tilespmem:s6+$0xFFFFFF30];
	v60 =	vbroadcast v3, $0x9;
	v1 =	vmul.f32 v55, v5;
	[tilespmem:s6+$0x40] =	vst v58  }
0xcd: {  	v42 =	vld [tilespmem:s6+$0x50];
	v61 =	vmul.f32 v49, v54;
	[tilespmem:s6+$0xFFFFFFE0] =	vst v8  }
0xce: {  	v48 =	vld [tilespmem:s6+$0x0];
	v2 =	vmul.f32 v46, v60;
	[tilespmem:s6+$0xF0] =	vst v1  }
0xcf: {  	v51 =	vld [tilespmem:s6+$0x10];
	v62 =	vmul.f32 v50, v59;
	[tilespmem:s6+$0xFFFFFF70] =	vst v61  }
0xd0: {  	v1 =	vmul.f32 v44, v60;
	[tilespmem:s6+$0x30] =	vst v2  }
0xd1: {  	v3 =	vbroadcast v3, $0x8;
	v63 =	vmul.f32 v57, v52;
	[tilespmem:s6+$0xFFFFFF80] =	vst v62  }
0xd2: {  	[tilespmem:s6+$0x20] =	vst v1;
	v1 =	vmul.f32 v42, v56  }
0xd3: {  	v2 =	vmul.f32 v48, v3;
	[tilespmem:s6+$0xFFFFFF30] =	vst v63  }
0xd4: {  	[tilespmem:s6+$0x50] =	vst v1;
	v1 =	vmul.f32 v51, v3  }
0xd5: {  	[tilespmem:s6+$0x0] =	vst v2  }
0xd6: {  	[tilespmem:s6+$0x10] =	vst v1  }
0xd7: {  	[spmem:s9] =	stream.linear.scatter [tilespmem:s0], [sflag:$0x5], $0x5000, $0x38;
	[tilespmem:$0x1B280] =	vst v63  }
0xd8: {  	_ =	swait.ge [sflag:s21], $0x5000  }
0xd9: {  	[sflag:s21] =	ssyncset.done $0x0  }
0xda: {  	s7 =	simm.s32 $0x0;
	s6 =	simm.s32 $0x80;
	[sflag:s21] =	ssyncadd.s32 $0xFFFFB000  }
.LBB2_8:
0xdb: {  	p0 =	sne.s32 s6, $0x3F80;
	[tilespmem:s7+$0xA000] =	vst v0;
	s10 =	smov.u32 s6;
	s6 =	sadd.s32 $0x80, s6  }
.Ltmp3:
0xdc: {  	[tilespmem:s7+$0xA010] =	vst v0;
	(pc) =	sbr.rel @p0 .LBB2_8-.Ltmp3, $2  }
0xdd: {  	_ =	sdelay $0x2  }
0xde: {  	s7 =	sshra.s32 s10, $0x2  }
0xdf: {  	[tilespmem:s7+$0xA000] =	vst v0  }
0xe0: {  	[tilespmem:s7+$0xA010] =	vst v0  }
0xe1: {  	[spmem:s8] =	stream.linear.scatter [tilespmem:s24], [sflag:$0x5], $0x1000, $0x38;
	[tilespmem:$0x1B280] =	vst v63  }
0xe2: {  	_ =	swait.ge [sflag:s21], $0x1000  }
0xe3: {  	[sflag:s21] =	ssyncset.done $0x0  }
0xe4: {  	[sflag:s21] =	ssyncadd.s32 $0xFFFFF000  }
0xe5: {  	[spmem:s14] =	stream.linear.scatter [tilespmem:s24], [sflag:$0x5], $0x1000, $0x38;
	[tilespmem:$0x1B280] =	vst v63  }
0xe6: {  	_ =	swait.ge [sflag:s21], $0x1000  }
0xe7: {  	[sflag:s21] =	ssyncset.done $0x0  }
0xe8: {  	[sflag:s21] =	ssyncadd.s32 $0xFFFFF000  }
0xe9: {  	[spmem:s15] =	stream.linear.scatter [tilespmem:s24], [sflag:$0x5], $0x1000, $0x38;
	[tilespmem:$0x1B280] =	vst v63  }
0xea: {  	_ =	swait.ge [sflag:s21], $0x1000  }
0xeb: {  	[sflag:s21] =	ssyncset.done $0x0  }
0xec: {  	[sflag:s21] =	ssyncadd.s32 $0xFFFFF000  }
0xed: {  	[spmem:s16] =	stream.linear.scatter [tilespmem:s24], [sflag:$0x5], $0x1000, $0x38;
	[tilespmem:$0x1B280] =	vst v63  }
0xee: {  	_ =	swait.ge [sflag:s21], $0x1000  }
0xef: {  	[sflag:s21] =	ssyncset.done $0x0  }
0xf0: {  	[sflag:s21] =	ssyncadd.s32 $0xFFFFF000  }
0xf1: {  	[spmem:s17] =	stream.linear.scatter [tilespmem:s24], [sflag:$0x5], $0x1000, $0x38;
	[tilespmem:$0x1B280] =	vst v63  }
0xf2: {  	_ =	swait.ge [sflag:s21], $0x1000  }
0xf3: {  	[sflag:s21] =	ssyncset.done $0x0  }
0xf4: {  	[sflag:s21] =	ssyncadd.s32 $0xFFFFF000  }
0xf5: {  	[bflag:$0x0] =	sbarrier.arrive $0xFFFF  }
0xf6: {  	[tilespmem:s24], [sflag:$0x1] =	stream.indirect.gather [spmem:s3], $0x20, s22, s25, $0xb8;
	[tilespmem:$0x1B280] =	vst v63  }
0xf7: {  	s6 =	simm.s32 $0x5080  }
0xf8: {  	[tilespmem:s26], [sflag:$0x2] =	stream.indirect.gather [spmem:s3], $0x20, s6, s25, $0xb8;
	[tilespmem:$0x1B280] =	vst v63  }
0xf9: {  	_ =	swait.ge [sflag:s28], $0x1000  }
0xfa: {  	[sflag:s28] =	ssyncset.done $0x0  }
0xfb: {  	s7 =	simm.s32 $0x0;
	[sflag:s28] =	ssyncadd.s32 $0xFFFFF000  }
0xfc: {  	[spmem:s2] =	stream.indirect.scatter.add.f32 [tilespmem:s24], [sflag:$0x3], $0x20, s7, s25, $0xb8;
	[tilespmem:$0x1B280] =	vst v63  }
0xfd: {  	_ =	swait.ge [sflag:s29], $0x1000  }
0xfe: {  	[sflag:s29] =	ssyncset.done $0x0  }
0xff: {  	s10 =	simm.s32 $0x80;
	[sflag:s29] =	ssyncadd.s32 $0xFFFFF000  }
0x100: {  	[spmem:s2] =	stream.indirect.scatter.add.f32 [tilespmem:s26], [sflag:$0x4], $0x20, s10, s25, $0xb8;
	[tilespmem:$0x1B280] =	vst v63  }
0x101: {  	_ =	swait.ge [sflag:s30], $0x1000  }
0x102: {  	[sflag:s30] =	ssyncset.done $0x0  }
0x103: {  	s11 =	simm.s32 $0x5100;
	[sflag:s30] =	ssyncadd.s32 $0xFFFFF000  }
0x104: {  	[tilespmem:s24], [sflag:$0x1] =	stream.indirect.gather [spmem:s3], $0x20, s11, s25, $0xb8;
	[tilespmem:$0x1B280] =	vst v63  }
0x105: {  	_ =	swait.ge [sflag:s31], $0x1000  }
0x106: {  	[sflag:s31] =	ssyncset.done $0x0  }
0x107: {  	s6 =	simm.s32 $0x400;
	s7 =	simm.s32 $0x5180;
	[sflag:s31] =	ssyncadd.s32 $0xFFFFF000  }
.LBB2_10:
0x108: {  	[tilespmem:s26], [sflag:$0x2] =	stream.indirect.gather [spmem:s3], $0x20, s7, s25, $0xb8;
	[tilespmem:$0x1B280] =	vst v63  }
0x109: {  	s7 =	smov.u32 s6  }
0x10a: {  	p0 =	sne.s32 s6, $0x13800;
	s6 =	sadd.s32 $0x400, s6;
	_ =	swait.ge [sflag:s28], $0x1000  }
0x10b: {  	[sflag:s28] =	ssyncset.done $0x0  }
0x10c: {  	s7 =	sshra.s32 s7, $0x2;
	[sflag:s28] =	ssyncadd.s32 $0xFFFFF000  }
0x10d: {  	[spmem:s2] =	stream.indirect.scatter.add.f32 [tilespmem:s24], [sflag:$0x3], $0x20, s7, s25, $0xb8;
	[tilespmem:$0x1B280] =	vst v63  }
0x10e: {  	_ =	swait.ge [sflag:s29], $0x1000  }
0x10f: {  	[sflag:s29] =	ssyncset.done $0x0  }
0x110: {  	s10 =	sadd.s32 $0x80, s7;
	[sflag:s29] =	ssyncadd.s32 $0xFFFFF000  }
0x111: {  	[spmem:s2] =	stream.indirect.scatter.add.f32 [tilespmem:s26], [sflag:$0x4], $0x20, s10, s25, $0xb8;
	[tilespmem:$0x1B280] =	vst v63  }
0x112: {  	_ =	swait.ge [sflag:s30], $0x1000  }
0x113: {  	[sflag:s30] =	ssyncset.done $0x0  }
.Ltmp4:
0x114: {  	s10 =	sadd.s32 $0x5100, s7;
	[sflag:s30] =	ssyncadd.s32 $0xFFFFF000;
	(pc) =	sbr.rel @p0 .LBB2_10-.Ltmp4, $4  }
0x115: {  	[tilespmem:s24], [sflag:$0x1] =	stream.indirect.gather [spmem:s3], $0x20, s10, s25, $0xb8;
	[tilespmem:$0x1B280] =	vst v63  }
0x116: {  	_ =	swait.ge [sflag:s31], $0x1000  }
0x117: {  	[sflag:s31] =	ssyncset.done $0x0  }
0x118: {  	s7 =	sadd.s32 $0x5180, s7;
	[sflag:s31] =	ssyncadd.s32 $0xFFFFF000  }
0x119: {  	[tilespmem:s26], [sflag:$0x2] =	stream.indirect.gather [spmem:s3], $0x20, s7, s25, $0xb8;
	[tilespmem:$0x1B280] =	vst v63  }
0x11a: {  	_ =	swait.ge [sflag:s28], $0x1000  }
0x11b: {  	[sflag:s28] =	ssyncset.done $0x0  }
0x11c: {  	s6 =	simm.s32 $0x4F00;
	[sflag:s28] =	ssyncadd.s32 $0xFFFFF000  }
0x11d: {  	[spmem:s2] =	stream.indirect.scatter.add.f32 [tilespmem:s24], [sflag:$0x3], $0x20, s6, s25, $0xb8;
	[tilespmem:$0x1B280] =	vst v63  }
0x11e: {  	_ =	swait.ge [sflag:s29], $0x1000  }
0x11f: {  	[sflag:s29] =	ssyncset.done $0x0  }
0x120: {  	s11 =	simm.s32 $0x4F80;
	[sflag:s29] =	ssyncadd.s32 $0xFFFFF000  }
0x121: {  	[spmem:s2] =	stream.indirect.scatter.add.f32 [tilespmem:s26], [sflag:$0x4], $0x20, s11, s25, $0xb8;
	[tilespmem:$0x1B280] =	vst v63  }
0x122: {  	_ =	swait.ge [sflag:s30], $0x1000  }
0x123: {  	[sflag:s30] =	ssyncset.done $0x0  }
0x124: {  	[sflag:s30] =	ssyncadd.s32 $0xFFFFF000  }
0x125: {  	_ =	swait.ge [sflag:s31], $0x1000  }
0x126: {  	s23 =	sadd.s32 $0x1, s23;
	[sflag:s31] =	ssyncset.done $0x0  }
0x127: {  	p0 =	sne.s32 s23, s19;
	[sflag:s31] =	ssyncadd.s32 $0xFFFFF000  }
.Ltmp5:
0x128: {  	[bflag:$0x0] =	sbarrier.arrive $0xFFFF;
	(pc) =	sbr.rel @p0 .LBB2_1-.Ltmp5, $4  }
0x129: {  	[hbm:s18], [sflag:s1] =	dma.local [spmem:s5], $0xA00  }
0x12a: {  	_ =	swait.ge [sflag:s21], $0xA00  }
0x12b: {  	[sflag:s21] =	ssyncset.done $0x0  }
0x12c: {  	[sflag:s21] =	ssyncadd.s32 $0xFFFFF600  }
0x12d: {  	_ =	sfence.sel $0x180000  }
0x12e: {  	[bflag:$0x0] =	sbarrier.arrive $0xFFFF  }
0x12f: {  	_ =	strace $0x9000004A  }
0x130: {  	s0 =	stileid.u32;
	[bflag:$0x2] =	sbarrier.arrive $0xFFFF  }
0x131: {  	p0 =	sne.s32 s0, $0x0;
	s0 =	rddreg [dreg:$0x4]  }
0x132: {  	s0 =	sadd.s32 @!p0 $0x100000, s0  }
0x133: {  	[sflag:s0] =	ssyncadd.tile.s32 @!p0 $0x1;
	_ =	shalt  }
.Lfunc_end2:
_tile_overlayer_lowered:
.L_overlay_start_2:
0x134: {  	(tag) =	ssettag $0x2  }
0x135: {  	s0 =	rddreg [dreg:$0x0];
	s2 =	stileid.u32  }
0x136: {  	s1 =	rddreg [dreg:$0x1];
	p0 =	sne.s32 s2, $0x0  }
0x137: {  	s3 =	rddreg [dreg:$0x2];
	[bflag:$0x3] =	sbarrier.arrive $0xFFFF;
	s2 =	simm.s32 @!p0 $0x1C05  }
0x138: {  	[timem:s3], [sflag:s2] =	dma.local @!p0 [hbm:s0], s1  }
0x139: {  	s0 =	simm.s32 @!p0 $0x5  }
0x13a: {  	_ =	swait.ge @!p0 [sflag:s0], s1  }
0x13b: {  	s1 =	ssub.s32 @!p0 $0x0, s1;
	[sflag:s0] =	ssyncset.done @!p0 $0x0  }
0x13c: {  	[sflag:s0] =	ssyncadd.s32 @!p0 s1  }
0x13d: {  	[bflag:$0x3] =	sbarrier.arrive $0xFFFF  }
0x13e: {  	_ =	shalt  }

// kernel: kernel.17.cloned.1.call-start
scs
__scs_entry_jumppad:
0x0: {  	(pc) =	sbr.rel $0x88, $3  }
0x1: {  	(tag) =	ssettag $0x0;
	lr =	simm.s32 $0x1  }
0x2: {  	[smem:$0x3F8F] =	sst lr;
	_ =	strace $0xD0000000  }
0x3: {  	_ = 	snop  }
0x4: {  	_ = 	snop  }
0x5: {  	_ = 	snop  }
0x6: {  	_ = 	snop  }
0x7: {  	_ = 	snop  }
__scs_overlays_trampoline_lowered:
0x8: {  	[smem:$0x3F9E] =	sst s0  }
0x9: {  	[smem:$0x3F9F] =	sst s1  }
0xa: {  	[smem:$0x3FA0] =	sst s2  }
0xb: {  	[smem:$0x3FA1] =	sst s3  }
0xc: {  	[smem:$0x3FA2] =	sst s4  }
0xd: {  	[smem:$0x3FA3] =	sst s5  }
0xe: {  	[smem:$0x3FA4] =	sst s6  }
0xf: {  	[smem:$0x3FA5] =	sst s7  }
0x10: {  	[smem:$0x3FA6] =	sst s8  }
0x11: {  	[smem:$0x3FA7] =	sst s9;
	s0 =	simm.s32 @!p0 $0x0  }
0x12: {  	s1 =	sld [smem:$0x3F8D];
	s0 =	simm.s32 @p0 $0x1  }
0x13: {  	[smem:$0x3FA8] =	sst s0;
	s0 =	simm.s32 @!p1 $0x0  }
0x14: {  	s2 =	sld [smem:$0x3F8C];
	s0 =	simm.s32 @p1 $0x1  }
0x15: {  	[smem:$0x3FA9] =	sst s0;
	s0 =	simm.s32 @!p2 $0x0  }
0x16: {  	s3 =	sld [smem:$0x3FDB];
	s0 =	simm.s32 @p2 $0x1  }
0x17: {  	s4 =	simm.s32 $0x1BF5;
	[smem:$0x3FAB] =	sst s0  }
0x18: {  	s0 =	sld [smem:$0x3F8E];
	_ =	swait.ge [sflag:s4], $0x0  }
0x19: {  	s7 =	sld [smem:$0x3F8F]  }
0x1a: {  	s8 =	sadd.s32 $0xFFFFE003, lr  }
0x1b: {  	s9 =	sadd.s32 $0xFFFFFEF7, lr;
	s5 =	simm.s32 $0xFFFFFFFF;
	p2 =	slt.u32 s8, $0xFFFFF086  }
0x1c: {  	p1 =	slt.u32 s9, $0xF7A;
	s5 =	simm.s32 @!p2 $0x0  }
0x1d: {  	s5 =	simm.s32 @p1 $0x1;
	p0 =	seq.s32 s7, s2  }
0x1e: {  	s7 =	smul.u32 @!p0 $0xF7A, s2;
	p2 =	seq.s32 @!p0 s5, $0x0  }
0x1f: {  	s9 =	smul.u32 $0xF7A, s1;
	s8 =	simm.s32 @!p0 $0x1BF5;
	p2 =	por !p2, p0  }
0x20: {  	[sflag:s8] =	ssyncset.s32 @!p0 $0xFFFFF086;
	s6 =	sadd.s32 @!p0 s3, s7;
	s7 =	simm.s32 @!p0 $0x108  }
0x21: {  	s3 =	sadd.s32 s3, s9;
	s6 =	sadd.s32 @!p0 $0x88, s6;
	s7 =	simm.s32 @p2 $0x1082  }
0x22: {  	[simem:s7], [sflag:s8] =	dma.local @!p0 [hbm:s6], $0xF7A  }
0x23: {  	s9 =	sor.u32 $0xD0000000, s2;
	s6 =	simm.s32 $0x108;
	_ =	swait.ge @!p0 [sflag:s8], $0x0  }
0x24: {  	s3 =	sadd.s32 $0x88, s3;
	s6 =	simm.s32 @!p1 $0x1082;
	[sflag:s4] =	ssyncset.s32 $0xFFFFF086  }
0x25: {  	[simem:s6], [sflag:s4] =	dma.local [hbm:s3], $0xF7A  }
0x26: {  	[smem:$0x3F8F] =	sst s1;
	(tag) =	ssettag s2;
	_ =	strace s9  }
0x27: {  	s1 =	sld [smem:$0x3F9F]  }
0x28: {  	s2 =	sld [smem:$0x3FA0]  }
0x29: {  	s4 =	sld [smem:$0x3FA2]  }
0x2a: {  	p0 =	seq.s32 s5, $0x0;
	s5 =	sld [smem:$0x3FA3]  }
0x2b: {  	s6 =	sld [smem:$0x3FA4]  }
0x2c: {  	s7 =	sld [smem:$0x3FA5]  }
0x2d: {  	s3 =	simm.s32 $0x108;
	s8 =	sld [smem:$0x3FA6]  }
0x2e: {  	s3 =	simm.s32 @!p0 $0x1082;
	s9 =	sld [smem:$0x3FA7]  }
0x2f: {  	lr =	sadd.s32 s0, s3;
	s0 =	sld [smem:$0x3F9E]  }
0x30: {  	s3 =	sld [smem:$0x3FA1]  }
0x31: {  	[smem:$0x3FAA] =	sst s10  }
0x32: {  	s10 =	sld [smem:$0x3FA8];
	_ =	sdelay $0x3  }
0x33: {  	p0 =	seq.s32 s10, $0x1;
	s10 =	sld [smem:$0x3FAA];
	_ =	sdelay $0x3  }
0x34: {  	[smem:$0x3FAA] =	sst s10  }
0x35: {  	s10 =	sld [smem:$0x3FA9];
	_ =	sdelay $0x3  }
0x36: {  	p1 =	seq.s32 s10, $0x1;
	s10 =	sld [smem:$0x3FAA];
	_ =	sdelay $0x3  }
0x37: {  	[smem:$0x3FAA] =	sst s10  }
0x38: {  	s10 =	sld [smem:$0x3FAB]  }
0x39: {  	_ = 	snop;
	(pc) =	sbr.ind lr, $3  }
0x3a: {  	_ = 	snop  }
0x3b: {  	_ = 	snop  }
0x3c: {  	p2 =	seq.s32 s10, $0x1;
	s10 =	sld [smem:$0x3FAA]  }
0x3d: {  	_ =	shalt  }
0x3e: {  	_ =	shalt  }
0x3f: {  	_ =	shalt  }
0x40: {  	_ =	shalt  }
0x41: {  	_ =	shalt  }
0x42: {  	_ =	shalt  }
0x43: {  	_ =	shalt  }
0x44: {  	_ =	shalt  }
0x45: {  	_ =	shalt  }
0x46: {  	_ =	shalt  }
0x47: {  	_ =	shalt  }
0x48: {  	_ =	shalt  }
0x49: {  	_ =	shalt  }
0x4a: {  	_ =	shalt  }
0x4b: {  	_ =	shalt  }
0x4c: {  	_ =	shalt  }
0x4d: {  	_ =	shalt  }
0x4e: {  	_ =	shalt  }
0x4f: {  	_ =	shalt  }
0x50: {  	_ =	shalt  }
0x51: {  	_ =	shalt  }
0x52: {  	_ =	shalt  }
0x53: {  	_ =	shalt  }
0x54: {  	_ =	shalt  }
0x55: {  	_ =	shalt  }
0x56: {  	_ =	shalt  }
0x57: {  	_ =	shalt  }
0x58: {  	_ =	shalt  }
0x59: {  	_ =	shalt  }
0x5a: {  	_ =	shalt  }
0x5b: {  	_ =	shalt  }
0x5c: {  	_ =	shalt  }
0x5d: {  	_ =	shalt  }
0x5e: {  	_ =	shalt  }
0x5f: {  	_ =	shalt  }
0x60: {  	_ =	shalt  }
0x61: {  	_ =	shalt  }
0x62: {  	_ =	shalt  }
0x63: {  	_ =	shalt  }
0x64: {  	_ =	shalt  }
0x65: {  	_ =	shalt  }
0x66: {  	_ =	shalt  }
0x67: {  	_ =	shalt  }
0x68: {  	_ =	shalt  }
0x69: {  	_ =	shalt  }
0x6a: {  	_ =	shalt  }
0x6b: {  	_ =	shalt  }
0x6c: {  	_ =	shalt  }
0x6d: {  	_ =	shalt  }
0x6e: {  	_ =	shalt  }
0x6f: {  	_ =	shalt  }
0x70: {  	_ =	shalt  }
0x71: {  	_ =	shalt  }
0x72: {  	_ =	shalt  }
0x73: {  	_ =	shalt  }
0x74: {  	_ =	shalt  }
0x75: {  	_ =	shalt  }
0x76: {  	_ =	shalt  }
0x77: {  	_ =	shalt  }
0x78: {  	_ =	shalt  }
0x79: {  	_ =	shalt  }
0x7a: {  	_ =	shalt  }
0x7b: {  	_ =	shalt  }
0x7c: {  	_ =	shalt  }
0x7d: {  	_ =	shalt  }
0x7e: {  	_ =	shalt  }
0x7f: {  	_ =	shalt  }
0x80: {  	_ =	shalt  }
0x81: {  	_ =	shalt  }
0x82: {  	_ =	shalt  }
0x83: {  	_ =	shalt  }
0x84: {  	_ =	shalt  }
0x85: {  	_ =	shalt  }
0x86: {  	_ =	shalt  }
0x87: {  	_ =	shalt  }
.Lfunc_end0:
.L_simem_size_0:
called_computation.2_lowered:
.L_overlay_start_0:
0x88: {  	s2 =	sld [smem:$0x3FD9]  }
0x89: {  	s3 =	sld [smem:$0x3FFE];
	_ =	sdelay $0x1  }
0x8a: {  	s1 =	srdreg.scid  }
0x8b: {  	s0 =	sand.u32 $0x1, s1  }
0x8c: {  	s14 =	sshll.u32 s0, $0xA;
	s2 =	sadd.s32 s3, s2  }
0x8d: {  	s2 =	sadd.s32 s2, s14  }
0x8e: {  	[smem:$0x3FB6] =	sst s2  }
0x8f: {  	_ = 	snop  }
0x90: {  	s2 =	sld [smem:$0x3FD0];
	_ =	sdelay $0x2  }
0x91: {  	s15 =	simm.s32 $0xA;
	s4 =	simm.s32 $0x10  }
0x92: {  	[smem:s4], [sflag:s15] =	dma.local [hbm:s2], $0x1  }
0x93: {  	_ =	swait.eq [sflag:s15], $0x1  }
0x94: {  	[sflag:s15] =	ssyncset.done $0x0  }
0x95: {  	[sflag:s15] =	ssyncadd.s32 $0xFFFFFFFF  }
0x96: {  	s16 =	sld [smem:$0x12];
	(tm) =	ssettm $0x1  }
0x97: {  	s17 =	sld [smem:$0x3FFB];
	_ =	sdelay $0x3  }
0x98: {  	_ =	strace s17  }
0x99: {  	s3 =	sld [smem:$0x3FFC];
	_ =	sdelay $0x3  }
0x9a: {  	_ =	strace s3  }
0x9b: {  	s3 =	sld [smem:$0x3FFD];
	_ =	sdelay $0x3  }
0x9c: {  	_ =	strace s3  }
0x9d: {  	_ =	strace $0x8FFFFFFF  }
0x9e: {  	s18 =	sld [smem:$0x3FDB];
	_ =	sdelay $0x1  }
0x9f: {  	s19 =	simm.s32 $_scs_section_size  }
0xa0: {  	s5 =	simm.s32 $_size__tile_overlayer_lowered;
	s6 =	simm.s32 $_tile_overlayer_lowered  }
0xa1: {  	s22 =	simm.s32 $0x1BFF;
	s21 =	sshll.u32 s6, $0x1;
	s3 =	sadd.s32 s19, s18  }
0xa2: {  	s7 =	simm.s32 $0x0;
	s20 =	sshll.u32 s5, $0x1;
	s5 =	sadd.s32 s21, s3  }
0xa3: {  	[timem:s7], [sflag:s22] =	dma.local [hbm:s5], s20  }
0xa4: {  	_ =	swait.ge [sflag:s22], s20  }
0xa5: {  	s4 =	ssub.s32 $0x0, s20;
	[sflag:s22] =	ssyncset.done $0x0  }
0xa6: {  	[sflag:s22] =	ssyncadd.s32 s4;
	_ =	sdelay $0x1  }
0xa7: {  	s23 =	simm.s32 $0x1B8B  }
0xa8: {  	_ =	swait.ge [sflag:s23], $0x1  }
0xa9: {  	[sflag:s23] =	ssyncset.done $0x0  }
0xaa: {  	s25 =	simm.s32 $0x1B8E;
	s24 =	sld [smem:$0x3FFE];
	[sflag:s23] =	ssyncadd.s32 $0xFFFFFFFF  }
0xab: {  	s26 =	simm.s32 $execute0_lowered;
	[smem:$0x3FD2] =	sst s25  }
0xac: {  	s5 =	sshll.u32 s26, $0x1;
	_ =	strace $0x8000004C;
	[dreg:$0x1] =	wrdreg $0xFFFFFFFF  }
0xad: {  	s28 =	simm.s32 $_size_execute0_lowered;
	s3 =	sadd.s32 s3, s5;
	[dreg:$0x0] =	wrdreg $0x0  }
0xae: {  	s5 =	sshll.u32 s28, $0x1;
	[dreg:$0x2] =	wrdreg s3  }
0xaf: {  	[dreg:$0x3] =	wrdreg s5  }
0xb0: {  	[dreg:$0x4] =	wrdreg $0xC0  }
0xb1: {  	_ =	task [dreg:s7], $0x5FFFF  }
0xb2: {  	[dreg:$0x1] =	wrdreg $0xFFFFFFFF  }
0xb3: {  	[dreg:$0x0] =	wrdreg $0x60  }
0xb4: {  	[dreg:$0x2] =	wrdreg s16  }
0xb5: {  	[dreg:$0x3] =	wrdreg s24  }
0xb6: {  	[dreg:$0x4] =	wrdreg $0x112800  }
0xb7: {  	[dreg:$0x5] =	wrdreg $0x162800  }
0xb8: {  	[dreg:$0x6] =	wrdreg $0x9  }
0xb9: {  	_ =	task.clear_ibuf [dreg:s7], $0x7FFFF;
	_ =	strace $0x9000004C  }
0xba: {  	s29 =	simm.s32 $0x9;
	_ =	strace $0x8000004E  }
0xbb: {  	_ =	swait.ge [sflag:s29], $0x1  }
0xbc: {  	[sflag:s29] =	ssyncadd.s32 $0xFFFFFFFF  }
0xbd: {  	_ =	strace $0x9000004E  }
0xbe: {  	_ =	sfence  }
0xbf: {  	s30 =	sld [smem:$0x0];
	_ =	sdelay $0x2  }
0xc0: {  	s31 =	sshll.u32 s1, $0xD;
	s1 =	sshrl.u32 s1, $0x2  }
0xc1: {  	s3 =	sand.u32 $0x4000, s31;
	s1 =	sadd.s32 s1, s30  }
0xc2: {  	s0 =	sor.u32 s3, s0;
	s1 =	sshll.u32 s1, $0x11  }
0xc3: {  	s0 =	sor.u32 s1, s0  }
0xc4: {  	s0 =	sadd.s32 $0x8F2B, s0  }
0xc5: {  	[sflag:s0] =	ssyncadd.remote.s32 $0x1  }
0xc6: {  	_ =	sfence.sel $0xFFFF  }
0xc7: {  	[dreg:$0x0] =	wrdreg $0xFFFFFFFF;
	(pc) =	sbr.abs _section_cstart, $3  }
0xc8: {  	[dreg:$0x1] =	wrdreg $0xFFFFFFFF  }
0xc9: {  	_ =	task.clear_ibuf [dreg:s7], $0x2FFFF;
	_ =	strace $0x9FFFFFFF  }
0xca: {  	(tm) =	ssettm $0x7FFFFFFF  }
0xcb: {  	_ =	shalt  }
tec
execute0_lowered:
.L_overlay_start_1:
0x0: {  	(tag) =	ssettag $0x1  }
0x1: {  	s0 =	rddreg [dreg:$0x0]  }
0x2: {  	s1 =	rddreg [dreg:$0x1]  }
0x3: {  	s2 =	rddreg [dreg:$0x2]  }
0x4: {  	s3 =	rddreg [dreg:$0x3];
	s9 =	stileid.u32  }
0x5: {  	s6 =	srdreg.scid;
	s4 =	simm.s32 $0x0;
	s28 =	simm.s32 $0x1  }
0x6: {  	s29 =	simm.s32 $0x2;
	s30 =	simm.s32 $0x3;
	s5 =	smul.u32 $0xA00, s9  }
0x7: {  	s31 =	simm.s32 $0x4;
	s6 =	sand.u32 $0x1, s6;
	s7 =	smul.u32 $0x5000, s9  }
0x8: {  	[smem:$0x7FF] =	sst s4;
	s10 =	sadd.s32 $0x18600, s1;
	s9 =	smul.u32 $0x50, s9  }
0x9: {  	s8 =	smul.u32 $0x50000, s6;
	_ =	strace $0x8000004D;
	s11 =	ssub.s32 $0x2, s6  }
0xa: {  	p0 =	seq.s32 s6, $0x1;
	s5 =	sadd.s32 s5, s1;
	s9 =	sadd.s32 s9, s1  }
0xb: {  	s12 =	sshrl.u32 s11, $0x1;
	s23 =	sshrl.u32 s7, $0x3;
	s24 =	sadd.s32 $0x1000, s7  }
0xc: {  	s15 =	sadd.s32 $0x2000, s7;
	s16 =	sadd.s32 $0x3000, s7;
	s0 =	smov.u32 @p0 s10  }
0xd: {  	s8 =	sadd.s32 s7, s8;
	s11 =	ssub.s32 s11, s12;
	s21 =	sadd.s32 $0x4000, s5  }
0xe: {  	s5 =	sadd.s32 $0xE000, s5;
	s22 =	sadd.s32 $0x18000, s9;
	s9 =	sadd.s32 s7, s3  }
0xf: {  	s25 =	sadd.s32 s24, s3;
	s26 =	sadd.s32 s15, s3;
	s12 =	sadd.s32 s16, s3  }
0x10: {  	s14 =	sadd.s32 s24, s2;
	s15 =	sadd.s32 s15, s2;
	[dreg:$0x5] =	wrdreg s21  }
0x11: {  	s16 =	sadd.s32 s16, s2;
	s20 =	sadd.s32 s0, s23;
	[dreg:$0x6] =	wrdreg s5  }
0x12: {  	s24 =	simm.s32 $0xA000;
	s0 =	simm.s32 $0xC000;
	[dreg:$0x7] =	wrdreg s22  }
0x13: {  	s23 =	simm.s32 $0x0;
	s8 =	sshrl.u32 s8, $0x3;
	[dreg:$0x8] =	wrdreg s25  }
0x14: {  	[dreg:$0x9] =	wrdreg s26;
	s19 =	smax.u32 s11, $0x1;
	s21 =	simm.s32 $0x5  }
0x15: {  	s22 =	simm.s32 $0x5000;
	s25 =	simm.s32 $0x80;
	s26 =	simm.s32 $0xB000  }
0x16: {  	s1 =	sadd.s32 s8, s1;
	s8 =	sadd.s32 s7, s2;
	s7 =	sadd.s32 $0x4000, s7  }
0x17: {  	v0 =	vimm.f32 $0.0e+00;
	s13 =	sadd.s32 s7, s3;
	s17 =	sadd.s32 s7, s2;
	s18 =	sadd.s32 $0x22600, s1  }
.LBB2_1:
0x18: {  	s1 =	rddreg [dreg:$0x5]  }
0x19: {  	[tilespmem:s4], [sflag:$0x5] =	stream.linear.gather [hbm4b:s1+s4], $0x5000, $0x38;
	[tilespmem:$0x1B280] =	vst v63  }
0x1a: {  	_ =	swait.ge [sflag:s21], $0x5000  }
0x1b: {  	[sflag:s21] =	ssyncset.done $0x0  }
0x1c: {  	s7 =	rddreg [dreg:$0x6];
	[sflag:s21] =	ssyncadd.s32 $0xFFFFB000  }
0x1d: {  	[tilespmem:s22], [sflag:$0x5] =	stream.linear.gather [hbm4b:s7+s4], $0x5000, $0x38;
	[tilespmem:$0x1B280] =	vst v63  }
0x1e: {  	_ =	swait.ge [sflag:s21], $0x5000  }
0x1f: {  	[sflag:s21] =	ssyncset.done $0x0  }
0x20: {  	s5 =	simm.s32 $0x11000;
	s10 =	rddreg [dreg:$0x7];
	[sflag:s21] =	ssyncadd.s32 $0xFFFFB000  }
0x21: {  	[tilespmem:s5], [sflag:$0x5] =	stream.linear.gather [hbm4b:s10+s4], $0x280, $0x38;
	[tilespmem:$0x1B280] =	vst v63  }
0x22: {  	s11 =	stileid.u32;
	_ =	swait.ge [sflag:s21], $0x280  }
0x23: {  	s1 =	sshll.u32 s11, $0x6;
	[sflag:s21] =	ssyncset.done $0x0  }
0x24: {  	s1 =	sor.u32 $0x1C05, s1;
	s5 =	sshrl.u32 s8, $0x3;
	[sflag:s21] =	ssyncadd.s32 $0xFFFFFD80  }
0x25: {  	[spmem:s5], [sflag:s1] =	dma.local [hbm:s20], $0xA00  }
0x26: {  	_ =	swait.ge [sflag:s21], $0xA00  }
0x27: {  	[sflag:s21] =	ssyncset.done $0x0  }
0x28: {  	s6 =	simm.s32 $0x80;
	s7 =	simm.s32 $0x0;
	[sflag:s21] =	ssyncadd.s32 $0xFFFFF600  }
.LBB2_2:
0x29: {  	p0 =	sne.s32 s6, $0x3F80;
	[tilespmem:s7+$0xA000] =	vst v0;
	s10 =	smov.u32 s6;
	s6 =	sadd.s32 $0x80, s6  }
.Ltmp0:
0x2a: {  	[tilespmem:s7+$0xA010] =	vst v0;
	(pc) =	sbr.rel @p0 .LBB2_2-.Ltmp0, $2  }
0x2b: {  	_ =	sdelay $0x2  }
0x2c: {  	s7 =	sshra.s32 s10, $0x2  }
0x2d: {  	[tilespmem:s7+$0xA000] =	vst v0  }
0x2e: {  	[tilespmem:s7+$0xA010] =	vst v0  }
0x2f: {  	[spmem:s9] =	stream.linear.scatter [tilespmem:s24], [sflag:$0x5], $0x1000, $0x38;
	[tilespmem:$0x1B280] =	vst v63  }
0x30: {  	_ =	swait.ge [sflag:s21], $0x1000  }
0x31: {  	[sflag:s21] =	ssyncset.done $0x0  }
0x32: {  	s6 =	rddreg [dreg:$0x8];
	[sflag:s21] =	ssyncadd.s32 $0xFFFFF000  }
0x33: {  	[spmem:s6] =	stream.linear.scatter [tilespmem:s24], [sflag:$0x5], $0x1000, $0x38;
	[tilespmem:$0x1B280] =	vst v63  }
0x34: {  	_ =	swait.ge [sflag:s21], $0x1000  }
0x35: {  	[sflag:s21] =	ssyncset.done $0x0  }
0x36: {  	s10 =	rddreg [dreg:$0x9];
	[sflag:s21] =	ssyncadd.s32 $0xFFFFF000  }
0x37: {  	[spmem:s10] =	stream.linear.scatter [tilespmem:s24], [sflag:$0x5], $0x1000, $0x38;
	[tilespmem:$0x1B280] =	vst v63  }
0x38: {  	_ =	swait.ge [sflag:s21], $0x1000  }
0x39: {  	[sflag:s21] =	ssyncset.done $0x0  }
0x3a: {  	[sflag:s21] =	ssyncadd.s32 $0xFFFFF000  }
0x3b: {  	[spmem:s12] =	stream.linear.scatter [tilespmem:s24], [sflag:$0x5], $0x1000, $0x38;
	[tilespmem:$0x1B280] =	vst v63  }
0x3c: {  	_ =	swait.ge [sflag:s21], $0x1000  }
0x3d: {  	[sflag:s21] =	ssyncset.done $0x0  }
0x3e: {  	[sflag:s21] =	ssyncadd.s32 $0xFFFFF000  }
0x3f: {  	[spmem:s13] =	stream.linear.scatter [tilespmem:s24], [sflag:$0x5], $0x1000, $0x38;
	[tilespmem:$0x1B280] =	vst v63  }
0x40: {  	_ =	swait.ge [sflag:s21], $0x1000  }
0x41: {  	[sflag:s21] =	ssyncset.done $0x0  }
0x42: {  	[sflag:s21] =	ssyncadd.s32 $0xFFFFF000  }
0x43: {  	s11 =	simm.s32 $0x0;
	[bflag:$0x0] =	sbarrier.arrive $0xFFFF  }
0x44: {  	[tilespmem:s24], [sflag:$0x1] =	stream.indirect.gather [spmem:s2], $0x20, s11, s25, $0xb8;
	[tilespmem:$0x1B280] =	vst v63  }
0x45: {  	_ = 	snop  }
0x46: {  	[tilespmem:s26], [sflag:$0x2] =	stream.indirect.gather [spmem:s2], $0x20, s25, s25, $0xb8;
	[tilespmem:$0x1B280] =	vst v63  }
0x47: {  	_ =	swait.ge [sflag:s28], $0x1000  }
0x48: {  	[sflag:s28] =	ssyncset.done $0x0  }
0x49: {  	s7 =	simm.s32 $0x5000;
	[sflag:s28] =	ssyncadd.s32 $0xFFFFF000  }
0x4a: {  	[spmem:s3] =	stream.indirect.scatter.add.f32 [tilespmem:s24], [sflag:$0x3], $0x20, s7, s25, $0xb8;
	[tilespmem:$0x1B280] =	vst v63  }
0x4b: {  	_ =	swait.ge [sflag:s29], $0x1000  }
0x4c: {  	[sflag:s29] =	ssyncset.done $0x0  }
0x4d: {  	s10 =	simm.s32 $0x5080;
	[sflag:s29] =	ssyncadd.s32 $0xFFFFF000  }
0x4e: {  	[spmem:s3] =	stream.indirect.scatter.add.f32 [tilespmem:s26], [sflag:$0x4], $0x20, s10, s25, $0xb8;
	[tilespmem:$0x1B280] =	vst v63  }
0x4f: {  	_ =	swait.ge [sflag:s30], $0x1000  }
0x50: {  	[sflag:s30] =	ssyncset.done $0x0  }
0x51: {  	s11 =	simm.s32 $0x100;
	[sflag:s30] =	ssyncadd.s32 $0xFFFFF000  }
0x52: {  	[tilespmem:s24], [sflag:$0x1] =	stream.indirect.gather [spmem:s2], $0x20, s11, s25, $0xb8;
	[tilespmem:$0x1B280] =	vst v63  }
0x53: {  	_ =	swait.ge [sflag:s31], $0x1000  }
0x54: {  	[sflag:s31] =	ssyncset.done $0x0  }
0x55: {  	s6 =	simm.s32 $0x400;
	s7 =	simm.s32 $0x180;
	[sflag:s31] =	ssyncadd.s32 $0xFFFFF000  }
.LBB2_4:
0x56: {  	[tilespmem:s26], [sflag:$0x2] =	stream.indirect.gather [spmem:s2], $0x20, s7, s25, $0xb8;
	[tilespmem:$0x1B280] =	vst v63  }
0x57: {  	s7 =	smov.u32 s6  }
0x58: {  	p0 =	sne.s32 s6, $0x13800;
	s6 =	sadd.s32 $0x400, s6;
	_ =	swait.ge [sflag:s28], $0x1000  }
0x59: {  	s7 =	sshra.s32 s7, $0x2;
	[sflag:s28] =	ssyncset.done $0x0  }
0x5a: {  	s10 =	sadd.s32 $0x5000, s7;
	[sflag:s28] =	ssyncadd.s32 $0xFFFFF000  }
0x5b: {  	[spmem:s3] =	stream.indirect.scatter.add.f32 [tilespmem:s24], [sflag:$0x3], $0x20, s10, s25, $0xb8;
	[tilespmem:$0x1B280] =	vst v63  }
0x5c: {  	_ =	swait.ge [sflag:s29], $0x1000  }
0x5d: {  	[sflag:s29] =	ssyncset.done $0x0  }
0x5e: {  	s10 =	sadd.s32 $0x5080, s7;
	[sflag:s29] =	ssyncadd.s32 $0xFFFFF000  }
0x5f: {  	[spmem:s3] =	stream.indirect.scatter.add.f32 [tilespmem:s26], [sflag:$0x4], $0x20, s10, s25, $0xb8;
	[tilespmem:$0x1B280] =	vst v63  }
0x60: {  	_ =	swait.ge [sflag:s30], $0x1000  }
0x61: {  	[sflag:s30] =	ssyncset.done $0x0  }
.Ltmp1:
0x62: {  	s10 =	sadd.s32 $0x100, s7;
	[sflag:s30] =	ssyncadd.s32 $0xFFFFF000;
	(pc) =	sbr.rel @p0 .LBB2_4-.Ltmp1, $4  }
0x63: {  	[tilespmem:s24], [sflag:$0x1] =	stream.indirect.gather [spmem:s2], $0x20, s10, s25, $0xb8;
	[tilespmem:$0x1B280] =	vst v63  }
0x64: {  	_ =	swait.ge [sflag:s31], $0x1000  }
0x65: {  	[sflag:s31] =	ssyncset.done $0x0  }
0x66: {  	s7 =	sadd.s32 $0x180, s7;
	[sflag:s31] =	ssyncadd.s32 $0xFFFFF000  }
0x67: {  	[tilespmem:s26], [sflag:$0x2] =	stream.indirect.gather [spmem:s2], $0x20, s7, s25, $0xb8;
	[tilespmem:$0x1B280] =	vst v63  }
0x68: {  	_ =	swait.ge [sflag:s28], $0x1000  }
0x69: {  	[sflag:s28] =	ssyncset.done $0x0  }
0x6a: {  	s6 =	simm.s32 $0x9F00;
	[sflag:s28] =	ssyncadd.s32 $0xFFFFF000  }
0x6b: {  	[spmem:s3] =	stream.indirect.scatter.add.f32 [tilespmem:s24], [sflag:$0x3], $0x20, s6, s25, $0xb8;
	[tilespmem:$0x1B280] =	vst v63  }
0x6c: {  	_ =	swait.ge [sflag:s29], $0x1000  }
0x6d: {  	[sflag:s29] =	ssyncset.done $0x0  }
0x6e: {  	s10 =	simm.s32 $0x9F80;
	[sflag:s29] =	ssyncadd.s32 $0xFFFFF000  }
0x6f: {  	[spmem:s3] =	stream.indirect.scatter.add.f32 [tilespmem:s26], [sflag:$0x4], $0x20, s10, s25, $0xb8;
	[tilespmem:$0x1B280] =	vst v63  }
0x70: {  	_ =	swait.ge [sflag:s30], $0x1000  }
0x71: {  	[sflag:s30] =	ssyncset.done $0x0  }
0x72: {  	[sflag:s30] =	ssyncadd.s32 $0xFFFFF000  }
0x73: {  	_ =	swait.ge [sflag:s31], $0x1000  }
0x74: {  	[sflag:s31] =	ssyncset.done $0x0  }
0x75: {  	[sflag:s31] =	ssyncadd.s32 $0xFFFFF000  }
0x76: {  	[bflag:$0x0] =	sbarrier.arrive $0xFFFF  }
0x77: {  	[tilespmem:s0], [sflag:$0x5] =	stream.linear.gather [spmem:s9], $0x5000, $0x38;
	[tilespmem:$0x1B280] =	vst v63  }
0x78: {  	_ =	swait.ge [sflag:s21], $0x5000  }
0x79: {  	[sflag:s21] =	ssyncset.done $0x0  }
0x7a: {  	s6 =	simm.s32 $0xC100;
	[sflag:s21] =	ssyncadd.s32 $0xFFFFB000  }
0x7b: {  	v6 =	vld [tilespmem:s6+$0xFFFFFFA0]  }
0x7c: {  	v4 =	vld [tilespmem:s6+$0xFFFFFFF0]  }
0x7d: {  	v1 =	vld [tilespmem:s6+$0xFFFFFF60]  }
0x7e: {  	v7 =	vld [tilespmem:s6+$0xFFFFFFD0]  }
0x7f: {  	v8 =	vld [tilespmem:s6+$0x80]  }
0x80: {  	v11 =	vld [tilespmem:s6+$0xFFFFFF10]  }
0x81: {  	v15 =	vld [tilespmem:s6+$0xE0]  }
0x82: {  	v10 =	vld [tilespmem:s6+$0xFFFFFF40]  }
0x83: {  	s11 =	simm.s32 $0x0;
	v2 =	vld [tilespmem:s6+$0xFFFFFF90]  }
0x84: {  	v3 =	vld [tilespmem:s11+$0x11000]  }
0x85: {  	v9 =	vld [tilespmem:s6+$0xFFFFFFC0]  }
0x86: {  	v12 =	vld [tilespmem:s6+$0xFFFFFF00]  }
0x87: {  	v13 =	vld [tilespmem:s6+$0xD0]  }
0x88: {  	v22 =	vld [tilespmem:s6+$0xC0]  }
0x89: {  	v20 =	vld [tilespmem:s6+$0x90];
	v18 =	vbroadcast v3, $0x0;
	v5 =	vbroadcast v3, $0xF  }
0x8a: {  	v21 =	vld [tilespmem:s6+$0xFFFFFF50];
	v19 =	vbroadcast v3, $0x2;
	v17 =	vbroadcast v3, $0xE  }
0x8b: {  	v16 =	vld [tilespmem:s6+$0xB0];
	v14 =	vbroadcast v3, $0xC;
	v24 =	vmul.f32 v18, v12  }
0x8c: {  	s7 =	simm.s32 $0x40;
	s10 =	simm.s32 $0xC100;
	v12 =	vbroadcast v3, $0xD;
	v23 =	vmul.f32 v10, v19;
	v10 =	vld [tilespmem:s6+$0x60]  }
.LBB2_6:
0x8d: {  	p0 =	sne.s32 s7, $0x9C0  }
0x8e: {  	[tilespmem:s6+$0xFFFFFF00] =	vst v24;
	v24 =	vld [tilespmem:s6+$0xFFFFFFB0];
	v22 =	vmul.f32 v22, v17;
	v15 =	vmul.f32 v15, v5;
	s10 =	sadd.s32 $0x200, s10;
	s11 =	smov.u32 s7;
	s7 =	sadd.s32 $0x40, s7  }
0x8f: {  	[tilespmem:s6+$0xFFFFFF40] =	vst v23;
	v23 =	vbroadcast v3, $0xA;
	v20 =	vmul.f32 v20, v14;
	v25 =	vld [tilespmem:s6+$0xA0]  }
0x90: {  	v11 =	vmul.f32 v11, v18;
	v18 =	vmul.f32 v21, v19;
	v19 =	vld [tilespmem:s6+$0x70];
	[tilespmem:s6+$0xE0] =	vst v15  }
0x91: {  	v15 =	vbroadcast v3, $0x5;
	v21 =	vld [tilespmem:s6+$0xFFFFFFE0];
	v16 =	vmul.f32 v16, v12;
	[tilespmem:s6+$0xC0] =	vst v22  }
0x92: {  	v13 =	vmul.f32 v13, v17;
	[tilespmem:s6+$0xFFFFFF10] =	vst v11;
	v11 =	vbroadcast v3, $0x6;
	v22 =	vld [tilespmem:s6+$0x40]  }
0x93: {  	v26 =	vbroadcast v3, $0xB;
	v6 =	vmul.f32 v6, v15;
	v17 =	vld [tilespmem:s6+$0xFFFFFF20];
	[tilespmem:s6+$0x90] =	vst v20  }
0x94: {  	v20 =	vbroadcast v3, $0x9;
	[tilespmem:s6+$0xFFFFFF50] =	vst v18;
	v18 =	vld [tilespmem:s6+$0x20];
	v12 =	vmul.f32 v25, v12  }
0x95: {  	v15 =	vmul.f32 v24, v15;
	v24 =	vld [tilespmem:s6+$0x50];
	v19 =	vmul.f32 v19, v26;
	[tilespmem:s6+$0xD0] =	vst v13  }
0x96: {  	v8 =	vmul.f32 v8, v14;
	v13 =	vbroadcast v3, $0x7;
	v25 =	vld [tilespmem:s6+$0x30];
	[tilespmem:s6+$0xA0] =	vst v12  }
0x97: {  	v9 =	vmul.f32 v9, v11;
	v12 =	vbroadcast v3, $0x3;
	v14 =	vld [tilespmem:s6+$0x0];
	[tilespmem:s6+$0x70] =	vst v19  }
0x98: {  	v10 =	vmul.f32 v10, v26;
	v7 =	vmul.f32 v7, v11;
	v11 =	vld [tilespmem:s6+$0x10];
	[tilespmem:s6+$0x80] =	vst v8  }
0x99: {  	v19 =	vbroadcast v3, $0x8;
	v22 =	vmul.f32 v22, v23;
	v8 =	vld [tilespmem:s6+$0xFFFFFF30];
	[tilespmem:s6+$0xB0] =	vst v16  }
0x9a: {  	v16 =	vbroadcast v3, $0x1;
	v26 =	vld [tilespmem:s6+$0xFFFFFF70];
	[tilespmem:s6+$0xFFFFFFD0] =	vst v7;
	v23 =	vmul.f32 v24, v23  }
0x9b: {  	v4 =	vmul.f32 v4, v13;
	v7 =	vmul.f32 v21, v13;
	[tilespmem:s6+$0xFFFFFFC0] =	vst v9;
	v9 =	vld [tilespmem:s6+$0xF0]  }
0x9c: {  	v21 =	vmul.f32 v25, v20;
	v13 =	vld [tilespmem:s6+$0xFFFFFF80];
	[tilespmem:s6+$0xFFFFFFA0] =	vst v6;
	v14 =	vmul.f32 v14, v19  }
0x9d: {  	v6 =	vld [tilespmem:s10+$0xFFFFFFA0];
	[tilespmem:s6+$0xFFFFFFF0] =	vst v4;
	v19 =	vmul.f32 v11, v19;
	v11 =	vmul.f32 v18, v20  }
0x9e: {  	v4 =	vmul.f32 v17, v16;
	v16 =	vmul.f32 v8, v16;
	[tilespmem:s6+$0x60] =	vst v10  }
0x9f: {  	v1 =	vmul.f32 v1, v12;
	v8 =	vmul.f32 v26, v12;
	[tilespmem:s6+$0xFFFFFFB0] =	vst v15  }
0xa0: {  	v3 =	vbroadcast v3, $0x4;
	[tilespmem:s6+$0xFFFFFF20] =	vst v4;
	v4 =	vmul.f32 v9, v5  }
0xa1: {  	[tilespmem:s6+$0xFFFFFF60] =	vst v1  }
0xa2: {  	v5 =	vmul.f32 v13, v3;
	v1 =	vmul.f32 v2, v3;
	[tilespmem:s6+$0x40] =	vst v22  }
0xa3: {  	[tilespmem:s6+$0xFFFFFFE0] =	vst v7  }
0xa4: {  	[tilespmem:s6+$0xF0] =	vst v4  }
0xa5: {  	[tilespmem:s6+$0xFFFFFF90] =	vst v1  }
0xa6: {  	v4 =	vld [tilespmem:s10+$0xFFFFFFF0];
	[tilespmem:s6+$0xFFFFFF70] =	vst v8  }
0xa7: {  	v1 =	vld [tilespmem:s10+$0xFFFFFF60];
	[tilespmem:s6+$0x20] =	vst v11  }
0xa8: {  	v7 =	vld [tilespmem:s10+$0xFFFFFFD0];
	[tilespmem:s6+$0x30] =	vst v21  }
0xa9: {  	v8 =	vld [tilespmem:s10+$0x80];
	[tilespmem:s6+$0xFFFFFF80] =	vst v5  }
0xaa: {  	v11 =	vld [tilespmem:s10+$0xFFFFFF10];
	[tilespmem:s6+$0x50] =	vst v23  }
0xab: {  	v15 =	vld [tilespmem:s10+$0xE0];
	[tilespmem:s6+$0x0] =	vst v14  }
0xac: {  	v10 =	vld [tilespmem:s10+$0xFFFFFF40];
	[tilespmem:s6+$0xFFFFFF30] =	vst v16  }
0xad: {  	s11 =	sshra.s32 s11, $0x2;
	v2 =	vld [tilespmem:s10+$0xFFFFFF90];
	[tilespmem:s6+$0x10] =	vst v19;
	s6 =	smov.u32 s10  }
0xae: {  	v3 =	vld [tilespmem:s11+$0x11000]  }
0xaf: {  	v9 =	vld [tilespmem:s10+$0xFFFFFFC0]  }
0xb0: {  	v12 =	vld [tilespmem:s10+$0xFFFFFF00]  }
0xb1: {  	v13 =	vld [tilespmem:s10+$0xD0]  }
.Ltmp2:
0xb2: {  	v22 =	vld [tilespmem:s10+$0xC0];
	(pc) =	sbr.rel @p0 .LBB2_6-.Ltmp2, $4  }
0xb3: {  	v18 =	vbroadcast v3, $0x0;
	v20 =	vld [tilespmem:s10+$0x90];
	v5 =	vbroadcast v3, $0xF  }
0xb4: {  	v19 =	vbroadcast v3, $0x2;
	v17 =	vbroadcast v3, $0xE;
	v21 =	vld [tilespmem:s10+$0xFFFFFF50]  }
0xb5: {  	v24 =	vmul.f32 v18, v12;
	v12 =	vbroadcast v3, $0xD;
	v16 =	vld [tilespmem:s10+$0xB0]  }
0xb6: {  	v14 =	vbroadcast v3, $0xC;
	v23 =	vmul.f32 v10, v19;
	v10 =	vld [tilespmem:s10+$0x60]  }
0xb7: {  	[tilespmem:s6+$0xFFFFFF00] =	vst v24;
	v15 =	vmul.f32 v15, v5  }
0xb8: {  	v22 =	vmul.f32 v22, v17;
	[tilespmem:s6+$0xFFFFFF40] =	vst v23  }
0xb9: {  	v11 =	vmul.f32 v11, v18;
	[tilespmem:s6+$0xE0] =	vst v15  }
0xba: {  	v35 =	vmul.f32 v13, v17;
	[tilespmem:s6+$0xC0] =	vst v22  }
0xbb: {  	v33 =	vmul.f32 v20, v14;
	[tilespmem:s6+$0xFFFFFF10] =	vst v11  }
0xbc: {  	v41 =	vbroadcast v3, $0x6;
	v8 =	vmul.f32 v8, v14;
	[tilespmem:s6+$0xD0] =	vst v35  }
0xbd: {  	v19 =	vmul.f32 v21, v19;
	[tilespmem:s6+$0x90] =	vst v33  }
0xbe: {  	v45 =	vbroadcast v3, $0x5;
	v7 =	vmul.f32 v7, v41;
	[tilespmem:s6+$0x80] =	vst v8  }
0xbf: {  	v47 =	vbroadcast v3, $0x7;
	v9 =	vmul.f32 v9, v41;
	[tilespmem:s6+$0xFFFFFF50] =	vst v19  }
0xc0: {  	v54 =	vbroadcast v3, $0x3;
	v6 =	vmul.f32 v6, v45;
	[tilespmem:s6+$0xFFFFFFD0] =	vst v7  }
0xc1: {  	v31 =	vld [tilespmem:s6+$0xA0];
	v59 =	vbroadcast v3, $0x4;
	v4 =	vmul.f32 v4, v47;
	[tilespmem:s6+$0xFFFFFFC0] =	vst v9  }
0xc2: {  	v32 =	vld [tilespmem:s6+$0x70];
	v1 =	vmul.f32 v1, v54;
	[tilespmem:s6+$0xFFFFFFA0] =	vst v6  }
0xc3: {  	v34 =	vld [tilespmem:s6+$0xFFFFFFB0];
	v37 =	vbroadcast v3, $0xB;
	v2 =	vmul.f32 v2, v59;
	[tilespmem:s6+$0xFFFFFFF0] =	vst v4  }
0xc4: {  	v36 =	vld [tilespmem:s6+$0xFFFFFF20];
	v43 =	vmul.f32 v16, v12;
	[tilespmem:s6+$0xFFFFFF60] =	vst v1  }
0xc5: {  	v40 =	vld [tilespmem:s6+$0x40];
	v10 =	vmul.f32 v10, v37;
	[tilespmem:s6+$0xFFFFFF90] =	vst v2  }
0xc6: {  	v38 =	vld [tilespmem:s6+$0xFFFFFFE0];
	v39 =	vmul.f32 v31, v12;
	[tilespmem:s6+$0xB0] =	vst v43  }
0xc7: {  	v52 =	vbroadcast v3, $0x1;
	v55 =	vld [tilespmem:s6+$0xF0];
	v18 =	vmul.f32 v32, v37;
	[tilespmem:s6+$0x60] =	vst v10  }
0xc8: {  	v49 =	vld [tilespmem:s6+$0xFFFFFF70];
	v56 =	vbroadcast v3, $0xA;
	v53 =	vmul.f32 v34, v45;
	[tilespmem:s6+$0xA0] =	vst v39  }
0xc9: {  	v46 =	vld [tilespmem:s6+$0x30];
	v13 =	vmul.f32 v36, v52;
	[tilespmem:s6+$0x70] =	vst v18  }
0xca: {  	v50 =	vld [tilespmem:s6+$0xFFFFFF80];
	v58 =	vmul.f32 v40, v56;
	[tilespmem:s6+$0xFFFFFFB0] =	vst v53  }
0xcb: {  	v44 =	vld [tilespmem:s6+$0x20];
	v8 =	vmul.f32 v38, v47;
	[tilespmem:s6+$0xFFFFFF20] =	vst v13  }
0xcc: {  	v57 =	vld [tilespmem:s6+$0xFFFFFF30];
	v60 =	vbroadcast v3, $0x9;
	v1 =	vmul.f32 v55, v5;
	[tilespmem:s6+$0x40] =	vst v58  }
0xcd: {  	v42 =	vld [tilespmem:s6+$0x50];
	v61 =	vmul.f32 v49, v54;
	[tilespmem:s6+$0xFFFFFFE0] =	vst v8  }
0xce: {  	v48 =	vld [tilespmem:s6+$0x0];
	v2 =	vmul.f32 v46, v60;
	[tilespmem:s6+$0xF0] =	vst v1  }
0xcf: {  	v51 =	vld [tilespmem:s6+$0x10];
	v62 =	vmul.f32 v50, v59;
	[tilespmem:s6+$0xFFFFFF70] =	vst v61  }
0xd0: {  	v1 =	vmul.f32 v44, v60;
	[tilespmem:s6+$0x30] =	vst v2  }
0xd1: {  	v3 =	vbroadcast v3, $0x8;
	v63 =	vmul.f32 v57, v52;
	[tilespmem:s6+$0xFFFFFF80] =	vst v62  }
0xd2: {  	[tilespmem:s6+$0x20] =	vst v1;
	v1 =	vmul.f32 v42, v56  }
0xd3: {  	v2 =	vmul.f32 v48, v3;
	[tilespmem:s6+$0xFFFFFF30] =	vst v63  }
0xd4: {  	[tilespmem:s6+$0x50] =	vst v1;
	v1 =	vmul.f32 v51, v3  }
0xd5: {  	[tilespmem:s6+$0x0] =	vst v2  }
0xd6: {  	[tilespmem:s6+$0x10] =	vst v1  }
0xd7: {  	[spmem:s9] =	stream.linear.scatter [tilespmem:s0], [sflag:$0x5], $0x5000, $0x38;
	[tilespmem:$0x1B280] =	vst v63  }
0xd8: {  	_ =	swait.ge [sflag:s21], $0x5000  }
0xd9: {  	[sflag:s21] =	ssyncset.done $0x0  }
0xda: {  	s7 =	simm.s32 $0x0;
	s6 =	simm.s32 $0x80;
	[sflag:s21] =	ssyncadd.s32 $0xFFFFB000  }
.LBB2_8:
0xdb: {  	p0 =	sne.s32 s6, $0x3F80;
	[tilespmem:s7+$0xA000] =	vst v0;
	s10 =	smov.u32 s6;
	s6 =	sadd.s32 $0x80, s6  }
.Ltmp3:
0xdc: {  	[tilespmem:s7+$0xA010] =	vst v0;
	(pc) =	sbr.rel @p0 .LBB2_8-.Ltmp3, $2  }
0xdd: {  	_ =	sdelay $0x2  }
0xde: {  	s7 =	sshra.s32 s10, $0x2  }
0xdf: {  	[tilespmem:s7+$0xA000] =	vst v0  }
0xe0: {  	[tilespmem:s7+$0xA010] =	vst v0  }
0xe1: {  	[spmem:s8] =	stream.linear.scatter [tilespmem:s24], [sflag:$0x5], $0x1000, $0x38;
	[tilespmem:$0x1B280] =	vst v63  }
0xe2: {  	_ =	swait.ge [sflag:s21], $0x1000  }
0xe3: {  	[sflag:s21] =	ssyncset.done $0x0  }
0xe4: {  	[sflag:s21] =	ssyncadd.s32 $0xFFFFF000  }
0xe5: {  	[spmem:s14] =	stream.linear.scatter [tilespmem:s24], [sflag:$0x5], $0x1000, $0x38;
	[tilespmem:$0x1B280] =	vst v63  }
0xe6: {  	_ =	swait.ge [sflag:s21], $0x1000  }
0xe7: {  	[sflag:s21] =	ssyncset.done $0x0  }
0xe8: {  	[sflag:s21] =	ssyncadd.s32 $0xFFFFF000  }
0xe9: {  	[spmem:s15] =	stream.linear.scatter [tilespmem:s24], [sflag:$0x5], $0x1000, $0x38;
	[tilespmem:$0x1B280] =	vst v63  }
0xea: {  	_ =	swait.ge [sflag:s21], $0x1000  }
0xeb: {  	[sflag:s21] =	ssyncset.done $0x0  }
0xec: {  	[sflag:s21] =	ssyncadd.s32 $0xFFFFF000  }
0xed: {  	[spmem:s16] =	stream.linear.scatter [tilespmem:s24], [sflag:$0x5], $0x1000, $0x38;
	[tilespmem:$0x1B280] =	vst v63  }
0xee: {  	_ =	swait.ge [sflag:s21], $0x1000  }
0xef: {  	[sflag:s21] =	ssyncset.done $0x0  }
0xf0: {  	[sflag:s21] =	ssyncadd.s32 $0xFFFFF000  }
0xf1: {  	[spmem:s17] =	stream.linear.scatter [tilespmem:s24], [sflag:$0x5], $0x1000, $0x38;
	[tilespmem:$0x1B280] =	vst v63  }
0xf2: {  	_ =	swait.ge [sflag:s21], $0x1000  }
0xf3: {  	[sflag:s21] =	ssyncset.done $0x0  }
0xf4: {  	[sflag:s21] =	ssyncadd.s32 $0xFFFFF000  }
0xf5: {  	[bflag:$0x0] =	sbarrier.arrive $0xFFFF  }
0xf6: {  	[tilespmem:s24], [sflag:$0x1] =	stream.indirect.gather [spmem:s3], $0x20, s22, s25, $0xb8;
	[tilespmem:$0x1B280] =	vst v63  }
0xf7: {  	s6 =	simm.s32 $0x5080  }
0xf8: {  	[tilespmem:s26], [sflag:$0x2] =	stream.indirect.gather [spmem:s3], $0x20, s6, s25, $0xb8;
	[tilespmem:$0x1B280] =	vst v63  }
0xf9: {  	_ =	swait.ge [sflag:s28], $0x1000  }
0xfa: {  	[sflag:s28] =	ssyncset.done $0x0  }
0xfb: {  	s7 =	simm.s32 $0x0;
	[sflag:s28] =	ssyncadd.s32 $0xFFFFF000  }
0xfc: {  	[spmem:s2] =	stream.indirect.scatter.add.f32 [tilespmem:s24], [sflag:$0x3], $0x20, s7, s25, $0xb8;
	[tilespmem:$0x1B280] =	vst v63  }
0xfd: {  	_ =	swait.ge [sflag:s29], $0x1000  }
0xfe: {  	[sflag:s29] =	ssyncset.done $0x0  }
0xff: {  	s10 =	simm.s32 $0x80;
	[sflag:s29] =	ssyncadd.s32 $0xFFFFF000  }
0x100: {  	[spmem:s2] =	stream.indirect.scatter.add.f32 [tilespmem:s26], [sflag:$0x4], $0x20, s10, s25, $0xb8;
	[tilespmem:$0x1B280] =	vst v63  }
0x101: {  	_ =	swait.ge [sflag:s30], $0x1000  }
0x102: {  	[sflag:s30] =	ssyncset.done $0x0  }
0x103: {  	s11 =	simm.s32 $0x5100;
	[sflag:s30] =	ssyncadd.s32 $0xFFFFF000  }
0x104: {  	[tilespmem:s24], [sflag:$0x1] =	stream.indirect.gather [spmem:s3], $0x20, s11, s25, $0xb8;
	[tilespmem:$0x1B280] =	vst v63  }
0x105: {  	_ =	swait.ge [sflag:s31], $0x1000  }
0x106: {  	[sflag:s31] =	ssyncset.done $0x0  }
0x107: {  	s6 =	simm.s32 $0x400;
	s7 =	simm.s32 $0x5180;
	[sflag:s31] =	ssyncadd.s32 $0xFFFFF000  }
.LBB2_10:
0x108: {  	[tilespmem:s26], [sflag:$0x2] =	stream.indirect.gather [spmem:s3], $0x20, s7, s25, $0xb8;
	[tilespmem:$0x1B280] =	vst v63  }
0x109: {  	s7 =	smov.u32 s6  }
0x10a: {  	p0 =	sne.s32 s6, $0x13800;
	s6 =	sadd.s32 $0x400, s6;
	_ =	swait.ge [sflag:s28], $0x1000  }
0x10b: {  	[sflag:s28] =	ssyncset.done $0x0  }
0x10c: {  	s7 =	sshra.s32 s7, $0x2;
	[sflag:s28] =	ssyncadd.s32 $0xFFFFF000  }
0x10d: {  	[spmem:s2] =	stream.indirect.scatter.add.f32 [tilespmem:s24], [sflag:$0x3], $0x20, s7, s25, $0xb8;
	[tilespmem:$0x1B280] =	vst v63  }
0x10e: {  	_ =	swait.ge [sflag:s29], $0x1000  }
0x10f: {  	[sflag:s29] =	ssyncset.done $0x0  }
0x110: {  	s10 =	sadd.s32 $0x80, s7;
	[sflag:s29] =	ssyncadd.s32 $0xFFFFF000  }
0x111: {  	[spmem:s2] =	stream.indirect.scatter.add.f32 [tilespmem:s26], [sflag:$0x4], $0x20, s10, s25, $0xb8;
	[tilespmem:$0x1B280] =	vst v63  }
0x112: {  	_ =	swait.ge [sflag:s30], $0x1000  }
0x113: {  	[sflag:s30] =	ssyncset.done $0x0  }
.Ltmp4:
0x114: {  	s10 =	sadd.s32 $0x5100, s7;
	[sflag:s30] =	ssyncadd.s32 $0xFFFFF000;
	(pc) =	sbr.rel @p0 .LBB2_10-.Ltmp4, $4  }
0x115: {  	[tilespmem:s24], [sflag:$0x1] =	stream.indirect.gather [spmem:s3], $0x20, s10, s25, $0xb8;
	[tilespmem:$0x1B280] =	vst v63  }
0x116: {  	_ =	swait.ge [sflag:s31], $0x1000  }
0x117: {  	[sflag:s31] =	ssyncset.done $0x0  }
0x118: {  	s7 =	sadd.s32 $0x5180, s7;
	[sflag:s31] =	ssyncadd.s32 $0xFFFFF000  }
0x119: {  	[tilespmem:s26], [sflag:$0x2] =	stream.indirect.gather [spmem:s3], $0x20, s7, s25, $0xb8;
	[tilespmem:$0x1B280] =	vst v63  }
0x11a: {  	_ =	swait.ge [sflag:s28], $0x1000  }
0x11b: {  	[sflag:s28] =	ssyncset.done $0x0  }
0x11c: {  	s6 =	simm.s32 $0x4F00;
	[sflag:s28] =	ssyncadd.s32 $0xFFFFF000  }
0x11d: {  	[spmem:s2] =	stream.indirect.scatter.add.f32 [tilespmem:s24], [sflag:$0x3], $0x20, s6, s25, $0xb8;
	[tilespmem:$0x1B280] =	vst v63  }
0x11e: {  	_ =	swait.ge [sflag:s29], $0x1000  }
0x11f: {  	[sflag:s29] =	ssyncset.done $0x0  }
0x120: {  	s11 =	simm.s32 $0x4F80;
	[sflag:s29] =	ssyncadd.s32 $0xFFFFF000  }
0x121: {  	[spmem:s2] =	stream.indirect.scatter.add.f32 [tilespmem:s26], [sflag:$0x4], $0x20, s11, s25, $0xb8;
	[tilespmem:$0x1B280] =	vst v63  }
0x122: {  	_ =	swait.ge [sflag:s30], $0x1000  }
0x123: {  	[sflag:s30] =	ssyncset.done $0x0  }
0x124: {  	[sflag:s30] =	ssyncadd.s32 $0xFFFFF000  }
0x125: {  	_ =	swait.ge [sflag:s31], $0x1000  }
0x126: {  	s23 =	sadd.s32 $0x1, s23;
	[sflag:s31] =	ssyncset.done $0x0  }
0x127: {  	p0 =	sne.s32 s23, s19;
	[sflag:s31] =	ssyncadd.s32 $0xFFFFF000  }
.Ltmp5:
0x128: {  	[bflag:$0x0] =	sbarrier.arrive $0xFFFF;
	(pc) =	sbr.rel @p0 .LBB2_1-.Ltmp5, $4  }
0x129: {  	[hbm:s18], [sflag:s1] =	dma.local [spmem:s5], $0xA00  }
0x12a: {  	_ =	swait.ge [sflag:s21], $0xA00  }
0x12b: {  	[sflag:s21] =	ssyncset.done $0x0  }
0x12c: {  	[sflag:s21] =	ssyncadd.s32 $0xFFFFF600  }
0x12d: {  	_ =	sfence.sel $0x180000  }
0x12e: {  	[bflag:$0x0] =	sbarrier.arrive $0xFFFF  }
0x12f: {  	_ =	strace $0x9000004D  }
0x130: {  	s0 =	stileid.u32;
	[bflag:$0x2] =	sbarrier.arrive $0xFFFF  }
0x131: {  	p0 =	sne.s32 s0, $0x0;
	s0 =	rddreg [dreg:$0x4]  }
0x132: {  	s0 =	sadd.s32 @!p0 $0x100000, s0  }
0x133: {  	[sflag:s0] =	ssyncadd.tile.s32 @!p0 $0x1;
	_ =	shalt  }
.Lfunc_end2:
_tile_overlayer_lowered:
.L_overlay_start_2:
0x134: {  	(tag) =	ssettag $0x2  }
0x135: {  	s0 =	rddreg [dreg:$0x0];
	s2 =	stileid.u32  }
0x136: {  	s1 =	rddreg [dreg:$0x1];
	p0 =	sne.s32 s2, $0x0  }
0x137: {  	s3 =	rddreg [dreg:$0x2];
	[bflag:$0x3] =	sbarrier.arrive $0xFFFF;
	s2 =	simm.s32 @!p0 $0x1C05  }
0x138: {  	[timem:s3], [sflag:s2] =	dma.local @!p0 [hbm:s0], s1  }
0x139: {  	s0 =	simm.s32 @!p0 $0x5  }
0x13a: {  	_ =	swait.ge @!p0 [sflag:s0], s1  }
0x13b: {  	s1 =	ssub.s32 @!p0 $0x0, s1;
	[sflag:s0] =	ssyncset.done @!p0 $0x0  }
0x13c: {  	[sflag:s0] =	ssyncadd.s32 @!p0 s1  }
0x13d: {  	[bflag:$0x3] =	sbarrier.arrive $0xFFFF  }
0x13e: {  	_ =	shalt  }

// kernel: kernel.20.cloned.1.call-start
scs
__scs_entry_jumppad:
0x0: {  	(pc) =	sbr.rel $0x88, $3  }
0x1: {  	(tag) =	ssettag $0x0;
	lr =	simm.s32 $0x1  }
0x2: {  	[smem:$0x3F8F] =	sst lr;
	_ =	strace $0xD0000000  }
0x3: {  	_ = 	snop  }
0x4: {  	_ = 	snop  }
0x5: {  	_ = 	snop  }
0x6: {  	_ = 	snop  }
0x7: {  	_ = 	snop  }
__scs_overlays_trampoline_lowered:
0x8: {  	[smem:$0x3F9E] =	sst s0  }
0x9: {  	[smem:$0x3F9F] =	sst s1  }
0xa: {  	[smem:$0x3FA0] =	sst s2  }
0xb: {  	[smem:$0x3FA1] =	sst s3  }
0xc: {  	[smem:$0x3FA2] =	sst s4  }
0xd: {  	[smem:$0x3FA3] =	sst s5  }
0xe: {  	[smem:$0x3FA4] =	sst s6  }
0xf: {  	[smem:$0x3FA5] =	sst s7  }
0x10: {  	[smem:$0x3FA6] =	sst s8  }
0x11: {  	[smem:$0x3FA7] =	sst s9;
	s0 =	simm.s32 @!p0 $0x0  }
0x12: {  	s1 =	sld [smem:$0x3F8D];
	s0 =	simm.s32 @p0 $0x1  }
0x13: {  	[smem:$0x3FA8] =	sst s0;
	s0 =	simm.s32 @!p1 $0x0  }
0x14: {  	s2 =	sld [smem:$0x3F8C];
	s0 =	simm.s32 @p1 $0x1  }
0x15: {  	[smem:$0x3FA9] =	sst s0;
	s0 =	simm.s32 @!p2 $0x0  }
0x16: {  	s3 =	sld [smem:$0x3FDB];
	s0 =	simm.s32 @p2 $0x1  }
0x17: {  	s4 =	simm.s32 $0x1BF5;
	[smem:$0x3FAB] =	sst s0  }
0x18: {  	s0 =	sld [smem:$0x3F8E];
	_ =	swait.ge [sflag:s4], $0x0  }
0x19: {  	s7 =	sld [smem:$0x3F8F]  }
0x1a: {  	s8 =	sadd.s32 $0xFFFFE003, lr  }
0x1b: {  	s9 =	sadd.s32 $0xFFFFFEF7, lr;
	s5 =	simm.s32 $0xFFFFFFFF;
	p2 =	slt.u32 s8, $0xFFFFF086  }
0x1c: {  	p1 =	slt.u32 s9, $0xF7A;
	s5 =	simm.s32 @!p2 $0x0  }
0x1d: {  	s5 =	simm.s32 @p1 $0x1;
	p0 =	seq.s32 s7, s2  }
0x1e: {  	s7 =	smul.u32 @!p0 $0xF7A, s2;
	p2 =	seq.s32 @!p0 s5, $0x0  }
0x1f: {  	s9 =	smul.u32 $0xF7A, s1;
	s8 =	simm.s32 @!p0 $0x1BF5;
	p2 =	por !p2, p0  }
0x20: {  	[sflag:s8] =	ssyncset.s32 @!p0 $0xFFFFF086;
	s6 =	sadd.s32 @!p0 s3, s7;
	s7 =	simm.s32 @!p0 $0x108  }
0x21: {  	s3 =	sadd.s32 s3, s9;
	s6 =	sadd.s32 @!p0 $0x88, s6;
	s7 =	simm.s32 @p2 $0x1082  }
0x22: {  	[simem:s7], [sflag:s8] =	dma.local @!p0 [hbm:s6], $0xF7A  }
0x23: {  	s9 =	sor.u32 $0xD0000000, s2;
	s6 =	simm.s32 $0x108;
	_ =	swait.ge @!p0 [sflag:s8], $0x0  }
0x24: {  	s3 =	sadd.s32 $0x88, s3;
	s6 =	simm.s32 @!p1 $0x1082;
	[sflag:s4] =	ssyncset.s32 $0xFFFFF086  }
0x25: {  	[simem:s6], [sflag:s4] =	dma.local [hbm:s3], $0xF7A  }
0x26: {  	[smem:$0x3F8F] =	sst s1;
	(tag) =	ssettag s2;
	_ =	strace s9  }
0x27: {  	s1 =	sld [smem:$0x3F9F]  }
0x28: {  	s2 =	sld [smem:$0x3FA0]  }
0x29: {  	s4 =	sld [smem:$0x3FA2]  }
0x2a: {  	p0 =	seq.s32 s5, $0x0;
	s5 =	sld [smem:$0x3FA3]  }
0x2b: {  	s6 =	sld [smem:$0x3FA4]  }
0x2c: {  	s7 =	sld [smem:$0x3FA5]  }
0x2d: {  	s3 =	simm.s32 $0x108;
	s8 =	sld [smem:$0x3FA6]  }
0x2e: {  	s3 =	simm.s32 @!p0 $0x1082;
	s9 =	sld [smem:$0x3FA7]  }
0x2f: {  	lr =	sadd.s32 s0, s3;
	s0 =	sld [smem:$0x3F9E]  }
0x30: {  	s3 =	sld [smem:$0x3FA1]  }
0x31: {  	[smem:$0x3FAA] =	sst s10  }
0x32: {  	s10 =	sld [smem:$0x3FA8];
	_ =	sdelay $0x3  }
0x33: {  	p0 =	seq.s32 s10, $0x1;
	s10 =	sld [smem:$0x3FAA];
	_ =	sdelay $0x3  }
0x34: {  	[smem:$0x3FAA] =	sst s10  }
0x35: {  	s10 =	sld [smem:$0x3FA9];
	_ =	sdelay $0x3  }
0x36: {  	p1 =	seq.s32 s10, $0x1;
	s10 =	sld [smem:$0x3FAA];
	_ =	sdelay $0x3  }
0x37: {  	[smem:$0x3FAA] =	sst s10  }
0x38: {  	s10 =	sld [smem:$0x3FAB]  }
0x39: {  	_ = 	snop;
	(pc) =	sbr.ind lr, $3  }
0x3a: {  	_ = 	snop  }
0x3b: {  	_ = 	snop  }
0x3c: {  	p2 =	seq.s32 s10, $0x1;
	s10 =	sld [smem:$0x3FAA]  }
0x3d: {  	_ =	shalt  }
0x3e: {  	_ =	shalt  }
0x3f: {  	_ =	shalt  }
0x40: {  	_ =	shalt  }
0x41: {  	_ =	shalt  }
0x42: {  	_ =	shalt  }
0x43: {  	_ =	shalt  }
0x44: {  	_ =	shalt  }
0x45: {  	_ =	shalt  }
0x46: {  	_ =	shalt  }
0x47: {  	_ =	shalt  }
0x48: {  	_ =	shalt  }
0x49: {  	_ =	shalt  }
0x4a: {  	_ =	shalt  }
0x4b: {  	_ =	shalt  }
0x4c: {  	_ =	shalt  }
0x4d: {  	_ =	shalt  }
0x4e: {  	_ =	shalt  }
0x4f: {  	_ =	shalt  }
0x50: {  	_ =	shalt  }
0x51: {  	_ =	shalt  }
0x52: {  	_ =	shalt  }
0x53: {  	_ =	shalt  }
0x54: {  	_ =	shalt  }
0x55: {  	_ =	shalt  }
0x56: {  	_ =	shalt  }
0x57: {  	_ =	shalt  }
0x58: {  	_ =	shalt  }
0x59: {  	_ =	shalt  }
0x5a: {  	_ =	shalt  }
0x5b: {  	_ =	shalt  }
0x5c: {  	_ =	shalt  }
0x5d: {  	_ =	shalt  }
0x5e: {  	_ =	shalt  }
0x5f: {  	_ =	shalt  }
0x60: {  	_ =	shalt  }
0x61: {  	_ =	shalt  }
0x62: {  	_ =	shalt  }
0x63: {  	_ =	shalt  }
0x64: {  	_ =	shalt  }
0x65: {  	_ =	shalt  }
0x66: {  	_ =	shalt  }
0x67: {  	_ =	shalt  }
0x68: {  	_ =	shalt  }
0x69: {  	_ =	shalt  }
0x6a: {  	_ =	shalt  }
0x6b: {  	_ =	shalt  }
0x6c: {  	_ =	shalt  }
0x6d: {  	_ =	shalt  }
0x6e: {  	_ =	shalt  }
0x6f: {  	_ =	shalt  }
0x70: {  	_ =	shalt  }
0x71: {  	_ =	shalt  }
0x72: {  	_ =	shalt  }
0x73: {  	_ =	shalt  }
0x74: {  	_ =	shalt  }
0x75: {  	_ =	shalt  }
0x76: {  	_ =	shalt  }
0x77: {  	_ =	shalt  }
0x78: {  	_ =	shalt  }
0x79: {  	_ =	shalt  }
0x7a: {  	_ =	shalt  }
0x7b: {  	_ =	shalt  }
0x7c: {  	_ =	shalt  }
0x7d: {  	_ =	shalt  }
0x7e: {  	_ =	shalt  }
0x7f: {  	_ =	shalt  }
0x80: {  	_ =	shalt  }
0x81: {  	_ =	shalt  }
0x82: {  	_ =	shalt  }
0x83: {  	_ =	shalt  }
0x84: {  	_ =	shalt  }
0x85: {  	_ =	shalt  }
0x86: {  	_ =	shalt  }
0x87: {  	_ =	shalt  }
.Lfunc_end0:
.L_simem_size_0:
called_computation.3_lowered:
.L_overlay_start_0:
0x88: {  	s2 =	sld [smem:$0x3FD9]  }
0x89: {  	s3 =	sld [smem:$0x3FFE];
	_ =	sdelay $0x1  }
0x8a: {  	s1 =	srdreg.scid  }
0x8b: {  	s0 =	sand.u32 $0x1, s1  }
0x8c: {  	s14 =	sshll.u32 s0, $0xA;
	s2 =	sadd.s32 s3, s2  }
0x8d: {  	s2 =	sadd.s32 s2, s14  }
0x8e: {  	[smem:$0x3FB6] =	sst s2  }
0x8f: {  	_ = 	snop  }
0x90: {  	s2 =	sld [smem:$0x3FD0];
	_ =	sdelay $0x2  }
0x91: {  	s15 =	simm.s32 $0xA;
	s4 =	simm.s32 $0x10  }
0x92: {  	[smem:s4], [sflag:s15] =	dma.local [hbm:s2], $0x1  }
0x93: {  	_ =	swait.eq [sflag:s15], $0x1  }
0x94: {  	[sflag:s15] =	ssyncset.done $0x0  }
0x95: {  	[sflag:s15] =	ssyncadd.s32 $0xFFFFFFFF  }
0x96: {  	s16 =	sld [smem:$0x12];
	(tm) =	ssettm $0x1  }
0x97: {  	s17 =	sld [smem:$0x3FFB];
	_ =	sdelay $0x3  }
0x98: {  	_ =	strace s17  }
0x99: {  	s3 =	sld [smem:$0x3FFC];
	_ =	sdelay $0x3  }
0x9a: {  	_ =	strace s3  }
0x9b: {  	s3 =	sld [smem:$0x3FFD];
	_ =	sdelay $0x3  }
0x9c: {  	_ =	strace s3  }
0x9d: {  	_ =	strace $0x8FFFFFFF  }
0x9e: {  	s18 =	sld [smem:$0x3FDB];
	_ =	sdelay $0x1  }
0x9f: {  	s19 =	simm.s32 $_scs_section_size  }
0xa0: {  	s5 =	simm.s32 $_size__tile_overlayer_lowered;
	s6 =	simm.s32 $_tile_overlayer_lowered  }
0xa1: {  	s22 =	simm.s32 $0x1BFF;
	s21 =	sshll.u32 s6, $0x1;
	s3 =	sadd.s32 s19, s18  }
0xa2: {  	s7 =	simm.s32 $0x0;
	s20 =	sshll.u32 s5, $0x1;
	s5 =	sadd.s32 s21, s3  }
0xa3: {  	[timem:s7], [sflag:s22] =	dma.local [hbm:s5], s20  }
0xa4: {  	_ =	swait.ge [sflag:s22], s20  }
0xa5: {  	s4 =	ssub.s32 $0x0, s20;
	[sflag:s22] =	ssyncset.done $0x0  }
0xa6: {  	[sflag:s22] =	ssyncadd.s32 s4;
	_ =	sdelay $0x1  }
0xa7: {  	s23 =	simm.s32 $0x1B8B  }
0xa8: {  	_ =	swait.ge [sflag:s23], $0x1  }
0xa9: {  	[sflag:s23] =	ssyncset.done $0x0  }
0xaa: {  	s25 =	simm.s32 $0x1B8E;
	s24 =	sld [smem:$0x3FFE];
	[sflag:s23] =	ssyncadd.s32 $0xFFFFFFFF  }
0xab: {  	s26 =	simm.s32 $execute0_lowered;
	[smem:$0x3FD2] =	sst s25  }
0xac: {  	s5 =	sshll.u32 s26, $0x1;
	_ =	strace $0x8000004F;
	[dreg:$0x1] =	wrdreg $0xFFFFFFFF  }
0xad: {  	s28 =	simm.s32 $_size_execute0_lowered;
	s3 =	sadd.s32 s3, s5;
	[dreg:$0x0] =	wrdreg $0x0  }
0xae: {  	s5 =	sshll.u32 s28, $0x1;
	[dreg:$0x2] =	wrdreg s3  }
0xaf: {  	[dreg:$0x3] =	wrdreg s5  }
0xb0: {  	[dreg:$0x4] =	wrdreg $0xC0  }
0xb1: {  	_ =	task [dreg:s7], $0x5FFFF  }
0xb2: {  	[dreg:$0x1] =	wrdreg $0xFFFFFFFF  }
0xb3: {  	[dreg:$0x0] =	wrdreg $0x60  }
0xb4: {  	[dreg:$0x2] =	wrdreg s16  }
0xb5: {  	[dreg:$0x3] =	wrdreg s24  }
0xb6: {  	[dreg:$0x4] =	wrdreg $0x112800  }
0xb7: {  	[dreg:$0x5] =	wrdreg $0x162800  }
0xb8: {  	[dreg:$0x6] =	wrdreg $0x9  }
0xb9: {  	_ =	task.clear_ibuf [dreg:s7], $0x7FFFF;
	_ =	strace $0x9000004F  }
0xba: {  	s29 =	simm.s32 $0x9;
	_ =	strace $0x80000051  }
0xbb: {  	_ =	swait.ge [sflag:s29], $0x1  }
0xbc: {  	[sflag:s29] =	ssyncadd.s32 $0xFFFFFFFF  }
0xbd: {  	_ =	strace $0x90000051  }
0xbe: {  	_ =	sfence  }
0xbf: {  	s30 =	sld [smem:$0x0];
	_ =	sdelay $0x2  }
0xc0: {  	s31 =	sshll.u32 s1, $0xD;
	s1 =	sshrl.u32 s1, $0x2  }
0xc1: {  	s3 =	sand.u32 $0x4000, s31;
	s1 =	sadd.s32 s1, s30  }
0xc2: {  	s0 =	sor.u32 s3, s0;
	s1 =	sshll.u32 s1, $0x11  }
0xc3: {  	s0 =	sor.u32 s1, s0  }
0xc4: {  	s0 =	sadd.s32 $0x8F2B, s0  }
0xc5: {  	[sflag:s0] =	ssyncadd.remote.s32 $0x1  }
0xc6: {  	_ =	sfence.sel $0xFFFF  }
0xc7: {  	[dreg:$0x0] =	wrdreg $0xFFFFFFFF;
	(pc) =	sbr.abs _section_cstart, $3  }
0xc8: {  	[dreg:$0x1] =	wrdreg $0xFFFFFFFF  }
0xc9: {  	_ =	task.clear_ibuf [dreg:s7], $0x2FFFF;
	_ =	strace $0x9FFFFFFF  }
0xca: {  	(tm) =	ssettm $0x7FFFFFFF  }
0xcb: {  	_ =	shalt  }
tec
execute0_lowered:
.L_overlay_start_1:
0x0: {  	(tag) =	ssettag $0x1  }
0x1: {  	s0 =	rddreg [dreg:$0x0]  }
0x2: {  	s1 =	rddreg [dreg:$0x1]  }
0x3: {  	s2 =	rddreg [dreg:$0x2]  }
0x4: {  	s3 =	rddreg [dreg:$0x3];
	s9 =	stileid.u32  }
0x5: {  	s6 =	srdreg.scid;
	s4 =	simm.s32 $0x0;
	s28 =	simm.s32 $0x1  }
0x6: {  	s29 =	simm.s32 $0x2;
	s30 =	simm.s32 $0x3;
	s5 =	smul.u32 $0xA00, s9  }
0x7: {  	s31 =	simm.s32 $0x4;
	s6 =	sand.u32 $0x1, s6;
	s7 =	smul.u32 $0x5000, s9  }
0x8: {  	[smem:$0x7FF] =	sst s4;
	s10 =	sadd.s32 $0x18600, s1;
	s9 =	smul.u32 $0x50, s9  }
0x9: {  	s8 =	smul.u32 $0x50000, s6;
	_ =	strace $0x80000050;
	s11 =	ssub.s32 $0x2, s6  }
0xa: {  	p0 =	seq.s32 s6, $0x1;
	s5 =	sadd.s32 s5, s1;
	s9 =	sadd.s32 s9, s1  }
0xb: {  	s12 =	sshrl.u32 s11, $0x1;
	s23 =	sshrl.u32 s7, $0x3;
	s24 =	sadd.s32 $0x1000, s7  }
0xc: {  	s15 =	sadd.s32 $0x2000, s7;
	s16 =	sadd.s32 $0x3000, s7;
	s0 =	smov.u32 @p0 s10  }
0xd: {  	s8 =	sadd.s32 s7, s8;
	s11 =	ssub.s32 s11, s12;
	s21 =	sadd.s32 $0x4000, s5  }
0xe: {  	s5 =	sadd.s32 $0xE000, s5;
	s22 =	sadd.s32 $0x18000, s9;
	s9 =	sadd.s32 s7, s3  }
0xf: {  	s25 =	sadd.s32 s24, s3;
	s26 =	sadd.s32 s15, s3;
	s12 =	sadd.s32 s16, s3  }
0x10: {  	s14 =	sadd.s32 s24, s2;
	s15 =	sadd.s32 s15, s2;
	[dreg:$0x5] =	wrdreg s21  }
0x11: {  	s16 =	sadd.s32 s16, s2;
	s20 =	sadd.s32 s0, s23;
	[dreg:$0x6] =	wrdreg s5  }
0x12: {  	s24 =	simm.s32 $0xA000;
	s0 =	simm.s32 $0xC000;
	[dreg:$0x7] =	wrdreg s22  }
0x13: {  	s23 =	simm.s32 $0x0;
	s8 =	sshrl.u32 s8, $0x3;
	[dreg:$0x8] =	wrdreg s25  }
0x14: {  	[dreg:$0x9] =	wrdreg s26;
	s19 =	smax.u32 s11, $0x1;
	s21 =	simm.s32 $0x5  }
0x15: {  	s22 =	simm.s32 $0x5000;
	s25 =	simm.s32 $0x80;
	s26 =	simm.s32 $0xB000  }
0x16: {  	s1 =	sadd.s32 s8, s1;
	s8 =	sadd.s32 s7, s2;
	s7 =	sadd.s32 $0x4000, s7  }
0x17: {  	v0 =	vimm.f32 $0.0e+00;
	s13 =	sadd.s32 s7, s3;
	s17 =	sadd.s32 s7, s2;
	s18 =	sadd.s32 $0x22600, s1  }
.LBB2_1:
0x18: {  	s1 =	rddreg [dreg:$0x5]  }
0x19: {  	[tilespmem:s4], [sflag:$0x5] =	stream.linear.gather [hbm4b:s1+s4], $0x5000, $0x38;
	[tilespmem:$0x1B280] =	vst v63  }
0x1a: {  	_ =	swait.ge [sflag:s21], $0x5000  }
0x1b: {  	[sflag:s21] =	ssyncset.done $0x0  }
0x1c: {  	s7 =	rddreg [dreg:$0x6];
	[sflag:s21] =	ssyncadd.s32 $0xFFFFB000  }
0x1d: {  	[tilespmem:s22], [sflag:$0x5] =	stream.linear.gather [hbm4b:s7+s4], $0x5000, $0x38;
	[tilespmem:$0x1B280] =	vst v63  }
0x1e: {  	_ =	swait.ge [sflag:s21], $0x5000  }
0x1f: {  	[sflag:s21] =	ssyncset.done $0x0  }
0x20: {  	s5 =	simm.s32 $0x11000;
	s10 =	rddreg [dreg:$0x7];
	[sflag:s21] =	ssyncadd.s32 $0xFFFFB000  }
0x21: {  	[tilespmem:s5], [sflag:$0x5] =	stream.linear.gather [hbm4b:s10+s4], $0x280, $0x38;
	[tilespmem:$0x1B280] =	vst v63  }
0x22: {  	s11 =	stileid.u32;
	_ =	swait.ge [sflag:s21], $0x280  }
0x23: {  	s1 =	sshll.u32 s11, $0x6;
	[sflag:s21] =	ssyncset.done $0x0  }
0x24: {  	s1 =	sor.u32 $0x1C05, s1;
	s5 =	sshrl.u32 s8, $0x3;
	[sflag:s21] =	ssyncadd.s32 $0xFFFFFD80  }
0x25: {  	[spmem:s5], [sflag:s1] =	dma.local [hbm:s20], $0xA00  }
0x26: {  	_ =	swait.ge [sflag:s21], $0xA00  }
0x27: {  	[sflag:s21] =	ssyncset.done $0x0  }
0x28: {  	s6 =	simm.s32 $0x80;
	s7 =	simm.s32 $0x0;
	[sflag:s21] =	ssyncadd.s32 $0xFFFFF600  }
.LBB2_2:
0x29: {  	p0 =	sne.s32 s6, $0x3F80;
	[tilespmem:s7+$0xA000] =	vst v0;
	s10 =	smov.u32 s6;
	s6 =	sadd.s32 $0x80, s6  }
.Ltmp0:
0x2a: {  	[tilespmem:s7+$0xA010] =	vst v0;
	(pc) =	sbr.rel @p0 .LBB2_2-.Ltmp0, $2  }
0x2b: {  	_ =	sdelay $0x2  }
0x2c: {  	s7 =	sshra.s32 s10, $0x2  }
0x2d: {  	[tilespmem:s7+$0xA000] =	vst v0  }
0x2e: {  	[tilespmem:s7+$0xA010] =	vst v0  }
0x2f: {  	[spmem:s9] =	stream.linear.scatter [tilespmem:s24], [sflag:$0x5], $0x1000, $0x38;
	[tilespmem:$0x1B280] =	vst v63  }
0x30: {  	_ =	swait.ge [sflag:s21], $0x1000  }
0x31: {  	[sflag:s21] =	ssyncset.done $0x0  }
0x32: {  	s6 =	rddreg [dreg:$0x8];
	[sflag:s21] =	ssyncadd.s32 $0xFFFFF000  }
0x33: {  	[spmem:s6] =	stream.linear.scatter [tilespmem:s24], [sflag:$0x5], $0x1000, $0x38;
	[tilespmem:$0x1B280] =	vst v63  }
0x34: {  	_ =	swait.ge [sflag:s21], $0x1000  }
0x35: {  	[sflag:s21] =	ssyncset.done $0x0  }
0x36: {  	s10 =	rddreg [dreg:$0x9];
	[sflag:s21] =	ssyncadd.s32 $0xFFFFF000  }
0x37: {  	[spmem:s10] =	stream.linear.scatter [tilespmem:s24], [sflag:$0x5], $0x1000, $0x38;
	[tilespmem:$0x1B280] =	vst v63  }
0x38: {  	_ =	swait.ge [sflag:s21], $0x1000  }
0x39: {  	[sflag:s21] =	ssyncset.done $0x0  }
0x3a: {  	[sflag:s21] =	ssyncadd.s32 $0xFFFFF000  }
0x3b: {  	[spmem:s12] =	stream.linear.scatter [tilespmem:s24], [sflag:$0x5], $0x1000, $0x38;
	[tilespmem:$0x1B280] =	vst v63  }
0x3c: {  	_ =	swait.ge [sflag:s21], $0x1000  }
0x3d: {  	[sflag:s21] =	ssyncset.done $0x0  }
0x3e: {  	[sflag:s21] =	ssyncadd.s32 $0xFFFFF000  }
0x3f: {  	[spmem:s13] =	stream.linear.scatter [tilespmem:s24], [sflag:$0x5], $0x1000, $0x38;
	[tilespmem:$0x1B280] =	vst v63  }
0x40: {  	_ =	swait.ge [sflag:s21], $0x1000  }
0x41: {  	[sflag:s21] =	ssyncset.done $0x0  }
0x42: {  	[sflag:s21] =	ssyncadd.s32 $0xFFFFF000  }
0x43: {  	s11 =	simm.s32 $0x0;
	[bflag:$0x0] =	sbarrier.arrive $0xFFFF  }
0x44: {  	[tilespmem:s24], [sflag:$0x1] =	stream.indirect.gather [spmem:s2], $0x20, s11, s25, $0xb8;
	[tilespmem:$0x1B280] =	vst v63  }
0x45: {  	_ = 	snop  }
0x46: {  	[tilespmem:s26], [sflag:$0x2] =	stream.indirect.gather [spmem:s2], $0x20, s25, s25, $0xb8;
	[tilespmem:$0x1B280] =	vst v63  }
0x47: {  	_ =	swait.ge [sflag:s28], $0x1000  }
0x48: {  	[sflag:s28] =	ssyncset.done $0x0  }
0x49: {  	s7 =	simm.s32 $0x5000;
	[sflag:s28] =	ssyncadd.s32 $0xFFFFF000  }
0x4a: {  	[spmem:s3] =	stream.indirect.scatter.add.f32 [tilespmem:s24], [sflag:$0x3], $0x20, s7, s25, $0xb8;
	[tilespmem:$0x1B280] =	vst v63  }
0x4b: {  	_ =	swait.ge [sflag:s29], $0x1000  }
0x4c: {  	[sflag:s29] =	ssyncset.done $0x0  }
0x4d: {  	s10 =	simm.s32 $0x5080;
	[sflag:s29] =	ssyncadd.s32 $0xFFFFF000  }
0x4e: {  	[spmem:s3] =	stream.indirect.scatter.add.f32 [tilespmem:s26], [sflag:$0x4], $0x20, s10, s25, $0xb8;
	[tilespmem:$0x1B280] =	vst v63  }
0x4f: {  	_ =	swait.ge [sflag:s30], $0x1000  }
0x50: {  	[sflag:s30] =	ssyncset.done $0x0  }
0x51: {  	s11 =	simm.s32 $0x100;
	[sflag:s30] =	ssyncadd.s32 $0xFFFFF000  }
0x52: {  	[tilespmem:s24], [sflag:$0x1] =	stream.indirect.gather [spmem:s2], $0x20, s11, s25, $0xb8;
	[tilespmem:$0x1B280] =	vst v63  }
0x53: {  	_ =	swait.ge [sflag:s31], $0x1000  }
0x54: {  	[sflag:s31] =	ssyncset.done $0x0  }
0x55: {  	s6 =	simm.s32 $0x400;
	s7 =	simm.s32 $0x180;
	[sflag:s31] =	ssyncadd.s32 $0xFFFFF000  }
.LBB2_4:
0x56: {  	[tilespmem:s26], [sflag:$0x2] =	stream.indirect.gather [spmem:s2], $0x20, s7, s25, $0xb8;
	[tilespmem:$0x1B280] =	vst v63  }
0x57: {  	s7 =	smov.u32 s6  }
0x58: {  	p0 =	sne.s32 s6, $0x13800;
	s6 =	sadd.s32 $0x400, s6;
	_ =	swait.ge [sflag:s28], $0x1000  }
0x59: {  	s7 =	sshra.s32 s7, $0x2;
	[sflag:s28] =	ssyncset.done $0x0  }
0x5a: {  	s10 =	sadd.s32 $0x5000, s7;
	[sflag:s28] =	ssyncadd.s32 $0xFFFFF000  }
0x5b: {  	[spmem:s3] =	stream.indirect.scatter.add.f32 [tilespmem:s24], [sflag:$0x3], $0x20, s10, s25, $0xb8;
	[tilespmem:$0x1B280] =	vst v63  }
0x5c: {  	_ =	swait.ge [sflag:s29], $0x1000  }
0x5d: {  	[sflag:s29] =	ssyncset.done $0x0  }
0x5e: {  	s10 =	sadd.s32 $0x5080, s7;
	[sflag:s29] =	ssyncadd.s32 $0xFFFFF000  }
0x5f: {  	[spmem:s3] =	stream.indirect.scatter.add.f32 [tilespmem:s26], [sflag:$0x4], $0x20, s10, s25, $0xb8;
	[tilespmem:$0x1B280] =	vst v63  }
0x60: {  	_ =	swait.ge [sflag:s30], $0x1000  }
0x61: {  	[sflag:s30] =	ssyncset.done $0x0  }
.Ltmp1:
0x62: {  	s10 =	sadd.s32 $0x100, s7;
	[sflag:s30] =	ssyncadd.s32 $0xFFFFF000;
	(pc) =	sbr.rel @p0 .LBB2_4-.Ltmp1, $4  }
0x63: {  	[tilespmem:s24], [sflag:$0x1] =	stream.indirect.gather [spmem:s2], $0x20, s10, s25, $0xb8;
	[tilespmem:$0x1B280] =	vst v63  }
0x64: {  	_ =	swait.ge [sflag:s31], $0x1000  }
0x65: {  	[sflag:s31] =	ssyncset.done $0x0  }
0x66: {  	s7 =	sadd.s32 $0x180, s7;
	[sflag:s31] =	ssyncadd.s32 $0xFFFFF000  }
0x67: {  	[tilespmem:s26], [sflag:$0x2] =	stream.indirect.gather [spmem:s2], $0x20, s7, s25, $0xb8;
	[tilespmem:$0x1B280] =	vst v63  }
0x68: {  	_ =	swait.ge [sflag:s28], $0x1000  }
0x69: {  	[sflag:s28] =	ssyncset.done $0x0  }
0x6a: {  	s6 =	simm.s32 $0x9F00;
	[sflag:s28] =	ssyncadd.s32 $0xFFFFF000  }
0x6b: {  	[spmem:s3] =	stream.indirect.scatter.add.f32 [tilespmem:s24], [sflag:$0x3], $0x20, s6, s25, $0xb8;
	[tilespmem:$0x1B280] =	vst v63  }
0x6c: {  	_ =	swait.ge [sflag:s29], $0x1000  }
0x6d: {  	[sflag:s29] =	ssyncset.done $0x0  }
0x6e: {  	s10 =	simm.s32 $0x9F80;
	[sflag:s29] =	ssyncadd.s32 $0xFFFFF000  }
0x6f: {  	[spmem:s3] =	stream.indirect.scatter.add.f32 [tilespmem:s26], [sflag:$0x4], $0x20, s10, s25, $0xb8;
	[tilespmem:$0x1B280] =	vst v63  }
0x70: {  	_ =	swait.ge [sflag:s30], $0x1000  }
0x71: {  	[sflag:s30] =	ssyncset.done $0x0  }
0x72: {  	[sflag:s30] =	ssyncadd.s32 $0xFFFFF000  }
0x73: {  	_ =	swait.ge [sflag:s31], $0x1000  }
0x74: {  	[sflag:s31] =	ssyncset.done $0x0  }
0x75: {  	[sflag:s31] =	ssyncadd.s32 $0xFFFFF000  }
0x76: {  	[bflag:$0x0] =	sbarrier.arrive $0xFFFF  }
0x77: {  	[tilespmem:s0], [sflag:$0x5] =	stream.linear.gather [spmem:s9], $0x5000, $0x38;
	[tilespmem:$0x1B280] =	vst v63  }
0x78: {  	_ =	swait.ge [sflag:s21], $0x5000  }
0x79: {  	[sflag:s21] =	ssyncset.done $0x0  }
0x7a: {  	s6 =	simm.s32 $0xC100;
	[sflag:s21] =	ssyncadd.s32 $0xFFFFB000  }
0x7b: {  	v6 =	vld [tilespmem:s6+$0xFFFFFFA0]  }
0x7c: {  	v4 =	vld [tilespmem:s6+$0xFFFFFFF0]  }
0x7d: {  	v1 =	vld [tilespmem:s6+$0xFFFFFF60]  }
0x7e: {  	v7 =	vld [tilespmem:s6+$0xFFFFFFD0]  }
0x7f: {  	v8 =	vld [tilespmem:s6+$0x80]  }
0x80: {  	v11 =	vld [tilespmem:s6+$0xFFFFFF10]  }
0x81: {  	v15 =	vld [tilespmem:s6+$0xE0]  }
0x82: {  	v10 =	vld [tilespmem:s6+$0xFFFFFF40]  }
0x83: {  	s11 =	simm.s32 $0x0;
	v2 =	vld [tilespmem:s6+$0xFFFFFF90]  }
0x84: {  	v3 =	vld [tilespmem:s11+$0x11000]  }
0x85: {  	v9 =	vld [tilespmem:s6+$0xFFFFFFC0]  }
0x86: {  	v12 =	vld [tilespmem:s6+$0xFFFFFF00]  }
0x87: {  	v13 =	vld [tilespmem:s6+$0xD0]  }
0x88: {  	v22 =	vld [tilespmem:s6+$0xC0]  }
0x89: {  	v20 =	vld [tilespmem:s6+$0x90];
	v18 =	vbroadcast v3, $0x0;
	v5 =	vbroadcast v3, $0xF  }
0x8a: {  	v21 =	vld [tilespmem:s6+$0xFFFFFF50];
	v19 =	vbroadcast v3, $0x2;
	v17 =	vbroadcast v3, $0xE  }
0x8b: {  	v16 =	vld [tilespmem:s6+$0xB0];
	v14 =	vbroadcast v3, $0xC;
	v24 =	vmul.f32 v18, v12  }
0x8c: {  	s7 =	simm.s32 $0x40;
	s10 =	simm.s32 $0xC100;
	v12 =	vbroadcast v3, $0xD;
	v23 =	vmul.f32 v10, v19;
	v10 =	vld [tilespmem:s6+$0x60]  }
.LBB2_6:
0x8d: {  	p0 =	sne.s32 s7, $0x9C0  }
0x8e: {  	[tilespmem:s6+$0xFFFFFF00] =	vst v24;
	v24 =	vld [tilespmem:s6+$0xFFFFFFB0];
	v22 =	vmul.f32 v22, v17;
	v15 =	vmul.f32 v15, v5;
	s10 =	sadd.s32 $0x200, s10;
	s11 =	smov.u32 s7;
	s7 =	sadd.s32 $0x40, s7  }
0x8f: {  	[tilespmem:s6+$0xFFFFFF40] =	vst v23;
	v23 =	vbroadcast v3, $0xA;
	v20 =	vmul.f32 v20, v14;
	v25 =	vld [tilespmem:s6+$0xA0]  }
0x90: {  	v11 =	vmul.f32 v11, v18;
	v18 =	vmul.f32 v21, v19;
	v19 =	vld [tilespmem:s6+$0x70];
	[tilespmem:s6+$0xE0] =	vst v15  }
0x91: {  	v15 =	vbroadcast v3, $0x5;
	v21 =	vld [tilespmem:s6+$0xFFFFFFE0];
	v16 =	vmul.f32 v16, v12;
	[tilespmem:s6+$0xC0] =	vst v22  }
0x92: {  	v13 =	vmul.f32 v13, v17;
	[tilespmem:s6+$0xFFFFFF10] =	vst v11;
	v11 =	vbroadcast v3, $0x6;
	v22 =	vld [tilespmem:s6+$0x40]  }
0x93: {  	v26 =	vbroadcast v3, $0xB;
	v6 =	vmul.f32 v6, v15;
	v17 =	vld [tilespmem:s6+$0xFFFFFF20];
	[tilespmem:s6+$0x90] =	vst v20  }
0x94: {  	v20 =	vbroadcast v3, $0x9;
	[tilespmem:s6+$0xFFFFFF50] =	vst v18;
	v18 =	vld [tilespmem:s6+$0x20];
	v12 =	vmul.f32 v25, v12  }
0x95: {  	v15 =	vmul.f32 v24, v15;
	v24 =	vld [tilespmem:s6+$0x50];
	v19 =	vmul.f32 v19, v26;
	[tilespmem:s6+$0xD0] =	vst v13  }
0x96: {  	v8 =	vmul.f32 v8, v14;
	v13 =	vbroadcast v3, $0x7;
	v25 =	vld [tilespmem:s6+$0x30];
	[tilespmem:s6+$0xA0] =	vst v12  }
0x97: {  	v9 =	vmul.f32 v9, v11;
	v12 =	vbroadcast v3, $0x3;
	v14 =	vld [tilespmem:s6+$0x0];
	[tilespmem:s6+$0x70] =	vst v19  }
0x98: {  	v10 =	vmul.f32 v10, v26;
	v7 =	vmul.f32 v7, v11;
	v11 =	vld [tilespmem:s6+$0x10];
	[tilespmem:s6+$0x80] =	vst v8  }
0x99: {  	v19 =	vbroadcast v3, $0x8;
	v22 =	vmul.f32 v22, v23;
	v8 =	vld [tilespmem:s6+$0xFFFFFF30];
	[tilespmem:s6+$0xB0] =	vst v16  }
0x9a: {  	v16 =	vbroadcast v3, $0x1;
	v26 =	vld [tilespmem:s6+$0xFFFFFF70];
	[tilespmem:s6+$0xFFFFFFD0] =	vst v7;
	v23 =	vmul.f32 v24, v23  }
0x9b: {  	v4 =	vmul.f32 v4, v13;
	v7 =	vmul.f32 v21, v13;
	[tilespmem:s6+$0xFFFFFFC0] =	vst v9;
	v9 =	vld [tilespmem:s6+$0xF0]  }
0x9c: {  	v21 =	vmul.f32 v25, v20;
	v13 =	vld [tilespmem:s6+$0xFFFFFF80];
	[tilespmem:s6+$0xFFFFFFA0] =	vst v6;
	v14 =	vmul.f32 v14, v19  }
0x9d: {  	v6 =	vld [tilespmem:s10+$0xFFFFFFA0];
	[tilespmem:s6+$0xFFFFFFF0] =	vst v4;
	v19 =	vmul.f32 v11, v19;
	v11 =	vmul.f32 v18, v20  }
0x9e: {  	v4 =	vmul.f32 v17, v16;
	v16 =	vmul.f32 v8, v16;
	[tilespmem:s6+$0x60] =	vst v10  }
0x9f: {  	v1 =	vmul.f32 v1, v12;
	v8 =	vmul.f32 v26, v12;
	[tilespmem:s6+$0xFFFFFFB0] =	vst v15  }
0xa0: {  	v3 =	vbroadcast v3, $0x4;
	[tilespmem:s6+$0xFFFFFF20] =	vst v4;
	v4 =	vmul.f32 v9, v5  }
0xa1: {  	[tilespmem:s6+$0xFFFFFF60] =	vst v1  }
0xa2: {  	v5 =	vmul.f32 v13, v3;
	v1 =	vmul.f32 v2, v3;
	[tilespmem:s6+$0x40] =	vst v22  }
0xa3: {  	[tilespmem:s6+$0xFFFFFFE0] =	vst v7  }
0xa4: {  	[tilespmem:s6+$0xF0] =	vst v4  }
0xa5: {  	[tilespmem:s6+$0xFFFFFF90] =	vst v1  }
0xa6: {  	v4 =	vld [tilespmem:s10+$0xFFFFFFF0];
	[tilespmem:s6+$0xFFFFFF70] =	vst v8  }
0xa7: {  	v1 =	vld [tilespmem:s10+$0xFFFFFF60];
	[tilespmem:s6+$0x20] =	vst v11  }
0xa8: {  	v7 =	vld [tilespmem:s10+$0xFFFFFFD0];
	[tilespmem:s6+$0x30] =	vst v21  }
0xa9: {  	v8 =	vld [tilespmem:s10+$0x80];
	[tilespmem:s6+$0xFFFFFF80] =	vst v5  }
0xaa: {  	v11 =	vld [tilespmem:s10+$0xFFFFFF10];
	[tilespmem:s6+$0x50] =	vst v23  }
0xab: {  	v15 =	vld [tilespmem:s10+$0xE0];
	[tilespmem:s6+$0x0] =	vst v14  }
0xac: {  	v10 =	vld [tilespmem:s10+$0xFFFFFF40];
	[tilespmem:s6+$0xFFFFFF30] =	vst v16  }
0xad: {  	s11 =	sshra.s32 s11, $0x2;
	v2 =	vld [tilespmem:s10+$0xFFFFFF90];
	[tilespmem:s6+$0x10] =	vst v19;
	s6 =	smov.u32 s10  }
0xae: {  	v3 =	vld [tilespmem:s11+$0x11000]  }
0xaf: {  	v9 =	vld [tilespmem:s10+$0xFFFFFFC0]  }
0xb0: {  	v12 =	vld [tilespmem:s10+$0xFFFFFF00]  }
0xb1: {  	v13 =	vld [tilespmem:s10+$0xD0]  }
.Ltmp2:
0xb2: {  	v22 =	vld [tilespmem:s10+$0xC0];
	(pc) =	sbr.rel @p0 .LBB2_6-.Ltmp2, $4  }
0xb3: {  	v18 =	vbroadcast v3, $0x0;
	v20 =	vld [tilespmem:s10+$0x90];
	v5 =	vbroadcast v3, $0xF  }
0xb4: {  	v19 =	vbroadcast v3, $0x2;
	v17 =	vbroadcast v3, $0xE;
	v21 =	vld [tilespmem:s10+$0xFFFFFF50]  }
0xb5: {  	v24 =	vmul.f32 v18, v12;
	v12 =	vbroadcast v3, $0xD;
	v16 =	vld [tilespmem:s10+$0xB0]  }
0xb6: {  	v14 =	vbroadcast v3, $0xC;
	v23 =	vmul.f32 v10, v19;
	v10 =	vld [tilespmem:s10+$0x60]  }
0xb7: {  	[tilespmem:s6+$0xFFFFFF00] =	vst v24;
	v15 =	vmul.f32 v15, v5  }
0xb8: {  	v22 =	vmul.f32 v22, v17;
	[tilespmem:s6+$0xFFFFFF40] =	vst v23  }
0xb9: {  	v11 =	vmul.f32 v11, v18;
	[tilespmem:s6+$0xE0] =	vst v15  }
0xba: {  	v35 =	vmul.f32 v13, v17;
	[tilespmem:s6+$0xC0] =	vst v22  }
0xbb: {  	v33 =	vmul.f32 v20, v14;
	[tilespmem:s6+$0xFFFFFF10] =	vst v11  }
0xbc: {  	v41 =	vbroadcast v3, $0x6;
	v8 =	vmul.f32 v8, v14;
	[tilespmem:s6+$0xD0] =	vst v35  }
0xbd: {  	v19 =	vmul.f32 v21, v19;
	[tilespmem:s6+$0x90] =	vst v33  }
0xbe: {  	v45 =	vbroadcast v3, $0x5;
	v7 =	vmul.f32 v7, v41;
	[tilespmem:s6+$0x80] =	vst v8  }
0xbf: {  	v47 =	vbroadcast v3, $0x7;
	v9 =	vmul.f32 v9, v41;
	[tilespmem:s6+$0xFFFFFF50] =	vst v19  }
0xc0: {  	v54 =	vbroadcast v3, $0x3;
	v6 =	vmul.f32 v6, v45;
	[tilespmem:s6+$0xFFFFFFD0] =	vst v7  }
0xc1: {  	v31 =	vld [tilespmem:s6+$0xA0];
	v59 =	vbroadcast v3, $0x4;
	v4 =	vmul.f32 v4, v47;
	[tilespmem:s6+$0xFFFFFFC0] =	vst v9  }
0xc2: {  	v32 =	vld [tilespmem:s6+$0x70];
	v1 =	vmul.f32 v1, v54;
	[tilespmem:s6+$0xFFFFFFA0] =	vst v6  }
0xc3: {  	v34 =	vld [tilespmem:s6+$0xFFFFFFB0];
	v37 =	vbroadcast v3, $0xB;
	v2 =	vmul.f32 v2, v59;
	[tilespmem:s6+$0xFFFFFFF0] =	vst v4  }
0xc4: {  	v36 =	vld [tilespmem:s6+$0xFFFFFF20];
	v43 =	vmul.f32 v16, v12;
	[tilespmem:s6+$0xFFFFFF60] =	vst v1  }
0xc5: {  	v40 =	vld [tilespmem:s6+$0x40];
	v10 =	vmul.f32 v10, v37;
	[tilespmem:s6+$0xFFFFFF90] =	vst v2  }
0xc6: {  	v38 =	vld [tilespmem:s6+$0xFFFFFFE0];
	v39 =	vmul.f32 v31, v12;
	[tilespmem:s6+$0xB0] =	vst v43  }
0xc7: {  	v52 =	vbroadcast v3, $0x1;
	v55 =	vld [tilespmem:s6+$0xF0];
	v18 =	vmul.f32 v32, v37;
	[tilespmem:s6+$0x60] =	vst v10  }
0xc8: {  	v49 =	vld [tilespmem:s6+$0xFFFFFF70];
	v56 =	vbroadcast v3, $0xA;
	v53 =	vmul.f32 v34, v45;
	[tilespmem:s6+$0xA0] =	vst v39  }
0xc9: {  	v46 =	vld [tilespmem:s6+$0x30];
	v13 =	vmul.f32 v36, v52;
	[tilespmem:s6+$0x70] =	vst v18  }
0xca: {  	v50 =	vld [tilespmem:s6+$0xFFFFFF80];
	v58 =	vmul.f32 v40, v56;
	[tilespmem:s6+$0xFFFFFFB0] =	vst v53  }
0xcb: {  	v44 =	vld [tilespmem:s6+$0x20];
	v8 =	vmul.f32 v38, v47;
	[tilespmem:s6+$0xFFFFFF20] =	vst v13  }
0xcc: {  	v57 =	vld [tilespmem:s6+$0xFFFFFF30];
	v60 =	vbroadcast v3, $0x9;
	v1 =	vmul.f32 v55, v5;
	[tilespmem:s6+$0x40] =	vst v58  }
0xcd: {  	v42 =	vld [tilespmem:s6+$0x50];
	v61 =	vmul.f32 v49, v54;
	[tilespmem:s6+$0xFFFFFFE0] =	vst v8  }
0xce: {  	v48 =	vld [tilespmem:s6+$0x0];
	v2 =	vmul.f32 v46, v60;
	[tilespmem:s6+$0xF0] =	vst v1  }
0xcf: {  	v51 =	vld [tilespmem:s6+$0x10];
	v62 =	vmul.f32 v50, v59;
	[tilespmem:s6+$0xFFFFFF70] =	vst v61  }
0xd0: {  	v1 =	vmul.f32 v44, v60;
	[tilespmem:s6+$0x30] =	vst v2  }
0xd1: {  	v3 =	vbroadcast v3, $0x8;
	v63 =	vmul.f32 v57, v52;
	[tilespmem:s6+$0xFFFFFF80] =	vst v62  }
0xd2: {  	[tilespmem:s6+$0x20] =	vst v1;
	v1 =	vmul.f32 v42, v56  }
0xd3: {  	v2 =	vmul.f32 v48, v3;
	[tilespmem:s6+$0xFFFFFF30] =	vst v63  }
0xd4: {  	[tilespmem:s6+$0x50] =	vst v1;
	v1 =	vmul.f32 v51, v3  }
0xd5: {  	[tilespmem:s6+$0x0] =	vst v2  }
0xd6: {  	[tilespmem:s6+$0x10] =	vst v1  }
0xd7: {  	[spmem:s9] =	stream.linear.scatter [tilespmem:s0], [sflag:$0x5], $0x5000, $0x38;
	[tilespmem:$0x1B280] =	vst v63  }
0xd8: {  	_ =	swait.ge [sflag:s21], $0x5000  }
0xd9: {  	[sflag:s21] =	ssyncset.done $0x0  }
0xda: {  	s7 =	simm.s32 $0x0;
	s6 =	simm.s32 $0x80;
	[sflag:s21] =	ssyncadd.s32 $0xFFFFB000  }
.LBB2_8:
0xdb: {  	p0 =	sne.s32 s6, $0x3F80;
	[tilespmem:s7+$0xA000] =	vst v0;
	s10 =	smov.u32 s6;
	s6 =	sadd.s32 $0x80, s6  }
.Ltmp3:
0xdc: {  	[tilespmem:s7+$0xA010] =	vst v0;
	(pc) =	sbr.rel @p0 .LBB2_8-.Ltmp3, $2  }
0xdd: {  	_ =	sdelay $0x2  }
0xde: {  	s7 =	sshra.s32 s10, $0x2  }
0xdf: {  	[tilespmem:s7+$0xA000] =	vst v0  }
0xe0: {  	[tilespmem:s7+$0xA010] =	vst v0  }
0xe1: {  	[spmem:s8] =	stream.linear.scatter [tilespmem:s24], [sflag:$0x5], $0x1000, $0x38;
	[tilespmem:$0x1B280] =	vst v63  }
0xe2: {  	_ =	swait.ge [sflag:s21], $0x1000  }
0xe3: {  	[sflag:s21] =	ssyncset.done $0x0  }
0xe4: {  	[sflag:s21] =	ssyncadd.s32 $0xFFFFF000  }
0xe5: {  	[spmem:s14] =	stream.linear.scatter [tilespmem:s24], [sflag:$0x5], $0x1000, $0x38;
	[tilespmem:$0x1B280] =	vst v63  }
0xe6: {  	_ =	swait.ge [sflag:s21], $0x1000  }
0xe7: {  	[sflag:s21] =	ssyncset.done $0x0  }
0xe8: {  	[sflag:s21] =	ssyncadd.s32 $0xFFFFF000  }
0xe9: {  	[spmem:s15] =	stream.linear.scatter [tilespmem:s24], [sflag:$0x5], $0x1000, $0x38;
	[tilespmem:$0x1B280] =	vst v63  }
0xea: {  	_ =	swait.ge [sflag:s21], $0x1000  }
0xeb: {  	[sflag:s21] =	ssyncset.done $0x0  }
0xec: {  	[sflag:s21] =	ssyncadd.s32 $0xFFFFF000  }
0xed: {  	[spmem:s16] =	stream.linear.scatter [tilespmem:s24], [sflag:$0x5], $0x1000, $0x38;
	[tilespmem:$0x1B280] =	vst v63  }
0xee: {  	_ =	swait.ge [sflag:s21], $0x1000  }
0xef: {  	[sflag:s21] =	ssyncset.done $0x0  }
0xf0: {  	[sflag:s21] =	ssyncadd.s32 $0xFFFFF000  }
0xf1: {  	[spmem:s17] =	stream.linear.scatter [tilespmem:s24], [sflag:$0x5], $0x1000, $0x38;
	[tilespmem:$0x1B280] =	vst v63  }
0xf2: {  	_ =	swait.ge [sflag:s21], $0x1000  }
0xf3: {  	[sflag:s21] =	ssyncset.done $0x0  }
0xf4: {  	[sflag:s21] =	ssyncadd.s32 $0xFFFFF000  }
0xf5: {  	[bflag:$0x0] =	sbarrier.arrive $0xFFFF  }
0xf6: {  	[tilespmem:s24], [sflag:$0x1] =	stream.indirect.gather [spmem:s3], $0x20, s22, s25, $0xb8;
	[tilespmem:$0x1B280] =	vst v63  }
0xf7: {  	s6 =	simm.s32 $0x5080  }
0xf8: {  	[tilespmem:s26], [sflag:$0x2] =	stream.indirect.gather [spmem:s3], $0x20, s6, s25, $0xb8;
	[tilespmem:$0x1B280] =	vst v63  }
0xf9: {  	_ =	swait.ge [sflag:s28], $0x1000  }
0xfa: {  	[sflag:s28] =	ssyncset.done $0x0  }
0xfb: {  	s7 =	simm.s32 $0x0;
	[sflag:s28] =	ssyncadd.s32 $0xFFFFF000  }
0xfc: {  	[spmem:s2] =	stream.indirect.scatter.add.f32 [tilespmem:s24], [sflag:$0x3], $0x20, s7, s25, $0xb8;
	[tilespmem:$0x1B280] =	vst v63  }
0xfd: {  	_ =	swait.ge [sflag:s29], $0x1000  }
0xfe: {  	[sflag:s29] =	ssyncset.done $0x0  }
0xff: {  	s10 =	simm.s32 $0x80;
	[sflag:s29] =	ssyncadd.s32 $0xFFFFF000  }
0x100: {  	[spmem:s2] =	stream.indirect.scatter.add.f32 [tilespmem:s26], [sflag:$0x4], $0x20, s10, s25, $0xb8;
	[tilespmem:$0x1B280] =	vst v63  }
0x101: {  	_ =	swait.ge [sflag:s30], $0x1000  }
0x102: {  	[sflag:s30] =	ssyncset.done $0x0  }
0x103: {  	s11 =	simm.s32 $0x5100;
	[sflag:s30] =	ssyncadd.s32 $0xFFFFF000  }
0x104: {  	[tilespmem:s24], [sflag:$0x1] =	stream.indirect.gather [spmem:s3], $0x20, s11, s25, $0xb8;
	[tilespmem:$0x1B280] =	vst v63  }
0x105: {  	_ =	swait.ge [sflag:s31], $0x1000  }
0x106: {  	[sflag:s31] =	ssyncset.done $0x0  }
0x107: {  	s6 =	simm.s32 $0x400;
	s7 =	simm.s32 $0x5180;
	[sflag:s31] =	ssyncadd.s32 $0xFFFFF000  }
.LBB2_10:
0x108: {  	[tilespmem:s26], [sflag:$0x2] =	stream.indirect.gather [spmem:s3], $0x20, s7, s25, $0xb8;
	[tilespmem:$0x1B280] =	vst v63  }
0x109: {  	s7 =	smov.u32 s6  }
0x10a: {  	p0 =	sne.s32 s6, $0x13800;
	s6 =	sadd.s32 $0x400, s6;
	_ =	swait.ge [sflag:s28], $0x1000  }
0x10b: {  	[sflag:s28] =	ssyncset.done $0x0  }
0x10c: {  	s7 =	sshra.s32 s7, $0x2;
	[sflag:s28] =	ssyncadd.s32 $0xFFFFF000  }
0x10d: {  	[spmem:s2] =	stream.indirect.scatter.add.f32 [tilespmem:s24], [sflag:$0x3], $0x20, s7, s25, $0xb8;
	[tilespmem:$0x1B280] =	vst v63  }
0x10e: {  	_ =	swait.ge [sflag:s29], $0x1000  }
0x10f: {  	[sflag:s29] =	ssyncset.done $0x0  }
0x110: {  	s10 =	sadd.s32 $0x80, s7;
	[sflag:s29] =	ssyncadd.s32 $0xFFFFF000  }
0x111: {  	[spmem:s2] =	stream.indirect.scatter.add.f32 [tilespmem:s26], [sflag:$0x4], $0x20, s10, s25, $0xb8;
	[tilespmem:$0x1B280] =	vst v63  }
0x112: {  	_ =	swait.ge [sflag:s30], $0x1000  }
0x113: {  	[sflag:s30] =	ssyncset.done $0x0  }
.Ltmp4:
0x114: {  	s10 =	sadd.s32 $0x5100, s7;
	[sflag:s30] =	ssyncadd.s32 $0xFFFFF000;
	(pc) =	sbr.rel @p0 .LBB2_10-.Ltmp4, $4  }
0x115: {  	[tilespmem:s24], [sflag:$0x1] =	stream.indirect.gather [spmem:s3], $0x20, s10, s25, $0xb8;
	[tilespmem:$0x1B280] =	vst v63  }
0x116: {  	_ =	swait.ge [sflag:s31], $0x1000  }
0x117: {  	[sflag:s31] =	ssyncset.done $0x0  }
0x118: {  	s7 =	sadd.s32 $0x5180, s7;
	[sflag:s31] =	ssyncadd.s32 $0xFFFFF000  }
0x119: {  	[tilespmem:s26], [sflag:$0x2] =	stream.indirect.gather [spmem:s3], $0x20, s7, s25, $0xb8;
	[tilespmem:$0x1B280] =	vst v63  }
0x11a: {  	_ =	swait.ge [sflag:s28], $0x1000  }
0x11b: {  	[sflag:s28] =	ssyncset.done $0x0  }
0x11c: {  	s6 =	simm.s32 $0x4F00;
	[sflag:s28] =	ssyncadd.s32 $0xFFFFF000  }
0x11d: {  	[spmem:s2] =	stream.indirect.scatter.add.f32 [tilespmem:s24], [sflag:$0x3], $0x20, s6, s25, $0xb8;
	[tilespmem:$0x1B280] =	vst v63  }
0x11e: {  	_ =	swait.ge [sflag:s29], $0x1000  }
0x11f: {  	[sflag:s29] =	ssyncset.done $0x0  }
0x120: {  	s11 =	simm.s32 $0x4F80;
	[sflag:s29] =	ssyncadd.s32 $0xFFFFF000  }
0x121: {  	[spmem:s2] =	stream.indirect.scatter.add.f32 [tilespmem:s26], [sflag:$0x4], $0x20, s11, s25, $0xb8;
	[tilespmem:$0x1B280] =	vst v63  }
0x122: {  	_ =	swait.ge [sflag:s30], $0x1000  }
0x123: {  	[sflag:s30] =	ssyncset.done $0x0  }
0x124: {  	[sflag:s30] =	ssyncadd.s32 $0xFFFFF000  }
0x125: {  	_ =	swait.ge [sflag:s31], $0x1000  }
0x126: {  	s23 =	sadd.s32 $0x1, s23;
	[sflag:s31] =	ssyncset.done $0x0  }
0x127: {  	p0 =	sne.s32 s23, s19;
	[sflag:s31] =	ssyncadd.s32 $0xFFFFF000  }
.Ltmp5:
0x128: {  	[bflag:$0x0] =	sbarrier.arrive $0xFFFF;
	(pc) =	sbr.rel @p0 .LBB2_1-.Ltmp5, $4  }
0x129: {  	[hbm:s18], [sflag:s1] =	dma.local [spmem:s5], $0xA00  }
0x12a: {  	_ =	swait.ge [sflag:s21], $0xA00  }
0x12b: {  	[sflag:s21] =	ssyncset.done $0x0  }
0x12c: {  	[sflag:s21] =	ssyncadd.s32 $0xFFFFF600  }
0x12d: {  	_ =	sfence.sel $0x180000  }
0x12e: {  	[bflag:$0x0] =	sbarrier.arrive $0xFFFF  }
0x12f: {  	_ =	strace $0x90000050  }
0x130: {  	s0 =	stileid.u32;
	[bflag:$0x2] =	sbarrier.arrive $0xFFFF  }
0x131: {  	p0 =	sne.s32 s0, $0x0;
	s0 =	rddreg [dreg:$0x4]  }
0x132: {  	s0 =	sadd.s32 @!p0 $0x100000, s0  }
0x133: {  	[sflag:s0] =	ssyncadd.tile.s32 @!p0 $0x1;
	_ =	shalt  }
.Lfunc_end2:
_tile_overlayer_lowered:
.L_overlay_start_2:
0x134: {  	(tag) =	ssettag $0x2  }
0x135: {  	s0 =	rddreg [dreg:$0x0];
	s2 =	stileid.u32  }
0x136: {  	s1 =	rddreg [dreg:$0x1];
	p0 =	sne.s32 s2, $0x0  }
0x137: {  	s3 =	rddreg [dreg:$0x2];
	[bflag:$0x3] =	sbarrier.arrive $0xFFFF;
	s2 =	simm.s32 @!p0 $0x1C05  }
0x138: {  	[timem:s3], [sflag:s2] =	dma.local @!p0 [hbm:s0], s1  }
0x139: {  	s0 =	simm.s32 @!p0 $0x5  }
0x13a: {  	_ =	swait.ge @!p0 [sflag:s0], s1  }
0x13b: {  	s1 =	ssub.s32 @!p0 $0x0, s1;
	[sflag:s0] =	ssyncset.done @!p0 $0x0  }
0x13c: {  	[sflag:s0] =	ssyncadd.s32 @!p0 s1  }
0x13d: {  	[bflag:$0x3] =	sbarrier.arrive $0xFFFF  }
0x13e: {  	_ =	shalt  }

</sc_bundles>
